<compile_context>
chip_gen: v7x
topology: tpu7x:2x2x1
jax: 0.10.2.dev20260603
libtpu: 0.0.44.dev20260713+nightly
codegen_flags: <defaults>
</compile_context>

<pallas_src>
import functools

import jax
import jax.numpy as jnp
from jax import lax
from jax.experimental import pallas as pl
from jax.experimental.pallas import tpu as pltpu
from jax.experimental.pallas import tpu_sc as plsc

N_NODES = 10000
NP = 10240
F = 128
HEADS = 2
CH = 64
E_RAW = 320000
ET = E_RAW + N_NODES
NC, NS, LANES = 2, 16, 16
NW = NC * NS
K = 128
EPW = 10368
ETP = NW * EPW
NCHUNKS = EPW // K
STRIPE = NP // NS

_mesh = plsc.VectorSubcoreMesh(
    core_axis_name="c", subcore_axis_name="s", num_cores=NC, num_subcores=NS)



def _mm2_body(x_ref, wl_ref, bl_ref, wr_ref, br_ref, ol_ref, or_ref):
    x = x_ref[...]
    ol_ref[...] = jnp.dot(x, wl_ref[...], preferred_element_type=jnp.float32) + bl_ref[...]
    or_ref[...] = jnp.dot(x, wr_ref[...], preferred_element_type=jnp.float32) + br_ref[...]


def _mm2(x, W_l, b_l, W_r, b_r):
    n = x.shape[0]
    blk = 2048
    return pl.pallas_call(
        _mm2_body,
        grid=(n // blk,),
        in_specs=[
            pl.BlockSpec((blk, F), lambda i: (i, 0)),
            pl.BlockSpec((F, F), lambda i: (0, 0)),
            pl.BlockSpec((F,), lambda i: (0,)),
            pl.BlockSpec((F, F), lambda i: (0, 0)),
            pl.BlockSpec((F,), lambda i: (0,)),
        ],
        out_specs=[
            pl.BlockSpec((blk, F), lambda i: (i, 0)),
            pl.BlockSpec((blk, F), lambda i: (i, 0)),
        ],
        out_shape=[
            jax.ShapeDtypeStruct((n, F), jnp.float32),
            jax.ShapeDtypeStruct((n, F), jnp.float32),
        ],
    )(x, W_l, b_l, W_r, b_r)


def _recip_body(d_ref, o_ref):
    o_ref[...] = 1.0 / (d_ref[0] + d_ref[1] + 1e-16)


def _recip(denoms):
    return pl.pallas_call(
        _recip_body,
        out_shape=jax.ShapeDtypeStruct((NP, 2), jnp.float32),
    )(denoms)


def _merge_relu_body(p_ref, b_ref, o_ref):
    o_ref[...] = jnp.maximum(p_ref[0] + p_ref[1] + b_ref[...], 0.0)


def _merge_relu(parts, bias):
    blk = 2048
    return pl.pallas_call(
        _merge_relu_body,
        grid=(NP // blk,),
        in_specs=[
            pl.BlockSpec((2, blk, F), lambda i: (0, i, 0)),
            pl.BlockSpec((F,), lambda i: (0,)),
        ],
        out_specs=pl.BlockSpec((blk, F), lambda i: (i, 0)),
        out_shape=jax.ShapeDtypeStruct((NP, F), jnp.float32),
    )(parts, bias)


def _merge_mm_final_body(p_ref, b_ref, w_ref, bw_ref, o_ref):
    h = jnp.maximum(p_ref[0] + p_ref[1] + b_ref[...], 0.0)
    y = jnp.dot(h, w_ref[...], preferred_element_type=jnp.float32) + bw_ref[...]
    o_ref[...] = jnp.maximum(y, 0.0)


def _merge_mm_final(parts, bias, W_lin, b_lin):
    blk = 2048
    return pl.pallas_call(
        _merge_mm_final_body,
        grid=(NP // blk,),
        in_specs=[
            pl.BlockSpec((2, blk, F), lambda i: (0, i, 0)),
            pl.BlockSpec((F,), lambda i: (0,)),
            pl.BlockSpec((F, F), lambda i: (0, 0)),
            pl.BlockSpec((F,), lambda i: (0,)),
        ],
        out_specs=pl.BlockSpec((blk, F), lambda i: (i, 0)),
        out_shape=jax.ShapeDtypeStruct((NP, F), jnp.float32),
    )(parts, bias, W_lin, b_lin)



@functools.partial(
    pl.kernel,
    out_type=(
        jax.ShapeDtypeStruct((ETP,), jnp.float32),
        jax.ShapeDtypeStruct((ETP,), jnp.float32),
        jax.ShapeDtypeStruct((NC, NP, 2), jnp.float32),
    ),
    mesh=_mesh,
    scratch_types=[
        pltpu.VMEM((K,), jnp.int32),
        pltpu.VMEM((K,), jnp.int32),
        pltpu.VMEM((K,), jnp.float32),
        pltpu.VMEM((K, F), jnp.float32),
        pltpu.VMEM((K, F), jnp.float32),
        pltpu.VMEM((K,), jnp.float32),
        pltpu.VMEM((K,), jnp.float32),
        pltpu.VMEM((K, 2), jnp.float32),
        pltpu.VMEM((F,), jnp.float32),
        pltpu.VMEM((F,), jnp.float32),
        pltpu.VMEM_SHARED((NP, 2), jnp.float32),
        pltpu.SemaphoreType.DMA,
    ],
    compiler_params=pltpu.CompilerParams(needs_layout_passes=False, use_tc_tiling_on_sc=False),
)
def _sc_pass_a(xl_hbm, xr_hbm, src_hbm, dst_hbm, ea_hbm, w_hbm, att_hbm,
               zeros2_hbm, ex0_hbm, ex1_hbm, den_hbm,
               src_v, dst_v, ea_v, rows_l, rows_r, ex0_v, ex1_v, dctr,
               w_v, att_v, den_sp, sem):
    cid = lax.axis_index("c")
    sid = lax.axis_index("s")
    wid = sid * NC + cid
    pltpu.sync_copy(w_hbm, w_v)
    pltpu.sync_copy(att_hbm, att_v)

    @pl.when(sid == 0)
    def _():
        pltpu.sync_copy(zeros2_hbm, den_sp)

    plsc.subcore_barrier()

    iota = lax.iota(jnp.int32, LANES)
    zeros16 = jnp.zeros((LANES,), jnp.int32)

    def chunk_body(ch, _):
        base = wid * EPW + ch * K
        pltpu.sync_copy(src_hbm.at[pl.ds(base, K)], src_v)
        pltpu.sync_copy(dst_hbm.at[pl.ds(base, K)], dst_v)
        pltpu.sync_copy(ea_hbm.at[pl.ds(base, K)], ea_v)
        pltpu.async_copy(xl_hbm.at[src_v], rows_l, sem).wait()
        pltpu.async_copy(xr_hbm.at[dst_v], rows_r, sem).wait()

        def group_body(g, _):
            row16 = g * LANES + iota
            ea16 = ea_v[pl.ds(g * LANES, LANES)]

            def blk_body(cb, accs):
                acc0, acc1 = accs
                cbase = cb * LANES
                wb0 = w_v[pl.ds(cbase, LANES)]
                wb1 = w_v[pl.ds(cbase + CH, LANES)]
                ab0 = att_v[pl.ds(cbase, LANES)]
                ab1 = att_v[pl.ds(cbase + CH, LANES)]
                for j in range(LANES):
                    cv = zeros16 + (cbase + j)
                    l0 = plsc.load_gather(rows_l, [row16, cv])
                    r0 = plsc.load_gather(rows_r, [row16, cv])
                    l1 = plsc.load_gather(rows_l, [row16, cv + CH])
                    r1 = plsc.load_gather(rows_r, [row16, cv + CH])
                    m0 = l0 + r0 + ea16 * wb0[j]
                    m0 = jnp.maximum(m0, 0.2 * m0)
                    m1 = l1 + r1 + ea16 * wb1[j]
                    m1 = jnp.maximum(m1, 0.2 * m1)
                    acc0 = acc0 + m0 * ab0[j]
                    acc1 = acc1 + m1 * ab1[j]
                return (acc0, acc1)

            acc0, acc1 = lax.fori_loop(
                0, CH // LANES, blk_body,
                (jnp.zeros((LANES,), jnp.float32),
                 jnp.zeros((LANES,), jnp.float32)))
            eid = base + g * LANES + iota
            mask = eid < ET
            e0 = jnp.where(mask, jnp.exp(acc0), 0.0)
            e1 = jnp.where(mask, jnp.exp(acc1), 0.0)
            ex0_v[pl.ds(g * LANES, LANES)] = e0
            ex1_v[pl.ds(g * LANES, LANES)] = e1
            plsc.store_scatter(dctr, [row16, zeros16], e0)
            plsc.store_scatter(dctr, [row16, zeros16 + 1], e1)
            return 0

        lax.fori_loop(0, K // LANES, group_body, 0)
        pltpu.sync_copy(ex0_v, ex0_hbm.at[pl.ds(base, K)])
        pltpu.sync_copy(ex1_v, ex1_hbm.at[pl.ds(base, K)])
        pltpu.sync_copy(dctr, den_sp.at[dst_v], add=True)
        return 0

    lax.fori_loop(0, NCHUNKS, chunk_body, 0)
    plsc.subcore_barrier()
    pltpu.sync_copy(den_sp.at[pl.ds(sid * STRIPE, STRIPE)],
                    den_hbm.at[cid, pl.ds(sid * STRIPE, STRIPE)])



FS = 8
NSW = F // FS

@functools.partial(
    pl.kernel,
    out_type=jax.ShapeDtypeStruct((NC, NP, F), jnp.float32),
    mesh=_mesh,
    scratch_types=[
        pltpu.VMEM((EPW,), jnp.int32),
        pltpu.VMEM((EPW,), jnp.int32),
        pltpu.VMEM((EPW,), jnp.float32),
        pltpu.VMEM((EPW,), jnp.float32),
        pltpu.VMEM((K, FS), jnp.float32),
        pltpu.VMEM((K, FS), jnp.float32),
        pltpu.VMEM((NP, 2), jnp.float32),
        pltpu.VMEM_SHARED((NP, FS), jnp.float32),
        pltpu.SemaphoreType.DMA,
        pltpu.VMEM((K,), jnp.int32),
    ],
    compiler_params=pltpu.CompilerParams(needs_layout_passes=False, use_tc_tiling_on_sc=False),
)
def _sc_pass_b(xlcg_hbm, src_hbm, dst_hbm, ex0_hbm, ex1_hbm, recip_hbm,
               zeros8_hbm, out_hbm,
               src_v, dst_v, ex0_v, ex1_v, rows, ctr, recip_v, acc_sp, sem,
               idx_v):
    cid = lax.axis_index("c")
    sid = lax.axis_index("s")
    wid = sid * NC + cid
    pltpu.sync_copy(recip_hbm, recip_v)
    wbase = wid * EPW
    pltpu.sync_copy(src_hbm.at[pl.ds(wbase, EPW)], src_v)
    pltpu.sync_copy(dst_hbm.at[pl.ds(wbase, EPW)], dst_v)
    pltpu.sync_copy(ex0_hbm.at[pl.ds(wbase, EPW)], ex0_v)
    pltpu.sync_copy(ex1_hbm.at[pl.ds(wbase, EPW)], ex1_v)

    iota = lax.iota(jnp.int32, LANES)
    zeros16 = jnp.zeros((LANES,), jnp.int32)

    def sweep_body(cg, _):
        @pl.when(sid == 0)
        def _():
            pltpu.sync_copy(zeros8_hbm, acc_sp)

        plsc.subcore_barrier()

        def chunk_body(ch, _):
            eoff = ch * K

            def idx_body(g, _):
                sl = pl.ds(eoff + g * LANES, LANES)
                idx_v[pl.ds(g * LANES, LANES)] = src_v[sl] + cg * NP
                return 0

            lax.fori_loop(0, K // LANES, idx_body, 0)
            pltpu.async_copy(xlcg_hbm.at[idx_v], rows, sem).wait()

            def group_body(g, _):
                row16 = g * LANES + iota
                sl = pl.ds(eoff + g * LANES, LANES)
                d16 = dst_v[sl]
                a0 = ex0_v[sl] * plsc.load_gather(recip_v, [d16, zeros16])
                a1 = ex1_v[sl] * plsc.load_gather(recip_v, [d16, zeros16 + 1])
                a = jnp.where(cg < NSW // 2, a0, a1)
                for j in range(FS):
                    cv = zeros16 + j
                    l = plsc.load_gather(rows, [row16, cv])
                    plsc.store_scatter(ctr, [row16, cv], l * a)
                return 0

            lax.fori_loop(0, K // LANES, group_body, 0)
            pltpu.sync_copy(ctr, acc_sp.at[dst_v.at[pl.ds(eoff, K)]], add=True)
            return 0

        lax.fori_loop(0, NCHUNKS, chunk_body, 0)
        plsc.subcore_barrier()
        pltpu.sync_copy(
            acc_sp.at[pl.ds(sid * STRIPE, STRIPE)],
            out_hbm.at[cid, pl.ds(sid * STRIPE, STRIPE), pl.ds(cg * FS, FS)])
        plsc.subcore_barrier()
        return 0

    lax.fori_loop(0, NSW, sweep_body, 0)



_SKIP_B = False

def _gat_layer(x_np, src_p, dst_p, ea_p, W_l, b_l, W_r, b_r, W_e, att,
               zeros2, zeros8):
    x_l, x_r = _mm2(x_np, W_l, b_l, W_r, b_r)
    w_vec = W_e.reshape(F)
    att_vec = att.reshape(F)
    ex0, ex1, denoms = _sc_pass_a(
        x_l, x_r, src_p, dst_p, ea_p, w_vec, att_vec, zeros2)
    recip = _recip(denoms)
    if _SKIP_B:
        return jnp.broadcast_to(recip[None, :, :1], (NC, NP, F)) * 0.0 + ex0[0] + ex1[0]
    xlcg = x_l.reshape(NP, NSW, FS).transpose(1, 0, 2).reshape(NSW * NP, FS)
    parts = _sc_pass_b(xlcg, src_p, dst_p, ex0, ex1, recip, zeros8)
    return parts


def kernel(x, edge_index, edge_attr, W_l0, b_l0, W_r0, b_r0, W_e0, att0,
           bias0, W_l1, b_l1, W_r1, b_r1, W_e1, att1, bias1, W_lin, b_lin):
    x = x.astype(jnp.float32)
    edge_attr = edge_attr.astype(jnp.float32)

    loop = jnp.arange(N_NODES, dtype=edge_index.dtype)
    src = jnp.concatenate([edge_index[0], loop])
    dst = jnp.concatenate([edge_index[1], loop])
    mean_attr = jnp.mean(edge_attr)
    ea = jnp.concatenate(
        [edge_attr[:, 0], jnp.full((N_NODES,), mean_attr, jnp.float32)])
    pad = ETP - ET
    src_p = jnp.pad(src, (0, pad)).astype(jnp.int32)
    dst_p = jnp.pad(dst, (0, pad)).astype(jnp.int32)
    ea_p = jnp.pad(ea, (0, pad))

    x_np = jnp.pad(x, ((0, NP - N_NODES), (0, 0)))
    zeros2 = jnp.zeros((NP, 2), jnp.float32)
    zeros8 = jnp.zeros((NP, FS), jnp.float32)

    parts0 = _gat_layer(x_np, src_p, dst_p, ea_p, W_l0, b_l0, W_r0, b_r0,
                        W_e0, att0, zeros2, zeros8)
    h = _merge_relu(parts0, bias0)
    parts1 = _gat_layer(h, src_p, dst_p, ea_p, W_l1, b_l1, W_r1, b_r1,
                        W_e1, att1, zeros2, zeros8)
    y = _merge_mm_final(parts1, bias1, W_lin, b_lin)
    return y[:N_NODES]

# --- scband reference (transcript-rebuilt; emitter-appended) ---
"""Pipeline reference for scband-convolution-58076547777063 (READ-ONLY COPY).

The authoritative reference and input builder live on the scoring server;
editing this copy changes nothing except your own understanding.
"""

import jax, jax.numpy as jnp
import numpy as np

N = 10000
E = 320000
F_IN = 128
H = 2
C = 64
OUT = 128


def setup_inputs(seed: int = 0) -> dict:
    key = jax.random.key(seed)
    ks = jax.random.split(key, 24)
    s = 0.05
    inp = {}
    inp["x"] = jax.random.normal(ks[0], (N, F_IN), jnp.float32)
    inp["edge_index"] = jax.random.randint(ks[1], (2, E), 0, N, jnp.int32)
    inp["edge_attr"] = jax.random.normal(ks[2], (E, 1), jnp.float32)
    dims = [(F_IN, H * C), (H * C, H * C)]
    for i, (fi, fo) in enumerate(dims):
        inp[f"W_l{i}"] = jax.random.normal(ks[3 + 7 * i], (fi, fo), jnp.float32) * s
        inp[f"b_l{i}"] = jnp.zeros((fo,), jnp.float32)
        inp[f"W_r{i}"] = jax.random.normal(ks[4 + 7 * i], (fi, fo), jnp.float32) * s
        inp[f"b_r{i}"] = jnp.zeros((fo,), jnp.float32)
        inp[f"W_e{i}"] = jax.random.normal(ks[5 + 7 * i], (1, fo), jnp.float32) * s
        inp[f"att{i}"] = jax.random.normal(ks[6 + 7 * i], (H, C), jnp.float32) * s
        inp[f"bias{i}"] = jnp.zeros((fo,), jnp.float32)
    inp["W_lin"] = jax.random.normal(ks[20], (H * C, OUT), jnp.float32) * s
    inp["b_lin"] = jnp.zeros((OUT,), jnp.float32)
    return inp


def _gatv2(x, src, dst, ea, W_l, b_l, W_r, b_r, W_e, att, bias):
    n = x.shape[0]
    x_l = (x @ W_l + b_l).reshape(n, H, C)
    x_r = (x @ W_r + b_r).reshape(n, H, C)
    e = (ea @ W_e).reshape(-1, H, C)
    m = x_l[src] + x_r[dst] + e
    m = jax.nn.leaky_relu(m, 0.2)
    alpha = jnp.sum(m * att[None, :, :], axis=-1)
    amax = jax.ops.segment_max(alpha, dst, num_segments=n)
    ex = jnp.exp(alpha - amax[dst])
    denom = jax.ops.segment_sum(ex, dst, num_segments=n)
    a = ex / (denom[dst] + 1e-16)
    out = jax.ops.segment_sum(x_l[src] * a[:, :, None], dst, num_segments=n)
    return out.reshape(n, H * C) + bias


def reference(x, edge_index, edge_attr, W_l0, b_l0, W_r0, b_r0, W_e0, att0, bias0, W_l1, b_l1, W_r1, b_r1, W_e1, att1, bias1, W_lin, b_lin):
    x = x.astype(jnp.float32)
    edge_attr = edge_attr.astype(jnp.float32)
    n = x.shape[0]
    loop = jnp.arange(n, dtype=edge_index.dtype)
    src = jnp.concatenate([edge_index[0], loop])
    dst = jnp.concatenate([edge_index[1], loop])
    mean_attr = jnp.mean(edge_attr, axis=0, keepdims=True)
    ea = jnp.concatenate([edge_attr, jnp.broadcast_to(mean_attr, (n, edge_attr.shape[1]))], axis=0)
    h = jax.nn.relu(_gatv2(x, src, dst, ea, W_l0, b_l0, W_r0, b_r0, W_e0, att0, bias0))
    h = jax.nn.relu(_gatv2(h, src, dst, ea, W_l1, b_l1, W_r1, b_r1, W_e1, att1, bias1))
    return jax.nn.relu(h @ W_lin + b_lin)

if __name__ == "__main__":
    import jax
    _d = setup_inputs()
    print(jax.jit(kernel)(*tuple(_d.values())))

</pallas_src>

<mosaic_0001>
#map = affine_map<(d0, d1) -> (0, 0)>
#map1 = affine_map<(d0, d1) -> (0)>
#map2 = affine_map<(d0, d1) -> (0, 0, 0)>
module attributes {stable_mosaic.version = 14 : i64} {
  func.func @_sc_pass_b(%arg0: i32, %arg1: i32, %arg2: memref<163840x8xf32, #tpu.memory_space<hbm>>, %arg3: memref<331776xi32, #tpu.memory_space<hbm>>, %arg4: memref<331776xi32, #tpu.memory_space<hbm>>, %arg5: memref<331776xf32, #tpu.memory_space<hbm>>, %arg6: memref<331776xf32, #tpu.memory_space<hbm>>, %arg7: memref<10240x2xf32, #tpu.memory_space<hbm>>, %arg8: memref<10240x8xf32, #tpu.memory_space<hbm>>, %arg9: memref<2x10240x128xf32, #tpu.memory_space<hbm>>, %arg10: memref<10368xi32, #tpu.memory_space<vmem>>, %arg11: memref<10368xi32, #tpu.memory_space<vmem>>, %arg12: memref<10368xf32, #tpu.memory_space<vmem>>, %arg13: memref<10368xf32, #tpu.memory_space<vmem>>, %arg14: memref<128x8xf32, #tpu.memory_space<vmem>>, %arg15: memref<128x8xf32, #tpu.memory_space<vmem>>, %arg16: memref<10240x2xf32, #tpu.memory_space<vmem>>, %arg17: memref<10240x8xf32, #tpu.memory_space<vmem_shared>>, %arg18: memref<!tpu.dma_semaphore, #tpu.memory_space<semaphore_mem>>, %arg19: memref<128xi32, #tpu.memory_space<vmem>>) attributes {dimension_semantics = [#tpu.dimension_semantics<core_parallel>, #tpu.dimension_semantics<subcore_parallel>], iteration_bounds = array<i64: 2, 16>, scalar_prefetch = 0 : i64, scratch_operands = 10 : i64, tpu.core_type = #tpu.core_type<sc_vector_subcore>, window_params = [{transform_indices = #map}, {transform_indices = #map1}, {transform_indices = #map1}, {transform_indices = #map1}, {transform_indices = #map1}, {transform_indices = #map}, {transform_indices = #map}, {transform_indices = #map2}]} {
    %mul3A = arith.constant 2 : i32
    %mul3A_0 = arith.muli %arg1, %mul3A : i32
    %add3A = arith.addi %mul3A_0, %arg0 : i32
    "tpu.region"() ({
      %run_scoped3A = tpu.sem_alloc : memref<!tpu.dma_semaphore, #tpu.memory_space<semaphore_mem>>
      tpu.enqueue_dma source(%arg7 : memref<10240x2xf32, #tpu.memory_space<hbm>>) target(%arg16 : memref<10240x2xf32, #tpu.memory_space<vmem>>) target_semaphore(%run_scoped3A : memref<!tpu.dma_semaphore, #tpu.memory_space<semaphore_mem>>)
      tpu.wait_dma2 semaphore(%run_scoped3A : memref<!tpu.dma_semaphore, #tpu.memory_space<semaphore_mem>>) src(%arg7 : memref<10240x2xf32, #tpu.memory_space<hbm>>) dst(%arg16 : memref<10240x2xf32, #tpu.memory_space<vmem>>)
      tpu.yield
    }) : () -> ()
    %mul3A_1 = arith.constant 10368 : i32
    %mul3A_2 = arith.muli %add3A, %mul3A_1 : i32
    "tpu.region"() ({
      %run_scoped3A = tpu.sem_alloc : memref<!tpu.dma_semaphore, #tpu.memory_space<semaphore_mem>>
      %dma_start3A = tpu.memref_slice %arg3[%mul3A_2] : memref<331776xi32, #tpu.memory_space<hbm>> -> memref<10368xi32, #tpu.memory_space<hbm>>
      %dma_start3A_10 = tpu.memref_slice %arg3[%mul3A_2] : memref<331776xi32, #tpu.memory_space<hbm>> -> memref<10368xi32, #tpu.memory_space<hbm>>
      tpu.enqueue_dma source(%dma_start3A_10 : memref<10368xi32, #tpu.memory_space<hbm>>) target(%arg10 : memref<10368xi32, #tpu.memory_space<vmem>>) target_semaphore(%run_scoped3A : memref<!tpu.dma_semaphore, #tpu.memory_space<semaphore_mem>>)
      %dma_wait3A = tpu.memref_slice %arg3[%mul3A_2] : memref<331776xi32, #tpu.memory_space<hbm>> -> memref<10368xi32, #tpu.memory_space<hbm>>
      %dma_wait3A_11 = tpu.memref_slice %arg3[%mul3A_2] : memref<331776xi32, #tpu.memory_space<hbm>> -> memref<10368xi32, #tpu.memory_space<hbm>>
      tpu.wait_dma2 semaphore(%run_scoped3A : memref<!tpu.dma_semaphore, #tpu.memory_space<semaphore_mem>>) src(%dma_wait3A_11 : memref<10368xi32, #tpu.memory_space<hbm>>) dst(%arg10 : memref<10368xi32, #tpu.memory_space<vmem>>)
      tpu.yield
    }) : () -> ()
    "tpu.region"() ({
      %run_scoped3A = tpu.sem_alloc : memref<!tpu.dma_semaphore, #tpu.memory_space<semaphore_mem>>
      %dma_start3A = tpu.memref_slice %arg4[%mul3A_2] : memref<331776xi32, #tpu.memory_space<hbm>> -> memref<10368xi32, #tpu.memory_space<hbm>>
      %dma_start3A_10 = tpu.memref_slice %arg4[%mul3A_2] : memref<331776xi32, #tpu.memory_space<hbm>> -> memref<10368xi32, #tpu.memory_space<hbm>>
      tpu.enqueue_dma source(%dma_start3A_10 : memref<10368xi32, #tpu.memory_space<hbm>>) target(%arg11 : memref<10368xi32, #tpu.memory_space<vmem>>) target_semaphore(%run_scoped3A : memref<!tpu.dma_semaphore, #tpu.memory_space<semaphore_mem>>)
      %dma_wait3A = tpu.memref_slice %arg4[%mul3A_2] : memref<331776xi32, #tpu.memory_space<hbm>> -> memref<10368xi32, #tpu.memory_space<hbm>>
      %dma_wait3A_11 = tpu.memref_slice %arg4[%mul3A_2] : memref<331776xi32, #tpu.memory_space<hbm>> -> memref<10368xi32, #tpu.memory_space<hbm>>
      tpu.wait_dma2 semaphore(%run_scoped3A : memref<!tpu.dma_semaphore, #tpu.memory_space<semaphore_mem>>) src(%dma_wait3A_11 : memref<10368xi32, #tpu.memory_space<hbm>>) dst(%arg11 : memref<10368xi32, #tpu.memory_space<vmem>>)
      tpu.yield
    }) : () -> ()
    "tpu.region"() ({
      %run_scoped3A = tpu.sem_alloc : memref<!tpu.dma_semaphore, #tpu.memory_space<semaphore_mem>>
      %dma_start3A = tpu.memref_slice %arg5[%mul3A_2] : memref<331776xf32, #tpu.memory_space<hbm>> -> memref<10368xf32, #tpu.memory_space<hbm>>
      %dma_start3A_10 = tpu.memref_slice %arg5[%mul3A_2] : memref<331776xf32, #tpu.memory_space<hbm>> -> memref<10368xf32, #tpu.memory_space<hbm>>
      tpu.enqueue_dma source(%dma_start3A_10 : memref<10368xf32, #tpu.memory_space<hbm>>) target(%arg12 : memref<10368xf32, #tpu.memory_space<vmem>>) target_semaphore(%run_scoped3A : memref<!tpu.dma_semaphore, #tpu.memory_space<semaphore_mem>>)
      %dma_wait3A = tpu.memref_slice %arg5[%mul3A_2] : memref<331776xf32, #tpu.memory_space<hbm>> -> memref<10368xf32, #tpu.memory_space<hbm>>
      %dma_wait3A_11 = tpu.memref_slice %arg5[%mul3A_2] : memref<331776xf32, #tpu.memory_space<hbm>> -> memref<10368xf32, #tpu.memory_space<hbm>>
      tpu.wait_dma2 semaphore(%run_scoped3A : memref<!tpu.dma_semaphore, #tpu.memory_space<semaphore_mem>>) src(%dma_wait3A_11 : memref<10368xf32, #tpu.memory_space<hbm>>) dst(%arg12 : memref<10368xf32, #tpu.memory_space<vmem>>)
      tpu.yield
    }) : () -> ()
    "tpu.region"() ({
      %run_scoped3A = tpu.sem_alloc : memref<!tpu.dma_semaphore, #tpu.memory_space<semaphore_mem>>
      %dma_start3A = tpu.memref_slice %arg6[%mul3A_2] : memref<331776xf32, #tpu.memory_space<hbm>> -> memref<10368xf32, #tpu.memory_space<hbm>>
      %dma_start3A_10 = tpu.memref_slice %arg6[%mul3A_2] : memref<331776xf32, #tpu.memory_space<hbm>> -> memref<10368xf32, #tpu.memory_space<hbm>>
      tpu.enqueue_dma source(%dma_start3A_10 : memref<10368xf32, #tpu.memory_space<hbm>>) target(%arg13 : memref<10368xf32, #tpu.memory_space<vmem>>) target_semaphore(%run_scoped3A : memref<!tpu.dma_semaphore, #tpu.memory_space<semaphore_mem>>)
      %dma_wait3A = tpu.memref_slice %arg6[%mul3A_2] : memref<331776xf32, #tpu.memory_space<hbm>> -> memref<10368xf32, #tpu.memory_space<hbm>>
      %dma_wait3A_11 = tpu.memref_slice %arg6[%mul3A_2] : memref<331776xf32, #tpu.memory_space<hbm>> -> memref<10368xf32, #tpu.memory_space<hbm>>
      tpu.wait_dma2 semaphore(%run_scoped3A : memref<!tpu.dma_semaphore, #tpu.memory_space<semaphore_mem>>) src(%dma_wait3A_11 : memref<10368xf32, #tpu.memory_space<hbm>>) dst(%arg13 : memref<10368xf32, #tpu.memory_space<vmem>>)
      tpu.yield
    }) : () -> ()
    %iota3A = tpu.iota {dimensions = array<i32: 0>} : vector<16xi32>
    %broadcast_in_dim3A = arith.constant 0 : i32
    %broadcast_in_dim3A_3 = vector.broadcast %broadcast_in_dim3A : i32 to vector<16xi32>
    %scan3A = arith.constant 0 : i32
    %scan3A_4 = arith.constant 0 : i32
    %scan3A_5 = arith.constant 16 : i32
    %scan3A_6 = arith.addi %scan3A_4, %scan3A_5 : i32
    %scan3A_7 = arith.constant 1 : i32
    %scan3A_8 = scf.for %scan3A_10 = %scan3A_4 to %scan3A_6 step %scan3A_7 iter_args(%scan3A_11 = %scan3A) -> (i32)  : i32 {
      %eq3A = arith.constant 0 : i32
      %eq3A_12 = arith.cmpi eq, %arg1, %eq3A : i32
      %convert_element_type3A = arith.extui %eq3A_12 : i1 to i32
      %cond3A = arith.constant 0 : i32
      %cond3A_13 = arith.cmpi ne, %convert_element_type3A, %cond3A : i32
      scf.if %cond3A_13 {
        "tpu.region"() ({
          %run_scoped3A = tpu.sem_alloc : memref<!tpu.dma_semaphore, #tpu.memory_space<semaphore_mem>>
          tpu.enqueue_dma source(%arg8 : memref<10240x8xf32, #tpu.memory_space<hbm>>) target(%arg17 : memref<10240x8xf32, #tpu.memory_space<vmem_shared>>) target_semaphore(%run_scoped3A : memref<!tpu.dma_semaphore, #tpu.memory_space<semaphore_mem>>)
          tpu.wait_dma2 semaphore(%run_scoped3A : memref<!tpu.dma_semaphore, #tpu.memory_space<semaphore_mem>>) src(%arg8 : memref<10240x8xf32, #tpu.memory_space<hbm>>) dst(%arg17 : memref<10240x8xf32, #tpu.memory_space<vmem_shared>>)
          tpu.yield
        }) : () -> ()
      } else {
      }
      %barrier3A = arith.constant 0 : index
      tpu.barrier barrier_id(%barrier3A)
      %scan3A_14 = arith.constant 0 : i32
      %scan3A_15 = arith.constant 0 : i32
      %scan3A_16 = arith.constant 81 : i32
      %scan3A_17 = arith.addi %scan3A_15, %scan3A_16 : i32
      %scan3A_18 = arith.constant 1 : i32
      %scan3A_19 = scf.for %scan3A_30 = %scan3A_15 to %scan3A_17 step %scan3A_18 iter_args(%scan3A_31 = %scan3A_14) -> (i32)  : i32 {
        %mul3A_32 = arith.constant 128 : i32
        %mul3A_33 = arith.muli %scan3A_30, %mul3A_32 : i32
        %scan3A_34 = arith.constant 0 : i32
        %scan3A_35 = arith.constant 0 : i32
        %scan3A_36 = arith.constant 8 : i32
        %scan3A_37 = arith.addi %scan3A_35, %scan3A_36 : i32
        %scan3A_38 = arith.constant 1 : i32
        %scan3A_39 = scf.for %scan3A_53 = %scan3A_35 to %scan3A_37 step %scan3A_38 iter_args(%scan3A_54 = %scan3A_34) -> (i32)  : i32 {
          %mul3A_55 = arith.constant 16 : i32
          %mul3A_56 = arith.muli %scan3A_53, %mul3A_55 : i32
          %add3A_57 = arith.addi %mul3A_33, %mul3A_56 : i32
          %get3A = arith.index_cast %add3A_57 : i32 to index
          %get3A_58 = tpu.vector_load %arg10[%get3A] {strides = array<i32>} : memref<10368xi32, #tpu.memory_space<vmem>>, vector<16xi32>,
          %mul3A_59 = arith.constant 10240 : i32
          %mul3A_60 = arith.muli %scan3A_10, %mul3A_59 : i32
          %add3A_61 = vector.broadcast %mul3A_60 : i32 to vector<16xi32>
          %add3A_62 = arith.addi %get3A_58, %add3A_61 : vector<16xi32>
          %mul3A_63 = arith.constant 16 : i32
          %mul3A_64 = arith.muli %scan3A_53, %mul3A_63 : i32
          %swap3A = arith.index_cast %mul3A_64 : i32 to index
          %swap3A_65 = tpu.vector_load %arg19[%swap3A] {strides = array<i32>} : memref<128xi32, #tpu.memory_space<vmem>>, vector<16xi32>,
          tpu.vector_store %arg19[%swap3A], %add3A_62 {strides = array<i32>} : memref<128xi32, #tpu.memory_space<vmem>>, vector<16xi32>,
          %scan3A_66 = arith.constant 0 : i32
          scf.yield %scan3A_66 : i32
        }
        %scan3A_40 = arith.constant 8 : i32
        %dma_start3A = arith.constant 0 : i32
        %dma_start3A_41 = arith.constant 0 : i32
        %dma_start3A_42 = tpu.memref_slice %arg2[%dma_start3A, %dma_start3A_41] : memref<163840x8xf32, #tpu.memory_space<hbm>> -> memref<163840x8xf32, #tpu.memory_space<hbm>>
        tpu.enqueue_indirect_dma source(%dma_start3A_42 : memref<163840x8xf32, #tpu.memory_space<hbm>>) target(%arg14 : memref<128x8xf32, #tpu.memory_space<vmem>>) offsets(%arg19 : memref<128xi32, #tpu.memory_space<vmem>>) semaphore(%arg18 : memref<!tpu.dma_semaphore, #tpu.memory_space<semaphore_mem>>)
        %dma_wait3A = arith.constant 0 : i32
        %dma_wait3A_43 = arith.constant 0 : i32
        %dma_wait3A_44 = tpu.memref_slice %arg2[%dma_wait3A, %dma_wait3A_43] : memref<163840x8xf32, #tpu.memory_space<hbm>> -> memref<163840x8xf32, #tpu.memory_space<hbm>>
        tpu.wait_indirect_dma semaphore(%arg18 : memref<!tpu.dma_semaphore, #tpu.memory_space<semaphore_mem>>) src(%dma_wait3A_44 : memref<163840x8xf32, #tpu.memory_space<hbm>>) dst(%arg14 : memref<128x8xf32, #tpu.memory_space<vmem>>)
        %scan3A_45 = arith.constant 0 : i32
        %scan3A_46 = arith.constant 0 : i32
        %scan3A_47 = arith.constant 8 : i32
        %scan3A_48 = arith.addi %scan3A_46, %scan3A_47 : i32
        %scan3A_49 = arith.constant 1 : i32
        %scan3A_50 = scf.for %scan3A_53 = %scan3A_46 to %scan3A_48 step %scan3A_49 iter_args(%scan3A_54 = %scan3A_45) -> (i32)  : i32 {
          %mul3A_55 = arith.constant 16 : i32
          %mul3A_56 = arith.muli %scan3A_53, %mul3A_55 : i32
          %add3A_57 = vector.broadcast %mul3A_56 : i32 to vector<16xi32>
          %add3A_58 = arith.addi %add3A_57, %iota3A : vector<16xi32>
          %mul3A_59 = arith.constant 16 : i32
          %mul3A_60 = arith.muli %scan3A_53, %mul3A_59 : i32
          %add3A_61 = arith.addi %mul3A_33, %mul3A_60 : i32
          %get3A = arith.index_cast %add3A_61 : i32 to index
          %get3A_62 = tpu.vector_load %arg11[%get3A] {strides = array<i32>} : memref<10368xi32, #tpu.memory_space<vmem>>, vector<16xi32>,
          %get3A_63 = arith.index_cast %add3A_61 : i32 to index
          %get3A_64 = tpu.vector_load %arg12[%get3A_63] {strides = array<i32>} : memref<10368xf32, #tpu.memory_space<vmem>>, vector<16xf32>,
          %gather3A = tpu.vector_load_idx %arg16[%get3A_62, %broadcast_in_dim3A_3] : memref<10240x2xf32, #tpu.memory_space<vmem>>[vector<16xi32>, vector<16xi32>], vector<16xf32>,
          %mul3A_65 = arith.mulf %get3A_64, %gather3A : vector<16xf32>
          %get3A_66 = arith.index_cast %add3A_61 : i32 to index
          %get3A_67 = tpu.vector_load %arg13[%get3A_66] {strides = array<i32>} : memref<10368xf32, #tpu.memory_space<vmem>>, vector<16xf32>,
          %add3A_68 = arith.constant 1 : i32
          %add3A_69 = vector.broadcast %add3A_68 : i32 to vector<16xi32>
          %add3A_70 = arith.addi %broadcast_in_dim3A_3, %add3A_69 : vector<16xi32>
          %gather3A_71 = tpu.vector_load_idx %arg16[%get3A_62, %add3A_70] : memref<10240x2xf32, #tpu.memory_space<vmem>>[vector<16xi32>, vector<16xi32>], vector<16xf32>,
          %mul3A_72 = arith.mulf %get3A_67, %gather3A_71 : vector<16xf32>
          %lt3A = arith.constant 8 : i32
          %lt3A_73 = arith.cmpi slt, %scan3A_10, %lt3A : i32
          %select_n3A = arith.select %lt3A_73, %mul3A_65, %mul3A_72 : vector<16xf32>
          %add3A_74 = arith.constant 0 : i32
          %add3A_75 = vector.broadcast %add3A_74 : i32 to vector<16xi32>
          %add3A_76 = arith.addi %broadcast_in_dim3A_3, %add3A_75 : vector<16xi32>
          %gather3A_77 = tpu.vector_load_idx %arg14[%add3A_58, %add3A_76] : memref<128x8xf32, #tpu.memory_space<vmem>>[vector<16xi32>, vector<16xi32>], vector<16xf32>,
          %mul3A_78 = arith.mulf %gather3A_77, %select_n3A : vector<16xf32>
          tpu.vector_store_idx %arg15[%add3A_58, %add3A_76], %mul3A_78 : memref<128x8xf32, #tpu.memory_space<vmem>>[vector<16xi32>, vector<16xi32>], vector<16xf32>,
          %add3A_79 = arith.constant 1 : i32
          %add3A_80 = vector.broadcast %add3A_79 : i32 to vector<16xi32>
          %add3A_81 = arith.addi %broadcast_in_dim3A_3, %add3A_80 : vector<16xi32>
          %gather3A_82 = tpu.vector_load_idx %arg14[%add3A_58, %add3A_81] : memref<128x8xf32, #tpu.memory_space<vmem>>[vector<16xi32>, vector<16xi32>], vector<16xf32>,
          %mul3A_83 = arith.mulf %gather3A_82, %select_n3A : vector<16xf32>
          tpu.vector_store_idx %arg15[%add3A_58, %add3A_81], %mul3A_83 : memref<128x8xf32, #tpu.memory_space<vmem>>[vector<16xi32>, vector<16xi32>], vector<16xf32>,
          %add3A_84 = arith.constant 2 : i32
          %add3A_85 = vector.broadcast %add3A_84 : i32 to vector<16xi32>
          %add3A_86 = arith.addi %broadcast_in_dim3A_3, %add3A_85 : vector<16xi32>
          %gather3A_87 = tpu.vector_load_idx %arg14[%add3A_58, %add3A_86] : memref<128x8xf32, #tpu.memory_space<vmem>>[vector<16xi32>, vector<16xi32>], vector<16xf32>,
          %mul3A_88 = arith.mulf %gather3A_87, %select_n3A : vector<16xf32>
          tpu.vector_store_idx %arg15[%add3A_58, %add3A_86], %mul3A_88 : memref<128x8xf32, #tpu.memory_space<vmem>>[vector<16xi32>, vector<16xi32>], vector<16xf32>,
          %add3A_89 = arith.constant 3 : i32
          %add3A_90 = vector.broadcast %add3A_89 : i32 to vector<16xi32>
          %add3A_91 = arith.addi %broadcast_in_dim3A_3, %add3A_90 : vector<16xi32>
          %gather3A_92 = tpu.vector_load_idx %arg14[%add3A_58, %add3A_91] : memref<128x8xf32, #tpu.memory_space<vmem>>[vector<16xi32>, vector<16xi32>], vector<16xf32>,
          %mul3A_93 = arith.mulf %gather3A_92, %select_n3A : vector<16xf32>
          tpu.vector_store_idx %arg15[%add3A_58, %add3A_91], %mul3A_93 : memref<128x8xf32, #tpu.memory_space<vmem>>[vector<16xi32>, vector<16xi32>], vector<16xf32>,
          %add3A_94 = arith.constant 4 : i32
          %add3A_95 = vector.broadcast %add3A_94 : i32 to vector<16xi32>
          %add3A_96 = arith.addi %broadcast_in_dim3A_3, %add3A_95 : vector<16xi32>
          %gather3A_97 = tpu.vector_load_idx %arg14[%add3A_58, %add3A_96] : memref<128x8xf32, #tpu.memory_space<vmem>>[vector<16xi32>, vector<16xi32>], vector<16xf32>,
          %mul3A_98 = arith.mulf %gather3A_97, %select_n3A : vector<16xf32>
          tpu.vector_store_idx %arg15[%add3A_58, %add3A_96], %mul3A_98 : memref<128x8xf32, #tpu.memory_space<vmem>>[vector<16xi32>, vector<16xi32>], vector<16xf32>,
          %add3A_99 = arith.constant 5 : i32
          %add3A_100 = vector.broadcast %add3A_99 : i32 to vector<16xi32>
          %add3A_101 = arith.addi %broadcast_in_dim3A_3, %add3A_100 : vector<16xi32>
          %gather3A_102 = tpu.vector_load_idx %arg14[%add3A_58, %add3A_101] : memref<128x8xf32, #tpu.memory_space<vmem>>[vector<16xi32>, vector<16xi32>], vector<16xf32>,
          %mul3A_103 = arith.mulf %gather3A_102, %select_n3A : vector<16xf32>
          tpu.vector_store_idx %arg15[%add3A_58, %add3A_101], %mul3A_103 : memref<128x8xf32, #tpu.memory_space<vmem>>[vector<16xi32>, vector<16xi32>], vector<16xf32>,
          %add3A_104 = arith.constant 6 : i32
          %add3A_105 = vector.broadcast %add3A_104 : i32 to vector<16xi32>
          %add3A_106 = arith.addi %broadcast_in_dim3A_3, %add3A_105 : vector<16xi32>
          %gather3A_107 = tpu.vector_load_idx %arg14[%add3A_58, %add3A_106] : memref<128x8xf32, #tpu.memory_space<vmem>>[vector<16xi32>, vector<16xi32>], vector<16xf32>,
          %mul3A_108 = arith.mulf %gather3A_107, %select_n3A : vector<16xf32>
          tpu.vector_store_idx %arg15[%add3A_58, %add3A_106], %mul3A_108 : memref<128x8xf32, #tpu.memory_space<vmem>>[vector<16xi32>, vector<16xi32>], vector<16xf32>,
          %add3A_109 = arith.constant 7 : i32
          %add3A_110 = vector.broadcast %add3A_109 : i32 to vector<16xi32>
          %add3A_111 = arith.addi %broadcast_in_dim3A_3, %add3A_110 : vector<16xi32>
          %gather3A_112 = tpu.vector_load_idx %arg14[%add3A_58, %add3A_111] : memref<128x8xf32, #tpu.memory_space<vmem>>[vector<16xi32>, vector<16xi32>], vector<16xf32>,
          %mul3A_113 = arith.mulf %gather3A_112, %select_n3A : vector<16xf32>
          tpu.vector_store_idx %arg15[%add3A_58, %add3A_111], %mul3A_113 : memref<128x8xf32, #tpu.memory_space<vmem>>[vector<16xi32>, vector<16xi32>], vector<16xf32>,
          %scan3A_114 = arith.constant 0 : i32
          scf.yield %scan3A_114 : i32
        }
        %scan3A_51 = arith.constant 8 : i32
        "tpu.region"() ({
          %run_scoped3A = tpu.sem_alloc : memref<!tpu.dma_semaphore, #tpu.memory_space<semaphore_mem>>
          %dma_start3A_53 = tpu.memref_slice %arg11[%mul3A_33] : memref<10368xi32, #tpu.memory_space<vmem>> -> memref<128xi32, #tpu.memory_space<vmem>>
          %dma_start3A_54 = arith.constant 0 : i32
          %dma_start3A_55 = arith.constant 0 : i32
          %dma_start3A_56 = tpu.memref_slice %arg17[%dma_start3A_54, %dma_start3A_55] : memref<10240x8xf32, #tpu.memory_space<vmem_shared>> -> memref<10240x8xf32, #tpu.memory_space<vmem_shared>>
          tpu.enqueue_indirect_dma source(%arg15 : memref<128x8xf32, #tpu.memory_space<vmem>>) target(%dma_start3A_56 : memref<10240x8xf32, #tpu.memory_space<vmem_shared>>) offsets(%dma_start3A_53 : memref<128xi32, #tpu.memory_space<vmem>>) semaphore(%run_scoped3A : memref<!tpu.dma_semaphore, #tpu.memory_space<semaphore_mem>>) {add = true}
          %dma_wait3A_57 = tpu.memref_slice %arg11[%mul3A_33] : memref<10368xi32, #tpu.memory_space<vmem>> -> memref<128xi32, #tpu.memory_space<vmem>>
          %dma_wait3A_58 = arith.constant 0 : i32
          %dma_wait3A_59 = arith.constant 0 : i32
          %dma_wait3A_60 = tpu.memref_slice %arg17[%dma_wait3A_58, %dma_wait3A_59] : memref<10240x8xf32, #tpu.memory_space<vmem_shared>> -> memref<10240x8xf32, #tpu.memory_space<vmem_shared>>
          tpu.wait_indirect_dma semaphore(%run_scoped3A : memref<!tpu.dma_semaphore, #tpu.memory_space<semaphore_mem>>) src(%arg15 : memref<128x8xf32, #tpu.memory_space<vmem>>) dst(%dma_wait3A_60 : memref<10240x8xf32, #tpu.memory_space<vmem_shared>>)
          tpu.yield
        }) : () -> ()
        %scan3A_52 = arith.constant 0 : i32
        scf.yield %scan3A_52 : i32
      }
      %scan3A_20 = arith.constant 81 : i32
      %barrier3A_21 = arith.constant 0 : index
      tpu.barrier barrier_id(%barrier3A_21)
      %mul3A_22 = arith.constant 640 : i32
      %mul3A_23 = arith.muli %arg1, %mul3A_22 : i32
      %mul3A_24 = arith.constant 640 : i32
      %mul3A_25 = arith.muli %arg1, %mul3A_24 : i32
      %mul3A_26 = arith.constant 8 : i32
      %mul3A_27 = arith.muli %scan3A_10, %mul3A_26 : i32
      "tpu.region"() ({
        %run_scoped3A = tpu.sem_alloc : memref<!tpu.dma_semaphore, #tpu.memory_space<semaphore_mem>>
        %dma_start3A = tpu.memref_slice %arg9[%arg0, %mul3A_25, %mul3A_27] : memref<2x10240x128xf32, #tpu.memory_space<hbm>> -> memref<1x640x8xf32, #tpu.memory_space<hbm>>
        %dma_start3A_30 = tpu.memref_squeeze %dma_start3A : memref<1x640x8xf32, #tpu.memory_space<hbm>> -> memref<640x8xf32, #tpu.memory_space<hbm>>
        %dma_start3A_31 = arith.constant 0 : i32
        %dma_start3A_32 = tpu.memref_slice %arg17[%mul3A_23, %dma_start3A_31] : memref<10240x8xf32, #tpu.memory_space<vmem_shared>> -> memref<640x8xf32, #tpu.memory_space<vmem_shared>>
        tpu.enqueue_dma source(%dma_start3A_32 : memref<640x8xf32, #tpu.memory_space<vmem_shared>>) target(%dma_start3A_30 : memref<640x8xf32, #tpu.memory_space<hbm>>) target_semaphore(%run_scoped3A : memref<!tpu.dma_semaphore, #tpu.memory_space<semaphore_mem>>)
        %dma_wait3A = tpu.memref_slice %arg9[%arg0, %mul3A_25, %mul3A_27] : memref<2x10240x128xf32, #tpu.memory_space<hbm>> -> memref<1x640x8xf32, #tpu.memory_space<hbm>>
        %dma_wait3A_33 = tpu.memref_squeeze %dma_wait3A : memref<1x640x8xf32, #tpu.memory_space<hbm>> -> memref<640x8xf32, #tpu.memory_space<hbm>>
        %dma_wait3A_34 = arith.constant 0 : i32
        %dma_wait3A_35 = tpu.memref_slice %arg17[%mul3A_23, %dma_wait3A_34] : memref<10240x8xf32, #tpu.memory_space<vmem_shared>> -> memref<640x8xf32, #tpu.memory_space<vmem_shared>>
        tpu.wait_dma2 semaphore(%run_scoped3A : memref<!tpu.dma_semaphore, #tpu.memory_space<semaphore_mem>>) src(%dma_wait3A_35 : memref<640x8xf32, #tpu.memory_space<vmem_shared>>) dst(%dma_wait3A_33 : memref<640x8xf32, #tpu.memory_space<hbm>>)
        tpu.yield
      }) : () -> ()
      %barrier3A_28 = arith.constant 0 : index
      tpu.barrier barrier_id(%barrier3A_28)
      %scan3A_29 = arith.constant 0 : i32
      scf.yield %scan3A_29 : i32
    }
    %scan3A_9 = arith.constant 16 : i32
    return
  }
}

#map = affine_map<(d0, d1) -> (0, 0)>
#map1 = affine_map<(d0, d1) -> (0)>
#map2 = affine_map<(d0, d1) -> (0, 0, 0)>
module attributes {stable_mosaic.version = 14 : i64} {
  func.func @_sc_pass_a(%arg0: i32, %arg1: i32, %arg2: memref<10240x128xf32, #tpu.memory_space<hbm>>, %arg3: memref<10240x128xf32, #tpu.memory_space<hbm>>, %arg4: memref<331776xi32, #tpu.memory_space<hbm>>, %arg5: memref<331776xi32, #tpu.memory_space<hbm>>, %arg6: memref<331776xf32, #tpu.memory_space<hbm>>, %arg7: memref<128xf32, #tpu.memory_space<hbm>>, %arg8: memref<128xf32, #tpu.memory_space<hbm>>, %arg9: memref<10240x2xf32, #tpu.memory_space<hbm>>, %arg10: memref<331776xf32, #tpu.memory_space<hbm>>, %arg11: memref<331776xf32, #tpu.memory_space<hbm>>, %arg12: memref<2x10240x2xf32, #tpu.memory_space<hbm>>, %arg13: memref<128xi32, #tpu.memory_space<vmem>>, %arg14: memref<128xi32, #tpu.memory_space<vmem>>, %arg15: memref<128xf32, #tpu.memory_space<vmem>>, %arg16: memref<128x128xf32, #tpu.memory_space<vmem>>, %arg17: memref<128x128xf32, #tpu.memory_space<vmem>>, %arg18: memref<128xf32, #tpu.memory_space<vmem>>, %arg19: memref<128xf32, #tpu.memory_space<vmem>>, %arg20: memref<128x2xf32, #tpu.memory_space<vmem>>, %arg21: memref<128xf32, #tpu.memory_space<vmem>>, %arg22: memref<128xf32, #tpu.memory_space<vmem>>, %arg23: memref<10240x2xf32, #tpu.memory_space<vmem_shared>>, %arg24: memref<!tpu.dma_semaphore, #tpu.memory_space<semaphore_mem>>) attributes {dimension_semantics = [#tpu.dimension_semantics<core_parallel>, #tpu.dimension_semantics<subcore_parallel>], iteration_bounds = array<i64: 2, 16>, scalar_prefetch = 0 : i64, scratch_operands = 12 : i64, tpu.core_type = #tpu.core_type<sc_vector_subcore>, window_params = [{transform_indices = #map}, {transform_indices = #map}, {transform_indices = #map1}, {transform_indices = #map1}, {transform_indices = #map1}, {transform_indices = #map1}, {transform_indices = #map1}, {transform_indices = #map}, {transform_indices = #map1}, {transform_indices = #map1}, {transform_indices = #map2}]} {
    %mul3A = arith.constant 2 : i32
    %mul3A_0 = arith.muli %arg1, %mul3A : i32
    %add3A = arith.addi %mul3A_0, %arg0 : i32
    "tpu.region"() ({
      %run_scoped3A = tpu.sem_alloc : memref<!tpu.dma_semaphore, #tpu.memory_space<semaphore_mem>>
      tpu.enqueue_dma source(%arg7 : memref<128xf32, #tpu.memory_space<hbm>>) target(%arg21 : memref<128xf32, #tpu.memory_space<vmem>>) target_semaphore(%run_scoped3A : memref<!tpu.dma_semaphore, #tpu.memory_space<semaphore_mem>>)
      tpu.wait_dma2 semaphore(%run_scoped3A : memref<!tpu.dma_semaphore, #tpu.memory_space<semaphore_mem>>) src(%arg7 : memref<128xf32, #tpu.memory_space<hbm>>) dst(%arg21 : memref<128xf32, #tpu.memory_space<vmem>>)
      tpu.yield
    }) : () -> ()
    "tpu.region"() ({
      %run_scoped3A = tpu.sem_alloc : memref<!tpu.dma_semaphore, #tpu.memory_space<semaphore_mem>>
      tpu.enqueue_dma source(%arg8 : memref<128xf32, #tpu.memory_space<hbm>>) target(%arg22 : memref<128xf32, #tpu.memory_space<vmem>>) target_semaphore(%run_scoped3A : memref<!tpu.dma_semaphore, #tpu.memory_space<semaphore_mem>>)
      tpu.wait_dma2 semaphore(%run_scoped3A : memref<!tpu.dma_semaphore, #tpu.memory_space<semaphore_mem>>) src(%arg8 : memref<128xf32, #tpu.memory_space<hbm>>) dst(%arg22 : memref<128xf32, #tpu.memory_space<vmem>>)
      tpu.yield
    }) : () -> ()
    %eq3A = arith.constant 0 : i32
    %eq3A_1 = arith.cmpi eq, %arg1, %eq3A : i32
    %convert_element_type3A = arith.extui %eq3A_1 : i1 to i32
    %cond3A = arith.constant 0 : i32
    %cond3A_2 = arith.cmpi ne, %convert_element_type3A, %cond3A : i32
    scf.if %cond3A_2 {
      "tpu.region"() ({
        %run_scoped3A = tpu.sem_alloc : memref<!tpu.dma_semaphore, #tpu.memory_space<semaphore_mem>>
        tpu.enqueue_dma source(%arg9 : memref<10240x2xf32, #tpu.memory_space<hbm>>) target(%arg23 : memref<10240x2xf32, #tpu.memory_space<vmem_shared>>) target_semaphore(%run_scoped3A : memref<!tpu.dma_semaphore, #tpu.memory_space<semaphore_mem>>)
        tpu.wait_dma2 semaphore(%run_scoped3A : memref<!tpu.dma_semaphore, #tpu.memory_space<semaphore_mem>>) src(%arg9 : memref<10240x2xf32, #tpu.memory_space<hbm>>) dst(%arg23 : memref<10240x2xf32, #tpu.memory_space<vmem_shared>>)
        tpu.yield
      }) : () -> ()
    } else {
    }
    %barrier3A = arith.constant 0 : index
    tpu.barrier barrier_id(%barrier3A)
    %iota3A = tpu.iota {dimensions = array<i32: 0>} : vector<16xi32>
    %broadcast_in_dim3A = arith.constant 0 : i32
    %broadcast_in_dim3A_3 = vector.broadcast %broadcast_in_dim3A : i32 to vector<16xi32>
    %scan3A = arith.constant 0 : i32
    %scan3A_4 = arith.constant 0 : i32
    %scan3A_5 = arith.constant 81 : i32
    %scan3A_6 = arith.addi %scan3A_4, %scan3A_5 : i32
    %scan3A_7 = arith.constant 1 : i32
    %scan3A_8 = scf.for %scan3A_15 = %scan3A_4 to %scan3A_6 step %scan3A_7 iter_args(%scan3A_16 = %scan3A) -> (i32)  : i32 {
      %mul3A_17 = arith.constant 10368 : i32
      %mul3A_18 = arith.muli %add3A, %mul3A_17 : i32
      %mul3A_19 = arith.constant 128 : i32
      %mul3A_20 = arith.muli %scan3A_15, %mul3A_19 : i32
      %add3A_21 = arith.addi %mul3A_18, %mul3A_20 : i32
      "tpu.region"() ({
        %run_scoped3A = tpu.sem_alloc : memref<!tpu.dma_semaphore, #tpu.memory_space<semaphore_mem>>
        %dma_start3A_40 = tpu.memref_slice %arg4[%add3A_21] : memref<331776xi32, #tpu.memory_space<hbm>> -> memref<128xi32, #tpu.memory_space<hbm>>
        %dma_start3A_41 = tpu.memref_slice %arg4[%add3A_21] : memref<331776xi32, #tpu.memory_space<hbm>> -> memref<128xi32, #tpu.memory_space<hbm>>
        tpu.enqueue_dma source(%dma_start3A_41 : memref<128xi32, #tpu.memory_space<hbm>>) target(%arg13 : memref<128xi32, #tpu.memory_space<vmem>>) target_semaphore(%run_scoped3A : memref<!tpu.dma_semaphore, #tpu.memory_space<semaphore_mem>>)
        %dma_wait3A_42 = tpu.memref_slice %arg4[%add3A_21] : memref<331776xi32, #tpu.memory_space<hbm>> -> memref<128xi32, #tpu.memory_space<hbm>>
        %dma_wait3A_43 = tpu.memref_slice %arg4[%add3A_21] : memref<331776xi32, #tpu.memory_space<hbm>> -> memref<128xi32, #tpu.memory_space<hbm>>
        tpu.wait_dma2 semaphore(%run_scoped3A : memref<!tpu.dma_semaphore, #tpu.memory_space<semaphore_mem>>) src(%dma_wait3A_43 : memref<128xi32, #tpu.memory_space<hbm>>) dst(%arg13 : memref<128xi32, #tpu.memory_space<vmem>>)
        tpu.yield
      }) : () -> ()
      "tpu.region"() ({
        %run_scoped3A = tpu.sem_alloc : memref<!tpu.dma_semaphore, #tpu.memory_space<semaphore_mem>>
        %dma_start3A_40 = tpu.memref_slice %arg5[%add3A_21] : memref<331776xi32, #tpu.memory_space<hbm>> -> memref<128xi32, #tpu.memory_space<hbm>>
        %dma_start3A_41 = tpu.memref_slice %arg5[%add3A_21] : memref<331776xi32, #tpu.memory_space<hbm>> -> memref<128xi32, #tpu.memory_space<hbm>>
        tpu.enqueue_dma source(%dma_start3A_41 : memref<128xi32, #tpu.memory_space<hbm>>) target(%arg14 : memref<128xi32, #tpu.memory_space<vmem>>) target_semaphore(%run_scoped3A : memref<!tpu.dma_semaphore, #tpu.memory_space<semaphore_mem>>)
        %dma_wait3A_42 = tpu.memref_slice %arg5[%add3A_21] : memref<331776xi32, #tpu.memory_space<hbm>> -> memref<128xi32, #tpu.memory_space<hbm>>
        %dma_wait3A_43 = tpu.memref_slice %arg5[%add3A_21] : memref<331776xi32, #tpu.memory_space<hbm>> -> memref<128xi32, #tpu.memory_space<hbm>>
        tpu.wait_dma2 semaphore(%run_scoped3A : memref<!tpu.dma_semaphore, #tpu.memory_space<semaphore_mem>>) src(%dma_wait3A_43 : memref<128xi32, #tpu.memory_space<hbm>>) dst(%arg14 : memref<128xi32, #tpu.memory_space<vmem>>)
        tpu.yield
      }) : () -> ()
      "tpu.region"() ({
        %run_scoped3A = tpu.sem_alloc : memref<!tpu.dma_semaphore, #tpu.memory_space<semaphore_mem>>
        %dma_start3A_40 = tpu.memref_slice %arg6[%add3A_21] : memref<331776xf32, #tpu.memory_space<hbm>> -> memref<128xf32, #tpu.memory_space<hbm>>
        %dma_start3A_41 = tpu.memref_slice %arg6[%add3A_21] : memref<331776xf32, #tpu.memory_space<hbm>> -> memref<128xf32, #tpu.memory_space<hbm>>
        tpu.enqueue_dma source(%dma_start3A_41 : memref<128xf32, #tpu.memory_space<hbm>>) target(%arg15 : memref<128xf32, #tpu.memory_space<vmem>>) target_semaphore(%run_scoped3A : memref<!tpu.dma_semaphore, #tpu.memory_space<semaphore_mem>>)
        %dma_wait3A_42 = tpu.memref_slice %arg6[%add3A_21] : memref<331776xf32, #tpu.memory_space<hbm>> -> memref<128xf32, #tpu.memory_space<hbm>>
        %dma_wait3A_43 = tpu.memref_slice %arg6[%add3A_21] : memref<331776xf32, #tpu.memory_space<hbm>> -> memref<128xf32, #tpu.memory_space<hbm>>
        tpu.wait_dma2 semaphore(%run_scoped3A : memref<!tpu.dma_semaphore, #tpu.memory_space<semaphore_mem>>) src(%dma_wait3A_43 : memref<128xf32, #tpu.memory_space<hbm>>) dst(%arg15 : memref<128xf32, #tpu.memory_space<vmem>>)
        tpu.yield
      }) : () -> ()
      %dma_start3A = arith.constant 0 : i32
      %dma_start3A_22 = arith.constant 0 : i32
      %dma_start3A_23 = tpu.memref_slice %arg2[%dma_start3A, %dma_start3A_22] : memref<10240x128xf32, #tpu.memory_space<hbm>> -> memref<10240x128xf32, #tpu.memory_space<hbm>>
      tpu.enqueue_indirect_dma source(%dma_start3A_23 : memref<10240x128xf32, #tpu.memory_space<hbm>>) target(%arg16 : memref<128x128xf32, #tpu.memory_space<vmem>>) offsets(%arg13 : memref<128xi32, #tpu.memory_space<vmem>>) semaphore(%arg24 : memref<!tpu.dma_semaphore, #tpu.memory_space<semaphore_mem>>)
      %dma_wait3A = arith.constant 0 : i32
      %dma_wait3A_24 = arith.constant 0 : i32
      %dma_wait3A_25 = tpu.memref_slice %arg2[%dma_wait3A, %dma_wait3A_24] : memref<10240x128xf32, #tpu.memory_space<hbm>> -> memref<10240x128xf32, #tpu.memory_space<hbm>>
      tpu.wait_indirect_dma semaphore(%arg24 : memref<!tpu.dma_semaphore, #tpu.memory_space<semaphore_mem>>) src(%dma_wait3A_25 : memref<10240x128xf32, #tpu.memory_space<hbm>>) dst(%arg16 : memref<128x128xf32, #tpu.memory_space<vmem>>)
      %dma_start3A_26 = arith.constant 0 : i32
      %dma_start3A_27 = arith.constant 0 : i32
      %dma_start3A_28 = tpu.memref_slice %arg3[%dma_start3A_26, %dma_start3A_27] : memref<10240x128xf32, #tpu.memory_space<hbm>> -> memref<10240x128xf32, #tpu.memory_space<hbm>>
      tpu.enqueue_indirect_dma source(%dma_start3A_28 : memref<10240x128xf32, #tpu.memory_space<hbm>>) target(%arg17 : memref<128x128xf32, #tpu.memory_space<vmem>>) offsets(%arg14 : memref<128xi32, #tpu.memory_space<vmem>>) semaphore(%arg24 : memref<!tpu.dma_semaphore, #tpu.memory_space<semaphore_mem>>)
      %dma_wait3A_29 = arith.constant 0 : i32
      %dma_wait3A_30 = arith.constant 0 : i32
      %dma_wait3A_31 = tpu.memref_slice %arg3[%dma_wait3A_29, %dma_wait3A_30] : memref<10240x128xf32, #tpu.memory_space<hbm>> -> memref<10240x128xf32, #tpu.memory_space<hbm>>
      tpu.wait_indirect_dma semaphore(%arg24 : memref<!tpu.dma_semaphore, #tpu.memory_space<semaphore_mem>>) src(%dma_wait3A_31 : memref<10240x128xf32, #tpu.memory_space<hbm>>) dst(%arg17 : memref<128x128xf32, #tpu.memory_space<vmem>>)
      %scan3A_32 = arith.constant 0 : i32
      %scan3A_33 = arith.constant 0 : i32
      %scan3A_34 = arith.constant 8 : i32
      %scan3A_35 = arith.addi %scan3A_33, %scan3A_34 : i32
      %scan3A_36 = arith.constant 1 : i32
      %scan3A_37 = scf.for %scan3A_40 = %scan3A_33 to %scan3A_35 step %scan3A_36 iter_args(%scan3A_41 = %scan3A_32) -> (i32)  : i32 {
        %mul3A_42 = arith.constant 16 : i32
        %mul3A_43 = arith.muli %scan3A_40, %mul3A_42 : i32
        %add3A_44 = vector.broadcast %mul3A_43 : i32 to vector<16xi32>
        %add3A_45 = arith.addi %add3A_44, %iota3A : vector<16xi32>
        %mul3A_46 = arith.constant 16 : i32
        %mul3A_47 = arith.muli %scan3A_40, %mul3A_46 : i32
        %get3A = arith.index_cast %mul3A_47 : i32 to index
        %get3A_48 = tpu.vector_load %arg15[%get3A] {strides = array<i32>} : memref<128xf32, #tpu.memory_space<vmem>>, vector<16xf32>,
        %broadcast_in_dim3A_49 = arith.constant 0.000000e+00 : f32
        %broadcast_in_dim3A_50 = vector.broadcast %broadcast_in_dim3A_49 : f32 to vector<16xf32>
        %broadcast_in_dim3A_51 = arith.constant 0.000000e+00 : f32
        %broadcast_in_dim3A_52 = vector.broadcast %broadcast_in_dim3A_51 : f32 to vector<16xf32>
        %scan3A_53 = arith.constant 0 : i32
        %scan3A_54 = arith.constant 4 : i32
        %scan3A_55 = arith.addi %scan3A_53, %scan3A_54 : i32
        %scan3A_56 = arith.constant 1 : i32
        %scan3A_57:2 = scf.for %scan3A_82 = %scan3A_53 to %scan3A_55 step %scan3A_56 iter_args(%scan3A_83 = %broadcast_in_dim3A_50, %scan3A_84 = %broadcast_in_dim3A_52) -> (vector<16xf32>, vector<16xf32>)  : i32 {
          %mul3A_85 = arith.constant 16 : i32
          %mul3A_86 = arith.muli %scan3A_82, %mul3A_85 : i32
          %get3A_87 = arith.index_cast %mul3A_86 : i32 to index
          %get3A_88 = tpu.vector_load %arg21[%get3A_87] {strides = array<i32>} : memref<128xf32, #tpu.memory_space<vmem>>, vector<16xf32>,
          %add3A_89 = arith.constant 64 : i32
          %add3A_90 = arith.addi %mul3A_86, %add3A_89 : i32
          %get3A_91 = arith.index_cast %add3A_90 : i32 to index
          %get3A_92 = tpu.vector_load %arg21[%get3A_91] {strides = array<i32>} : memref<128xf32, #tpu.memory_space<vmem>>, vector<16xf32>,
          %get3A_93 = arith.index_cast %mul3A_86 : i32 to index
          %get3A_94 = tpu.vector_load %arg22[%get3A_93] {strides = array<i32>} : memref<128xf32, #tpu.memory_space<vmem>>, vector<16xf32>,
          %add3A_95 = arith.constant 64 : i32
          %add3A_96 = arith.addi %mul3A_86, %add3A_95 : i32
          %get3A_97 = arith.index_cast %add3A_96 : i32 to index
          %get3A_98 = tpu.vector_load %arg22[%get3A_97] {strides = array<i32>} : memref<128xf32, #tpu.memory_space<vmem>>, vector<16xf32>,
          %add3A_99 = arith.constant 0 : i32
          %add3A_100 = arith.addi %mul3A_86, %add3A_99 : i32
          %add3A_101 = vector.broadcast %add3A_100 : i32 to vector<16xi32>
          %add3A_102 = arith.addi %broadcast_in_dim3A_3, %add3A_101 : vector<16xi32>
          %gather3A = tpu.vector_load_idx %arg16[%add3A_45, %add3A_102] : memref<128x128xf32, #tpu.memory_space<vmem>>[vector<16xi32>, vector<16xi32>], vector<16xf32>,
          %gather3A_103 = tpu.vector_load_idx %arg17[%add3A_45, %add3A_102] : memref<128x128xf32, #tpu.memory_space<vmem>>[vector<16xi32>, vector<16xi32>], vector<16xf32>,
          %add3A_104 = arith.constant 64 : i32
          %add3A_105 = vector.broadcast %add3A_104 : i32 to vector<16xi32>
          %add3A_106 = arith.addi %add3A_102, %add3A_105 : vector<16xi32>
          %gather3A_107 = tpu.vector_load_idx %arg16[%add3A_45, %add3A_106] : memref<128x128xf32, #tpu.memory_space<vmem>>[vector<16xi32>, vector<16xi32>], vector<16xf32>,
          %add3A_108 = arith.constant 64 : i32
          %add3A_109 = vector.broadcast %add3A_108 : i32 to vector<16xi32>
          %add3A_110 = arith.addi %add3A_102, %add3A_109 : vector<16xi32>
          %gather3A_111 = tpu.vector_load_idx %arg17[%add3A_45, %add3A_110] : memref<128x128xf32, #tpu.memory_space<vmem>>[vector<16xi32>, vector<16xi32>], vector<16xf32>,
          %add3A_112 = arith.addf %gather3A, %gather3A_103 : vector<16xf32>
          %slice3A = vector.extract_strided_slice %get3A_88 {offsets = [0], sizes = [1], strides = [1]} : vector<16xf32> to vector<1xf32>
          %squeeze3A = vector.extract %slice3A[0] : f32 from vector<1xf32>
          %mul3A_113 = vector.broadcast %squeeze3A : f32 to vector<16xf32>
          %mul3A_114 = arith.mulf %get3A_48, %mul3A_113 : vector<16xf32>
          %add3A_115 = arith.addf %add3A_112, %mul3A_114 : vector<16xf32>
          %mul3A_116 = arith.constant 2.000000e-01 : f32
          %mul3A_117 = vector.broadcast %mul3A_116 : f32 to vector<16xf32>
          %mul3A_118 = arith.mulf %mul3A_117, %add3A_115 : vector<16xf32>
          %max3A = arith.maximumf %add3A_115, %mul3A_118 : vector<16xf32>
          %add3A_119 = arith.addf %gather3A_107, %gather3A_111 : vector<16xf32>
          %slice3A_120 = vector.extract_strided_slice %get3A_92 {offsets = [0], sizes = [1], strides = [1]} : vector<16xf32> to vector<1xf32>
          %squeeze3A_121 = vector.extract %slice3A_120[0] : f32 from vector<1xf32>
          %mul3A_122 = vector.broadcast %squeeze3A_121 : f32 to vector<16xf32>
          %mul3A_123 = arith.mulf %get3A_48, %mul3A_122 : vector<16xf32>
          %add3A_124 = arith.addf %add3A_119, %mul3A_123 : vector<16xf32>
          %mul3A_125 = arith.constant 2.000000e-01 : f32
          %mul3A_126 = vector.broadcast %mul3A_125 : f32 to vector<16xf32>
          %mul3A_127 = arith.mulf %mul3A_126, %add3A_124 : vector<16xf32>
          %max3A_128 = arith.maximumf %add3A_124, %mul3A_127 : vector<16xf32>
          %slice3A_129 = vector.extract_strided_slice %get3A_94 {offsets = [0], sizes = [1], strides = [1]} : vector<16xf32> to vector<1xf32>
          %squeeze3A_130 = vector.extract %slice3A_129[0] : f32 from vector<1xf32>
          %mul3A_131 = vector.broadcast %squeeze3A_130 : f32 to vector<16xf32>
          %mul3A_132 = arith.mulf %max3A, %mul3A_131 : vector<16xf32>
          %add3A_133 = arith.addf %scan3A_83, %mul3A_132 : vector<16xf32>
          %slice3A_134 = vector.extract_strided_slice %get3A_98 {offsets = [0], sizes = [1], strides = [1]} : vector<16xf32> to vector<1xf32>
          %squeeze3A_135 = vector.extract %slice3A_134[0] : f32 from vector<1xf32>
          %mul3A_136 = vector.broadcast %squeeze3A_135 : f32 to vector<16xf32>
          %mul3A_137 = arith.mulf %max3A_128, %mul3A_136 : vector<16xf32>
          %add3A_138 = arith.addf %scan3A_84, %mul3A_137 : vector<16xf32>
          %add3A_139 = arith.constant 1 : i32
          %add3A_140 = arith.addi %mul3A_86, %add3A_139 : i32
          %add3A_141 = vector.broadcast %add3A_140 : i32 to vector<16xi32>
          %add3A_142 = arith.addi %broadcast_in_dim3A_3, %add3A_141 : vector<16xi32>
          %gather3A_143 = tpu.vector_load_idx %arg16[%add3A_45, %add3A_142] : memref<128x128xf32, #tpu.memory_space<vmem>>[vector<16xi32>, vector<16xi32>], vector<16xf32>,
          %gather3A_144 = tpu.vector_load_idx %arg17[%add3A_45, %add3A_142] : memref<128x128xf32, #tpu.memory_space<vmem>>[vector<16xi32>, vector<16xi32>], vector<16xf32>,
          %add3A_145 = arith.constant 64 : i32
          %add3A_146 = vector.broadcast %add3A_145 : i32 to vector<16xi32>
          %add3A_147 = arith.addi %add3A_142, %add3A_146 : vector<16xi32>
          %gather3A_148 = tpu.vector_load_idx %arg16[%add3A_45, %add3A_147] : memref<128x128xf32, #tpu.memory_space<vmem>>[vector<16xi32>, vector<16xi32>], vector<16xf32>,
          %add3A_149 = arith.constant 64 : i32
          %add3A_150 = vector.broadcast %add3A_149 : i32 to vector<16xi32>
          %add3A_151 = arith.addi %add3A_142, %add3A_150 : vector<16xi32>
          %gather3A_152 = tpu.vector_load_idx %arg17[%add3A_45, %add3A_151] : memref<128x128xf32, #tpu.memory_space<vmem>>[vector<16xi32>, vector<16xi32>], vector<16xf32>,
          %add3A_153 = arith.addf %gather3A_143, %gather3A_144 : vector<16xf32>
          %slice3A_154 = vector.extract_strided_slice %get3A_88 {offsets = [1], sizes = [1], strides = [1]} : vector<16xf32> to vector<1xf32>
          %squeeze3A_155 = vector.extract %slice3A_154[0] : f32 from vector<1xf32>
          %mul3A_156 = vector.broadcast %squeeze3A_155 : f32 to vector<16xf32>
          %mul3A_157 = arith.mulf %get3A_48, %mul3A_156 : vector<16xf32>
          %add3A_158 = arith.addf %add3A_153, %mul3A_157 : vector<16xf32>
          %mul3A_159 = arith.constant 2.000000e-01 : f32
          %mul3A_160 = vector.broadcast %mul3A_159 : f32 to vector<16xf32>
          %mul3A_161 = arith.mulf %mul3A_160, %add3A_158 : vector<16xf32>
          %max3A_162 = arith.maximumf %add3A_158, %mul3A_161 : vector<16xf32>
          %add3A_163 = arith.addf %gather3A_148, %gather3A_152 : vector<16xf32>
          %slice3A_164 = vector.extract_strided_slice %get3A_92 {offsets = [1], sizes = [1], strides = [1]} : vector<16xf32> to vector<1xf32>
          %squeeze3A_165 = vector.extract %slice3A_164[0] : f32 from vector<1xf32>
          %mul3A_166 = vector.broadcast %squeeze3A_165 : f32 to vector<16xf32>
          %mul3A_167 = arith.mulf %get3A_48, %mul3A_166 : vector<16xf32>
          %add3A_168 = arith.addf %add3A_163, %mul3A_167 : vector<16xf32>
          %mul3A_169 = arith.constant 2.000000e-01 : f32
          %mul3A_170 = vector.broadcast %mul3A_169 : f32 to vector<16xf32>
          %mul3A_171 = arith.mulf %mul3A_170, %add3A_168 : vector<16xf32>
          %max3A_172 = arith.maximumf %add3A_168, %mul3A_171 : vector<16xf32>
          %slice3A_173 = vector.extract_strided_slice %get3A_94 {offsets = [1], sizes = [1], strides = [1]} : vector<16xf32> to vector<1xf32>
          %squeeze3A_174 = vector.extract %slice3A_173[0] : f32 from vector<1xf32>
          %mul3A_175 = vector.broadcast %squeeze3A_174 : f32 to vector<16xf32>
          %mul3A_176 = arith.mulf %max3A_162, %mul3A_175 : vector<16xf32>
          %add3A_177 = arith.addf %add3A_133, %mul3A_176 : vector<16xf32>
          %slice3A_178 = vector.extract_strided_slice %get3A_98 {offsets = [1], sizes = [1], strides = [1]} : vector<16xf32> to vector<1xf32>
          %squeeze3A_179 = vector.extract %slice3A_178[0] : f32 from vector<1xf32>
          %mul3A_180 = vector.broadcast %squeeze3A_179 : f32 to vector<16xf32>
          %mul3A_181 = arith.mulf %max3A_172, %mul3A_180 : vector<16xf32>
          %add3A_182 = arith.addf %add3A_138, %mul3A_181 : vector<16xf32>
          %add3A_183 = arith.constant 2 : i32
          %add3A_184 = arith.addi %mul3A_86, %add3A_183 : i32
          %add3A_185 = vector.broadcast %add3A_184 : i32 to vector<16xi32>
          %add3A_186 = arith.addi %broadcast_in_dim3A_3, %add3A_185 : vector<16xi32>
          %gather3A_187 = tpu.vector_load_idx %arg16[%add3A_45, %add3A_186] : memref<128x128xf32, #tpu.memory_space<vmem>>[vector<16xi32>, vector<16xi32>], vector<16xf32>,
          %gather3A_188 = tpu.vector_load_idx %arg17[%add3A_45, %add3A_186] : memref<128x128xf32, #tpu.memory_space<vmem>>[vector<16xi32>, vector<16xi32>], vector<16xf32>,
          %add3A_189 = arith.constant 64 : i32
          %add3A_190 = vector.broadcast %add3A_189 : i32 to vector<16xi32>
          %add3A_191 = arith.addi %add3A_186, %add3A_190 : vector<16xi32>
          %gather3A_192 = tpu.vector_load_idx %arg16[%add3A_45, %add3A_191] : memref<128x128xf32, #tpu.memory_space<vmem>>[vector<16xi32>, vector<16xi32>], vector<16xf32>,
          %add3A_193 = arith.constant 64 : i32
          %add3A_194 = vector.broadcast %add3A_193 : i32 to vector<16xi32>
          %add3A_195 = arith.addi %add3A_186, %add3A_194 : vector<16xi32>
          %gather3A_196 = tpu.vector_load_idx %arg17[%add3A_45, %add3A_195] : memref<128x128xf32, #tpu.memory_space<vmem>>[vector<16xi32>, vector<16xi32>], vector<16xf32>,
          %add3A_197 = arith.addf %gather3A_187, %gather3A_188 : vector<16xf32>
          %slice3A_198 = vector.extract_strided_slice %get3A_88 {offsets = [2], sizes = [1], strides = [1]} : vector<16xf32> to vector<1xf32>
          %squeeze3A_199 = vector.extract %slice3A_198[0] : f32 from vector<1xf32>
          %mul3A_200 = vector.broadcast %squeeze3A_199 : f32 to vector<16xf32>
          %mul3A_201 = arith.mulf %get3A_48, %mul3A_200 : vector<16xf32>
          %add3A_202 = arith.addf %add3A_197, %mul3A_201 : vector<16xf32>
          %mul3A_203 = arith.constant 2.000000e-01 : f32
          %mul3A_204 = vector.broadcast %mul3A_203 : f32 to vector<16xf32>
          %mul3A_205 = arith.mulf %mul3A_204, %add3A_202 : vector<16xf32>
          %max3A_206 = arith.maximumf %add3A_202, %mul3A_205 : vector<16xf32>
          %add3A_207 = arith.addf %gather3A_192, %gather3A_196 : vector<16xf32>
          %slice3A_208 = vector.extract_strided_slice %get3A_92 {offsets = [2], sizes = [1], strides = [1]} : vector<16xf32> to vector<1xf32>
          %squeeze3A_209 = vector.extract %slice3A_208[0] : f32 from vector<1xf32>
          %mul3A_210 = vector.broadcast %squeeze3A_209 : f32 to vector<16xf32>
          %mul3A_211 = arith.mulf %get3A_48, %mul3A_210 : vector<16xf32>
          %add3A_212 = arith.addf %add3A_207, %mul3A_211 : vector<16xf32>
          %mul3A_213 = arith.constant 2.000000e-01 : f32
          %mul3A_214 = vector.broadcast %mul3A_213 : f32 to vector<16xf32>
          %mul3A_215 = arith.mulf %mul3A_214, %add3A_212 : vector<16xf32>
          %max3A_216 = arith.maximumf %add3A_212, %mul3A_215 : vector<16xf32>
          %slice3A_217 = vector.extract_strided_slice %get3A_94 {offsets = [2], sizes = [1], strides = [1]} : vector<16xf32> to vector<1xf32>
          %squeeze3A_218 = vector.extract %slice3A_217[0] : f32 from vector<1xf32>
          %mul3A_219 = vector.broadcast %squeeze3A_218 : f32 to vector<16xf32>
          %mul3A_220 = arith.mulf %max3A_206, %mul3A_219 : vector<16xf32>
          %add3A_221 = arith.addf %add3A_177, %mul3A_220 : vector<16xf32>
          %slice3A_222 = vector.extract_strided_slice %get3A_98 {offsets = [2], sizes = [1], strides = [1]} : vector<16xf32> to vector<1xf32>
          %squeeze3A_223 = vector.extract %slice3A_222[0] : f32 from vector<1xf32>
          %mul3A_224 = vector.broadcast %squeeze3A_223 : f32 to vector<16xf32>
          %mul3A_225 = arith.mulf %max3A_216, %mul3A_224 : vector<16xf32>
          %add3A_226 = arith.addf %add3A_182, %mul3A_225 : vector<16xf32>
          %add3A_227 = arith.constant 3 : i32
          %add3A_228 = arith.addi %mul3A_86, %add3A_227 : i32
          %add3A_229 = vector.broadcast %add3A_228 : i32 to vector<16xi32>
          %add3A_230 = arith.addi %broadcast_in_dim3A_3, %add3A_229 : vector<16xi32>
          %gather3A_231 = tpu.vector_load_idx %arg16[%add3A_45, %add3A_230] : memref<128x128xf32, #tpu.memory_space<vmem>>[vector<16xi32>, vector<16xi32>], vector<16xf32>,
          %gather3A_232 = tpu.vector_load_idx %arg17[%add3A_45, %add3A_230] : memref<128x128xf32, #tpu.memory_space<vmem>>[vector<16xi32>, vector<16xi32>], vector<16xf32>,
          %add3A_233 = arith.constant 64 : i32
          %add3A_234 = vector.broadcast %add3A_233 : i32 to vector<16xi32>
          %add3A_235 = arith.addi %add3A_230, %add3A_234 : vector<16xi32>
          %gather3A_236 = tpu.vector_load_idx %arg16[%add3A_45, %add3A_235] : memref<128x128xf32, #tpu.memory_space<vmem>>[vector<16xi32>, vector<16xi32>], vector<16xf32>,
          %add3A_237 = arith.constant 64 : i32
          %add3A_238 = vector.broadcast %add3A_237 : i32 to vector<16xi32>
          %add3A_239 = arith.addi %add3A_230, %add3A_238 : vector<16xi32>
          %gather3A_240 = tpu.vector_load_idx %arg17[%add3A_45, %add3A_239] : memref<128x128xf32, #tpu.memory_space<vmem>>[vector<16xi32>, vector<16xi32>], vector<16xf32>,
          %add3A_241 = arith.addf %gather3A_231, %gather3A_232 : vector<16xf32>
          %slice3A_242 = vector.extract_strided_slice %get3A_88 {offsets = [3], sizes = [1], strides = [1]} : vector<16xf32> to vector<1xf32>
          %squeeze3A_243 = vector.extract %slice3A_242[0] : f32 from vector<1xf32>
          %mul3A_244 = vector.broadcast %squeeze3A_243 : f32 to vector<16xf32>
          %mul3A_245 = arith.mulf %get3A_48, %mul3A_244 : vector<16xf32>
          %add3A_246 = arith.addf %add3A_241, %mul3A_245 : vector<16xf32>
          %mul3A_247 = arith.constant 2.000000e-01 : f32
          %mul3A_248 = vector.broadcast %mul3A_247 : f32 to vector<16xf32>
          %mul3A_249 = arith.mulf %mul3A_248, %add3A_246 : vector<16xf32>
          %max3A_250 = arith.maximumf %add3A_246, %mul3A_249 : vector<16xf32>
          %add3A_251 = arith.addf %gather3A_236, %gather3A_240 : vector<16xf32>
          %slice3A_252 = vector.extract_strided_slice %get3A_92 {offsets = [3], sizes = [1], strides = [1]} : vector<16xf32> to vector<1xf32>
          %squeeze3A_253 = vector.extract %slice3A_252[0] : f32 from vector<1xf32>
          %mul3A_254 = vector.broadcast %squeeze3A_253 : f32 to vector<16xf32>
          %mul3A_255 = arith.mulf %get3A_48, %mul3A_254 : vector<16xf32>
          %add3A_256 = arith.addf %add3A_251, %mul3A_255 : vector<16xf32>
          %mul3A_257 = arith.constant 2.000000e-01 : f32
          %mul3A_258 = vector.broadcast %mul3A_257 : f32 to vector<16xf32>
          %mul3A_259 = arith.mulf %mul3A_258, %add3A_256 : vector<16xf32>
          %max3A_260 = arith.maximumf %add3A_256, %mul3A_259 : vector<16xf32>
          %slice3A_261 = vector.extract_strided_slice %get3A_94 {offsets = [3], sizes = [1], strides = [1]} : vector<16xf32> to vector<1xf32>
          %squeeze3A_262 = vector.extract %slice3A_261[0] : f32 from vector<1xf32>
          %mul3A_263 = vector.broadcast %squeeze3A_262 : f32 to vector<16xf32>
          %mul3A_264 = arith.mulf %max3A_250, %mul3A_263 : vector<16xf32>
          %add3A_265 = arith.addf %add3A_221, %mul3A_264 : vector<16xf32>
          %slice3A_266 = vector.extract_strided_slice %get3A_98 {offsets = [3], sizes = [1], strides = [1]} : vector<16xf32> to vector<1xf32>
          %squeeze3A_267 = vector.extract %slice3A_266[0] : f32 from vector<1xf32>
          %mul3A_268 = vector.broadcast %squeeze3A_267 : f32 to vector<16xf32>
          %mul3A_269 = arith.mulf %max3A_260, %mul3A_268 : vector<16xf32>
          %add3A_270 = arith.addf %add3A_226, %mul3A_269 : vector<16xf32>
          %add3A_271 = arith.constant 4 : i32
          %add3A_272 = arith.addi %mul3A_86, %add3A_271 : i32
          %add3A_273 = vector.broadcast %add3A_272 : i32 to vector<16xi32>
          %add3A_274 = arith.addi %broadcast_in_dim3A_3, %add3A_273 : vector<16xi32>
          %gather3A_275 = tpu.vector_load_idx %arg16[%add3A_45, %add3A_274] : memref<128x128xf32, #tpu.memory_space<vmem>>[vector<16xi32>, vector<16xi32>], vector<16xf32>,
          %gather3A_276 = tpu.vector_load_idx %arg17[%add3A_45, %add3A_274] : memref<128x128xf32, #tpu.memory_space<vmem>>[vector<16xi32>, vector<16xi32>], vector<16xf32>,
          %add3A_277 = arith.constant 64 : i32
          %add3A_278 = vector.broadcast %add3A_277 : i32 to vector<16xi32>
          %add3A_279 = arith.addi %add3A_274, %add3A_278 : vector<16xi32>
          %gather3A_280 = tpu.vector_load_idx %arg16[%add3A_45, %add3A_279] : memref<128x128xf32, #tpu.memory_space<vmem>>[vector<16xi32>, vector<16xi32>], vector<16xf32>,
          %add3A_281 = arith.constant 64 : i32
          %add3A_282 = vector.broadcast %add3A_281 : i32 to vector<16xi32>
          %add3A_283 = arith.addi %add3A_274, %add3A_282 : vector<16xi32>
          %gather3A_284 = tpu.vector_load_idx %arg17[%add3A_45, %add3A_283] : memref<128x128xf32, #tpu.memory_space<vmem>>[vector<16xi32>, vector<16xi32>], vector<16xf32>,
          %add3A_285 = arith.addf %gather3A_275, %gather3A_276 : vector<16xf32>
          %slice3A_286 = vector.extract_strided_slice %get3A_88 {offsets = [4], sizes = [1], strides = [1]} : vector<16xf32> to vector<1xf32>
          %squeeze3A_287 = vector.extract %slice3A_286[0] : f32 from vector<1xf32>
          %mul3A_288 = vector.broadcast %squeeze3A_287 : f32 to vector<16xf32>
          %mul3A_289 = arith.mulf %get3A_48, %mul3A_288 : vector<16xf32>
          %add3A_290 = arith.addf %add3A_285, %mul3A_289 : vector<16xf32>
          %mul3A_291 = arith.constant 2.000000e-01 : f32
          %mul3A_292 = vector.broadcast %mul3A_291 : f32 to vector<16xf32>
          %mul3A_293 = arith.mulf %mul3A_292, %add3A_290 : vector<16xf32>
          %max3A_294 = arith.maximumf %add3A_290, %mul3A_293 : vector<16xf32>
          %add3A_295 = arith.addf %gather3A_280, %gather3A_284 : vector<16xf32>
          %slice3A_296 = vector.extract_strided_slice %get3A_92 {offsets = [4], sizes = [1], strides = [1]} : vector<16xf32> to vector<1xf32>
          %squeeze3A_297 = vector.extract %slice3A_296[0] : f32 from vector<1xf32>
          %mul3A_298 = vector.broadcast %squeeze3A_297 : f32 to vector<16xf32>
          %mul3A_299 = arith.mulf %get3A_48, %mul3A_298 : vector<16xf32>
          %add3A_300 = arith.addf %add3A_295, %mul3A_299 : vector<16xf32>
          %mul3A_301 = arith.constant 2.000000e-01 : f32
          %mul3A_302 = vector.broadcast %mul3A_301 : f32 to vector<16xf32>
          %mul3A_303 = arith.mulf %mul3A_302, %add3A_300 : vector<16xf32>
          %max3A_304 = arith.maximumf %add3A_300, %mul3A_303 : vector<16xf32>
          %slice3A_305 = vector.extract_strided_slice %get3A_94 {offsets = [4], sizes = [1], strides = [1]} : vector<16xf32> to vector<1xf32>
          %squeeze3A_306 = vector.extract %slice3A_305[0] : f32 from vector<1xf32>
          %mul3A_307 = vector.broadcast %squeeze3A_306 : f32 to vector<16xf32>
          %mul3A_308 = arith.mulf %max3A_294, %mul3A_307 : vector<16xf32>
          %add3A_309 = arith.addf %add3A_265, %mul3A_308 : vector<16xf32>
          %slice3A_310 = vector.extract_strided_slice %get3A_98 {offsets = [4], sizes = [1], strides = [1]} : vector<16xf32> to vector<1xf32>
          %squeeze3A_311 = vector.extract %slice3A_310[0] : f32 from vector<1xf32>
          %mul3A_312 = vector.broadcast %squeeze3A_311 : f32 to vector<16xf32>
          %mul3A_313 = arith.mulf %max3A_304, %mul3A_312 : vector<16xf32>
          %add3A_314 = arith.addf %add3A_270, %mul3A_313 : vector<16xf32>
          %add3A_315 = arith.constant 5 : i32
          %add3A_316 = arith.addi %mul3A_86, %add3A_315 : i32
          %add3A_317 = vector.broadcast %add3A_316 : i32 to vector<16xi32>
          %add3A_318 = arith.addi %broadcast_in_dim3A_3, %add3A_317 : vector<16xi32>
          %gather3A_319 = tpu.vector_load_idx %arg16[%add3A_45, %add3A_318] : memref<128x128xf32, #tpu.memory_space<vmem>>[vector<16xi32>, vector<16xi32>], vector<16xf32>,
          %gather3A_320 = tpu.vector_load_idx %arg17[%add3A_45, %add3A_318] : memref<128x128xf32, #tpu.memory_space<vmem>>[vector<16xi32>, vector<16xi32>], vector<16xf32>,
          %add3A_321 = arith.constant 64 : i32
          %add3A_322 = vector.broadcast %add3A_321 : i32 to vector<16xi32>
          %add3A_323 = arith.addi %add3A_318, %add3A_322 : vector<16xi32>
          %gather3A_324 = tpu.vector_load_idx %arg16[%add3A_45, %add3A_323] : memref<128x128xf32, #tpu.memory_space<vmem>>[vector<16xi32>, vector<16xi32>], vector<16xf32>,
          %add3A_325 = arith.constant 64 : i32
          %add3A_326 = vector.broadcast %add3A_325 : i32 to vector<16xi32>
          %add3A_327 = arith.addi %add3A_318, %add3A_326 : vector<16xi32>
          %gather3A_328 = tpu.vector_load_idx %arg17[%add3A_45, %add3A_327] : memref<128x128xf32, #tpu.memory_space<vmem>>[vector<16xi32>, vector<16xi32>], vector<16xf32>,
          %add3A_329 = arith.addf %gather3A_319, %gather3A_320 : vector<16xf32>
          %slice3A_330 = vector.extract_strided_slice %get3A_88 {offsets = [5], sizes = [1], strides = [1]} : vector<16xf32> to vector<1xf32>
          %squeeze3A_331 = vector.extract %slice3A_330[0] : f32 from vector<1xf32>
          %mul3A_332 = vector.broadcast %squeeze3A_331 : f32 to vector<16xf32>
          %mul3A_333 = arith.mulf %get3A_48, %mul3A_332 : vector<16xf32>
          %add3A_334 = arith.addf %add3A_329, %mul3A_333 : vector<16xf32>
          %mul3A_335 = arith.constant 2.000000e-01 : f32
          %mul3A_336 = vector.broadcast %mul3A_335 : f32 to vector<16xf32>
          %mul3A_337 = arith.mulf %mul3A_336, %add3A_334 : vector<16xf32>
          %max3A_338 = arith.maximumf %add3A_334, %mul3A_337 : vector<16xf32>
          %add3A_339 = arith.addf %gather3A_324, %gather3A_328 : vector<16xf32>
          %slice3A_340 = vector.extract_strided_slice %get3A_92 {offsets = [5], sizes = [1], strides = [1]} : vector<16xf32> to vector<1xf32>
          %squeeze3A_341 = vector.extract %slice3A_340[0] : f32 from vector<1xf32>
          %mul3A_342 = vector.broadcast %squeeze3A_341 : f32 to vector<16xf32>
          %mul3A_343 = arith.mulf %get3A_48, %mul3A_342 : vector<16xf32>
          %add3A_344 = arith.addf %add3A_339, %mul3A_343 : vector<16xf32>
          %mul3A_345 = arith.constant 2.000000e-01 : f32
          %mul3A_346 = vector.broadcast %mul3A_345 : f32 to vector<16xf32>
          %mul3A_347 = arith.mulf %mul3A_346, %add3A_344 : vector<16xf32>
          %max3A_348 = arith.maximumf %add3A_344, %mul3A_347 : vector<16xf32>
          %slice3A_349 = vector.extract_strided_slice %get3A_94 {offsets = [5], sizes = [1], strides = [1]} : vector<16xf32> to vector<1xf32>
          %squeeze3A_350 = vector.extract %slice3A_349[0] : f32 from vector<1xf32>
          %mul3A_351 = vector.broadcast %squeeze3A_350 : f32 to vector<16xf32>
          %mul3A_352 = arith.mulf %max3A_338, %mul3A_351 : vector<16xf32>
          %add3A_353 = arith.addf %add3A_309, %mul3A_352 : vector<16xf32>
          %slice3A_354 = vector.extract_strided_slice %get3A_98 {offsets = [5], sizes = [1], strides = [1]} : vector<16xf32> to vector<1xf32>
          %squeeze3A_355 = vector.extract %slice3A_354[0] : f32 from vector<1xf32>
          %mul3A_356 = vector.broadcast %squeeze3A_355 : f32 to vector<16xf32>
          %mul3A_357 = arith.mulf %max3A_348, %mul3A_356 : vector<16xf32>
          %add3A_358 = arith.addf %add3A_314, %mul3A_357 : vector<16xf32>
          %add3A_359 = arith.constant 6 : i32
          %add3A_360 = arith.addi %mul3A_86, %add3A_359 : i32
          %add3A_361 = vector.broadcast %add3A_360 : i32 to vector<16xi32>
          %add3A_362 = arith.addi %broadcast_in_dim3A_3, %add3A_361 : vector<16xi32>
          %gather3A_363 = tpu.vector_load_idx %arg16[%add3A_45, %add3A_362] : memref<128x128xf32, #tpu.memory_space<vmem>>[vector<16xi32>, vector<16xi32>], vector<16xf32>,
          %gather3A_364 = tpu.vector_load_idx %arg17[%add3A_45, %add3A_362] : memref<128x128xf32, #tpu.memory_space<vmem>>[vector<16xi32>, vector<16xi32>], vector<16xf32>,
          %add3A_365 = arith.constant 64 : i32
          %add3A_366 = vector.broadcast %add3A_365 : i32 to vector<16xi32>
          %add3A_367 = arith.addi %add3A_362, %add3A_366 : vector<16xi32>
          %gather3A_368 = tpu.vector_load_idx %arg16[%add3A_45, %add3A_367] : memref<128x128xf32, #tpu.memory_space<vmem>>[vector<16xi32>, vector<16xi32>], vector<16xf32>,
          %add3A_369 = arith.constant 64 : i32
          %add3A_370 = vector.broadcast %add3A_369 : i32 to vector<16xi32>
          %add3A_371 = arith.addi %add3A_362, %add3A_370 : vector<16xi32>
          %gather3A_372 = tpu.vector_load_idx %arg17[%add3A_45, %add3A_371] : memref<128x128xf32, #tpu.memory_space<vmem>>[vector<16xi32>, vector<16xi32>], vector<16xf32>,
          %add3A_373 = arith.addf %gather3A_363, %gather3A_364 : vector<16xf32>
          %slice3A_374 = vector.extract_strided_slice %get3A_88 {offsets = [6], sizes = [1], strides = [1]} : vector<16xf32> to vector<1xf32>
          %squeeze3A_375 = vector.extract %slice3A_374[0] : f32 from vector<1xf32>
          %mul3A_376 = vector.broadcast %squeeze3A_375 : f32 to vector<16xf32>
          %mul3A_377 = arith.mulf %get3A_48, %mul3A_376 : vector<16xf32>
          %add3A_378 = arith.addf %add3A_373, %mul3A_377 : vector<16xf32>
          %mul3A_379 = arith.constant 2.000000e-01 : f32
          %mul3A_380 = vector.broadcast %mul3A_379 : f32 to vector<16xf32>
          %mul3A_381 = arith.mulf %mul3A_380, %add3A_378 : vector<16xf32>
          %max3A_382 = arith.maximumf %add3A_378, %mul3A_381 : vector<16xf32>
          %add3A_383 = arith.addf %gather3A_368, %gather3A_372 : vector<16xf32>
          %slice3A_384 = vector.extract_strided_slice %get3A_92 {offsets = [6], sizes = [1], strides = [1]} : vector<16xf32> to vector<1xf32>
          %squeeze3A_385 = vector.extract %slice3A_384[0] : f32 from vector<1xf32>
          %mul3A_386 = vector.broadcast %squeeze3A_385 : f32 to vector<16xf32>
          %mul3A_387 = arith.mulf %get3A_48, %mul3A_386 : vector<16xf32>
          %add3A_388 = arith.addf %add3A_383, %mul3A_387 : vector<16xf32>
          %mul3A_389 = arith.constant 2.000000e-01 : f32
          %mul3A_390 = vector.broadcast %mul3A_389 : f32 to vector<16xf32>
          %mul3A_391 = arith.mulf %mul3A_390, %add3A_388 : vector<16xf32>
          %max3A_392 = arith.maximumf %add3A_388, %mul3A_391 : vector<16xf32>
          %slice3A_393 = vector.extract_strided_slice %get3A_94 {offsets = [6], sizes = [1], strides = [1]} : vector<16xf32> to vector<1xf32>
          %squeeze3A_394 = vector.extract %slice3A_393[0] : f32 from vector<1xf32>
          %mul3A_395 = vector.broadcast %squeeze3A_394 : f32 to vector<16xf32>
          %mul3A_396 = arith.mulf %max3A_382, %mul3A_395 : vector<16xf32>
          %add3A_397 = arith.addf %add3A_353, %mul3A_396 : vector<16xf32>
          %slice3A_398 = vector.extract_strided_slice %get3A_98 {offsets = [6], sizes = [1], strides = [1]} : vector<16xf32> to vector<1xf32>
          %squeeze3A_399 = vector.extract %slice3A_398[0] : f32 from vector<1xf32>
          %mul3A_400 = vector.broadcast %squeeze3A_399 : f32 to vector<16xf32>
          %mul3A_401 = arith.mulf %max3A_392, %mul3A_400 : vector<16xf32>
          %add3A_402 = arith.addf %add3A_358, %mul3A_401 : vector<16xf32>
          %add3A_403 = arith.constant 7 : i32
          %add3A_404 = arith.addi %mul3A_86, %add3A_403 : i32
          %add3A_405 = vector.broadcast %add3A_404 : i32 to vector<16xi32>
          %add3A_406 = arith.addi %broadcast_in_dim3A_3, %add3A_405 : vector<16xi32>
          %gather3A_407 = tpu.vector_load_idx %arg16[%add3A_45, %add3A_406] : memref<128x128xf32, #tpu.memory_space<vmem>>[vector<16xi32>, vector<16xi32>], vector<16xf32>,
          %gather3A_408 = tpu.vector_load_idx %arg17[%add3A_45, %add3A_406] : memref<128x128xf32, #tpu.memory_space<vmem>>[vector<16xi32>, vector<16xi32>], vector<16xf32>,
          %add3A_409 = arith.constant 64 : i32
          %add3A_410 = vector.broadcast %add3A_409 : i32 to vector<16xi32>
          %add3A_411 = arith.addi %add3A_406, %add3A_410 : vector<16xi32>
          %gather3A_412 = tpu.vector_load_idx %arg16[%add3A_45, %add3A_411] : memref<128x128xf32, #tpu.memory_space<vmem>>[vector<16xi32>, vector<16xi32>], vector<16xf32>,
          %add3A_413 = arith.constant 64 : i32
          %add3A_414 = vector.broadcast %add3A_413 : i32 to vector<16xi32>
          %add3A_415 = arith.addi %add3A_406, %add3A_414 : vector<16xi32>
          %gather3A_416 = tpu.vector_load_idx %arg17[%add3A_45, %add3A_415] : memref<128x128xf32, #tpu.memory_space<vmem>>[vector<16xi32>, vector<16xi32>], vector<16xf32>,
          %add3A_417 = arith.addf %gather3A_407, %gather3A_408 : vector<16xf32>
          %slice3A_418 = vector.extract_strided_slice %get3A_88 {offsets = [7], sizes = [1], strides = [1]} : vector<16xf32> to vector<1xf32>
          %squeeze3A_419 = vector.extract %slice3A_418[0] : f32 from vector<1xf32>
          %mul3A_420 = vector.broadcast %squeeze3A_419 : f32 to vector<16xf32>
          %mul3A_421 = arith.mulf %get3A_48, %mul3A_420 : vector<16xf32>
          %add3A_422 = arith.addf %add3A_417, %mul3A_421 : vector<16xf32>
          %mul3A_423 = arith.constant 2.000000e-01 : f32
          %mul3A_424 = vector.broadcast %mul3A_423 : f32 to vector<16xf32>
          %mul3A_425 = arith.mulf %mul3A_424, %add3A_422 : vector<16xf32>
          %max3A_426 = arith.maximumf %add3A_422, %mul3A_425 : vector<16xf32>
          %add3A_427 = arith.addf %gather3A_412, %gather3A_416 : vector<16xf32>
          %slice3A_428 = vector.extract_strided_slice %get3A_92 {offsets = [7], sizes = [1], strides = [1]} : vector<16xf32> to vector<1xf32>
          %squeeze3A_429 = vector.extract %slice3A_428[0] : f32 from vector<1xf32>
          %mul3A_430 = vector.broadcast %squeeze3A_429 : f32 to vector<16xf32>
          %mul3A_431 = arith.mulf %get3A_48, %mul3A_430 : vector<16xf32>
          %add3A_432 = arith.addf %add3A_427, %mul3A_431 : vector<16xf32>
          %mul3A_433 = arith.constant 2.000000e-01 : f32
          %mul3A_434 = vector.broadcast %mul3A_433 : f32 to vector<16xf32>
          %mul3A_435 = arith.mulf %mul3A_434, %add3A_432 : vector<16xf32>
          %max3A_436 = arith.maximumf %add3A_432, %mul3A_435 : vector<16xf32>
          %slice3A_437 = vector.extract_strided_slice %get3A_94 {offsets = [7], sizes = [1], strides = [1]} : vector<16xf32> to vector<1xf32>
          %squeeze3A_438 = vector.extract %slice3A_437[0] : f32 from vector<1xf32>
          %mul3A_439 = vector.broadcast %squeeze3A_438 : f32 to vector<16xf32>
          %mul3A_440 = arith.mulf %max3A_426, %mul3A_439 : vector<16xf32>
          %add3A_441 = arith.addf %add3A_397, %mul3A_440 : vector<16xf32>
          %slice3A_442 = vector.extract_strided_slice %get3A_98 {offsets = [7], sizes = [1], strides = [1]} : vector<16xf32> to vector<1xf32>
          %squeeze3A_443 = vector.extract %slice3A_442[0] : f32 from vector<1xf32>
          %mul3A_444 = vector.broadcast %squeeze3A_443 : f32 to vector<16xf32>
          %mul3A_445 = arith.mulf %max3A_436, %mul3A_444 : vector<16xf32>
          %add3A_446 = arith.addf %add3A_402, %mul3A_445 : vector<16xf32>
          %add3A_447 = arith.constant 8 : i32
          %add3A_448 = arith.addi %mul3A_86, %add3A_447 : i32
          %add3A_449 = vector.broadcast %add3A_448 : i32 to vector<16xi32>
          %add3A_450 = arith.addi %broadcast_in_dim3A_3, %add3A_449 : vector<16xi32>
          %gather3A_451 = tpu.vector_load_idx %arg16[%add3A_45, %add3A_450] : memref<128x128xf32, #tpu.memory_space<vmem>>[vector<16xi32>, vector<16xi32>], vector<16xf32>,
          %gather3A_452 = tpu.vector_load_idx %arg17[%add3A_45, %add3A_450] : memref<128x128xf32, #tpu.memory_space<vmem>>[vector<16xi32>, vector<16xi32>], vector<16xf32>,
          %add3A_453 = arith.constant 64 : i32
          %add3A_454 = vector.broadcast %add3A_453 : i32 to vector<16xi32>
          %add3A_455 = arith.addi %add3A_450, %add3A_454 : vector<16xi32>
          %gather3A_456 = tpu.vector_load_idx %arg16[%add3A_45, %add3A_455] : memref<128x128xf32, #tpu.memory_space<vmem>>[vector<16xi32>, vector<16xi32>], vector<16xf32>,
          %add3A_457 = arith.constant 64 : i32
          %add3A_458 = vector.broadcast %add3A_457 : i32 to vector<16xi32>
          %add3A_459 = arith.addi %add3A_450, %add3A_458 : vector<16xi32>
          %gather3A_460 = tpu.vector_load_idx %arg17[%add3A_45, %add3A_459] : memref<128x128xf32, #tpu.memory_space<vmem>>[vector<16xi32>, vector<16xi32>], vector<16xf32>,
          %add3A_461 = arith.addf %gather3A_451, %gather3A_452 : vector<16xf32>
          %slice3A_462 = vector.extract_strided_slice %get3A_88 {offsets = [8], sizes = [1], strides = [1]} : vector<16xf32> to vector<1xf32>
          %squeeze3A_463 = vector.extract %slice3A_462[0] : f32 from vector<1xf32>
          %mul3A_464 = vector.broadcast %squeeze3A_463 : f32 to vector<16xf32>
          %mul3A_465 = arith.mulf %get3A_48, %mul3A_464 : vector<16xf32>
          %add3A_466 = arith.addf %add3A_461, %mul3A_465 : vector<16xf32>
          %mul3A_467 = arith.constant 2.000000e-01 : f32
          %mul3A_468 = vector.broadcast %mul3A_467 : f32 to vector<16xf32>
          %mul3A_469 = arith.mulf %mul3A_468, %add3A_466 : vector<16xf32>
          %max3A_470 = arith.maximumf %add3A_466, %mul3A_469 : vector<16xf32>
          %add3A_471 = arith.addf %gather3A_456, %gather3A_460 : vector<16xf32>
          %slice3A_472 = vector.extract_strided_slice %get3A_92 {offsets = [8], sizes = [1], strides = [1]} : vector<16xf32> to vector<1xf32>
          %squeeze3A_473 = vector.extract %slice3A_472[0] : f32 from vector<1xf32>
          %mul3A_474 = vector.broadcast %squeeze3A_473 : f32 to vector<16xf32>
          %mul3A_475 = arith.mulf %get3A_48, %mul3A_474 : vector<16xf32>
          %add3A_476 = arith.addf %add3A_471, %mul3A_475 : vector<16xf32>
          %mul3A_477 = arith.constant 2.000000e-01 : f32
          %mul3A_478 = vector.broadcast %mul3A_477 : f32 to vector<16xf32>
          %mul3A_479 = arith.mulf %mul3A_478, %add3A_476 : vector<16xf32>
          %max3A_480 = arith.maximumf %add3A_476, %mul3A_479 : vector<16xf32>
          %slice3A_481 = vector.extract_strided_slice %get3A_94 {offsets = [8], sizes = [1], strides = [1]} : vector<16xf32> to vector<1xf32>
          %squeeze3A_482 = vector.extract %slice3A_481[0] : f32 from vector<1xf32>
          %mul3A_483 = vector.broadcast %squeeze3A_482 : f32 to vector<16xf32>
          %mul3A_484 = arith.mulf %max3A_470, %mul3A_483 : vector<16xf32>
          %add3A_485 = arith.addf %add3A_441, %mul3A_484 : vector<16xf32>
          %slice3A_486 = vector.extract_strided_slice %get3A_98 {offsets = [8], sizes = [1], strides = [1]} : vector<16xf32> to vector<1xf32>
          %squeeze3A_487 = vector.extract %slice3A_486[0] : f32 from vector<1xf32>
          %mul3A_488 = vector.broadcast %squeeze3A_487 : f32 to vector<16xf32>
          %mul3A_489 = arith.mulf %max3A_480, %mul3A_488 : vector<16xf32>
          %add3A_490 = arith.addf %add3A_446, %mul3A_489 : vector<16xf32>
          %add3A_491 = arith.constant 9 : i32
          %add3A_492 = arith.addi %mul3A_86, %add3A_491 : i32
          %add3A_493 = vector.broadcast %add3A_492 : i32 to vector<16xi32>
          %add3A_494 = arith.addi %broadcast_in_dim3A_3, %add3A_493 : vector<16xi32>
          %gather3A_495 = tpu.vector_load_idx %arg16[%add3A_45, %add3A_494] : memref<128x128xf32, #tpu.memory_space<vmem>>[vector<16xi32>, vector<16xi32>], vector<16xf32>,
          %gather3A_496 = tpu.vector_load_idx %arg17[%add3A_45, %add3A_494] : memref<128x128xf32, #tpu.memory_space<vmem>>[vector<16xi32>, vector<16xi32>], vector<16xf32>,
          %add3A_497 = arith.constant 64 : i32
          %add3A_498 = vector.broadcast %add3A_497 : i32 to vector<16xi32>
          %add3A_499 = arith.addi %add3A_494, %add3A_498 : vector<16xi32>
          %gather3A_500 = tpu.vector_load_idx %arg16[%add3A_45, %add3A_499] : memref<128x128xf32, #tpu.memory_space<vmem>>[vector<16xi32>, vector<16xi32>], vector<16xf32>,
          %add3A_501 = arith.constant 64 : i32
          %add3A_502 = vector.broadcast %add3A_501 : i32 to vector<16xi32>
          %add3A_503 = arith.addi %add3A_494, %add3A_502 : vector<16xi32>
          %gather3A_504 = tpu.vector_load_idx %arg17[%add3A_45, %add3A_503] : memref<128x128xf32, #tpu.memory_space<vmem>>[vector<16xi32>, vector<16xi32>], vector<16xf32>,
          %add3A_505 = arith.addf %gather3A_495, %gather3A_496 : vector<16xf32>
          %slice3A_506 = vector.extract_strided_slice %get3A_88 {offsets = [9], sizes = [1], strides = [1]} : vector<16xf32> to vector<1xf32>
          %squeeze3A_507 = vector.extract %slice3A_506[0] : f32 from vector<1xf32>
          %mul3A_508 = vector.broadcast %squeeze3A_507 : f32 to vector<16xf32>
          %mul3A_509 = arith.mulf %get3A_48, %mul3A_508 : vector<16xf32>
          %add3A_510 = arith.addf %add3A_505, %mul3A_509 : vector<16xf32>
          %mul3A_511 = arith.constant 2.000000e-01 : f32
          %mul3A_512 = vector.broadcast %mul3A_511 : f32 to vector<16xf32>
          %mul3A_513 = arith.mulf %mul3A_512, %add3A_510 : vector<16xf32>
          %max3A_514 = arith.maximumf %add3A_510, %mul3A_513 : vector<16xf32>
          %add3A_515 = arith.addf %gather3A_500, %gather3A_504 : vector<16xf32>
          %slice3A_516 = vector.extract_strided_slice %get3A_92 {offsets = [9], sizes = [1], strides = [1]} : vector<16xf32> to vector<1xf32>
          %squeeze3A_517 = vector.extract %slice3A_516[0] : f32 from vector<1xf32>
          %mul3A_518 = vector.broadcast %squeeze3A_517 : f32 to vector<16xf32>
          %mul3A_519 = arith.mulf %get3A_48, %mul3A_518 : vector<16xf32>
          %add3A_520 = arith.addf %add3A_515, %mul3A_519 : vector<16xf32>
          %mul3A_521 = arith.constant 2.000000e-01 : f32
          %mul3A_522 = vector.broadcast %mul3A_521 : f32 to vector<16xf32>
          %mul3A_523 = arith.mulf %mul3A_522, %add3A_520 : vector<16xf32>
          %max3A_524 = arith.maximumf %add3A_520, %mul3A_523 : vector<16xf32>
          %slice3A_525 = vector.extract_strided_slice %get3A_94 {offsets = [9], sizes = [1], strides = [1]} : vector<16xf32> to vector<1xf32>
          %squeeze3A_526 = vector.extract %slice3A_525[0] : f32 from vector<1xf32>
          %mul3A_527 = vector.broadcast %squeeze3A_526 : f32 to vector<16xf32>
          %mul3A_528 = arith.mulf %max3A_514, %mul3A_527 : vector<16xf32>
          %add3A_529 = arith.addf %add3A_485, %mul3A_528 : vector<16xf32>
          %slice3A_530 = vector.extract_strided_slice %get3A_98 {offsets = [9], sizes = [1], strides = [1]} : vector<16xf32> to vector<1xf32>
          %squeeze3A_531 = vector.extract %slice3A_530[0] : f32 from vector<1xf32>
          %mul3A_532 = vector.broadcast %squeeze3A_531 : f32 to vector<16xf32>
          %mul3A_533 = arith.mulf %max3A_524, %mul3A_532 : vector<16xf32>
          %add3A_534 = arith.addf %add3A_490, %mul3A_533 : vector<16xf32>
          %add3A_535 = arith.constant 10 : i32
          %add3A_536 = arith.addi %mul3A_86, %add3A_535 : i32
          %add3A_537 = vector.broadcast %add3A_536 : i32 to vector<16xi32>
          %add3A_538 = arith.addi %broadcast_in_dim3A_3, %add3A_537 : vector<16xi32>
          %gather3A_539 = tpu.vector_load_idx %arg16[%add3A_45, %add3A_538] : memref<128x128xf32, #tpu.memory_space<vmem>>[vector<16xi32>, vector<16xi32>], vector<16xf32>,
          %gather3A_540 = tpu.vector_load_idx %arg17[%add3A_45, %add3A_538] : memref<128x128xf32, #tpu.memory_space<vmem>>[vector<16xi32>, vector<16xi32>], vector<16xf32>,
          %add3A_541 = arith.constant 64 : i32
          %add3A_542 = vector.broadcast %add3A_541 : i32 to vector<16xi32>
          %add3A_543 = arith.addi %add3A_538, %add3A_542 : vector<16xi32>
          %gather3A_544 = tpu.vector_load_idx %arg16[%add3A_45, %add3A_543] : memref<128x128xf32, #tpu.memory_space<vmem>>[vector<16xi32>, vector<16xi32>], vector<16xf32>,
          %add3A_545 = arith.constant 64 : i32
          %add3A_546 = vector.broadcast %add3A_545 : i32 to vector<16xi32>
          %add3A_547 = arith.addi %add3A_538, %add3A_546 : vector<16xi32>
          %gather3A_548 = tpu.vector_load_idx %arg17[%add3A_45, %add3A_547] : memref<128x128xf32, #tpu.memory_space<vmem>>[vector<16xi32>, vector<16xi32>], vector<16xf32>,
          %add3A_549 = arith.addf %gather3A_539, %gather3A_540 : vector<16xf32>
          %slice3A_550 = vector.extract_strided_slice %get3A_88 {offsets = [10], sizes = [1], strides = [1]} : vector<16xf32> to vector<1xf32>
          %squeeze3A_551 = vector.extract %slice3A_550[0] : f32 from vector<1xf32>
          %mul3A_552 = vector.broadcast %squeeze3A_551 : f32 to vector<16xf32>
          %mul3A_553 = arith.mulf %get3A_48, %mul3A_552 : vector<16xf32>
          %add3A_554 = arith.addf %add3A_549, %mul3A_553 : vector<16xf32>
          %mul3A_555 = arith.constant 2.000000e-01 : f32
          %mul3A_556 = vector.broadcast %mul3A_555 : f32 to vector<16xf32>
          %mul3A_557 = arith.mulf %mul3A_556, %add3A_554 : vector<16xf32>
          %max3A_558 = arith.maximumf %add3A_554, %mul3A_557 : vector<16xf32>
          %add3A_559 = arith.addf %gather3A_544, %gather3A_548 : vector<16xf32>
          %slice3A_560 = vector.extract_strided_slice %get3A_92 {offsets = [10], sizes = [1], strides = [1]} : vector<16xf32> to vector<1xf32>
          %squeeze3A_561 = vector.extract %slice3A_560[0] : f32 from vector<1xf32>
          %mul3A_562 = vector.broadcast %squeeze3A_561 : f32 to vector<16xf32>
          %mul3A_563 = arith.mulf %get3A_48, %mul3A_562 : vector<16xf32>
          %add3A_564 = arith.addf %add3A_559, %mul3A_563 : vector<16xf32>
          %mul3A_565 = arith.constant 2.000000e-01 : f32
          %mul3A_566 = vector.broadcast %mul3A_565 : f32 to vector<16xf32>
          %mul3A_567 = arith.mulf %mul3A_566, %add3A_564 : vector<16xf32>
          %max3A_568 = arith.maximumf %add3A_564, %mul3A_567 : vector<16xf32>
          %slice3A_569 = vector.extract_strided_slice %get3A_94 {offsets = [10], sizes = [1], strides = [1]} : vector<16xf32> to vector<1xf32>
          %squeeze3A_570 = vector.extract %slice3A_569[0] : f32 from vector<1xf32>
          %mul3A_571 = vector.broadcast %squeeze3A_570 : f32 to vector<16xf32>
          %mul3A_572 = arith.mulf %max3A_558, %mul3A_571 : vector<16xf32>
          %add3A_573 = arith.addf %add3A_529, %mul3A_572 : vector<16xf32>
          %slice3A_574 = vector.extract_strided_slice %get3A_98 {offsets = [10], sizes = [1], strides = [1]} : vector<16xf32> to vector<1xf32>
          %squeeze3A_575 = vector.extract %slice3A_574[0] : f32 from vector<1xf32>
          %mul3A_576 = vector.broadcast %squeeze3A_575 : f32 to vector<16xf32>
          %mul3A_577 = arith.mulf %max3A_568, %mul3A_576 : vector<16xf32>
          %add3A_578 = arith.addf %add3A_534, %mul3A_577 : vector<16xf32>
          %add3A_579 = arith.constant 11 : i32
          %add3A_580 = arith.addi %mul3A_86, %add3A_579 : i32
          %add3A_581 = vector.broadcast %add3A_580 : i32 to vector<16xi32>
          %add3A_582 = arith.addi %broadcast_in_dim3A_3, %add3A_581 : vector<16xi32>
          %gather3A_583 = tpu.vector_load_idx %arg16[%add3A_45, %add3A_582] : memref<128x128xf32, #tpu.memory_space<vmem>>[vector<16xi32>, vector<16xi32>], vector<16xf32>,
          %gather3A_584 = tpu.vector_load_idx %arg17[%add3A_45, %add3A_582] : memref<128x128xf32, #tpu.memory_space<vmem>>[vector<16xi32>, vector<16xi32>], vector<16xf32>,
          %add3A_585 = arith.constant 64 : i32
          %add3A_586 = vector.broadcast %add3A_585 : i32 to vector<16xi32>
          %add3A_587 = arith.addi %add3A_582, %add3A_586 : vector<16xi32>
          %gather3A_588 = tpu.vector_load_idx %arg16[%add3A_45, %add3A_587] : memref<128x128xf32, #tpu.memory_space<vmem>>[vector<16xi32>, vector<16xi32>], vector<16xf32>,
          %add3A_589 = arith.constant 64 : i32
          %add3A_590 = vector.broadcast %add3A_589 : i32 to vector<16xi32>
          %add3A_591 = arith.addi %add3A_582, %add3A_590 : vector<16xi32>
          %gather3A_592 = tpu.vector_load_idx %arg17[%add3A_45, %add3A_591] : memref<128x128xf32, #tpu.memory_space<vmem>>[vector<16xi32>, vector<16xi32>], vector<16xf32>,
          %add3A_593 = arith.addf %gather3A_583, %gather3A_584 : vector<16xf32>
          %slice3A_594 = vector.extract_strided_slice %get3A_88 {offsets = [11], sizes = [1], strides = [1]} : vector<16xf32> to vector<1xf32>
          %squeeze3A_595 = vector.extract %slice3A_594[0] : f32 from vector<1xf32>
          %mul3A_596 = vector.broadcast %squeeze3A_595 : f32 to vector<16xf32>
          %mul3A_597 = arith.mulf %get3A_48, %mul3A_596 : vector<16xf32>
          %add3A_598 = arith.addf %add3A_593, %mul3A_597 : vector<16xf32>
          %mul3A_599 = arith.constant 2.000000e-01 : f32
          %mul3A_600 = vector.broadcast %mul3A_599 : f32 to vector<16xf32>
          %mul3A_601 = arith.mulf %mul3A_600, %add3A_598 : vector<16xf32>
          %max3A_602 = arith.maximumf %add3A_598, %mul3A_601 : vector<16xf32>
          %add3A_603 = arith.addf %gather3A_588, %gather3A_592 : vector<16xf32>
          %slice3A_604 = vector.extract_strided_slice %get3A_92 {offsets = [11], sizes = [1], strides = [1]} : vector<16xf32> to vector<1xf32>
          %squeeze3A_605 = vector.extract %slice3A_604[0] : f32 from vector<1xf32>
          %mul3A_606 = vector.broadcast %squeeze3A_605 : f32 to vector<16xf32>
          %mul3A_607 = arith.mulf %get3A_48, %mul3A_606 : vector<16xf32>
          %add3A_608 = arith.addf %add3A_603, %mul3A_607 : vector<16xf32>
          %mul3A_609 = arith.constant 2.000000e-01 : f32
          %mul3A_610 = vector.broadcast %mul3A_609 : f32 to vector<16xf32>
          %mul3A_611 = arith.mulf %mul3A_610, %add3A_608 : vector<16xf32>
          %max3A_612 = arith.maximumf %add3A_608, %mul3A_611 : vector<16xf32>
          %slice3A_613 = vector.extract_strided_slice %get3A_94 {offsets = [11], sizes = [1], strides = [1]} : vector<16xf32> to vector<1xf32>
          %squeeze3A_614 = vector.extract %slice3A_613[0] : f32 from vector<1xf32>
          %mul3A_615 = vector.broadcast %squeeze3A_614 : f32 to vector<16xf32>
          %mul3A_616 = arith.mulf %max3A_602, %mul3A_615 : vector<16xf32>
          %add3A_617 = arith.addf %add3A_573, %mul3A_616 : vector<16xf32>
          %slice3A_618 = vector.extract_strided_slice %get3A_98 {offsets = [11], sizes = [1], strides = [1]} : vector<16xf32> to vector<1xf32>
          %squeeze3A_619 = vector.extract %slice3A_618[0] : f32 from vector<1xf32>
          %mul3A_620 = vector.broadcast %squeeze3A_619 : f32 to vector<16xf32>
          %mul3A_621 = arith.mulf %max3A_612, %mul3A_620 : vector<16xf32>
          %add3A_622 = arith.addf %add3A_578, %mul3A_621 : vector<16xf32>
          %add3A_623 = arith.constant 12 : i32
          %add3A_624 = arith.addi %mul3A_86, %add3A_623 : i32
          %add3A_625 = vector.broadcast %add3A_624 : i32 to vector<16xi32>
          %add3A_626 = arith.addi %broadcast_in_dim3A_3, %add3A_625 : vector<16xi32>
          %gather3A_627 = tpu.vector_load_idx %arg16[%add3A_45, %add3A_626] : memref<128x128xf32, #tpu.memory_space<vmem>>[vector<16xi32>, vector<16xi32>], vector<16xf32>,
          %gather3A_628 = tpu.vector_load_idx %arg17[%add3A_45, %add3A_626] : memref<128x128xf32, #tpu.memory_space<vmem>>[vector<16xi32>, vector<16xi32>], vector<16xf32>,
          %add3A_629 = arith.constant 64 : i32
          %add3A_630 = vector.broadcast %add3A_629 : i32 to vector<16xi32>
          %add3A_631 = arith.addi %add3A_626, %add3A_630 : vector<16xi32>
          %gather3A_632 = tpu.vector_load_idx %arg16[%add3A_45, %add3A_631] : memref<128x128xf32, #tpu.memory_space<vmem>>[vector<16xi32>, vector<16xi32>], vector<16xf32>,
          %add3A_633 = arith.constant 64 : i32
          %add3A_634 = vector.broadcast %add3A_633 : i32 to vector<16xi32>
          %add3A_635 = arith.addi %add3A_626, %add3A_634 : vector<16xi32>
          %gather3A_636 = tpu.vector_load_idx %arg17[%add3A_45, %add3A_635] : memref<128x128xf32, #tpu.memory_space<vmem>>[vector<16xi32>, vector<16xi32>], vector<16xf32>,
          %add3A_637 = arith.addf %gather3A_627, %gather3A_628 : vector<16xf32>
          %slice3A_638 = vector.extract_strided_slice %get3A_88 {offsets = [12], sizes = [1], strides = [1]} : vector<16xf32> to vector<1xf32>
          %squeeze3A_639 = vector.extract %slice3A_638[0] : f32 from vector<1xf32>
          %mul3A_640 = vector.broadcast %squeeze3A_639 : f32 to vector<16xf32>
          %mul3A_641 = arith.mulf %get3A_48, %mul3A_640 : vector<16xf32>
          %add3A_642 = arith.addf %add3A_637, %mul3A_641 : vector<16xf32>
          %mul3A_643 = arith.constant 2.000000e-01 : f32
          %mul3A_644 = vector.broadcast %mul3A_643 : f32 to vector<16xf32>
          %mul3A_645 = arith.mulf %mul3A_644, %add3A_642 : vector<16xf32>
          %max3A_646 = arith.maximumf %add3A_642, %mul3A_645 : vector<16xf32>
          %add3A_647 = arith.addf %gather3A_632, %gather3A_636 : vector<16xf32>
          %slice3A_648 = vector.extract_strided_slice %get3A_92 {offsets = [12], sizes = [1], strides = [1]} : vector<16xf32> to vector<1xf32>
          %squeeze3A_649 = vector.extract %slice3A_648[0] : f32 from vector<1xf32>
          %mul3A_650 = vector.broadcast %squeeze3A_649 : f32 to vector<16xf32>
          %mul3A_651 = arith.mulf %get3A_48, %mul3A_650 : vector<16xf32>
          %add3A_652 = arith.addf %add3A_647, %mul3A_651 : vector<16xf32>
          %mul3A_653 = arith.constant 2.000000e-01 : f32
          %mul3A_654 = vector.broadcast %mul3A_653 : f32 to vector<16xf32>
          %mul3A_655 = arith.mulf %mul3A_654, %add3A_652 : vector<16xf32>
          %max3A_656 = arith.maximumf %add3A_652, %mul3A_655 : vector<16xf32>
          %slice3A_657 = vector.extract_strided_slice %get3A_94 {offsets = [12], sizes = [1], strides = [1]} : vector<16xf32> to vector<1xf32>
          %squeeze3A_658 = vector.extract %slice3A_657[0] : f32 from vector<1xf32>
          %mul3A_659 = vector.broadcast %squeeze3A_658 : f32 to vector<16xf32>
          %mul3A_660 = arith.mulf %max3A_646, %mul3A_659 : vector<16xf32>
          %add3A_661 = arith.addf %add3A_617, %mul3A_660 : vector<16xf32>
          %slice3A_662 = vector.extract_strided_slice %get3A_98 {offsets = [12], sizes = [1], strides = [1]} : vector<16xf32> to vector<1xf32>
          %squeeze3A_663 = vector.extract %slice3A_662[0] : f32 from vector<1xf32>
          %mul3A_664 = vector.broadcast %squeeze3A_663 : f32 to vector<16xf32>
          %mul3A_665 = arith.mulf %max3A_656, %mul3A_664 : vector<16xf32>
          %add3A_666 = arith.addf %add3A_622, %mul3A_665 : vector<16xf32>
          %add3A_667 = arith.constant 13 : i32
          %add3A_668 = arith.addi %mul3A_86, %add3A_667 : i32
          %add3A_669 = vector.broadcast %add3A_668 : i32 to vector<16xi32>
          %add3A_670 = arith.addi %broadcast_in_dim3A_3, %add3A_669 : vector<16xi32>
          %gather3A_671 = tpu.vector_load_idx %arg16[%add3A_45, %add3A_670] : memref<128x128xf32, #tpu.memory_space<vmem>>[vector<16xi32>, vector<16xi32>], vector<16xf32>,
          %gather3A_672 = tpu.vector_load_idx %arg17[%add3A_45, %add3A_670] : memref<128x128xf32, #tpu.memory_space<vmem>>[vector<16xi32>, vector<16xi32>], vector<16xf32>,
          %add3A_673 = arith.constant 64 : i32
          %add3A_674 = vector.broadcast %add3A_673 : i32 to vector<16xi32>
          %add3A_675 = arith.addi %add3A_670, %add3A_674 : vector<16xi32>
          %gather3A_676 = tpu.vector_load_idx %arg16[%add3A_45, %add3A_675] : memref<128x128xf32, #tpu.memory_space<vmem>>[vector<16xi32>, vector<16xi32>], vector<16xf32>,
          %add3A_677 = arith.constant 64 : i32
          %add3A_678 = vector.broadcast %add3A_677 : i32 to vector<16xi32>
          %add3A_679 = arith.addi %add3A_670, %add3A_678 : vector<16xi32>
          %gather3A_680 = tpu.vector_load_idx %arg17[%add3A_45, %add3A_679] : memref<128x128xf32, #tpu.memory_space<vmem>>[vector<16xi32>, vector<16xi32>], vector<16xf32>,
          %add3A_681 = arith.addf %gather3A_671, %gather3A_672 : vector<16xf32>
          %slice3A_682 = vector.extract_strided_slice %get3A_88 {offsets = [13], sizes = [1], strides = [1]} : vector<16xf32> to vector<1xf32>
          %squeeze3A_683 = vector.extract %slice3A_682[0] : f32 from vector<1xf32>
          %mul3A_684 = vector.broadcast %squeeze3A_683 : f32 to vector<16xf32>
          %mul3A_685 = arith.mulf %get3A_48, %mul3A_684 : vector<16xf32>
          %add3A_686 = arith.addf %add3A_681, %mul3A_685 : vector<16xf32>
          %mul3A_687 = arith.constant 2.000000e-01 : f32
          %mul3A_688 = vector.broadcast %mul3A_687 : f32 to vector<16xf32>
          %mul3A_689 = arith.mulf %mul3A_688, %add3A_686 : vector<16xf32>
          %max3A_690 = arith.maximumf %add3A_686, %mul3A_689 : vector<16xf32>
          %add3A_691 = arith.addf %gather3A_676, %gather3A_680 : vector<16xf32>
          %slice3A_692 = vector.extract_strided_slice %get3A_92 {offsets = [13], sizes = [1], strides = [1]} : vector<16xf32> to vector<1xf32>
          %squeeze3A_693 = vector.extract %slice3A_692[0] : f32 from vector<1xf32>
          %mul3A_694 = vector.broadcast %squeeze3A_693 : f32 to vector<16xf32>
          %mul3A_695 = arith.mulf %get3A_48, %mul3A_694 : vector<16xf32>
          %add3A_696 = arith.addf %add3A_691, %mul3A_695 : vector<16xf32>
          %mul3A_697 = arith.constant 2.000000e-01 : f32
          %mul3A_698 = vector.broadcast %mul3A_697 : f32 to vector<16xf32>
          %mul3A_699 = arith.mulf %mul3A_698, %add3A_696 : vector<16xf32>
          %max3A_700 = arith.maximumf %add3A_696, %mul3A_699 : vector<16xf32>
          %slice3A_701 = vector.extract_strided_slice %get3A_94 {offsets = [13], sizes = [1], strides = [1]} : vector<16xf32> to vector<1xf32>
          %squeeze3A_702 = vector.extract %slice3A_701[0] : f32 from vector<1xf32>
          %mul3A_703 = vector.broadcast %squeeze3A_702 : f32 to vector<16xf32>
          %mul3A_704 = arith.mulf %max3A_690, %mul3A_703 : vector<16xf32>
          %add3A_705 = arith.addf %add3A_661, %mul3A_704 : vector<16xf32>
          %slice3A_706 = vector.extract_strided_slice %get3A_98 {offsets = [13], sizes = [1], strides = [1]} : vector<16xf32> to vector<1xf32>
          %squeeze3A_707 = vector.extract %slice3A_706[0] : f32 from vector<1xf32>
          %mul3A_708 = vector.broadcast %squeeze3A_707 : f32 to vector<16xf32>
          %mul3A_709 = arith.mulf %max3A_700, %mul3A_708 : vector<16xf32>
          %add3A_710 = arith.addf %add3A_666, %mul3A_709 : vector<16xf32>
          %add3A_711 = arith.constant 14 : i32
          %add3A_712 = arith.addi %mul3A_86, %add3A_711 : i32
          %add3A_713 = vector.broadcast %add3A_712 : i32 to vector<16xi32>
          %add3A_714 = arith.addi %broadcast_in_dim3A_3, %add3A_713 : vector<16xi32>
          %gather3A_715 = tpu.vector_load_idx %arg16[%add3A_45, %add3A_714] : memref<128x128xf32, #tpu.memory_space<vmem>>[vector<16xi32>, vector<16xi32>], vector<16xf32>,
          %gather3A_716 = tpu.vector_load_idx %arg17[%add3A_45, %add3A_714] : memref<128x128xf32, #tpu.memory_space<vmem>>[vector<16xi32>, vector<16xi32>], vector<16xf32>,
          %add3A_717 = arith.constant 64 : i32
          %add3A_718 = vector.broadcast %add3A_717 : i32 to vector<16xi32>
          %add3A_719 = arith.addi %add3A_714, %add3A_718 : vector<16xi32>
          %gather3A_720 = tpu.vector_load_idx %arg16[%add3A_45, %add3A_719] : memref<128x128xf32, #tpu.memory_space<vmem>>[vector<16xi32>, vector<16xi32>], vector<16xf32>,
          %add3A_721 = arith.constant 64 : i32
          %add3A_722 = vector.broadcast %add3A_721 : i32 to vector<16xi32>
          %add3A_723 = arith.addi %add3A_714, %add3A_722 : vector<16xi32>
          %gather3A_724 = tpu.vector_load_idx %arg17[%add3A_45, %add3A_723] : memref<128x128xf32, #tpu.memory_space<vmem>>[vector<16xi32>, vector<16xi32>], vector<16xf32>,
          %add3A_725 = arith.addf %gather3A_715, %gather3A_716 : vector<16xf32>
          %slice3A_726 = vector.extract_strided_slice %get3A_88 {offsets = [14], sizes = [1], strides = [1]} : vector<16xf32> to vector<1xf32>
          %squeeze3A_727 = vector.extract %slice3A_726[0] : f32 from vector<1xf32>
          %mul3A_728 = vector.broadcast %squeeze3A_727 : f32 to vector<16xf32>
          %mul3A_729 = arith.mulf %get3A_48, %mul3A_728 : vector<16xf32>
          %add3A_730 = arith.addf %add3A_725, %mul3A_729 : vector<16xf32>
          %mul3A_731 = arith.constant 2.000000e-01 : f32
          %mul3A_732 = vector.broadcast %mul3A_731 : f32 to vector<16xf32>
          %mul3A_733 = arith.mulf %mul3A_732, %add3A_730 : vector<16xf32>
          %max3A_734 = arith.maximumf %add3A_730, %mul3A_733 : vector<16xf32>
          %add3A_735 = arith.addf %gather3A_720, %gather3A_724 : vector<16xf32>
          %slice3A_736 = vector.extract_strided_slice %get3A_92 {offsets = [14], sizes = [1], strides = [1]} : vector<16xf32> to vector<1xf32>
          %squeeze3A_737 = vector.extract %slice3A_736[0] : f32 from vector<1xf32>
          %mul3A_738 = vector.broadcast %squeeze3A_737 : f32 to vector<16xf32>
          %mul3A_739 = arith.mulf %get3A_48, %mul3A_738 : vector<16xf32>
          %add3A_740 = arith.addf %add3A_735, %mul3A_739 : vector<16xf32>
          %mul3A_741 = arith.constant 2.000000e-01 : f32
          %mul3A_742 = vector.broadcast %mul3A_741 : f32 to vector<16xf32>
          %mul3A_743 = arith.mulf %mul3A_742, %add3A_740 : vector<16xf32>
          %max3A_744 = arith.maximumf %add3A_740, %mul3A_743 : vector<16xf32>
          %slice3A_745 = vector.extract_strided_slice %get3A_94 {offsets = [14], sizes = [1], strides = [1]} : vector<16xf32> to vector<1xf32>
          %squeeze3A_746 = vector.extract %slice3A_745[0] : f32 from vector<1xf32>
          %mul3A_747 = vector.broadcast %squeeze3A_746 : f32 to vector<16xf32>
          %mul3A_748 = arith.mulf %max3A_734, %mul3A_747 : vector<16xf32>
          %add3A_749 = arith.addf %add3A_705, %mul3A_748 : vector<16xf32>
          %slice3A_750 = vector.extract_strided_slice %get3A_98 {offsets = [14], sizes = [1], strides = [1]} : vector<16xf32> to vector<1xf32>
          %squeeze3A_751 = vector.extract %slice3A_750[0] : f32 from vector<1xf32>
          %mul3A_752 = vector.broadcast %squeeze3A_751 : f32 to vector<16xf32>
          %mul3A_753 = arith.mulf %max3A_744, %mul3A_752 : vector<16xf32>
          %add3A_754 = arith.addf %add3A_710, %mul3A_753 : vector<16xf32>
          %add3A_755 = arith.constant 15 : i32
          %add3A_756 = arith.addi %mul3A_86, %add3A_755 : i32
          %add3A_757 = vector.broadcast %add3A_756 : i32 to vector<16xi32>
          %add3A_758 = arith.addi %broadcast_in_dim3A_3, %add3A_757 : vector<16xi32>
          %gather3A_759 = tpu.vector_load_idx %arg16[%add3A_45, %add3A_758] : memref<128x128xf32, #tpu.memory_space<vmem>>[vector<16xi32>, vector<16xi32>], vector<16xf32>,
          %gather3A_760 = tpu.vector_load_idx %arg17[%add3A_45, %add3A_758] : memref<128x128xf32, #tpu.memory_space<vmem>>[vector<16xi32>, vector<16xi32>], vector<16xf32>,
          %add3A_761 = arith.constant 64 : i32
          %add3A_762 = vector.broadcast %add3A_761 : i32 to vector<16xi32>
          %add3A_763 = arith.addi %add3A_758, %add3A_762 : vector<16xi32>
          %gather3A_764 = tpu.vector_load_idx %arg16[%add3A_45, %add3A_763] : memref<128x128xf32, #tpu.memory_space<vmem>>[vector<16xi32>, vector<16xi32>], vector<16xf32>,
          %add3A_765 = arith.constant 64 : i32
          %add3A_766 = vector.broadcast %add3A_765 : i32 to vector<16xi32>
          %add3A_767 = arith.addi %add3A_758, %add3A_766 : vector<16xi32>
          %gather3A_768 = tpu.vector_load_idx %arg17[%add3A_45, %add3A_767] : memref<128x128xf32, #tpu.memory_space<vmem>>[vector<16xi32>, vector<16xi32>], vector<16xf32>,
          %add3A_769 = arith.addf %gather3A_759, %gather3A_760 : vector<16xf32>
          %slice3A_770 = vector.extract_strided_slice %get3A_88 {offsets = [15], sizes = [1], strides = [1]} : vector<16xf32> to vector<1xf32>
          %squeeze3A_771 = vector.extract %slice3A_770[0] : f32 from vector<1xf32>
          %mul3A_772 = vector.broadcast %squeeze3A_771 : f32 to vector<16xf32>
          %mul3A_773 = arith.mulf %get3A_48, %mul3A_772 : vector<16xf32>
          %add3A_774 = arith.addf %add3A_769, %mul3A_773 : vector<16xf32>
          %mul3A_775 = arith.constant 2.000000e-01 : f32
          %mul3A_776 = vector.broadcast %mul3A_775 : f32 to vector<16xf32>
          %mul3A_777 = arith.mulf %mul3A_776, %add3A_774 : vector<16xf32>
          %max3A_778 = arith.maximumf %add3A_774, %mul3A_777 : vector<16xf32>
          %add3A_779 = arith.addf %gather3A_764, %gather3A_768 : vector<16xf32>
          %slice3A_780 = vector.extract_strided_slice %get3A_92 {offsets = [15], sizes = [1], strides = [1]} : vector<16xf32> to vector<1xf32>
          %squeeze3A_781 = vector.extract %slice3A_780[0] : f32 from vector<1xf32>
          %mul3A_782 = vector.broadcast %squeeze3A_781 : f32 to vector<16xf32>
          %mul3A_783 = arith.mulf %get3A_48, %mul3A_782 : vector<16xf32>
          %add3A_784 = arith.addf %add3A_779, %mul3A_783 : vector<16xf32>
          %mul3A_785 = arith.constant 2.000000e-01 : f32
          %mul3A_786 = vector.broadcast %mul3A_785 : f32 to vector<16xf32>
          %mul3A_787 = arith.mulf %mul3A_786, %add3A_784 : vector<16xf32>
          %max3A_788 = arith.maximumf %add3A_784, %mul3A_787 : vector<16xf32>
          %slice3A_789 = vector.extract_strided_slice %get3A_94 {offsets = [15], sizes = [1], strides = [1]} : vector<16xf32> to vector<1xf32>
          %squeeze3A_790 = vector.extract %slice3A_789[0] : f32 from vector<1xf32>
          %mul3A_791 = vector.broadcast %squeeze3A_790 : f32 to vector<16xf32>
          %mul3A_792 = arith.mulf %max3A_778, %mul3A_791 : vector<16xf32>
          %add3A_793 = arith.addf %add3A_749, %mul3A_792 : vector<16xf32>
          %slice3A_794 = vector.extract_strided_slice %get3A_98 {offsets = [15], sizes = [1], strides = [1]} : vector<16xf32> to vector<1xf32>
          %squeeze3A_795 = vector.extract %slice3A_794[0] : f32 from vector<1xf32>
          %mul3A_796 = vector.broadcast %squeeze3A_795 : f32 to vector<16xf32>
          %mul3A_797 = arith.mulf %max3A_788, %mul3A_796 : vector<16xf32>
          %add3A_798 = arith.addf %add3A_754, %mul3A_797 : vector<16xf32>
          scf.yield %add3A_793, %add3A_798 : vector<16xf32>, vector<16xf32>
        }
        %scan3A_58 = arith.constant 4 : i32
        %mul3A_59 = arith.constant 16 : i32
        %mul3A_60 = arith.muli %scan3A_40, %mul3A_59 : i32
        %add3A_61 = arith.addi %add3A_21, %mul3A_60 : i32
        %add3A_62 = vector.broadcast %add3A_61 : i32 to vector<16xi32>
        %add3A_63 = arith.addi %add3A_62, %iota3A : vector<16xi32>
        %lt3A = arith.constant 330000 : i32
        %lt3A_64 = vector.broadcast %lt3A : i32 to vector<16xi32>
        %lt3A_65 = arith.cmpi slt, %add3A_63, %lt3A_64 : vector<16xi32>
        %exp3A = math.exp %scan3A_57#0 : vector<16xf32>
        %jit3A = arith.constant 0.000000e+00 : f32
        %broadcast_in_dim3A_66 = vector.broadcast %jit3A : f32 to vector<16xf32>
        %select_n3A = arith.select %lt3A_65, %exp3A, %broadcast_in_dim3A_66 : vector<16xi1>, vector<16xf32>
        %exp3A_67 = math.exp %scan3A_57#1 : vector<16xf32>
        %jit3A_68 = arith.constant 0.000000e+00 : f32
        %broadcast_in_dim3A_69 = vector.broadcast %jit3A_68 : f32 to vector<16xf32>
        %select_n3A_70 = arith.select %lt3A_65, %exp3A_67, %broadcast_in_dim3A_69 : vector<16xi1>, vector<16xf32>
        %mul3A_71 = arith.constant 16 : i32
        %mul3A_72 = arith.muli %scan3A_40, %mul3A_71 : i32
        %swap3A = arith.index_cast %mul3A_72 : i32 to index
        %swap3A_73 = tpu.vector_load %arg18[%swap3A] {strides = array<i32>} : memref<128xf32, #tpu.memory_space<vmem>>, vector<16xf32>,
        tpu.vector_store %arg18[%swap3A], %select_n3A {strides = array<i32>} : memref<128xf32, #tpu.memory_space<vmem>>, vector<16xf32>,
        %mul3A_74 = arith.constant 16 : i32
        %mul3A_75 = arith.muli %scan3A_40, %mul3A_74 : i32
        %swap3A_76 = arith.index_cast %mul3A_75 : i32 to index
        %swap3A_77 = tpu.vector_load %arg19[%swap3A_76] {strides = array<i32>} : memref<128xf32, #tpu.memory_space<vmem>>, vector<16xf32>,
        tpu.vector_store %arg19[%swap3A_76], %select_n3A_70 {strides = array<i32>} : memref<128xf32, #tpu.memory_space<vmem>>, vector<16xf32>,
        tpu.vector_store_idx %arg20[%add3A_45, %broadcast_in_dim3A_3], %select_n3A : memref<128x2xf32, #tpu.memory_space<vmem>>[vector<16xi32>, vector<16xi32>], vector<16xf32>,
        %add3A_78 = arith.constant 1 : i32
        %add3A_79 = vector.broadcast %add3A_78 : i32 to vector<16xi32>
        %add3A_80 = arith.addi %broadcast_in_dim3A_3, %add3A_79 : vector<16xi32>
        tpu.vector_store_idx %arg20[%add3A_45, %add3A_80], %select_n3A_70 : memref<128x2xf32, #tpu.memory_space<vmem>>[vector<16xi32>, vector<16xi32>], vector<16xf32>,
        %scan3A_81 = arith.constant 0 : i32
        scf.yield %scan3A_81 : i32
      }
      %scan3A_38 = arith.constant 8 : i32
      "tpu.region"() ({
        %run_scoped3A = tpu.sem_alloc : memref<!tpu.dma_semaphore, #tpu.memory_space<semaphore_mem>>
        %dma_start3A_40 = tpu.memref_slice %arg10[%add3A_21] : memref<331776xf32, #tpu.memory_space<hbm>> -> memref<128xf32, #tpu.memory_space<hbm>>
        %dma_start3A_41 = tpu.memref_slice %arg10[%add3A_21] : memref<331776xf32, #tpu.memory_space<hbm>> -> memref<128xf32, #tpu.memory_space<hbm>>
        tpu.enqueue_dma source(%arg18 : memref<128xf32, #tpu.memory_space<vmem>>) target(%dma_start3A_41 : memref<128xf32, #tpu.memory_space<hbm>>) target_semaphore(%run_scoped3A : memref<!tpu.dma_semaphore, #tpu.memory_space<semaphore_mem>>)
        %dma_wait3A_42 = tpu.memref_slice %arg10[%add3A_21] : memref<331776xf32, #tpu.memory_space<hbm>> -> memref<128xf32, #tpu.memory_space<hbm>>
        %dma_wait3A_43 = tpu.memref_slice %arg10[%add3A_21] : memref<331776xf32, #tpu.memory_space<hbm>> -> memref<128xf32, #tpu.memory_space<hbm>>
        tpu.wait_dma2 semaphore(%run_scoped3A : memref<!tpu.dma_semaphore, #tpu.memory_space<semaphore_mem>>) src(%arg18 : memref<128xf32, #tpu.memory_space<vmem>>) dst(%dma_wait3A_43 : memref<128xf32, #tpu.memory_space<hbm>>)
        tpu.yield
      }) : () -> ()
      "tpu.region"() ({
        %run_scoped3A = tpu.sem_alloc : memref<!tpu.dma_semaphore, #tpu.memory_space<semaphore_mem>>
        %dma_start3A_40 = tpu.memref_slice %arg11[%add3A_21] : memref<331776xf32, #tpu.memory_space<hbm>> -> memref<128xf32, #tpu.memory_space<hbm>>
        %dma_start3A_41 = tpu.memref_slice %arg11[%add3A_21] : memref<331776xf32, #tpu.memory_space<hbm>> -> memref<128xf32, #tpu.memory_space<hbm>>
        tpu.enqueue_dma source(%arg19 : memref<128xf32, #tpu.memory_space<vmem>>) target(%dma_start3A_41 : memref<128xf32, #tpu.memory_space<hbm>>) target_semaphore(%run_scoped3A : memref<!tpu.dma_semaphore, #tpu.memory_space<semaphore_mem>>)
        %dma_wait3A_42 = tpu.memref_slice %arg11[%add3A_21] : memref<331776xf32, #tpu.memory_space<hbm>> -> memref<128xf32, #tpu.memory_space<hbm>>
        %dma_wait3A_43 = tpu.memref_slice %arg11[%add3A_21] : memref<331776xf32, #tpu.memory_space<hbm>> -> memref<128xf32, #tpu.memory_space<hbm>>
        tpu.wait_dma2 semaphore(%run_scoped3A : memref<!tpu.dma_semaphore, #tpu.memory_space<semaphore_mem>>) src(%arg19 : memref<128xf32, #tpu.memory_space<vmem>>) dst(%dma_wait3A_43 : memref<128xf32, #tpu.memory_space<hbm>>)
        tpu.yield
      }) : () -> ()
      "tpu.region"() ({
        %run_scoped3A = tpu.sem_alloc : memref<!tpu.dma_semaphore, #tpu.memory_space<semaphore_mem>>
        %dma_start3A_40 = arith.constant 0 : i32
        %dma_start3A_41 = arith.constant 0 : i32
        %dma_start3A_42 = tpu.memref_slice %arg23[%dma_start3A_40, %dma_start3A_41] : memref<10240x2xf32, #tpu.memory_space<vmem_shared>> -> memref<10240x2xf32, #tpu.memory_space<vmem_shared>>
        tpu.enqueue_indirect_dma source(%arg20 : memref<128x2xf32, #tpu.memory_space<vmem>>) target(%dma_start3A_42 : memref<10240x2xf32, #tpu.memory_space<vmem_shared>>) offsets(%arg14 : memref<128xi32, #tpu.memory_space<vmem>>) semaphore(%run_scoped3A : memref<!tpu.dma_semaphore, #tpu.memory_space<semaphore_mem>>) {add = true}
        %dma_wait3A_43 = arith.constant 0 : i32
        %dma_wait3A_44 = arith.constant 0 : i32
        %dma_wait3A_45 = tpu.memref_slice %arg23[%dma_wait3A_43, %dma_wait3A_44] : memref<10240x2xf32, #tpu.memory_space<vmem_shared>> -> memref<10240x2xf32, #tpu.memory_space<vmem_shared>>
        tpu.wait_indirect_dma semaphore(%run_scoped3A : memref<!tpu.dma_semaphore, #tpu.memory_space<semaphore_mem>>) src(%arg20 : memref<128x2xf32, #tpu.memory_space<vmem>>) dst(%dma_wait3A_45 : memref<10240x2xf32, #tpu.memory_space<vmem_shared>>)
        tpu.yield
      }) : () -> ()
      %scan3A_39 = arith.constant 0 : i32
      scf.yield %scan3A_39 : i32
    }
    %scan3A_9 = arith.constant 81 : i32
    %barrier3A_10 = arith.constant 0 : index
    tpu.barrier barrier_id(%barrier3A_10)
    %mul3A_11 = arith.constant 640 : i32
    %mul3A_12 = arith.muli %arg1, %mul3A_11 : i32
    %mul3A_13 = arith.constant 640 : i32
    %mul3A_14 = arith.muli %arg1, %mul3A_13 : i32
    "tpu.region"() ({
      %run_scoped3A = tpu.sem_alloc : memref<!tpu.dma_semaphore, #tpu.memory_space<semaphore_mem>>
      %dma_start3A = arith.constant 0 : i32
      %dma_start3A_15 = tpu.memref_slice %arg12[%arg0, %mul3A_14, %dma_start3A] : memref<2x10240x2xf32, #tpu.memory_space<hbm>> -> memref<1x640x2xf32, #tpu.memory_space<hbm>>
      %dma_start3A_16 = tpu.memref_squeeze %dma_start3A_15 : memref<1x640x2xf32, #tpu.memory_space<hbm>> -> memref<640x2xf32, #tpu.memory_space<hbm>>
      %dma_start3A_17 = arith.constant 0 : i32
      %dma_start3A_18 = tpu.memref_slice %arg23[%mul3A_12, %dma_start3A_17] : memref<10240x2xf32, #tpu.memory_space<vmem_shared>> -> memref<640x2xf32, #tpu.memory_space<vmem_shared>>
      tpu.enqueue_dma source(%dma_start3A_18 : memref<640x2xf32, #tpu.memory_space<vmem_shared>>) target(%dma_start3A_16 : memref<640x2xf32, #tpu.memory_space<hbm>>) target_semaphore(%run_scoped3A : memref<!tpu.dma_semaphore, #tpu.memory_space<semaphore_mem>>)
      %dma_wait3A = arith.constant 0 : i32
      %dma_wait3A_19 = tpu.memref_slice %arg12[%arg0, %mul3A_14, %dma_wait3A] : memref<2x10240x2xf32, #tpu.memory_space<hbm>> -> memref<1x640x2xf32, #tpu.memory_space<hbm>>
      %dma_wait3A_20 = tpu.memref_squeeze %dma_wait3A_19 : memref<1x640x2xf32, #tpu.memory_space<hbm>> -> memref<640x2xf32, #tpu.memory_space<hbm>>
      %dma_wait3A_21 = arith.constant 0 : i32
      %dma_wait3A_22 = tpu.memref_slice %arg23[%mul3A_12, %dma_wait3A_21] : memref<10240x2xf32, #tpu.memory_space<vmem_shared>> -> memref<640x2xf32, #tpu.memory_space<vmem_shared>>
      tpu.wait_dma2 semaphore(%run_scoped3A : memref<!tpu.dma_semaphore, #tpu.memory_space<semaphore_mem>>) src(%dma_wait3A_22 : memref<640x2xf32, #tpu.memory_space<vmem_shared>>) dst(%dma_wait3A_20 : memref<640x2xf32, #tpu.memory_space<hbm>>)
      tpu.yield
    }) : () -> ()
    return
  }
}

#map = affine_map<(d0, d1) -> (0, 0)>
#map1 = affine_map<(d0, d1) -> (0)>
#map2 = affine_map<(d0, d1) -> (0, 0, 0)>
module attributes {stable_mosaic.version = 14 : i64} {
  func.func @_sc_pass_b(%arg0: i32, %arg1: i32, %arg2: memref<163840x8xf32, #tpu.memory_space<hbm>>, %arg3: memref<331776xi32, #tpu.memory_space<hbm>>, %arg4: memref<331776xi32, #tpu.memory_space<hbm>>, %arg5: memref<331776xf32, #tpu.memory_space<hbm>>, %arg6: memref<331776xf32, #tpu.memory_space<hbm>>, %arg7: memref<10240x2xf32, #tpu.memory_space<hbm>>, %arg8: memref<10240x8xf32, #tpu.memory_space<hbm>>, %arg9: memref<2x10240x128xf32, #tpu.memory_space<hbm>>, %arg10: memref<10368xi32, #tpu.memory_space<vmem>>, %arg11: memref<10368xi32, #tpu.memory_space<vmem>>, %arg12: memref<10368xf32, #tpu.memory_space<vmem>>, %arg13: memref<10368xf32, #tpu.memory_space<vmem>>, %arg14: memref<128x8xf32, #tpu.memory_space<vmem>>, %arg15: memref<128x8xf32, #tpu.memory_space<vmem>>, %arg16: memref<10240x2xf32, #tpu.memory_space<vmem>>, %arg17: memref<10240x8xf32, #tpu.memory_space<vmem_shared>>, %arg18: memref<!tpu.dma_semaphore, #tpu.memory_space<semaphore_mem>>, %arg19: memref<128xi32, #tpu.memory_space<vmem>>) attributes {dimension_semantics = [#tpu.dimension_semantics<core_parallel>, #tpu.dimension_semantics<subcore_parallel>], iteration_bounds = array<i64: 2, 16>, scalar_prefetch = 0 : i64, scratch_operands = 10 : i64, tpu.core_type = #tpu.core_type<sc_vector_subcore>, window_params = [{transform_indices = #map}, {transform_indices = #map1}, {transform_indices = #map1}, {transform_indices = #map1}, {transform_indices = #map1}, {transform_indices = #map}, {transform_indices = #map}, {transform_indices = #map2}]} {
    %mul3A = arith.constant 2 : i32
    %mul3A_0 = arith.muli %arg1, %mul3A : i32
    %add3A = arith.addi %mul3A_0, %arg0 : i32
    "tpu.region"() ({
      %run_scoped3A = tpu.sem_alloc : memref<!tpu.dma_semaphore, #tpu.memory_space<semaphore_mem>>
      tpu.enqueue_dma source(%arg7 : memref<10240x2xf32, #tpu.memory_space<hbm>>) target(%arg16 : memref<10240x2xf32, #tpu.memory_space<vmem>>) target_semaphore(%run_scoped3A : memref<!tpu.dma_semaphore, #tpu.memory_space<semaphore_mem>>)
      tpu.wait_dma2 semaphore(%run_scoped3A : memref<!tpu.dma_semaphore, #tpu.memory_space<semaphore_mem>>) src(%arg7 : memref<10240x2xf32, #tpu.memory_space<hbm>>) dst(%arg16 : memref<10240x2xf32, #tpu.memory_space<vmem>>)
      tpu.yield
    }) : () -> ()
    %mul3A_1 = arith.constant 10368 : i32
    %mul3A_2 = arith.muli %add3A, %mul3A_1 : i32
    "tpu.region"() ({
      %run_scoped3A = tpu.sem_alloc : memref<!tpu.dma_semaphore, #tpu.memory_space<semaphore_mem>>
      %dma_start3A = tpu.memref_slice %arg3[%mul3A_2] : memref<331776xi32, #tpu.memory_space<hbm>> -> memref<10368xi32, #tpu.memory_space<hbm>>
      %dma_start3A_10 = tpu.memref_slice %arg3[%mul3A_2] : memref<331776xi32, #tpu.memory_space<hbm>> -> memref<10368xi32, #tpu.memory_space<hbm>>
      tpu.enqueue_dma source(%dma_start3A_10 : memref<10368xi32, #tpu.memory_space<hbm>>) target(%arg10 : memref<10368xi32, #tpu.memory_space<vmem>>) target_semaphore(%run_scoped3A : memref<!tpu.dma_semaphore, #tpu.memory_space<semaphore_mem>>)
      %dma_wait3A = tpu.memref_slice %arg3[%mul3A_2] : memref<331776xi32, #tpu.memory_space<hbm>> -> memref<10368xi32, #tpu.memory_space<hbm>>
      %dma_wait3A_11 = tpu.memref_slice %arg3[%mul3A_2] : memref<331776xi32, #tpu.memory_space<hbm>> -> memref<10368xi32, #tpu.memory_space<hbm>>
      tpu.wait_dma2 semaphore(%run_scoped3A : memref<!tpu.dma_semaphore, #tpu.memory_space<semaphore_mem>>) src(%dma_wait3A_11 : memref<10368xi32, #tpu.memory_space<hbm>>) dst(%arg10 : memref<10368xi32, #tpu.memory_space<vmem>>)
      tpu.yield
    }) : () -> ()
    "tpu.region"() ({
      %run_scoped3A = tpu.sem_alloc : memref<!tpu.dma_semaphore, #tpu.memory_space<semaphore_mem>>
      %dma_start3A = tpu.memref_slice %arg4[%mul3A_2] : memref<331776xi32, #tpu.memory_space<hbm>> -> memref<10368xi32, #tpu.memory_space<hbm>>
      %dma_start3A_10 = tpu.memref_slice %arg4[%mul3A_2] : memref<331776xi32, #tpu.memory_space<hbm>> -> memref<10368xi32, #tpu.memory_space<hbm>>
      tpu.enqueue_dma source(%dma_start3A_10 : memref<10368xi32, #tpu.memory_space<hbm>>) target(%arg11 : memref<10368xi32, #tpu.memory_space<vmem>>) target_semaphore(%run_scoped3A : memref<!tpu.dma_semaphore, #tpu.memory_space<semaphore_mem>>)
      %dma_wait3A = tpu.memref_slice %arg4[%mul3A_2] : memref<331776xi32, #tpu.memory_space<hbm>> -> memref<10368xi32, #tpu.memory_space<hbm>>
      %dma_wait3A_11 = tpu.memref_slice %arg4[%mul3A_2] : memref<331776xi32, #tpu.memory_space<hbm>> -> memref<10368xi32, #tpu.memory_space<hbm>>
      tpu.wait_dma2 semaphore(%run_scoped3A : memref<!tpu.dma_semaphore, #tpu.memory_space<semaphore_mem>>) src(%dma_wait3A_11 : memref<10368xi32, #tpu.memory_space<hbm>>) dst(%arg11 : memref<10368xi32, #tpu.memory_space<vmem>>)
      tpu.yield
    }) : () -> ()
    "tpu.region"() ({
      %run_scoped3A = tpu.sem_alloc : memref<!tpu.dma_semaphore, #tpu.memory_space<semaphore_mem>>
      %dma_start3A = tpu.memref_slice %arg5[%mul3A_2] : memref<331776xf32, #tpu.memory_space<hbm>> -> memref<10368xf32, #tpu.memory_space<hbm>>
      %dma_start3A_10 = tpu.memref_slice %arg5[%mul3A_2] : memref<331776xf32, #tpu.memory_space<hbm>> -> memref<10368xf32, #tpu.memory_space<hbm>>
      tpu.enqueue_dma source(%dma_start3A_10 : memref<10368xf32, #tpu.memory_space<hbm>>) target(%arg12 : memref<10368xf32, #tpu.memory_space<vmem>>) target_semaphore(%run_scoped3A : memref<!tpu.dma_semaphore, #tpu.memory_space<semaphore_mem>>)
      %dma_wait3A = tpu.memref_slice %arg5[%mul3A_2] : memref<331776xf32, #tpu.memory_space<hbm>> -> memref<10368xf32, #tpu.memory_space<hbm>>
      %dma_wait3A_11 = tpu.memref_slice %arg5[%mul3A_2] : memref<331776xf32, #tpu.memory_space<hbm>> -> memref<10368xf32, #tpu.memory_space<hbm>>
      tpu.wait_dma2 semaphore(%run_scoped3A : memref<!tpu.dma_semaphore, #tpu.memory_space<semaphore_mem>>) src(%dma_wait3A_11 : memref<10368xf32, #tpu.memory_space<hbm>>) dst(%arg12 : memref<10368xf32, #tpu.memory_space<vmem>>)
      tpu.yield
    }) : () -> ()
    "tpu.region"() ({
      %run_scoped3A = tpu.sem_alloc : memref<!tpu.dma_semaphore, #tpu.memory_space<semaphore_mem>>
      %dma_start3A = tpu.memref_slice %arg6[%mul3A_2] : memref<331776xf32, #tpu.memory_space<hbm>> -> memref<10368xf32, #tpu.memory_space<hbm>>
      %dma_start3A_10 = tpu.memref_slice %arg6[%mul3A_2] : memref<331776xf32, #tpu.memory_space<hbm>> -> memref<10368xf32, #tpu.memory_space<hbm>>
      tpu.enqueue_dma source(%dma_start3A_10 : memref<10368xf32, #tpu.memory_space<hbm>>) target(%arg13 : memref<10368xf32, #tpu.memory_space<vmem>>) target_semaphore(%run_scoped3A : memref<!tpu.dma_semaphore, #tpu.memory_space<semaphore_mem>>)
      %dma_wait3A = tpu.memref_slice %arg6[%mul3A_2] : memref<331776xf32, #tpu.memory_space<hbm>> -> memref<10368xf32, #tpu.memory_space<hbm>>
      %dma_wait3A_11 = tpu.memref_slice %arg6[%mul3A_2] : memref<331776xf32, #tpu.memory_space<hbm>> -> memref<10368xf32, #tpu.memory_space<hbm>>
      tpu.wait_dma2 semaphore(%run_scoped3A : memref<!tpu.dma_semaphore, #tpu.memory_space<semaphore_mem>>) src(%dma_wait3A_11 : memref<10368xf32, #tpu.memory_space<hbm>>) dst(%arg13 : memref<10368xf32, #tpu.memory_space<vmem>>)
      tpu.yield
    }) : () -> ()
    %iota3A = tpu.iota {dimensions = array<i32: 0>} : vector<16xi32>
    %broadcast_in_dim3A = arith.constant 0 : i32
    %broadcast_in_dim3A_3 = vector.broadcast %broadcast_in_dim3A : i32 to vector<16xi32>
    %scan3A = arith.constant 0 : i32
    %scan3A_4 = arith.constant 0 : i32
    %scan3A_5 = arith.constant 16 : i32
    %scan3A_6 = arith.addi %scan3A_4, %scan3A_5 : i32
    %scan3A_7 = arith.constant 1 : i32
    %scan3A_8 = scf.for %scan3A_10 = %scan3A_4 to %scan3A_6 step %scan3A_7 iter_args(%scan3A_11 = %scan3A) -> (i32)  : i32 {
      %eq3A = arith.constant 0 : i32
      %eq3A_12 = arith.cmpi eq, %arg1, %eq3A : i32
      %convert_element_type3A = arith.extui %eq3A_12 : i1 to i32
      %cond3A = arith.constant 0 : i32
      %cond3A_13 = arith.cmpi ne, %convert_element_type3A, %cond3A : i32
      scf.if %cond3A_13 {
        "tpu.region"() ({
          %run_scoped3A = tpu.sem_alloc : memref<!tpu.dma_semaphore, #tpu.memory_space<semaphore_mem>>
          tpu.enqueue_dma source(%arg8 : memref<10240x8xf32, #tpu.memory_space<hbm>>) target(%arg17 : memref<10240x8xf32, #tpu.memory_space<vmem_shared>>) target_semaphore(%run_scoped3A : memref<!tpu.dma_semaphore, #tpu.memory_space<semaphore_mem>>)
          tpu.wait_dma2 semaphore(%run_scoped3A : memref<!tpu.dma_semaphore, #tpu.memory_space<semaphore_mem>>) src(%arg8 : memref<10240x8xf32, #tpu.memory_space<hbm>>) dst(%arg17 : memref<10240x8xf32, #tpu.memory_space<vmem_shared>>)
          tpu.yield
        }) : () -> ()
      } else {
      }
      %barrier3A = arith.constant 0 : index
      tpu.barrier barrier_id(%barrier3A)
      %scan3A_14 = arith.constant 0 : i32
      %scan3A_15 = arith.constant 0 : i32
      %scan3A_16 = arith.constant 81 : i32
      %scan3A_17 = arith.addi %scan3A_15, %scan3A_16 : i32
      %scan3A_18 = arith.constant 1 : i32
      %scan3A_19 = scf.for %scan3A_30 = %scan3A_15 to %scan3A_17 step %scan3A_18 iter_args(%scan3A_31 = %scan3A_14) -> (i32)  : i32 {
        %mul3A_32 = arith.constant 128 : i32
        %mul3A_33 = arith.muli %scan3A_30, %mul3A_32 : i32
        %scan3A_34 = arith.constant 0 : i32
        %scan3A_35 = arith.constant 0 : i32
        %scan3A_36 = arith.constant 8 : i32
        %scan3A_37 = arith.addi %scan3A_35, %scan3A_36 : i32
        %scan3A_38 = arith.constant 1 : i32
        %scan3A_39 = scf.for %scan3A_53 = %scan3A_35 to %scan3A_37 step %scan3A_38 iter_args(%scan3A_54 = %scan3A_34) -> (i32)  : i32 {
          %mul3A_55 = arith.constant 16 : i32
          %mul3A_56 = arith.muli %scan3A_53, %mul3A_55 : i32
          %add3A_57 = arith.addi %mul3A_33, %mul3A_56 : i32
          %get3A = arith.index_cast %add3A_57 : i32 to index
          %get3A_58 = tpu.vector_load %arg10[%get3A] {strides = array<i32>} : memref<10368xi32, #tpu.memory_space<vmem>>, vector<16xi32>,
          %mul3A_59 = arith.constant 10240 : i32
          %mul3A_60 = arith.muli %scan3A_10, %mul3A_59 : i32
          %add3A_61 = vector.broadcast %mul3A_60 : i32 to vector<16xi32>
          %add3A_62 = arith.addi %get3A_58, %add3A_61 : vector<16xi32>
          %mul3A_63 = arith.constant 16 : i32
          %mul3A_64 = arith.muli %scan3A_53, %mul3A_63 : i32
          %swap3A = arith.index_cast %mul3A_64 : i32 to index
          %swap3A_65 = tpu.vector_load %arg19[%swap3A] {strides = array<i32>} : memref<128xi32, #tpu.memory_space<vmem>>, vector<16xi32>,
          tpu.vector_store %arg19[%swap3A], %add3A_62 {strides = array<i32>} : memref<128xi32, #tpu.memory_space<vmem>>, vector<16xi32>,
          %scan3A_66 = arith.constant 0 : i32
          scf.yield %scan3A_66 : i32
        }
        %scan3A_40 = arith.constant 8 : i32
        %dma_start3A = arith.constant 0 : i32
        %dma_start3A_41 = arith.constant 0 : i32
        %dma_start3A_42 = tpu.memref_slice %arg2[%dma_start3A, %dma_start3A_41] : memref<163840x8xf32, #tpu.memory_space<hbm>> -> memref<163840x8xf32, #tpu.memory_space<hbm>>
        tpu.enqueue_indirect_dma source(%dma_start3A_42 : memref<163840x8xf32, #tpu.memory_space<hbm>>) target(%arg14 : memref<128x8xf32, #tpu.memory_space<vmem>>) offsets(%arg19 : memref<128xi32, #tpu.memory_space<vmem>>) semaphore(%arg18 : memref<!tpu.dma_semaphore, #tpu.memory_space<semaphore_mem>>)
        %dma_wait3A = arith.constant 0 : i32
        %dma_wait3A_43 = arith.constant 0 : i32
        %dma_wait3A_44 = tpu.memref_slice %arg2[%dma_wait3A, %dma_wait3A_43] : memref<163840x8xf32, #tpu.memory_space<hbm>> -> memref<163840x8xf32, #tpu.memory_space<hbm>>
        tpu.wait_indirect_dma semaphore(%arg18 : memref<!tpu.dma_semaphore, #tpu.memory_space<semaphore_mem>>) src(%dma_wait3A_44 : memref<163840x8xf32, #tpu.memory_space<hbm>>) dst(%arg14 : memref<128x8xf32, #tpu.memory_space<vmem>>)
        %scan3A_45 = arith.constant 0 : i32
        %scan3A_46 = arith.constant 0 : i32
        %scan3A_47 = arith.constant 8 : i32
        %scan3A_48 = arith.addi %scan3A_46, %scan3A_47 : i32
        %scan3A_49 = arith.constant 1 : i32
        %scan3A_50 = scf.for %scan3A_53 = %scan3A_46 to %scan3A_48 step %scan3A_49 iter_args(%scan3A_54 = %scan3A_45) -> (i32)  : i32 {
          %mul3A_55 = arith.constant 16 : i32
          %mul3A_56 = arith.muli %scan3A_53, %mul3A_55 : i32
          %add3A_57 = vector.broadcast %mul3A_56 : i32 to vector<16xi32>
          %add3A_58 = arith.addi %add3A_57, %iota3A : vector<16xi32>
          %mul3A_59 = arith.constant 16 : i32
          %mul3A_60 = arith.muli %scan3A_53, %mul3A_59 : i32
          %add3A_61 = arith.addi %mul3A_33, %mul3A_60 : i32
          %get3A = arith.index_cast %add3A_61 : i32 to index
          %get3A_62 = tpu.vector_load %arg11[%get3A] {strides = array<i32>} : memref<10368xi32, #tpu.memory_space<vmem>>, vector<16xi32>,
          %get3A_63 = arith.index_cast %add3A_61 : i32 to index
          %get3A_64 = tpu.vector_load %arg12[%get3A_63] {strides = array<i32>} : memref<10368xf32, #tpu.memory_space<vmem>>, vector<16xf32>,
          %gather3A = tpu.vector_load_idx %arg16[%get3A_62, %broadcast_in_dim3A_3] : memref<10240x2xf32, #tpu.memory_space<vmem>>[vector<16xi32>, vector<16xi32>], vector<16xf32>,
          %mul3A_65 = arith.mulf %get3A_64, %gather3A : vector<16xf32>
          %get3A_66 = arith.index_cast %add3A_61 : i32 to index
          %get3A_67 = tpu.vector_load %arg13[%get3A_66] {strides = array<i32>} : memref<10368xf32, #tpu.memory_space<vmem>>, vector<16xf32>,
          %add3A_68 = arith.constant 1 : i32
          %add3A_69 = vector.broadcast %add3A_68 : i32 to vector<16xi32>
          %add3A_70 = arith.addi %broadcast_in_dim3A_3, %add3A_69 : vector<16xi32>
          %gather3A_71 = tpu.vector_load_idx %arg16[%get3A_62, %add3A_70] : memref<10240x2xf32, #tpu.memory_space<vmem>>[vector<16xi32>, vector<16xi32>], vector<16xf32>,
          %mul3A_72 = arith.mulf %get3A_67, %gather3A_71 : vector<16xf32>
          %lt3A = arith.constant 8 : i32
          %lt3A_73 = arith.cmpi slt, %scan3A_10, %lt3A : i32
          %select_n3A = arith.select %lt3A_73, %mul3A_65, %mul3A_72 : vector<16xf32>
          %add3A_74 = arith.constant 0 : i32
          %add3A_75 = vector.broadcast %add3A_74 : i32 to vector<16xi32>
          %add3A_76 = arith.addi %broadcast_in_dim3A_3, %add3A_75 : vector<16xi32>
          %gather3A_77 = tpu.vector_load_idx %arg14[%add3A_58, %add3A_76] : memref<128x8xf32, #tpu.memory_space<vmem>>[vector<16xi32>, vector<16xi32>], vector<16xf32>,
          %mul3A_78 = arith.mulf %gather3A_77, %select_n3A : vector<16xf32>
          tpu.vector_store_idx %arg15[%add3A_58, %add3A_76], %mul3A_78 : memref<128x8xf32, #tpu.memory_space<vmem>>[vector<16xi32>, vector<16xi32>], vector<16xf32>,
          %add3A_79 = arith.constant 1 : i32
          %add3A_80 = vector.broadcast %add3A_79 : i32 to vector<16xi32>
          %add3A_81 = arith.addi %broadcast_in_dim3A_3, %add3A_80 : vector<16xi32>
          %gather3A_82 = tpu.vector_load_idx %arg14[%add3A_58, %add3A_81] : memref<128x8xf32, #tpu.memory_space<vmem>>[vector<16xi32>, vector<16xi32>], vector<16xf32>,
          %mul3A_83 = arith.mulf %gather3A_82, %select_n3A : vector<16xf32>
          tpu.vector_store_idx %arg15[%add3A_58, %add3A_81], %mul3A_83 : memref<128x8xf32, #tpu.memory_space<vmem>>[vector<16xi32>, vector<16xi32>], vector<16xf32>,
          %add3A_84 = arith.constant 2 : i32
          %add3A_85 = vector.broadcast %add3A_84 : i32 to vector<16xi32>
          %add3A_86 = arith.addi %broadcast_in_dim3A_3, %add3A_85 : vector<16xi32>
          %gather3A_87 = tpu.vector_load_idx %arg14[%add3A_58, %add3A_86] : memref<128x8xf32, #tpu.memory_space<vmem>>[vector<16xi32>, vector<16xi32>], vector<16xf32>,
          %mul3A_88 = arith.mulf %gather3A_87, %select_n3A : vector<16xf32>
          tpu.vector_store_idx %arg15[%add3A_58, %add3A_86], %mul3A_88 : memref<128x8xf32, #tpu.memory_space<vmem>>[vector<16xi32>, vector<16xi32>], vector<16xf32>,
          %add3A_89 = arith.constant 3 : i32
          %add3A_90 = vector.broadcast %add3A_89 : i32 to vector<16xi32>
          %add3A_91 = arith.addi %broadcast_in_dim3A_3, %add3A_90 : vector<16xi32>
          %gather3A_92 = tpu.vector_load_idx %arg14[%add3A_58, %add3A_91] : memref<128x8xf32, #tpu.memory_space<vmem>>[vector<16xi32>, vector<16xi32>], vector<16xf32>,
          %mul3A_93 = arith.mulf %gather3A_92, %select_n3A : vector<16xf32>
          tpu.vector_store_idx %arg15[%add3A_58, %add3A_91], %mul3A_93 : memref<128x8xf32, #tpu.memory_space<vmem>>[vector<16xi32>, vector<16xi32>], vector<16xf32>,
          %add3A_94 = arith.constant 4 : i32
          %add3A_95 = vector.broadcast %add3A_94 : i32 to vector<16xi32>
          %add3A_96 = arith.addi %broadcast_in_dim3A_3, %add3A_95 : vector<16xi32>
          %gather3A_97 = tpu.vector_load_idx %arg14[%add3A_58, %add3A_96] : memref<128x8xf32, #tpu.memory_space<vmem>>[vector<16xi32>, vector<16xi32>], vector<16xf32>,
          %mul3A_98 = arith.mulf %gather3A_97, %select_n3A : vector<16xf32>
          tpu.vector_store_idx %arg15[%add3A_58, %add3A_96], %mul3A_98 : memref<128x8xf32, #tpu.memory_space<vmem>>[vector<16xi32>, vector<16xi32>], vector<16xf32>,
          %add3A_99 = arith.constant 5 : i32
          %add3A_100 = vector.broadcast %add3A_99 : i32 to vector<16xi32>
          %add3A_101 = arith.addi %broadcast_in_dim3A_3, %add3A_100 : vector<16xi32>
          %gather3A_102 = tpu.vector_load_idx %arg14[%add3A_58, %add3A_101] : memref<128x8xf32, #tpu.memory_space<vmem>>[vector<16xi32>, vector<16xi32>], vector<16xf32>,
          %mul3A_103 = arith.mulf %gather3A_102, %select_n3A : vector<16xf32>
          tpu.vector_store_idx %arg15[%add3A_58, %add3A_101], %mul3A_103 : memref<128x8xf32, #tpu.memory_space<vmem>>[vector<16xi32>, vector<16xi32>], vector<16xf32>,
          %add3A_104 = arith.constant 6 : i32
          %add3A_105 = vector.broadcast %add3A_104 : i32 to vector<16xi32>
          %add3A_106 = arith.addi %broadcast_in_dim3A_3, %add3A_105 : vector<16xi32>
          %gather3A_107 = tpu.vector_load_idx %arg14[%add3A_58, %add3A_106] : memref<128x8xf32, #tpu.memory_space<vmem>>[vector<16xi32>, vector<16xi32>], vector<16xf32>,
          %mul3A_108 = arith.mulf %gather3A_107, %select_n3A : vector<16xf32>
          tpu.vector_store_idx %arg15[%add3A_58, %add3A_106], %mul3A_108 : memref<128x8xf32, #tpu.memory_space<vmem>>[vector<16xi32>, vector<16xi32>], vector<16xf32>,
          %add3A_109 = arith.constant 7 : i32
          %add3A_110 = vector.broadcast %add3A_109 : i32 to vector<16xi32>
          %add3A_111 = arith.addi %broadcast_in_dim3A_3, %add3A_110 : vector<16xi32>
          %gather3A_112 = tpu.vector_load_idx %arg14[%add3A_58, %add3A_111] : memref<128x8xf32, #tpu.memory_space<vmem>>[vector<16xi32>, vector<16xi32>], vector<16xf32>,
          %mul3A_113 = arith.mulf %gather3A_112, %select_n3A : vector<16xf32>
          tpu.vector_store_idx %arg15[%add3A_58, %add3A_111], %mul3A_113 : memref<128x8xf32, #tpu.memory_space<vmem>>[vector<16xi32>, vector<16xi32>], vector<16xf32>,
          %scan3A_114 = arith.constant 0 : i32
          scf.yield %scan3A_114 : i32
        }
        %scan3A_51 = arith.constant 8 : i32
        "tpu.region"() ({
          %run_scoped3A = tpu.sem_alloc : memref<!tpu.dma_semaphore, #tpu.memory_space<semaphore_mem>>
          %dma_start3A_53 = tpu.memref_slice %arg11[%mul3A_33] : memref<10368xi32, #tpu.memory_space<vmem>> -> memref<128xi32, #tpu.memory_space<vmem>>
          %dma_start3A_54 = arith.constant 0 : i32
          %dma_start3A_55 = arith.constant 0 : i32
          %dma_start3A_56 = tpu.memref_slice %arg17[%dma_start3A_54, %dma_start3A_55] : memref<10240x8xf32, #tpu.memory_space<vmem_shared>> -> memref<10240x8xf32, #tpu.memory_space<vmem_shared>>
          tpu.enqueue_indirect_dma source(%arg15 : memref<128x8xf32, #tpu.memory_space<vmem>>) target(%dma_start3A_56 : memref<10240x8xf32, #tpu.memory_space<vmem_shared>>) offsets(%dma_start3A_53 : memref<128xi32, #tpu.memory_space<vmem>>) semaphore(%run_scoped3A : memref<!tpu.dma_semaphore, #tpu.memory_space<semaphore_mem>>) {add = true}
          %dma_wait3A_57 = tpu.memref_slice %arg11[%mul3A_33] : memref<10368xi32, #tpu.memory_space<vmem>> -> memref<128xi32, #tpu.memory_space<vmem>>
          %dma_wait3A_58 = arith.constant 0 : i32
          %dma_wait3A_59 = arith.constant 0 : i32
          %dma_wait3A_60 = tpu.memref_slice %arg17[%dma_wait3A_58, %dma_wait3A_59] : memref<10240x8xf32, #tpu.memory_space<vmem_shared>> -> memref<10240x8xf32, #tpu.memory_space<vmem_shared>>
          tpu.wait_indirect_dma semaphore(%run_scoped3A : memref<!tpu.dma_semaphore, #tpu.memory_space<semaphore_mem>>) src(%arg15 : memref<128x8xf32, #tpu.memory_space<vmem>>) dst(%dma_wait3A_60 : memref<10240x8xf32, #tpu.memory_space<vmem_shared>>)
          tpu.yield
        }) : () -> ()
        %scan3A_52 = arith.constant 0 : i32
        scf.yield %scan3A_52 : i32
      }
      %scan3A_20 = arith.constant 81 : i32
      %barrier3A_21 = arith.constant 0 : index
      tpu.barrier barrier_id(%barrier3A_21)
      %mul3A_22 = arith.constant 640 : i32
      %mul3A_23 = arith.muli %arg1, %mul3A_22 : i32
      %mul3A_24 = arith.constant 640 : i32
      %mul3A_25 = arith.muli %arg1, %mul3A_24 : i32
      %mul3A_26 = arith.constant 8 : i32
      %mul3A_27 = arith.muli %scan3A_10, %mul3A_26 : i32
      "tpu.region"() ({
        %run_scoped3A = tpu.sem_alloc : memref<!tpu.dma_semaphore, #tpu.memory_space<semaphore_mem>>
        %dma_start3A = tpu.memref_slice %arg9[%arg0, %mul3A_25, %mul3A_27] : memref<2x10240x128xf32, #tpu.memory_space<hbm>> -> memref<1x640x8xf32, #tpu.memory_space<hbm>>
        %dma_start3A_30 = tpu.memref_squeeze %dma_start3A : memref<1x640x8xf32, #tpu.memory_space<hbm>> -> memref<640x8xf32, #tpu.memory_space<hbm>>
        %dma_start3A_31 = arith.constant 0 : i32
        %dma_start3A_32 = tpu.memref_slice %arg17[%mul3A_23, %dma_start3A_31] : memref<10240x8xf32, #tpu.memory_space<vmem_shared>> -> memref<640x8xf32, #tpu.memory_space<vmem_shared>>
        tpu.enqueue_dma source(%dma_start3A_32 : memref<640x8xf32, #tpu.memory_space<vmem_shared>>) target(%dma_start3A_30 : memref<640x8xf32, #tpu.memory_space<hbm>>) target_semaphore(%run_scoped3A : memref<!tpu.dma_semaphore, #tpu.memory_space<semaphore_mem>>)
        %dma_wait3A = tpu.memref_slice %arg9[%arg0, %mul3A_25, %mul3A_27] : memref<2x10240x128xf32, #tpu.memory_space<hbm>> -> memref<1x640x8xf32, #tpu.memory_space<hbm>>
        %dma_wait3A_33 = tpu.memref_squeeze %dma_wait3A : memref<1x640x8xf32, #tpu.memory_space<hbm>> -> memref<640x8xf32, #tpu.memory_space<hbm>>
        %dma_wait3A_34 = arith.constant 0 : i32
        %dma_wait3A_35 = tpu.memref_slice %arg17[%mul3A_23, %dma_wait3A_34] : memref<10240x8xf32, #tpu.memory_space<vmem_shared>> -> memref<640x8xf32, #tpu.memory_space<vmem_shared>>
        tpu.wait_dma2 semaphore(%run_scoped3A : memref<!tpu.dma_semaphore, #tpu.memory_space<semaphore_mem>>) src(%dma_wait3A_35 : memref<640x8xf32, #tpu.memory_space<vmem_shared>>) dst(%dma_wait3A_33 : memref<640x8xf32, #tpu.memory_space<hbm>>)
        tpu.yield
      }) : () -> ()
      %barrier3A_28 = arith.constant 0 : index
      tpu.barrier barrier_id(%barrier3A_28)
      %scan3A_29 = arith.constant 0 : i32
      scf.yield %scan3A_29 : i32
    }
    %scan3A_9 = arith.constant 16 : i32
    return
  }
}

#map = affine_map<(d0, d1) -> (0, 0)>
#map1 = affine_map<(d0, d1) -> (0)>
#map2 = affine_map<(d0, d1) -> (0, 0, 0)>
module attributes {stable_mosaic.version = 14 : i64} {
  func.func @_sc_pass_a(%arg0: i32, %arg1: i32, %arg2: memref<10240x128xf32, #tpu.memory_space<hbm>>, %arg3: memref<10240x128xf32, #tpu.memory_space<hbm>>, %arg4: memref<331776xi32, #tpu.memory_space<hbm>>, %arg5: memref<331776xi32, #tpu.memory_space<hbm>>, %arg6: memref<331776xf32, #tpu.memory_space<hbm>>, %arg7: memref<128xf32, #tpu.memory_space<hbm>>, %arg8: memref<128xf32, #tpu.memory_space<hbm>>, %arg9: memref<10240x2xf32, #tpu.memory_space<hbm>>, %arg10: memref<331776xf32, #tpu.memory_space<hbm>>, %arg11: memref<331776xf32, #tpu.memory_space<hbm>>, %arg12: memref<2x10240x2xf32, #tpu.memory_space<hbm>>, %arg13: memref<128xi32, #tpu.memory_space<vmem>>, %arg14: memref<128xi32, #tpu.memory_space<vmem>>, %arg15: memref<128xf32, #tpu.memory_space<vmem>>, %arg16: memref<128x128xf32, #tpu.memory_space<vmem>>, %arg17: memref<128x128xf32, #tpu.memory_space<vmem>>, %arg18: memref<128xf32, #tpu.memory_space<vmem>>, %arg19: memref<128xf32, #tpu.memory_space<vmem>>, %arg20: memref<128x2xf32, #tpu.memory_space<vmem>>, %arg21: memref<128xf32, #tpu.memory_space<vmem>>, %arg22: memref<128xf32, #tpu.memory_space<vmem>>, %arg23: memref<10240x2xf32, #tpu.memory_space<vmem_shared>>, %arg24: memref<!tpu.dma_semaphore, #tpu.memory_space<semaphore_mem>>) attributes {dimension_semantics = [#tpu.dimension_semantics<core_parallel>, #tpu.dimension_semantics<subcore_parallel>], iteration_bounds = array<i64: 2, 16>, scalar_prefetch = 0 : i64, scratch_operands = 12 : i64, tpu.core_type = #tpu.core_type<sc_vector_subcore>, window_params = [{transform_indices = #map}, {transform_indices = #map}, {transform_indices = #map1}, {transform_indices = #map1}, {transform_indices = #map1}, {transform_indices = #map1}, {transform_indices = #map1}, {transform_indices = #map}, {transform_indices = #map1}, {transform_indices = #map1}, {transform_indices = #map2}]} {
    %mul3A = arith.constant 2 : i32
    %mul3A_0 = arith.muli %arg1, %mul3A : i32
    %add3A = arith.addi %mul3A_0, %arg0 : i32
    "tpu.region"() ({
      %run_scoped3A = tpu.sem_alloc : memref<!tpu.dma_semaphore, #tpu.memory_space<semaphore_mem>>
      tpu.enqueue_dma source(%arg7 : memref<128xf32, #tpu.memory_space<hbm>>) target(%arg21 : memref<128xf32, #tpu.memory_space<vmem>>) target_semaphore(%run_scoped3A : memref<!tpu.dma_semaphore, #tpu.memory_space<semaphore_mem>>)
      tpu.wait_dma2 semaphore(%run_scoped3A : memref<!tpu.dma_semaphore, #tpu.memory_space<semaphore_mem>>) src(%arg7 : memref<128xf32, #tpu.memory_space<hbm>>) dst(%arg21 : memref<128xf32, #tpu.memory_space<vmem>>)
      tpu.yield
    }) : () -> ()
    "tpu.region"() ({
      %run_scoped3A = tpu.sem_alloc : memref<!tpu.dma_semaphore, #tpu.memory_space<semaphore_mem>>
      tpu.enqueue_dma source(%arg8 : memref<128xf32, #tpu.memory_space<hbm>>) target(%arg22 : memref<128xf32, #tpu.memory_space<vmem>>) target_semaphore(%run_scoped3A : memref<!tpu.dma_semaphore, #tpu.memory_space<semaphore_mem>>)
      tpu.wait_dma2 semaphore(%run_scoped3A : memref<!tpu.dma_semaphore, #tpu.memory_space<semaphore_mem>>) src(%arg8 : memref<128xf32, #tpu.memory_space<hbm>>) dst(%arg22 : memref<128xf32, #tpu.memory_space<vmem>>)
      tpu.yield
    }) : () -> ()
    %eq3A = arith.constant 0 : i32
    %eq3A_1 = arith.cmpi eq, %arg1, %eq3A : i32
    %convert_element_type3A = arith.extui %eq3A_1 : i1 to i32
    %cond3A = arith.constant 0 : i32
    %cond3A_2 = arith.cmpi ne, %convert_element_type3A, %cond3A : i32
    scf.if %cond3A_2 {
      "tpu.region"() ({
        %run_scoped3A = tpu.sem_alloc : memref<!tpu.dma_semaphore, #tpu.memory_space<semaphore_mem>>
        tpu.enqueue_dma source(%arg9 : memref<10240x2xf32, #tpu.memory_space<hbm>>) target(%arg23 : memref<10240x2xf32, #tpu.memory_space<vmem_shared>>) target_semaphore(%run_scoped3A : memref<!tpu.dma_semaphore, #tpu.memory_space<semaphore_mem>>)
        tpu.wait_dma2 semaphore(%run_scoped3A : memref<!tpu.dma_semaphore, #tpu.memory_space<semaphore_mem>>) src(%arg9 : memref<10240x2xf32, #tpu.memory_space<hbm>>) dst(%arg23 : memref<10240x2xf32, #tpu.memory_space<vmem_shared>>)
        tpu.yield
      }) : () -> ()
    } else {
    }
    %barrier3A = arith.constant 0 : index
    tpu.barrier barrier_id(%barrier3A)
    %iota3A = tpu.iota {dimensions = array<i32: 0>} : vector<16xi32>
    %broadcast_in_dim3A = arith.constant 0 : i32
    %broadcast_in_dim3A_3 = vector.broadcast %broadcast_in_dim3A : i32 to vector<16xi32>
    %scan3A = arith.constant 0 : i32
    %scan3A_4 = arith.constant 0 : i32
    %scan3A_5 = arith.constant 81 : i32
    %scan3A_6 = arith.addi %scan3A_4, %scan3A_5 : i32
    %scan3A_7 = arith.constant 1 : i32
    %scan3A_8 = scf.for %scan3A_15 = %scan3A_4 to %scan3A_6 step %scan3A_7 iter_args(%scan3A_16 = %scan3A) -> (i32)  : i32 {
      %mul3A_17 = arith.constant 10368 : i32
      %mul3A_18 = arith.muli %add3A, %mul3A_17 : i32
      %mul3A_19 = arith.constant 128 : i32
      %mul3A_20 = arith.muli %scan3A_15, %mul3A_19 : i32
      %add3A_21 = arith.addi %mul3A_18, %mul3A_20 : i32
      "tpu.region"() ({
        %run_scoped3A = tpu.sem_alloc : memref<!tpu.dma_semaphore, #tpu.memory_space<semaphore_mem>>
        %dma_start3A_40 = tpu.memref_slice %arg4[%add3A_21] : memref<331776xi32, #tpu.memory_space<hbm>> -> memref<128xi32, #tpu.memory_space<hbm>>
        %dma_start3A_41 = tpu.memref_slice %arg4[%add3A_21] : memref<331776xi32, #tpu.memory_space<hbm>> -> memref<128xi32, #tpu.memory_space<hbm>>
        tpu.enqueue_dma source(%dma_start3A_41 : memref<128xi32, #tpu.memory_space<hbm>>) target(%arg13 : memref<128xi32, #tpu.memory_space<vmem>>) target_semaphore(%run_scoped3A : memref<!tpu.dma_semaphore, #tpu.memory_space<semaphore_mem>>)
        %dma_wait3A_42 = tpu.memref_slice %arg4[%add3A_21] : memref<331776xi32, #tpu.memory_space<hbm>> -> memref<128xi32, #tpu.memory_space<hbm>>
        %dma_wait3A_43 = tpu.memref_slice %arg4[%add3A_21] : memref<331776xi32, #tpu.memory_space<hbm>> -> memref<128xi32, #tpu.memory_space<hbm>>
        tpu.wait_dma2 semaphore(%run_scoped3A : memref<!tpu.dma_semaphore, #tpu.memory_space<semaphore_mem>>) src(%dma_wait3A_43 : memref<128xi32, #tpu.memory_space<hbm>>) dst(%arg13 : memref<128xi32, #tpu.memory_space<vmem>>)
        tpu.yield
      }) : () -> ()
      "tpu.region"() ({
        %run_scoped3A = tpu.sem_alloc : memref<!tpu.dma_semaphore, #tpu.memory_space<semaphore_mem>>
        %dma_start3A_40 = tpu.memref_slice %arg5[%add3A_21] : memref<331776xi32, #tpu.memory_space<hbm>> -> memref<128xi32, #tpu.memory_space<hbm>>
        %dma_start3A_41 = tpu.memref_slice %arg5[%add3A_21] : memref<331776xi32, #tpu.memory_space<hbm>> -> memref<128xi32, #tpu.memory_space<hbm>>
        tpu.enqueue_dma source(%dma_start3A_41 : memref<128xi32, #tpu.memory_space<hbm>>) target(%arg14 : memref<128xi32, #tpu.memory_space<vmem>>) target_semaphore(%run_scoped3A : memref<!tpu.dma_semaphore, #tpu.memory_space<semaphore_mem>>)
        %dma_wait3A_42 = tpu.memref_slice %arg5[%add3A_21] : memref<331776xi32, #tpu.memory_space<hbm>> -> memref<128xi32, #tpu.memory_space<hbm>>
        %dma_wait3A_43 = tpu.memref_slice %arg5[%add3A_21] : memref<331776xi32, #tpu.memory_space<hbm>> -> memref<128xi32, #tpu.memory_space<hbm>>
        tpu.wait_dma2 semaphore(%run_scoped3A : memref<!tpu.dma_semaphore, #tpu.memory_space<semaphore_mem>>) src(%dma_wait3A_43 : memref<128xi32, #tpu.memory_space<hbm>>) dst(%arg14 : memref<128xi32, #tpu.memory_space<vmem>>)
        tpu.yield
      }) : () -> ()
      "tpu.region"() ({
        %run_scoped3A = tpu.sem_alloc : memref<!tpu.dma_semaphore, #tpu.memory_space<semaphore_mem>>
        %dma_start3A_40 = tpu.memref_slice %arg6[%add3A_21] : memref<331776xf32, #tpu.memory_space<hbm>> -> memref<128xf32, #tpu.memory_space<hbm>>
        %dma_start3A_41 = tpu.memref_slice %arg6[%add3A_21] : memref<331776xf32, #tpu.memory_space<hbm>> -> memref<128xf32, #tpu.memory_space<hbm>>
        tpu.enqueue_dma source(%dma_start3A_41 : memref<128xf32, #tpu.memory_space<hbm>>) target(%arg15 : memref<128xf32, #tpu.memory_space<vmem>>) target_semaphore(%run_scoped3A : memref<!tpu.dma_semaphore, #tpu.memory_space<semaphore_mem>>)
        %dma_wait3A_42 = tpu.memref_slice %arg6[%add3A_21] : memref<331776xf32, #tpu.memory_space<hbm>> -> memref<128xf32, #tpu.memory_space<hbm>>
        %dma_wait3A_43 = tpu.memref_slice %arg6[%add3A_21] : memref<331776xf32, #tpu.memory_space<hbm>> -> memref<128xf32, #tpu.memory_space<hbm>>
        tpu.wait_dma2 semaphore(%run_scoped3A : memref<!tpu.dma_semaphore, #tpu.memory_space<semaphore_mem>>) src(%dma_wait3A_43 : memref<128xf32, #tpu.memory_space<hbm>>) dst(%arg15 : memref<128xf32, #tpu.memory_space<vmem>>)
        tpu.yield
      }) : () -> ()
      %dma_start3A = arith.constant 0 : i32
      %dma_start3A_22 = arith.constant 0 : i32
      %dma_start3A_23 = tpu.memref_slice %arg2[%dma_start3A, %dma_start3A_22] : memref<10240x128xf32, #tpu.memory_space<hbm>> -> memref<10240x128xf32, #tpu.memory_space<hbm>>
      tpu.enqueue_indirect_dma source(%dma_start3A_23 : memref<10240x128xf32, #tpu.memory_space<hbm>>) target(%arg16 : memref<128x128xf32, #tpu.memory_space<vmem>>) offsets(%arg13 : memref<128xi32, #tpu.memory_space<vmem>>) semaphore(%arg24 : memref<!tpu.dma_semaphore, #tpu.memory_space<semaphore_mem>>)
      %dma_wait3A = arith.constant 0 : i32
      %dma_wait3A_24 = arith.constant 0 : i32
      %dma_wait3A_25 = tpu.memref_slice %arg2[%dma_wait3A, %dma_wait3A_24] : memref<10240x128xf32, #tpu.memory_space<hbm>> -> memref<10240x128xf32, #tpu.memory_space<hbm>>
      tpu.wait_indirect_dma semaphore(%arg24 : memref<!tpu.dma_semaphore, #tpu.memory_space<semaphore_mem>>) src(%dma_wait3A_25 : memref<10240x128xf32, #tpu.memory_space<hbm>>) dst(%arg16 : memref<128x128xf32, #tpu.memory_space<vmem>>)
      %dma_start3A_26 = arith.constant 0 : i32
      %dma_start3A_27 = arith.constant 0 : i32
      %dma_start3A_28 = tpu.memref_slice %arg3[%dma_start3A_26, %dma_start3A_27] : memref<10240x128xf32, #tpu.memory_space<hbm>> -> memref<10240x128xf32, #tpu.memory_space<hbm>>
      tpu.enqueue_indirect_dma source(%dma_start3A_28 : memref<10240x128xf32, #tpu.memory_space<hbm>>) target(%arg17 : memref<128x128xf32, #tpu.memory_space<vmem>>) offsets(%arg14 : memref<128xi32, #tpu.memory_space<vmem>>) semaphore(%arg24 : memref<!tpu.dma_semaphore, #tpu.memory_space<semaphore_mem>>)
      %dma_wait3A_29 = arith.constant 0 : i32
      %dma_wait3A_30 = arith.constant 0 : i32
      %dma_wait3A_31 = tpu.memref_slice %arg3[%dma_wait3A_29, %dma_wait3A_30] : memref<10240x128xf32, #tpu.memory_space<hbm>> -> memref<10240x128xf32, #tpu.memory_space<hbm>>
      tpu.wait_indirect_dma semaphore(%arg24 : memref<!tpu.dma_semaphore, #tpu.memory_space<semaphore_mem>>) src(%dma_wait3A_31 : memref<10240x128xf32, #tpu.memory_space<hbm>>) dst(%arg17 : memref<128x128xf32, #tpu.memory_space<vmem>>)
      %scan3A_32 = arith.constant 0 : i32
      %scan3A_33 = arith.constant 0 : i32
      %scan3A_34 = arith.constant 8 : i32
      %scan3A_35 = arith.addi %scan3A_33, %scan3A_34 : i32
      %scan3A_36 = arith.constant 1 : i32
      %scan3A_37 = scf.for %scan3A_40 = %scan3A_33 to %scan3A_35 step %scan3A_36 iter_args(%scan3A_41 = %scan3A_32) -> (i32)  : i32 {
        %mul3A_42 = arith.constant 16 : i32
        %mul3A_43 = arith.muli %scan3A_40, %mul3A_42 : i32
        %add3A_44 = vector.broadcast %mul3A_43 : i32 to vector<16xi32>
        %add3A_45 = arith.addi %add3A_44, %iota3A : vector<16xi32>
        %mul3A_46 = arith.constant 16 : i32
        %mul3A_47 = arith.muli %scan3A_40, %mul3A_46 : i32
        %get3A = arith.index_cast %mul3A_47 : i32 to index
        %get3A_48 = tpu.vector_load %arg15[%get3A] {strides = array<i32>} : memref<128xf32, #tpu.memory_space<vmem>>, vector<16xf32>,
        %broadcast_in_dim3A_49 = arith.constant 0.000000e+00 : f32
        %broadcast_in_dim3A_50 = vector.broadcast %broadcast_in_dim3A_49 : f32 to vector<16xf32>
        %broadcast_in_dim3A_51 = arith.constant 0.000000e+00 : f32
        %broadcast_in_dim3A_52 = vector.broadcast %broadcast_in_dim3A_51 : f32 to vector<16xf32>
        %scan3A_53 = arith.constant 0 : i32
        %scan3A_54 = arith.constant 4 : i32
        %scan3A_55 = arith.addi %scan3A_53, %scan3A_54 : i32
        %scan3A_56 = arith.constant 1 : i32
        %scan3A_57:2 = scf.for %scan3A_82 = %scan3A_53 to %scan3A_55 step %scan3A_56 iter_args(%scan3A_83 = %broadcast_in_dim3A_50, %scan3A_84 = %broadcast_in_dim3A_52) -> (vector<16xf32>, vector<16xf32>)  : i32 {
          %mul3A_85 = arith.constant 16 : i32
          %mul3A_86 = arith.muli %scan3A_82, %mul3A_85 : i32
          %get3A_87 = arith.index_cast %mul3A_86 : i32 to index
          %get3A_88 = tpu.vector_load %arg21[%get3A_87] {strides = array<i32>} : memref<128xf32, #tpu.memory_space<vmem>>, vector<16xf32>,
          %add3A_89 = arith.constant 64 : i32
          %add3A_90 = arith.addi %mul3A_86, %add3A_89 : i32
          %get3A_91 = arith.index_cast %add3A_90 : i32 to index
          %get3A_92 = tpu.vector_load %arg21[%get3A_91] {strides = array<i32>} : memref<128xf32, #tpu.memory_space<vmem>>, vector<16xf32>,
          %get3A_93 = arith.index_cast %mul3A_86 : i32 to index
          %get3A_94 = tpu.vector_load %arg22[%get3A_93] {strides = array<i32>} : memref<128xf32, #tpu.memory_space<vmem>>, vector<16xf32>,
          %add3A_95 = arith.constant 64 : i32
          %add3A_96 = arith.addi %mul3A_86, %add3A_95 : i32
          %get3A_97 = arith.index_cast %add3A_96 : i32 to index
          %get3A_98 = tpu.vector_load %arg22[%get3A_97] {strides = array<i32>} : memref<128xf32, #tpu.memory_space<vmem>>, vector<16xf32>,
          %add3A_99 = arith.constant 0 : i32
          %add3A_100 = arith.addi %mul3A_86, %add3A_99 : i32
          %add3A_101 = vector.broadcast %add3A_100 : i32 to vector<16xi32>
          %add3A_102 = arith.addi %broadcast_in_dim3A_3, %add3A_101 : vector<16xi32>
          %gather3A = tpu.vector_load_idx %arg16[%add3A_45, %add3A_102] : memref<128x128xf32, #tpu.memory_space<vmem>>[vector<16xi32>, vector<16xi32>], vector<16xf32>,
          %gather3A_103 = tpu.vector_load_idx %arg17[%add3A_45, %add3A_102] : memref<128x128xf32, #tpu.memory_space<vmem>>[vector<16xi32>, vector<16xi32>], vector<16xf32>,
          %add3A_104 = arith.constant 64 : i32
          %add3A_105 = vector.broadcast %add3A_104 : i32 to vector<16xi32>
          %add3A_106 = arith.addi %add3A_102, %add3A_105 : vector<16xi32>
          %gather3A_107 = tpu.vector_load_idx %arg16[%add3A_45, %add3A_106] : memref<128x128xf32, #tpu.memory_space<vmem>>[vector<16xi32>, vector<16xi32>], vector<16xf32>,
          %add3A_108 = arith.constant 64 : i32
          %add3A_109 = vector.broadcast %add3A_108 : i32 to vector<16xi32>
          %add3A_110 = arith.addi %add3A_102, %add3A_109 : vector<16xi32>
          %gather3A_111 = tpu.vector_load_idx %arg17[%add3A_45, %add3A_110] : memref<128x128xf32, #tpu.memory_space<vmem>>[vector<16xi32>, vector<16xi32>], vector<16xf32>,
          %add3A_112 = arith.addf %gather3A, %gather3A_103 : vector<16xf32>
          %slice3A = vector.extract_strided_slice %get3A_88 {offsets = [0], sizes = [1], strides = [1]} : vector<16xf32> to vector<1xf32>
          %squeeze3A = vector.extract %slice3A[0] : f32 from vector<1xf32>
          %mul3A_113 = vector.broadcast %squeeze3A : f32 to vector<16xf32>
          %mul3A_114 = arith.mulf %get3A_48, %mul3A_113 : vector<16xf32>
          %add3A_115 = arith.addf %add3A_112, %mul3A_114 : vector<16xf32>
          %mul3A_116 = arith.constant 2.000000e-01 : f32
          %mul3A_117 = vector.broadcast %mul3A_116 : f32 to vector<16xf32>
          %mul3A_118 = arith.mulf %mul3A_117, %add3A_115 : vector<16xf32>
          %max3A = arith.maximumf %add3A_115, %mul3A_118 : vector<16xf32>
          %add3A_119 = arith.addf %gather3A_107, %gather3A_111 : vector<16xf32>
          %slice3A_120 = vector.extract_strided_slice %get3A_92 {offsets = [0], sizes = [1], strides = [1]} : vector<16xf32> to vector<1xf32>
          %squeeze3A_121 = vector.extract %slice3A_120[0] : f32 from vector<1xf32>
          %mul3A_122 = vector.broadcast %squeeze3A_121 : f32 to vector<16xf32>
          %mul3A_123 = arith.mulf %get3A_48, %mul3A_122 : vector<16xf32>
          %add3A_124 = arith.addf %add3A_119, %mul3A_123 : vector<16xf32>
          %mul3A_125 = arith.constant 2.000000e-01 : f32
          %mul3A_126 = vector.broadcast %mul3A_125 : f32 to vector<16xf32>
          %mul3A_127 = arith.mulf %mul3A_126, %add3A_124 : vector<16xf32>
          %max3A_128 = arith.maximumf %add3A_124, %mul3A_127 : vector<16xf32>
          %slice3A_129 = vector.extract_strided_slice %get3A_94 {offsets = [0], sizes = [1], strides = [1]} : vector<16xf32> to vector<1xf32>
          %squeeze3A_130 = vector.extract %slice3A_129[0] : f32 from vector<1xf32>
          %mul3A_131 = vector.broadcast %squeeze3A_130 : f32 to vector<16xf32>
          %mul3A_132 = arith.mulf %max3A, %mul3A_131 : vector<16xf32>
          %add3A_133 = arith.addf %scan3A_83, %mul3A_132 : vector<16xf32>
          %slice3A_134 = vector.extract_strided_slice %get3A_98 {offsets = [0], sizes = [1], strides = [1]} : vector<16xf32> to vector<1xf32>
          %squeeze3A_135 = vector.extract %slice3A_134[0] : f32 from vector<1xf32>
          %mul3A_136 = vector.broadcast %squeeze3A_135 : f32 to vector<16xf32>
          %mul3A_137 = arith.mulf %max3A_128, %mul3A_136 : vector<16xf32>
          %add3A_138 = arith.addf %scan3A_84, %mul3A_137 : vector<16xf32>
          %add3A_139 = arith.constant 1 : i32
          %add3A_140 = arith.addi %mul3A_86, %add3A_139 : i32
          %add3A_141 = vector.broadcast %add3A_140 : i32 to vector<16xi32>
          %add3A_142 = arith.addi %broadcast_in_dim3A_3, %add3A_141 : vector<16xi32>
          %gather3A_143 = tpu.vector_load_idx %arg16[%add3A_45, %add3A_142] : memref<128x128xf32, #tpu.memory_space<vmem>>[vector<16xi32>, vector<16xi32>], vector<16xf32>,
          %gather3A_144 = tpu.vector_load_idx %arg17[%add3A_45, %add3A_142] : memref<128x128xf32, #tpu.memory_space<vmem>>[vector<16xi32>, vector<16xi32>], vector<16xf32>,
          %add3A_145 = arith.constant 64 : i32
          %add3A_146 = vector.broadcast %add3A_145 : i32 to vector<16xi32>
          %add3A_147 = arith.addi %add3A_142, %add3A_146 : vector<16xi32>
          %gather3A_148 = tpu.vector_load_idx %arg16[%add3A_45, %add3A_147] : memref<128x128xf32, #tpu.memory_space<vmem>>[vector<16xi32>, vector<16xi32>], vector<16xf32>,
          %add3A_149 = arith.constant 64 : i32
          %add3A_150 = vector.broadcast %add3A_149 : i32 to vector<16xi32>
          %add3A_151 = arith.addi %add3A_142, %add3A_150 : vector<16xi32>
          %gather3A_152 = tpu.vector_load_idx %arg17[%add3A_45, %add3A_151] : memref<128x128xf32, #tpu.memory_space<vmem>>[vector<16xi32>, vector<16xi32>], vector<16xf32>,
          %add3A_153 = arith.addf %gather3A_143, %gather3A_144 : vector<16xf32>
          %slice3A_154 = vector.extract_strided_slice %get3A_88 {offsets = [1], sizes = [1], strides = [1]} : vector<16xf32> to vector<1xf32>
          %squeeze3A_155 = vector.extract %slice3A_154[0] : f32 from vector<1xf32>
          %mul3A_156 = vector.broadcast %squeeze3A_155 : f32 to vector<16xf32>
          %mul3A_157 = arith.mulf %get3A_48, %mul3A_156 : vector<16xf32>
          %add3A_158 = arith.addf %add3A_153, %mul3A_157 : vector<16xf32>
          %mul3A_159 = arith.constant 2.000000e-01 : f32
          %mul3A_160 = vector.broadcast %mul3A_159 : f32 to vector<16xf32>
          %mul3A_161 = arith.mulf %mul3A_160, %add3A_158 : vector<16xf32>
          %max3A_162 = arith.maximumf %add3A_158, %mul3A_161 : vector<16xf32>
          %add3A_163 = arith.addf %gather3A_148, %gather3A_152 : vector<16xf32>
          %slice3A_164 = vector.extract_strided_slice %get3A_92 {offsets = [1], sizes = [1], strides = [1]} : vector<16xf32> to vector<1xf32>
          %squeeze3A_165 = vector.extract %slice3A_164[0] : f32 from vector<1xf32>
          %mul3A_166 = vector.broadcast %squeeze3A_165 : f32 to vector<16xf32>
          %mul3A_167 = arith.mulf %get3A_48, %mul3A_166 : vector<16xf32>
          %add3A_168 = arith.addf %add3A_163, %mul3A_167 : vector<16xf32>
          %mul3A_169 = arith.constant 2.000000e-01 : f32
          %mul3A_170 = vector.broadcast %mul3A_169 : f32 to vector<16xf32>
          %mul3A_171 = arith.mulf %mul3A_170, %add3A_168 : vector<16xf32>
          %max3A_172 = arith.maximumf %add3A_168, %mul3A_171 : vector<16xf32>
          %slice3A_173 = vector.extract_strided_slice %get3A_94 {offsets = [1], sizes = [1], strides = [1]} : vector<16xf32> to vector<1xf32>
          %squeeze3A_174 = vector.extract %slice3A_173[0] : f32 from vector<1xf32>
          %mul3A_175 = vector.broadcast %squeeze3A_174 : f32 to vector<16xf32>
          %mul3A_176 = arith.mulf %max3A_162, %mul3A_175 : vector<16xf32>
          %add3A_177 = arith.addf %add3A_133, %mul3A_176 : vector<16xf32>
          %slice3A_178 = vector.extract_strided_slice %get3A_98 {offsets = [1], sizes = [1], strides = [1]} : vector<16xf32> to vector<1xf32>
          %squeeze3A_179 = vector.extract %slice3A_178[0] : f32 from vector<1xf32>
          %mul3A_180 = vector.broadcast %squeeze3A_179 : f32 to vector<16xf32>
          %mul3A_181 = arith.mulf %max3A_172, %mul3A_180 : vector<16xf32>
          %add3A_182 = arith.addf %add3A_138, %mul3A_181 : vector<16xf32>
          %add3A_183 = arith.constant 2 : i32
          %add3A_184 = arith.addi %mul3A_86, %add3A_183 : i32
          %add3A_185 = vector.broadcast %add3A_184 : i32 to vector<16xi32>
          %add3A_186 = arith.addi %broadcast_in_dim3A_3, %add3A_185 : vector<16xi32>
          %gather3A_187 = tpu.vector_load_idx %arg16[%add3A_45, %add3A_186] : memref<128x128xf32, #tpu.memory_space<vmem>>[vector<16xi32>, vector<16xi32>], vector<16xf32>,
          %gather3A_188 = tpu.vector_load_idx %arg17[%add3A_45, %add3A_186] : memref<128x128xf32, #tpu.memory_space<vmem>>[vector<16xi32>, vector<16xi32>], vector<16xf32>,
          %add3A_189 = arith.constant 64 : i32
          %add3A_190 = vector.broadcast %add3A_189 : i32 to vector<16xi32>
          %add3A_191 = arith.addi %add3A_186, %add3A_190 : vector<16xi32>
          %gather3A_192 = tpu.vector_load_idx %arg16[%add3A_45, %add3A_191] : memref<128x128xf32, #tpu.memory_space<vmem>>[vector<16xi32>, vector<16xi32>], vector<16xf32>,
          %add3A_193 = arith.constant 64 : i32
          %add3A_194 = vector.broadcast %add3A_193 : i32 to vector<16xi32>
          %add3A_195 = arith.addi %add3A_186, %add3A_194 : vector<16xi32>
          %gather3A_196 = tpu.vector_load_idx %arg17[%add3A_45, %add3A_195] : memref<128x128xf32, #tpu.memory_space<vmem>>[vector<16xi32>, vector<16xi32>], vector<16xf32>,
          %add3A_197 = arith.addf %gather3A_187, %gather3A_188 : vector<16xf32>
          %slice3A_198 = vector.extract_strided_slice %get3A_88 {offsets = [2], sizes = [1], strides = [1]} : vector<16xf32> to vector<1xf32>
          %squeeze3A_199 = vector.extract %slice3A_198[0] : f32 from vector<1xf32>
          %mul3A_200 = vector.broadcast %squeeze3A_199 : f32 to vector<16xf32>
          %mul3A_201 = arith.mulf %get3A_48, %mul3A_200 : vector<16xf32>
          %add3A_202 = arith.addf %add3A_197, %mul3A_201 : vector<16xf32>
          %mul3A_203 = arith.constant 2.000000e-01 : f32
          %mul3A_204 = vector.broadcast %mul3A_203 : f32 to vector<16xf32>
          %mul3A_205 = arith.mulf %mul3A_204, %add3A_202 : vector<16xf32>
          %max3A_206 = arith.maximumf %add3A_202, %mul3A_205 : vector<16xf32>
          %add3A_207 = arith.addf %gather3A_192, %gather3A_196 : vector<16xf32>
          %slice3A_208 = vector.extract_strided_slice %get3A_92 {offsets = [2], sizes = [1], strides = [1]} : vector<16xf32> to vector<1xf32>
          %squeeze3A_209 = vector.extract %slice3A_208[0] : f32 from vector<1xf32>
          %mul3A_210 = vector.broadcast %squeeze3A_209 : f32 to vector<16xf32>
          %mul3A_211 = arith.mulf %get3A_48, %mul3A_210 : vector<16xf32>
          %add3A_212 = arith.addf %add3A_207, %mul3A_211 : vector<16xf32>
          %mul3A_213 = arith.constant 2.000000e-01 : f32
          %mul3A_214 = vector.broadcast %mul3A_213 : f32 to vector<16xf32>
          %mul3A_215 = arith.mulf %mul3A_214, %add3A_212 : vector<16xf32>
          %max3A_216 = arith.maximumf %add3A_212, %mul3A_215 : vector<16xf32>
          %slice3A_217 = vector.extract_strided_slice %get3A_94 {offsets = [2], sizes = [1], strides = [1]} : vector<16xf32> to vector<1xf32>
          %squeeze3A_218 = vector.extract %slice3A_217[0] : f32 from vector<1xf32>
          %mul3A_219 = vector.broadcast %squeeze3A_218 : f32 to vector<16xf32>
          %mul3A_220 = arith.mulf %max3A_206, %mul3A_219 : vector<16xf32>
          %add3A_221 = arith.addf %add3A_177, %mul3A_220 : vector<16xf32>
          %slice3A_222 = vector.extract_strided_slice %get3A_98 {offsets = [2], sizes = [1], strides = [1]} : vector<16xf32> to vector<1xf32>
          %squeeze3A_223 = vector.extract %slice3A_222[0] : f32 from vector<1xf32>
          %mul3A_224 = vector.broadcast %squeeze3A_223 : f32 to vector<16xf32>
          %mul3A_225 = arith.mulf %max3A_216, %mul3A_224 : vector<16xf32>
          %add3A_226 = arith.addf %add3A_182, %mul3A_225 : vector<16xf32>
          %add3A_227 = arith.constant 3 : i32
          %add3A_228 = arith.addi %mul3A_86, %add3A_227 : i32
          %add3A_229 = vector.broadcast %add3A_228 : i32 to vector<16xi32>
          %add3A_230 = arith.addi %broadcast_in_dim3A_3, %add3A_229 : vector<16xi32>
          %gather3A_231 = tpu.vector_load_idx %arg16[%add3A_45, %add3A_230] : memref<128x128xf32, #tpu.memory_space<vmem>>[vector<16xi32>, vector<16xi32>], vector<16xf32>,
          %gather3A_232 = tpu.vector_load_idx %arg17[%add3A_45, %add3A_230] : memref<128x128xf32, #tpu.memory_space<vmem>>[vector<16xi32>, vector<16xi32>], vector<16xf32>,
          %add3A_233 = arith.constant 64 : i32
          %add3A_234 = vector.broadcast %add3A_233 : i32 to vector<16xi32>
          %add3A_235 = arith.addi %add3A_230, %add3A_234 : vector<16xi32>
          %gather3A_236 = tpu.vector_load_idx %arg16[%add3A_45, %add3A_235] : memref<128x128xf32, #tpu.memory_space<vmem>>[vector<16xi32>, vector<16xi32>], vector<16xf32>,
          %add3A_237 = arith.constant 64 : i32
          %add3A_238 = vector.broadcast %add3A_237 : i32 to vector<16xi32>
          %add3A_239 = arith.addi %add3A_230, %add3A_238 : vector<16xi32>
          %gather3A_240 = tpu.vector_load_idx %arg17[%add3A_45, %add3A_239] : memref<128x128xf32, #tpu.memory_space<vmem>>[vector<16xi32>, vector<16xi32>], vector<16xf32>,
          %add3A_241 = arith.addf %gather3A_231, %gather3A_232 : vector<16xf32>
          %slice3A_242 = vector.extract_strided_slice %get3A_88 {offsets = [3], sizes = [1], strides = [1]} : vector<16xf32> to vector<1xf32>
          %squeeze3A_243 = vector.extract %slice3A_242[0] : f32 from vector<1xf32>
          %mul3A_244 = vector.broadcast %squeeze3A_243 : f32 to vector<16xf32>
          %mul3A_245 = arith.mulf %get3A_48, %mul3A_244 : vector<16xf32>
          %add3A_246 = arith.addf %add3A_241, %mul3A_245 : vector<16xf32>
          %mul3A_247 = arith.constant 2.000000e-01 : f32
          %mul3A_248 = vector.broadcast %mul3A_247 : f32 to vector<16xf32>
          %mul3A_249 = arith.mulf %mul3A_248, %add3A_246 : vector<16xf32>
          %max3A_250 = arith.maximumf %add3A_246, %mul3A_249 : vector<16xf32>
          %add3A_251 = arith.addf %gather3A_236, %gather3A_240 : vector<16xf32>
          %slice3A_252 = vector.extract_strided_slice %get3A_92 {offsets = [3], sizes = [1], strides = [1]} : vector<16xf32> to vector<1xf32>
          %squeeze3A_253 = vector.extract %slice3A_252[0] : f32 from vector<1xf32>
          %mul3A_254 = vector.broadcast %squeeze3A_253 : f32 to vector<16xf32>
          %mul3A_255 = arith.mulf %get3A_48, %mul3A_254 : vector<16xf32>
          %add3A_256 = arith.addf %add3A_251, %mul3A_255 : vector<16xf32>
          %mul3A_257 = arith.constant 2.000000e-01 : f32
          %mul3A_258 = vector.broadcast %mul3A_257 : f32 to vector<16xf32>
          %mul3A_259 = arith.mulf %mul3A_258, %add3A_256 : vector<16xf32>
          %max3A_260 = arith.maximumf %add3A_256, %mul3A_259 : vector<16xf32>
          %slice3A_261 = vector.extract_strided_slice %get3A_94 {offsets = [3], sizes = [1], strides = [1]} : vector<16xf32> to vector<1xf32>
          %squeeze3A_262 = vector.extract %slice3A_261[0] : f32 from vector<1xf32>
          %mul3A_263 = vector.broadcast %squeeze3A_262 : f32 to vector<16xf32>
          %mul3A_264 = arith.mulf %max3A_250, %mul3A_263 : vector<16xf32>
          %add3A_265 = arith.addf %add3A_221, %mul3A_264 : vector<16xf32>
          %slice3A_266 = vector.extract_strided_slice %get3A_98 {offsets = [3], sizes = [1], strides = [1]} : vector<16xf32> to vector<1xf32>
          %squeeze3A_267 = vector.extract %slice3A_266[0] : f32 from vector<1xf32>
          %mul3A_268 = vector.broadcast %squeeze3A_267 : f32 to vector<16xf32>
          %mul3A_269 = arith.mulf %max3A_260, %mul3A_268 : vector<16xf32>
          %add3A_270 = arith.addf %add3A_226, %mul3A_269 : vector<16xf32>
          %add3A_271 = arith.constant 4 : i32
          %add3A_272 = arith.addi %mul3A_86, %add3A_271 : i32
          %add3A_273 = vector.broadcast %add3A_272 : i32 to vector<16xi32>
          %add3A_274 = arith.addi %broadcast_in_dim3A_3, %add3A_273 : vector<16xi32>
          %gather3A_275 = tpu.vector_load_idx %arg16[%add3A_45, %add3A_274] : memref<128x128xf32, #tpu.memory_space<vmem>>[vector<16xi32>, vector<16xi32>], vector<16xf32>,
          %gather3A_276 = tpu.vector_load_idx %arg17[%add3A_45, %add3A_274] : memref<128x128xf32, #tpu.memory_space<vmem>>[vector<16xi32>, vector<16xi32>], vector<16xf32>,
          %add3A_277 = arith.constant 64 : i32
          %add3A_278 = vector.broadcast %add3A_277 : i32 to vector<16xi32>
          %add3A_279 = arith.addi %add3A_274, %add3A_278 : vector<16xi32>
          %gather3A_280 = tpu.vector_load_idx %arg16[%add3A_45, %add3A_279] : memref<128x128xf32, #tpu.memory_space<vmem>>[vector<16xi32>, vector<16xi32>], vector<16xf32>,
          %add3A_281 = arith.constant 64 : i32
          %add3A_282 = vector.broadcast %add3A_281 : i32 to vector<16xi32>
          %add3A_283 = arith.addi %add3A_274, %add3A_282 : vector<16xi32>
          %gather3A_284 = tpu.vector_load_idx %arg17[%add3A_45, %add3A_283] : memref<128x128xf32, #tpu.memory_space<vmem>>[vector<16xi32>, vector<16xi32>], vector<16xf32>,
          %add3A_285 = arith.addf %gather3A_275, %gather3A_276 : vector<16xf32>
          %slice3A_286 = vector.extract_strided_slice %get3A_88 {offsets = [4], sizes = [1], strides = [1]} : vector<16xf32> to vector<1xf32>
          %squeeze3A_287 = vector.extract %slice3A_286[0] : f32 from vector<1xf32>
          %mul3A_288 = vector.broadcast %squeeze3A_287 : f32 to vector<16xf32>
          %mul3A_289 = arith.mulf %get3A_48, %mul3A_288 : vector<16xf32>
          %add3A_290 = arith.addf %add3A_285, %mul3A_289 : vector<16xf32>
          %mul3A_291 = arith.constant 2.000000e-01 : f32
          %mul3A_292 = vector.broadcast %mul3A_291 : f32 to vector<16xf32>
          %mul3A_293 = arith.mulf %mul3A_292, %add3A_290 : vector<16xf32>
          %max3A_294 = arith.maximumf %add3A_290, %mul3A_293 : vector<16xf32>
          %add3A_295 = arith.addf %gather3A_280, %gather3A_284 : vector<16xf32>
          %slice3A_296 = vector.extract_strided_slice %get3A_92 {offsets = [4], sizes = [1], strides = [1]} : vector<16xf32> to vector<1xf32>
          %squeeze3A_297 = vector.extract %slice3A_296[0] : f32 from vector<1xf32>
          %mul3A_298 = vector.broadcast %squeeze3A_297 : f32 to vector<16xf32>
          %mul3A_299 = arith.mulf %get3A_48, %mul3A_298 : vector<16xf32>
          %add3A_300 = arith.addf %add3A_295, %mul3A_299 : vector<16xf32>
          %mul3A_301 = arith.constant 2.000000e-01 : f32
          %mul3A_302 = vector.broadcast %mul3A_301 : f32 to vector<16xf32>
          %mul3A_303 = arith.mulf %mul3A_302, %add3A_300 : vector<16xf32>
          %max3A_304 = arith.maximumf %add3A_300, %mul3A_303 : vector<16xf32>
          %slice3A_305 = vector.extract_strided_slice %get3A_94 {offsets = [4], sizes = [1], strides = [1]} : vector<16xf32> to vector<1xf32>
          %squeeze3A_306 = vector.extract %slice3A_305[0] : f32 from vector<1xf32>
          %mul3A_307 = vector.broadcast %squeeze3A_306 : f32 to vector<16xf32>
          %mul3A_308 = arith.mulf %max3A_294, %mul3A_307 : vector<16xf32>
          %add3A_309 = arith.addf %add3A_265, %mul3A_308 : vector<16xf32>
          %slice3A_310 = vector.extract_strided_slice %get3A_98 {offsets = [4], sizes = [1], strides = [1]} : vector<16xf32> to vector<1xf32>
          %squeeze3A_311 = vector.extract %slice3A_310[0] : f32 from vector<1xf32>
          %mul3A_312 = vector.broadcast %squeeze3A_311 : f32 to vector<16xf32>
          %mul3A_313 = arith.mulf %max3A_304, %mul3A_312 : vector<16xf32>
          %add3A_314 = arith.addf %add3A_270, %mul3A_313 : vector<16xf32>
          %add3A_315 = arith.constant 5 : i32
          %add3A_316 = arith.addi %mul3A_86, %add3A_315 : i32
          %add3A_317 = vector.broadcast %add3A_316 : i32 to vector<16xi32>
          %add3A_318 = arith.addi %broadcast_in_dim3A_3, %add3A_317 : vector<16xi32>
          %gather3A_319 = tpu.vector_load_idx %arg16[%add3A_45, %add3A_318] : memref<128x128xf32, #tpu.memory_space<vmem>>[vector<16xi32>, vector<16xi32>], vector<16xf32>,
          %gather3A_320 = tpu.vector_load_idx %arg17[%add3A_45, %add3A_318] : memref<128x128xf32, #tpu.memory_space<vmem>>[vector<16xi32>, vector<16xi32>], vector<16xf32>,
          %add3A_321 = arith.constant 64 : i32
          %add3A_322 = vector.broadcast %add3A_321 : i32 to vector<16xi32>
          %add3A_323 = arith.addi %add3A_318, %add3A_322 : vector<16xi32>
          %gather3A_324 = tpu.vector_load_idx %arg16[%add3A_45, %add3A_323] : memref<128x128xf32, #tpu.memory_space<vmem>>[vector<16xi32>, vector<16xi32>], vector<16xf32>,
          %add3A_325 = arith.constant 64 : i32
          %add3A_326 = vector.broadcast %add3A_325 : i32 to vector<16xi32>
          %add3A_327 = arith.addi %add3A_318, %add3A_326 : vector<16xi32>
          %gather3A_328 = tpu.vector_load_idx %arg17[%add3A_45, %add3A_327] : memref<128x128xf32, #tpu.memory_space<vmem>>[vector<16xi32>, vector<16xi32>], vector<16xf32>,
          %add3A_329 = arith.addf %gather3A_319, %gather3A_320 : vector<16xf32>
          %slice3A_330 = vector.extract_strided_slice %get3A_88 {offsets = [5], sizes = [1], strides = [1]} : vector<16xf32> to vector<1xf32>
          %squeeze3A_331 = vector.extract %slice3A_330[0] : f32 from vector<1xf32>
          %mul3A_332 = vector.broadcast %squeeze3A_331 : f32 to vector<16xf32>
          %mul3A_333 = arith.mulf %get3A_48, %mul3A_332 : vector<16xf32>
          %add3A_334 = arith.addf %add3A_329, %mul3A_333 : vector<16xf32>
          %mul3A_335 = arith.constant 2.000000e-01 : f32
          %mul3A_336 = vector.broadcast %mul3A_335 : f32 to vector<16xf32>
          %mul3A_337 = arith.mulf %mul3A_336, %add3A_334 : vector<16xf32>
          %max3A_338 = arith.maximumf %add3A_334, %mul3A_337 : vector<16xf32>
          %add3A_339 = arith.addf %gather3A_324, %gather3A_328 : vector<16xf32>
          %slice3A_340 = vector.extract_strided_slice %get3A_92 {offsets = [5], sizes = [1], strides = [1]} : vector<16xf32> to vector<1xf32>
          %squeeze3A_341 = vector.extract %slice3A_340[0] : f32 from vector<1xf32>
          %mul3A_342 = vector.broadcast %squeeze3A_341 : f32 to vector<16xf32>
          %mul3A_343 = arith.mulf %get3A_48, %mul3A_342 : vector<16xf32>
          %add3A_344 = arith.addf %add3A_339, %mul3A_343 : vector<16xf32>
          %mul3A_345 = arith.constant 2.000000e-01 : f32
          %mul3A_346 = vector.broadcast %mul3A_345 : f32 to vector<16xf32>
          %mul3A_347 = arith.mulf %mul3A_346, %add3A_344 : vector<16xf32>
          %max3A_348 = arith.maximumf %add3A_344, %mul3A_347 : vector<16xf32>
          %slice3A_349 = vector.extract_strided_slice %get3A_94 {offsets = [5], sizes = [1], strides = [1]} : vector<16xf32> to vector<1xf32>
          %squeeze3A_350 = vector.extract %slice3A_349[0] : f32 from vector<1xf32>
          %mul3A_351 = vector.broadcast %squeeze3A_350 : f32 to vector<16xf32>
          %mul3A_352 = arith.mulf %max3A_338, %mul3A_351 : vector<16xf32>
          %add3A_353 = arith.addf %add3A_309, %mul3A_352 : vector<16xf32>
          %slice3A_354 = vector.extract_strided_slice %get3A_98 {offsets = [5], sizes = [1], strides = [1]} : vector<16xf32> to vector<1xf32>
          %squeeze3A_355 = vector.extract %slice3A_354[0] : f32 from vector<1xf32>
          %mul3A_356 = vector.broadcast %squeeze3A_355 : f32 to vector<16xf32>
          %mul3A_357 = arith.mulf %max3A_348, %mul3A_356 : vector<16xf32>
          %add3A_358 = arith.addf %add3A_314, %mul3A_357 : vector<16xf32>
          %add3A_359 = arith.constant 6 : i32
          %add3A_360 = arith.addi %mul3A_86, %add3A_359 : i32
          %add3A_361 = vector.broadcast %add3A_360 : i32 to vector<16xi32>
          %add3A_362 = arith.addi %broadcast_in_dim3A_3, %add3A_361 : vector<16xi32>
          %gather3A_363 = tpu.vector_load_idx %arg16[%add3A_45, %add3A_362] : memref<128x128xf32, #tpu.memory_space<vmem>>[vector<16xi32>, vector<16xi32>], vector<16xf32>,
          %gather3A_364 = tpu.vector_load_idx %arg17[%add3A_45, %add3A_362] : memref<128x128xf32, #tpu.memory_space<vmem>>[vector<16xi32>, vector<16xi32>], vector<16xf32>,
          %add3A_365 = arith.constant 64 : i32
          %add3A_366 = vector.broadcast %add3A_365 : i32 to vector<16xi32>
          %add3A_367 = arith.addi %add3A_362, %add3A_366 : vector<16xi32>
          %gather3A_368 = tpu.vector_load_idx %arg16[%add3A_45, %add3A_367] : memref<128x128xf32, #tpu.memory_space<vmem>>[vector<16xi32>, vector<16xi32>], vector<16xf32>,
          %add3A_369 = arith.constant 64 : i32
          %add3A_370 = vector.broadcast %add3A_369 : i32 to vector<16xi32>
          %add3A_371 = arith.addi %add3A_362, %add3A_370 : vector<16xi32>
          %gather3A_372 = tpu.vector_load_idx %arg17[%add3A_45, %add3A_371] : memref<128x128xf32, #tpu.memory_space<vmem>>[vector<16xi32>, vector<16xi32>], vector<16xf32>,
          %add3A_373 = arith.addf %gather3A_363, %gather3A_364 : vector<16xf32>
          %slice3A_374 = vector.extract_strided_slice %get3A_88 {offsets = [6], sizes = [1], strides = [1]} : vector<16xf32> to vector<1xf32>
          %squeeze3A_375 = vector.extract %slice3A_374[0] : f32 from vector<1xf32>
          %mul3A_376 = vector.broadcast %squeeze3A_375 : f32 to vector<16xf32>
          %mul3A_377 = arith.mulf %get3A_48, %mul3A_376 : vector<16xf32>
          %add3A_378 = arith.addf %add3A_373, %mul3A_377 : vector<16xf32>
          %mul3A_379 = arith.constant 2.000000e-01 : f32
          %mul3A_380 = vector.broadcast %mul3A_379 : f32 to vector<16xf32>
          %mul3A_381 = arith.mulf %mul3A_380, %add3A_378 : vector<16xf32>
          %max3A_382 = arith.maximumf %add3A_378, %mul3A_381 : vector<16xf32>
          %add3A_383 = arith.addf %gather3A_368, %gather3A_372 : vector<16xf32>
          %slice3A_384 = vector.extract_strided_slice %get3A_92 {offsets = [6], sizes = [1], strides = [1]} : vector<16xf32> to vector<1xf32>
          %squeeze3A_385 = vector.extract %slice3A_384[0] : f32 from vector<1xf32>
          %mul3A_386 = vector.broadcast %squeeze3A_385 : f32 to vector<16xf32>
          %mul3A_387 = arith.mulf %get3A_48, %mul3A_386 : vector<16xf32>
          %add3A_388 = arith.addf %add3A_383, %mul3A_387 : vector<16xf32>
          %mul3A_389 = arith.constant 2.000000e-01 : f32
          %mul3A_390 = vector.broadcast %mul3A_389 : f32 to vector<16xf32>
          %mul3A_391 = arith.mulf %mul3A_390, %add3A_388 : vector<16xf32>
          %max3A_392 = arith.maximumf %add3A_388, %mul3A_391 : vector<16xf32>
          %slice3A_393 = vector.extract_strided_slice %get3A_94 {offsets = [6], sizes = [1], strides = [1]} : vector<16xf32> to vector<1xf32>
          %squeeze3A_394 = vector.extract %slice3A_393[0] : f32 from vector<1xf32>
          %mul3A_395 = vector.broadcast %squeeze3A_394 : f32 to vector<16xf32>
          %mul3A_396 = arith.mulf %max3A_382, %mul3A_395 : vector<16xf32>
          %add3A_397 = arith.addf %add3A_353, %mul3A_396 : vector<16xf32>
          %slice3A_398 = vector.extract_strided_slice %get3A_98 {offsets = [6], sizes = [1], strides = [1]} : vector<16xf32> to vector<1xf32>
          %squeeze3A_399 = vector.extract %slice3A_398[0] : f32 from vector<1xf32>
          %mul3A_400 = vector.broadcast %squeeze3A_399 : f32 to vector<16xf32>
          %mul3A_401 = arith.mulf %max3A_392, %mul3A_400 : vector<16xf32>
          %add3A_402 = arith.addf %add3A_358, %mul3A_401 : vector<16xf32>
          %add3A_403 = arith.constant 7 : i32
          %add3A_404 = arith.addi %mul3A_86, %add3A_403 : i32
          %add3A_405 = vector.broadcast %add3A_404 : i32 to vector<16xi32>
          %add3A_406 = arith.addi %broadcast_in_dim3A_3, %add3A_405 : vector<16xi32>
          %gather3A_407 = tpu.vector_load_idx %arg16[%add3A_45, %add3A_406] : memref<128x128xf32, #tpu.memory_space<vmem>>[vector<16xi32>, vector<16xi32>], vector<16xf32>,
          %gather3A_408 = tpu.vector_load_idx %arg17[%add3A_45, %add3A_406] : memref<128x128xf32, #tpu.memory_space<vmem>>[vector<16xi32>, vector<16xi32>], vector<16xf32>,
          %add3A_409 = arith.constant 64 : i32
          %add3A_410 = vector.broadcast %add3A_409 : i32 to vector<16xi32>
          %add3A_411 = arith.addi %add3A_406, %add3A_410 : vector<16xi32>
          %gather3A_412 = tpu.vector_load_idx %arg16[%add3A_45, %add3A_411] : memref<128x128xf32, #tpu.memory_space<vmem>>[vector<16xi32>, vector<16xi32>], vector<16xf32>,
          %add3A_413 = arith.constant 64 : i32
          %add3A_414 = vector.broadcast %add3A_413 : i32 to vector<16xi32>
          %add3A_415 = arith.addi %add3A_406, %add3A_414 : vector<16xi32>
          %gather3A_416 = tpu.vector_load_idx %arg17[%add3A_45, %add3A_415] : memref<128x128xf32, #tpu.memory_space<vmem>>[vector<16xi32>, vector<16xi32>], vector<16xf32>,
          %add3A_417 = arith.addf %gather3A_407, %gather3A_408 : vector<16xf32>
          %slice3A_418 = vector.extract_strided_slice %get3A_88 {offsets = [7], sizes = [1], strides = [1]} : vector<16xf32> to vector<1xf32>
          %squeeze3A_419 = vector.extract %slice3A_418[0] : f32 from vector<1xf32>
          %mul3A_420 = vector.broadcast %squeeze3A_419 : f32 to vector<16xf32>
          %mul3A_421 = arith.mulf %get3A_48, %mul3A_420 : vector<16xf32>
          %add3A_422 = arith.addf %add3A_417, %mul3A_421 : vector<16xf32>
          %mul3A_423 = arith.constant 2.000000e-01 : f32
          %mul3A_424 = vector.broadcast %mul3A_423 : f32 to vector<16xf32>
          %mul3A_425 = arith.mulf %mul3A_424, %add3A_422 : vector<16xf32>
          %max3A_426 = arith.maximumf %add3A_422, %mul3A_425 : vector<16xf32>
          %add3A_427 = arith.addf %gather3A_412, %gather3A_416 : vector<16xf32>
          %slice3A_428 = vector.extract_strided_slice %get3A_92 {offsets = [7], sizes = [1], strides = [1]} : vector<16xf32> to vector<1xf32>
          %squeeze3A_429 = vector.extract %slice3A_428[0] : f32 from vector<1xf32>
          %mul3A_430 = vector.broadcast %squeeze3A_429 : f32 to vector<16xf32>
          %mul3A_431 = arith.mulf %get3A_48, %mul3A_430 : vector<16xf32>
          %add3A_432 = arith.addf %add3A_427, %mul3A_431 : vector<16xf32>
          %mul3A_433 = arith.constant 2.000000e-01 : f32
          %mul3A_434 = vector.broadcast %mul3A_433 : f32 to vector<16xf32>
          %mul3A_435 = arith.mulf %mul3A_434, %add3A_432 : vector<16xf32>
          %max3A_436 = arith.maximumf %add3A_432, %mul3A_435 : vector<16xf32>
          %slice3A_437 = vector.extract_strided_slice %get3A_94 {offsets = [7], sizes = [1], strides = [1]} : vector<16xf32> to vector<1xf32>
          %squeeze3A_438 = vector.extract %slice3A_437[0] : f32 from vector<1xf32>
          %mul3A_439 = vector.broadcast %squeeze3A_438 : f32 to vector<16xf32>
          %mul3A_440 = arith.mulf %max3A_426, %mul3A_439 : vector<16xf32>
          %add3A_441 = arith.addf %add3A_397, %mul3A_440 : vector<16xf32>
          %slice3A_442 = vector.extract_strided_slice %get3A_98 {offsets = [7], sizes = [1], strides = [1]} : vector<16xf32> to vector<1xf32>
          %squeeze3A_443 = vector.extract %slice3A_442[0] : f32 from vector<1xf32>
          %mul3A_444 = vector.broadcast %squeeze3A_443 : f32 to vector<16xf32>
          %mul3A_445 = arith.mulf %max3A_436, %mul3A_444 : vector<16xf32>
          %add3A_446 = arith.addf %add3A_402, %mul3A_445 : vector<16xf32>
          %add3A_447 = arith.constant 8 : i32
          %add3A_448 = arith.addi %mul3A_86, %add3A_447 : i32
          %add3A_449 = vector.broadcast %add3A_448 : i32 to vector<16xi32>
          %add3A_450 = arith.addi %broadcast_in_dim3A_3, %add3A_449 : vector<16xi32>
          %gather3A_451 = tpu.vector_load_idx %arg16[%add3A_45, %add3A_450] : memref<128x128xf32, #tpu.memory_space<vmem>>[vector<16xi32>, vector<16xi32>], vector<16xf32>,
          %gather3A_452 = tpu.vector_load_idx %arg17[%add3A_45, %add3A_450] : memref<128x128xf32, #tpu.memory_space<vmem>>[vector<16xi32>, vector<16xi32>], vector<16xf32>,
          %add3A_453 = arith.constant 64 : i32
          %add3A_454 = vector.broadcast %add3A_453 : i32 to vector<16xi32>
          %add3A_455 = arith.addi %add3A_450, %add3A_454 : vector<16xi32>
          %gather3A_456 = tpu.vector_load_idx %arg16[%add3A_45, %add3A_455] : memref<128x128xf32, #tpu.memory_space<vmem>>[vector<16xi32>, vector<16xi32>], vector<16xf32>,
          %add3A_457 = arith.constant 64 : i32
          %add3A_458 = vector.broadcast %add3A_457 : i32 to vector<16xi32>
          %add3A_459 = arith.addi %add3A_450, %add3A_458 : vector<16xi32>
          %gather3A_460 = tpu.vector_load_idx %arg17[%add3A_45, %add3A_459] : memref<128x128xf32, #tpu.memory_space<vmem>>[vector<16xi32>, vector<16xi32>], vector<16xf32>,
          %add3A_461 = arith.addf %gather3A_451, %gather3A_452 : vector<16xf32>
          %slice3A_462 = vector.extract_strided_slice %get3A_88 {offsets = [8], sizes = [1], strides = [1]} : vector<16xf32> to vector<1xf32>
          %squeeze3A_463 = vector.extract %slice3A_462[0] : f32 from vector<1xf32>
          %mul3A_464 = vector.broadcast %squeeze3A_463 : f32 to vector<16xf32>
          %mul3A_465 = arith.mulf %get3A_48, %mul3A_464 : vector<16xf32>
          %add3A_466 = arith.addf %add3A_461, %mul3A_465 : vector<16xf32>
          %mul3A_467 = arith.constant 2.000000e-01 : f32
          %mul3A_468 = vector.broadcast %mul3A_467 : f32 to vector<16xf32>
          %mul3A_469 = arith.mulf %mul3A_468, %add3A_466 : vector<16xf32>
          %max3A_470 = arith.maximumf %add3A_466, %mul3A_469 : vector<16xf32>
          %add3A_471 = arith.addf %gather3A_456, %gather3A_460 : vector<16xf32>
          %slice3A_472 = vector.extract_strided_slice %get3A_92 {offsets = [8], sizes = [1], strides = [1]} : vector<16xf32> to vector<1xf32>
          %squeeze3A_473 = vector.extract %slice3A_472[0] : f32 from vector<1xf32>
          %mul3A_474 = vector.broadcast %squeeze3A_473 : f32 to vector<16xf32>
          %mul3A_475 = arith.mulf %get3A_48, %mul3A_474 : vector<16xf32>
          %add3A_476 = arith.addf %add3A_471, %mul3A_475 : vector<16xf32>
          %mul3A_477 = arith.constant 2.000000e-01 : f32
          %mul3A_478 = vector.broadcast %mul3A_477 : f32 to vector<16xf32>
          %mul3A_479 = arith.mulf %mul3A_478, %add3A_476 : vector<16xf32>
          %max3A_480 = arith.maximumf %add3A_476, %mul3A_479 : vector<16xf32>
          %slice3A_481 = vector.extract_strided_slice %get3A_94 {offsets = [8], sizes = [1], strides = [1]} : vector<16xf32> to vector<1xf32>
          %squeeze3A_482 = vector.extract %slice3A_481[0] : f32 from vector<1xf32>
          %mul3A_483 = vector.broadcast %squeeze3A_482 : f32 to vector<16xf32>
          %mul3A_484 = arith.mulf %max3A_470, %mul3A_483 : vector<16xf32>
          %add3A_485 = arith.addf %add3A_441, %mul3A_484 : vector<16xf32>
          %slice3A_486 = vector.extract_strided_slice %get3A_98 {offsets = [8], sizes = [1], strides = [1]} : vector<16xf32> to vector<1xf32>
          %squeeze3A_487 = vector.extract %slice3A_486[0] : f32 from vector<1xf32>
          %mul3A_488 = vector.broadcast %squeeze3A_487 : f32 to vector<16xf32>
          %mul3A_489 = arith.mulf %max3A_480, %mul3A_488 : vector<16xf32>
          %add3A_490 = arith.addf %add3A_446, %mul3A_489 : vector<16xf32>
          %add3A_491 = arith.constant 9 : i32
          %add3A_492 = arith.addi %mul3A_86, %add3A_491 : i32
          %add3A_493 = vector.broadcast %add3A_492 : i32 to vector<16xi32>
          %add3A_494 = arith.addi %broadcast_in_dim3A_3, %add3A_493 : vector<16xi32>
          %gather3A_495 = tpu.vector_load_idx %arg16[%add3A_45, %add3A_494] : memref<128x128xf32, #tpu.memory_space<vmem>>[vector<16xi32>, vector<16xi32>], vector<16xf32>,
          %gather3A_496 = tpu.vector_load_idx %arg17[%add3A_45, %add3A_494] : memref<128x128xf32, #tpu.memory_space<vmem>>[vector<16xi32>, vector<16xi32>], vector<16xf32>,
          %add3A_497 = arith.constant 64 : i32
          %add3A_498 = vector.broadcast %add3A_497 : i32 to vector<16xi32>
          %add3A_499 = arith.addi %add3A_494, %add3A_498 : vector<16xi32>
          %gather3A_500 = tpu.vector_load_idx %arg16[%add3A_45, %add3A_499] : memref<128x128xf32, #tpu.memory_space<vmem>>[vector<16xi32>, vector<16xi32>], vector<16xf32>,
          %add3A_501 = arith.constant 64 : i32
          %add3A_502 = vector.broadcast %add3A_501 : i32 to vector<16xi32>
          %add3A_503 = arith.addi %add3A_494, %add3A_502 : vector<16xi32>
          %gather3A_504 = tpu.vector_load_idx %arg17[%add3A_45, %add3A_503] : memref<128x128xf32, #tpu.memory_space<vmem>>[vector<16xi32>, vector<16xi32>], vector<16xf32>,
          %add3A_505 = arith.addf %gather3A_495, %gather3A_496 : vector<16xf32>
          %slice3A_506 = vector.extract_strided_slice %get3A_88 {offsets = [9], sizes = [1], strides = [1]} : vector<16xf32> to vector<1xf32>
          %squeeze3A_507 = vector.extract %slice3A_506[0] : f32 from vector<1xf32>
          %mul3A_508 = vector.broadcast %squeeze3A_507 : f32 to vector<16xf32>
          %mul3A_509 = arith.mulf %get3A_48, %mul3A_508 : vector<16xf32>
          %add3A_510 = arith.addf %add3A_505, %mul3A_509 : vector<16xf32>
          %mul3A_511 = arith.constant 2.000000e-01 : f32
          %mul3A_512 = vector.broadcast %mul3A_511 : f32 to vector<16xf32>
          %mul3A_513 = arith.mulf %mul3A_512, %add3A_510 : vector<16xf32>
          %max3A_514 = arith.maximumf %add3A_510, %mul3A_513 : vector<16xf32>
          %add3A_515 = arith.addf %gather3A_500, %gather3A_504 : vector<16xf32>
          %slice3A_516 = vector.extract_strided_slice %get3A_92 {offsets = [9], sizes = [1], strides = [1]} : vector<16xf32> to vector<1xf32>
          %squeeze3A_517 = vector.extract %slice3A_516[0] : f32 from vector<1xf32>
          %mul3A_518 = vector.broadcast %squeeze3A_517 : f32 to vector<16xf32>
          %mul3A_519 = arith.mulf %get3A_48, %mul3A_518 : vector<16xf32>
          %add3A_520 = arith.addf %add3A_515, %mul3A_519 : vector<16xf32>
          %mul3A_521 = arith.constant 2.000000e-01 : f32
          %mul3A_522 = vector.broadcast %mul3A_521 : f32 to vector<16xf32>
          %mul3A_523 = arith.mulf %mul3A_522, %add3A_520 : vector<16xf32>
          %max3A_524 = arith.maximumf %add3A_520, %mul3A_523 : vector<16xf32>
          %slice3A_525 = vector.extract_strided_slice %get3A_94 {offsets = [9], sizes = [1], strides = [1]} : vector<16xf32> to vector<1xf32>
          %squeeze3A_526 = vector.extract %slice3A_525[0] : f32 from vector<1xf32>
          %mul3A_527 = vector.broadcast %squeeze3A_526 : f32 to vector<16xf32>
          %mul3A_528 = arith.mulf %max3A_514, %mul3A_527 : vector<16xf32>
          %add3A_529 = arith.addf %add3A_485, %mul3A_528 : vector<16xf32>
          %slice3A_530 = vector.extract_strided_slice %get3A_98 {offsets = [9], sizes = [1], strides = [1]} : vector<16xf32> to vector<1xf32>
          %squeeze3A_531 = vector.extract %slice3A_530[0] : f32 from vector<1xf32>
          %mul3A_532 = vector.broadcast %squeeze3A_531 : f32 to vector<16xf32>
          %mul3A_533 = arith.mulf %max3A_524, %mul3A_532 : vector<16xf32>
          %add3A_534 = arith.addf %add3A_490, %mul3A_533 : vector<16xf32>
          %add3A_535 = arith.constant 10 : i32
          %add3A_536 = arith.addi %mul3A_86, %add3A_535 : i32
          %add3A_537 = vector.broadcast %add3A_536 : i32 to vector<16xi32>
          %add3A_538 = arith.addi %broadcast_in_dim3A_3, %add3A_537 : vector<16xi32>
          %gather3A_539 = tpu.vector_load_idx %arg16[%add3A_45, %add3A_538] : memref<128x128xf32, #tpu.memory_space<vmem>>[vector<16xi32>, vector<16xi32>], vector<16xf32>,
          %gather3A_540 = tpu.vector_load_idx %arg17[%add3A_45, %add3A_538] : memref<128x128xf32, #tpu.memory_space<vmem>>[vector<16xi32>, vector<16xi32>], vector<16xf32>,
          %add3A_541 = arith.constant 64 : i32
          %add3A_542 = vector.broadcast %add3A_541 : i32 to vector<16xi32>
          %add3A_543 = arith.addi %add3A_538, %add3A_542 : vector<16xi32>
          %gather3A_544 = tpu.vector_load_idx %arg16[%add3A_45, %add3A_543] : memref<128x128xf32, #tpu.memory_space<vmem>>[vector<16xi32>, vector<16xi32>], vector<16xf32>,
          %add3A_545 = arith.constant 64 : i32
          %add3A_546 = vector.broadcast %add3A_545 : i32 to vector<16xi32>
          %add3A_547 = arith.addi %add3A_538, %add3A_546 : vector<16xi32>
          %gather3A_548 = tpu.vector_load_idx %arg17[%add3A_45, %add3A_547] : memref<128x128xf32, #tpu.memory_space<vmem>>[vector<16xi32>, vector<16xi32>], vector<16xf32>,
          %add3A_549 = arith.addf %gather3A_539, %gather3A_540 : vector<16xf32>
          %slice3A_550 = vector.extract_strided_slice %get3A_88 {offsets = [10], sizes = [1], strides = [1]} : vector<16xf32> to vector<1xf32>
          %squeeze3A_551 = vector.extract %slice3A_550[0] : f32 from vector<1xf32>
          %mul3A_552 = vector.broadcast %squeeze3A_551 : f32 to vector<16xf32>
          %mul3A_553 = arith.mulf %get3A_48, %mul3A_552 : vector<16xf32>
          %add3A_554 = arith.addf %add3A_549, %mul3A_553 : vector<16xf32>
          %mul3A_555 = arith.constant 2.000000e-01 : f32
          %mul3A_556 = vector.broadcast %mul3A_555 : f32 to vector<16xf32>
          %mul3A_557 = arith.mulf %mul3A_556, %add3A_554 : vector<16xf32>
          %max3A_558 = arith.maximumf %add3A_554, %mul3A_557 : vector<16xf32>
          %add3A_559 = arith.addf %gather3A_544, %gather3A_548 : vector<16xf32>
          %slice3A_560 = vector.extract_strided_slice %get3A_92 {offsets = [10], sizes = [1], strides = [1]} : vector<16xf32> to vector<1xf32>
          %squeeze3A_561 = vector.extract %slice3A_560[0] : f32 from vector<1xf32>
          %mul3A_562 = vector.broadcast %squeeze3A_561 : f32 to vector<16xf32>
          %mul3A_563 = arith.mulf %get3A_48, %mul3A_562 : vector<16xf32>
          %add3A_564 = arith.addf %add3A_559, %mul3A_563 : vector<16xf32>
          %mul3A_565 = arith.constant 2.000000e-01 : f32
          %mul3A_566 = vector.broadcast %mul3A_565 : f32 to vector<16xf32>
          %mul3A_567 = arith.mulf %mul3A_566, %add3A_564 : vector<16xf32>
          %max3A_568 = arith.maximumf %add3A_564, %mul3A_567 : vector<16xf32>
          %slice3A_569 = vector.extract_strided_slice %get3A_94 {offsets = [10], sizes = [1], strides = [1]} : vector<16xf32> to vector<1xf32>
          %squeeze3A_570 = vector.extract %slice3A_569[0] : f32 from vector<1xf32>
          %mul3A_571 = vector.broadcast %squeeze3A_570 : f32 to vector<16xf32>
          %mul3A_572 = arith.mulf %max3A_558, %mul3A_571 : vector<16xf32>
          %add3A_573 = arith.addf %add3A_529, %mul3A_572 : vector<16xf32>
          %slice3A_574 = vector.extract_strided_slice %get3A_98 {offsets = [10], sizes = [1], strides = [1]} : vector<16xf32> to vector<1xf32>
          %squeeze3A_575 = vector.extract %slice3A_574[0] : f32 from vector<1xf32>
          %mul3A_576 = vector.broadcast %squeeze3A_575 : f32 to vector<16xf32>
          %mul3A_577 = arith.mulf %max3A_568, %mul3A_576 : vector<16xf32>
          %add3A_578 = arith.addf %add3A_534, %mul3A_577 : vector<16xf32>
          %add3A_579 = arith.constant 11 : i32
          %add3A_580 = arith.addi %mul3A_86, %add3A_579 : i32
          %add3A_581 = vector.broadcast %add3A_580 : i32 to vector<16xi32>
          %add3A_582 = arith.addi %broadcast_in_dim3A_3, %add3A_581 : vector<16xi32>
          %gather3A_583 = tpu.vector_load_idx %arg16[%add3A_45, %add3A_582] : memref<128x128xf32, #tpu.memory_space<vmem>>[vector<16xi32>, vector<16xi32>], vector<16xf32>,
          %gather3A_584 = tpu.vector_load_idx %arg17[%add3A_45, %add3A_582] : memref<128x128xf32, #tpu.memory_space<vmem>>[vector<16xi32>, vector<16xi32>], vector<16xf32>,
          %add3A_585 = arith.constant 64 : i32
          %add3A_586 = vector.broadcast %add3A_585 : i32 to vector<16xi32>
          %add3A_587 = arith.addi %add3A_582, %add3A_586 : vector<16xi32>
          %gather3A_588 = tpu.vector_load_idx %arg16[%add3A_45, %add3A_587] : memref<128x128xf32, #tpu.memory_space<vmem>>[vector<16xi32>, vector<16xi32>], vector<16xf32>,
          %add3A_589 = arith.constant 64 : i32
          %add3A_590 = vector.broadcast %add3A_589 : i32 to vector<16xi32>
          %add3A_591 = arith.addi %add3A_582, %add3A_590 : vector<16xi32>
          %gather3A_592 = tpu.vector_load_idx %arg17[%add3A_45, %add3A_591] : memref<128x128xf32, #tpu.memory_space<vmem>>[vector<16xi32>, vector<16xi32>], vector<16xf32>,
          %add3A_593 = arith.addf %gather3A_583, %gather3A_584 : vector<16xf32>
          %slice3A_594 = vector.extract_strided_slice %get3A_88 {offsets = [11], sizes = [1], strides = [1]} : vector<16xf32> to vector<1xf32>
          %squeeze3A_595 = vector.extract %slice3A_594[0] : f32 from vector<1xf32>
          %mul3A_596 = vector.broadcast %squeeze3A_595 : f32 to vector<16xf32>
          %mul3A_597 = arith.mulf %get3A_48, %mul3A_596 : vector<16xf32>
          %add3A_598 = arith.addf %add3A_593, %mul3A_597 : vector<16xf32>
          %mul3A_599 = arith.constant 2.000000e-01 : f32
          %mul3A_600 = vector.broadcast %mul3A_599 : f32 to vector<16xf32>
          %mul3A_601 = arith.mulf %mul3A_600, %add3A_598 : vector<16xf32>
          %max3A_602 = arith.maximumf %add3A_598, %mul3A_601 : vector<16xf32>
          %add3A_603 = arith.addf %gather3A_588, %gather3A_592 : vector<16xf32>
          %slice3A_604 = vector.extract_strided_slice %get3A_92 {offsets = [11], sizes = [1], strides = [1]} : vector<16xf32> to vector<1xf32>
          %squeeze3A_605 = vector.extract %slice3A_604[0] : f32 from vector<1xf32>
          %mul3A_606 = vector.broadcast %squeeze3A_605 : f32 to vector<16xf32>
          %mul3A_607 = arith.mulf %get3A_48, %mul3A_606 : vector<16xf32>
          %add3A_608 = arith.addf %add3A_603, %mul3A_607 : vector<16xf32>
          %mul3A_609 = arith.constant 2.000000e-01 : f32
          %mul3A_610 = vector.broadcast %mul3A_609 : f32 to vector<16xf32>
          %mul3A_611 = arith.mulf %mul3A_610, %add3A_608 : vector<16xf32>
          %max3A_612 = arith.maximumf %add3A_608, %mul3A_611 : vector<16xf32>
          %slice3A_613 = vector.extract_strided_slice %get3A_94 {offsets = [11], sizes = [1], strides = [1]} : vector<16xf32> to vector<1xf32>
          %squeeze3A_614 = vector.extract %slice3A_613[0] : f32 from vector<1xf32>
          %mul3A_615 = vector.broadcast %squeeze3A_614 : f32 to vector<16xf32>
          %mul3A_616 = arith.mulf %max3A_602, %mul3A_615 : vector<16xf32>
          %add3A_617 = arith.addf %add3A_573, %mul3A_616 : vector<16xf32>
          %slice3A_618 = vector.extract_strided_slice %get3A_98 {offsets = [11], sizes = [1], strides = [1]} : vector<16xf32> to vector<1xf32>
          %squeeze3A_619 = vector.extract %slice3A_618[0] : f32 from vector<1xf32>
          %mul3A_620 = vector.broadcast %squeeze3A_619 : f32 to vector<16xf32>
          %mul3A_621 = arith.mulf %max3A_612, %mul3A_620 : vector<16xf32>
          %add3A_622 = arith.addf %add3A_578, %mul3A_621 : vector<16xf32>
          %add3A_623 = arith.constant 12 : i32
          %add3A_624 = arith.addi %mul3A_86, %add3A_623 : i32
          %add3A_625 = vector.broadcast %add3A_624 : i32 to vector<16xi32>
          %add3A_626 = arith.addi %broadcast_in_dim3A_3, %add3A_625 : vector<16xi32>
          %gather3A_627 = tpu.vector_load_idx %arg16[%add3A_45, %add3A_626] : memref<128x128xf32, #tpu.memory_space<vmem>>[vector<16xi32>, vector<16xi32>], vector<16xf32>,
          %gather3A_628 = tpu.vector_load_idx %arg17[%add3A_45, %add3A_626] : memref<128x128xf32, #tpu.memory_space<vmem>>[vector<16xi32>, vector<16xi32>], vector<16xf32>,
          %add3A_629 = arith.constant 64 : i32
          %add3A_630 = vector.broadcast %add3A_629 : i32 to vector<16xi32>
          %add3A_631 = arith.addi %add3A_626, %add3A_630 : vector<16xi32>
          %gather3A_632 = tpu.vector_load_idx %arg16[%add3A_45, %add3A_631] : memref<128x128xf32, #tpu.memory_space<vmem>>[vector<16xi32>, vector<16xi32>], vector<16xf32>,
          %add3A_633 = arith.constant 64 : i32
          %add3A_634 = vector.broadcast %add3A_633 : i32 to vector<16xi32>
          %add3A_635 = arith.addi %add3A_626, %add3A_634 : vector<16xi32>
          %gather3A_636 = tpu.vector_load_idx %arg17[%add3A_45, %add3A_635] : memref<128x128xf32, #tpu.memory_space<vmem>>[vector<16xi32>, vector<16xi32>], vector<16xf32>,
          %add3A_637 = arith.addf %gather3A_627, %gather3A_628 : vector<16xf32>
          %slice3A_638 = vector.extract_strided_slice %get3A_88 {offsets = [12], sizes = [1], strides = [1]} : vector<16xf32> to vector<1xf32>
          %squeeze3A_639 = vector.extract %slice3A_638[0] : f32 from vector<1xf32>
          %mul3A_640 = vector.broadcast %squeeze3A_639 : f32 to vector<16xf32>
          %mul3A_641 = arith.mulf %get3A_48, %mul3A_640 : vector<16xf32>
          %add3A_642 = arith.addf %add3A_637, %mul3A_641 : vector<16xf32>
          %mul3A_643 = arith.constant 2.000000e-01 : f32
          %mul3A_644 = vector.broadcast %mul3A_643 : f32 to vector<16xf32>
          %mul3A_645 = arith.mulf %mul3A_644, %add3A_642 : vector<16xf32>
          %max3A_646 = arith.maximumf %add3A_642, %mul3A_645 : vector<16xf32>
          %add3A_647 = arith.addf %gather3A_632, %gather3A_636 : vector<16xf32>
          %slice3A_648 = vector.extract_strided_slice %get3A_92 {offsets = [12], sizes = [1], strides = [1]} : vector<16xf32> to vector<1xf32>
          %squeeze3A_649 = vector.extract %slice3A_648[0] : f32 from vector<1xf32>
          %mul3A_650 = vector.broadcast %squeeze3A_649 : f32 to vector<16xf32>
          %mul3A_651 = arith.mulf %get3A_48, %mul3A_650 : vector<16xf32>
          %add3A_652 = arith.addf %add3A_647, %mul3A_651 : vector<16xf32>
          %mul3A_653 = arith.constant 2.000000e-01 : f32
          %mul3A_654 = vector.broadcast %mul3A_653 : f32 to vector<16xf32>
          %mul3A_655 = arith.mulf %mul3A_654, %add3A_652 : vector<16xf32>
          %max3A_656 = arith.maximumf %add3A_652, %mul3A_655 : vector<16xf32>
          %slice3A_657 = vector.extract_strided_slice %get3A_94 {offsets = [12], sizes = [1], strides = [1]} : vector<16xf32> to vector<1xf32>
          %squeeze3A_658 = vector.extract %slice3A_657[0] : f32 from vector<1xf32>
          %mul3A_659 = vector.broadcast %squeeze3A_658 : f32 to vector<16xf32>
          %mul3A_660 = arith.mulf %max3A_646, %mul3A_659 : vector<16xf32>
          %add3A_661 = arith.addf %add3A_617, %mul3A_660 : vector<16xf32>
          %slice3A_662 = vector.extract_strided_slice %get3A_98 {offsets = [12], sizes = [1], strides = [1]} : vector<16xf32> to vector<1xf32>
          %squeeze3A_663 = vector.extract %slice3A_662[0] : f32 from vector<1xf32>
          %mul3A_664 = vector.broadcast %squeeze3A_663 : f32 to vector<16xf32>
          %mul3A_665 = arith.mulf %max3A_656, %mul3A_664 : vector<16xf32>
          %add3A_666 = arith.addf %add3A_622, %mul3A_665 : vector<16xf32>
          %add3A_667 = arith.constant 13 : i32
          %add3A_668 = arith.addi %mul3A_86, %add3A_667 : i32
          %add3A_669 = vector.broadcast %add3A_668 : i32 to vector<16xi32>
          %add3A_670 = arith.addi %broadcast_in_dim3A_3, %add3A_669 : vector<16xi32>
          %gather3A_671 = tpu.vector_load_idx %arg16[%add3A_45, %add3A_670] : memref<128x128xf32, #tpu.memory_space<vmem>>[vector<16xi32>, vector<16xi32>], vector<16xf32>,
          %gather3A_672 = tpu.vector_load_idx %arg17[%add3A_45, %add3A_670] : memref<128x128xf32, #tpu.memory_space<vmem>>[vector<16xi32>, vector<16xi32>], vector<16xf32>,
          %add3A_673 = arith.constant 64 : i32
          %add3A_674 = vector.broadcast %add3A_673 : i32 to vector<16xi32>
          %add3A_675 = arith.addi %add3A_670, %add3A_674 : vector<16xi32>
          %gather3A_676 = tpu.vector_load_idx %arg16[%add3A_45, %add3A_675] : memref<128x128xf32, #tpu.memory_space<vmem>>[vector<16xi32>, vector<16xi32>], vector<16xf32>,
          %add3A_677 = arith.constant 64 : i32
          %add3A_678 = vector.broadcast %add3A_677 : i32 to vector<16xi32>
          %add3A_679 = arith.addi %add3A_670, %add3A_678 : vector<16xi32>
          %gather3A_680 = tpu.vector_load_idx %arg17[%add3A_45, %add3A_679] : memref<128x128xf32, #tpu.memory_space<vmem>>[vector<16xi32>, vector<16xi32>], vector<16xf32>,
          %add3A_681 = arith.addf %gather3A_671, %gather3A_672 : vector<16xf32>
          %slice3A_682 = vector.extract_strided_slice %get3A_88 {offsets = [13], sizes = [1], strides = [1]} : vector<16xf32> to vector<1xf32>
          %squeeze3A_683 = vector.extract %slice3A_682[0] : f32 from vector<1xf32>
          %mul3A_684 = vector.broadcast %squeeze3A_683 : f32 to vector<16xf32>
          %mul3A_685 = arith.mulf %get3A_48, %mul3A_684 : vector<16xf32>
          %add3A_686 = arith.addf %add3A_681, %mul3A_685 : vector<16xf32>
          %mul3A_687 = arith.constant 2.000000e-01 : f32
          %mul3A_688 = vector.broadcast %mul3A_687 : f32 to vector<16xf32>
          %mul3A_689 = arith.mulf %mul3A_688, %add3A_686 : vector<16xf32>
          %max3A_690 = arith.maximumf %add3A_686, %mul3A_689 : vector<16xf32>
          %add3A_691 = arith.addf %gather3A_676, %gather3A_680 : vector<16xf32>
          %slice3A_692 = vector.extract_strided_slice %get3A_92 {offsets = [13], sizes = [1], strides = [1]} : vector<16xf32> to vector<1xf32>
          %squeeze3A_693 = vector.extract %slice3A_692[0] : f32 from vector<1xf32>
          %mul3A_694 = vector.broadcast %squeeze3A_693 : f32 to vector<16xf32>
          %mul3A_695 = arith.mulf %get3A_48, %mul3A_694 : vector<16xf32>
          %add3A_696 = arith.addf %add3A_691, %mul3A_695 : vector<16xf32>
          %mul3A_697 = arith.constant 2.000000e-01 : f32
          %mul3A_698 = vector.broadcast %mul3A_697 : f32 to vector<16xf32>
          %mul3A_699 = arith.mulf %mul3A_698, %add3A_696 : vector<16xf32>
          %max3A_700 = arith.maximumf %add3A_696, %mul3A_699 : vector<16xf32>
          %slice3A_701 = vector.extract_strided_slice %get3A_94 {offsets = [13], sizes = [1], strides = [1]} : vector<16xf32> to vector<1xf32>
          %squeeze3A_702 = vector.extract %slice3A_701[0] : f32 from vector<1xf32>
          %mul3A_703 = vector.broadcast %squeeze3A_702 : f32 to vector<16xf32>
          %mul3A_704 = arith.mulf %max3A_690, %mul3A_703 : vector<16xf32>
          %add3A_705 = arith.addf %add3A_661, %mul3A_704 : vector<16xf32>
          %slice3A_706 = vector.extract_strided_slice %get3A_98 {offsets = [13], sizes = [1], strides = [1]} : vector<16xf32> to vector<1xf32>
          %squeeze3A_707 = vector.extract %slice3A_706[0] : f32 from vector<1xf32>
          %mul3A_708 = vector.broadcast %squeeze3A_707 : f32 to vector<16xf32>
          %mul3A_709 = arith.mulf %max3A_700, %mul3A_708 : vector<16xf32>
          %add3A_710 = arith.addf %add3A_666, %mul3A_709 : vector<16xf32>
          %add3A_711 = arith.constant 14 : i32
          %add3A_712 = arith.addi %mul3A_86, %add3A_711 : i32
          %add3A_713 = vector.broadcast %add3A_712 : i32 to vector<16xi32>
          %add3A_714 = arith.addi %broadcast_in_dim3A_3, %add3A_713 : vector<16xi32>
          %gather3A_715 = tpu.vector_load_idx %arg16[%add3A_45, %add3A_714] : memref<128x128xf32, #tpu.memory_space<vmem>>[vector<16xi32>, vector<16xi32>], vector<16xf32>,
          %gather3A_716 = tpu.vector_load_idx %arg17[%add3A_45, %add3A_714] : memref<128x128xf32, #tpu.memory_space<vmem>>[vector<16xi32>, vector<16xi32>], vector<16xf32>,
          %add3A_717 = arith.constant 64 : i32
          %add3A_718 = vector.broadcast %add3A_717 : i32 to vector<16xi32>
          %add3A_719 = arith.addi %add3A_714, %add3A_718 : vector<16xi32>
          %gather3A_720 = tpu.vector_load_idx %arg16[%add3A_45, %add3A_719] : memref<128x128xf32, #tpu.memory_space<vmem>>[vector<16xi32>, vector<16xi32>], vector<16xf32>,
          %add3A_721 = arith.constant 64 : i32
          %add3A_722 = vector.broadcast %add3A_721 : i32 to vector<16xi32>
          %add3A_723 = arith.addi %add3A_714, %add3A_722 : vector<16xi32>
          %gather3A_724 = tpu.vector_load_idx %arg17[%add3A_45, %add3A_723] : memref<128x128xf32, #tpu.memory_space<vmem>>[vector<16xi32>, vector<16xi32>], vector<16xf32>,
          %add3A_725 = arith.addf %gather3A_715, %gather3A_716 : vector<16xf32>
          %slice3A_726 = vector.extract_strided_slice %get3A_88 {offsets = [14], sizes = [1], strides = [1]} : vector<16xf32> to vector<1xf32>
          %squeeze3A_727 = vector.extract %slice3A_726[0] : f32 from vector<1xf32>
          %mul3A_728 = vector.broadcast %squeeze3A_727 : f32 to vector<16xf32>
          %mul3A_729 = arith.mulf %get3A_48, %mul3A_728 : vector<16xf32>
          %add3A_730 = arith.addf %add3A_725, %mul3A_729 : vector<16xf32>
          %mul3A_731 = arith.constant 2.000000e-01 : f32
          %mul3A_732 = vector.broadcast %mul3A_731 : f32 to vector<16xf32>
          %mul3A_733 = arith.mulf %mul3A_732, %add3A_730 : vector<16xf32>
          %max3A_734 = arith.maximumf %add3A_730, %mul3A_733 : vector<16xf32>
          %add3A_735 = arith.addf %gather3A_720, %gather3A_724 : vector<16xf32>
          %slice3A_736 = vector.extract_strided_slice %get3A_92 {offsets = [14], sizes = [1], strides = [1]} : vector<16xf32> to vector<1xf32>
          %squeeze3A_737 = vector.extract %slice3A_736[0] : f32 from vector<1xf32>
          %mul3A_738 = vector.broadcast %squeeze3A_737 : f32 to vector<16xf32>
          %mul3A_739 = arith.mulf %get3A_48, %mul3A_738 : vector<16xf32>
          %add3A_740 = arith.addf %add3A_735, %mul3A_739 : vector<16xf32>
          %mul3A_741 = arith.constant 2.000000e-01 : f32
          %mul3A_742 = vector.broadcast %mul3A_741 : f32 to vector<16xf32>
          %mul3A_743 = arith.mulf %mul3A_742, %add3A_740 : vector<16xf32>
          %max3A_744 = arith.maximumf %add3A_740, %mul3A_743 : vector<16xf32>
          %slice3A_745 = vector.extract_strided_slice %get3A_94 {offsets = [14], sizes = [1], strides = [1]} : vector<16xf32> to vector<1xf32>
          %squeeze3A_746 = vector.extract %slice3A_745[0] : f32 from vector<1xf32>
          %mul3A_747 = vector.broadcast %squeeze3A_746 : f32 to vector<16xf32>
          %mul3A_748 = arith.mulf %max3A_734, %mul3A_747 : vector<16xf32>
          %add3A_749 = arith.addf %add3A_705, %mul3A_748 : vector<16xf32>
          %slice3A_750 = vector.extract_strided_slice %get3A_98 {offsets = [14], sizes = [1], strides = [1]} : vector<16xf32> to vector<1xf32>
          %squeeze3A_751 = vector.extract %slice3A_750[0] : f32 from vector<1xf32>
          %mul3A_752 = vector.broadcast %squeeze3A_751 : f32 to vector<16xf32>
          %mul3A_753 = arith.mulf %max3A_744, %mul3A_752 : vector<16xf32>
          %add3A_754 = arith.addf %add3A_710, %mul3A_753 : vector<16xf32>
          %add3A_755 = arith.constant 15 : i32
          %add3A_756 = arith.addi %mul3A_86, %add3A_755 : i32
          %add3A_757 = vector.broadcast %add3A_756 : i32 to vector<16xi32>
          %add3A_758 = arith.addi %broadcast_in_dim3A_3, %add3A_757 : vector<16xi32>
          %gather3A_759 = tpu.vector_load_idx %arg16[%add3A_45, %add3A_758] : memref<128x128xf32, #tpu.memory_space<vmem>>[vector<16xi32>, vector<16xi32>], vector<16xf32>,
          %gather3A_760 = tpu.vector_load_idx %arg17[%add3A_45, %add3A_758] : memref<128x128xf32, #tpu.memory_space<vmem>>[vector<16xi32>, vector<16xi32>], vector<16xf32>,
          %add3A_761 = arith.constant 64 : i32
          %add3A_762 = vector.broadcast %add3A_761 : i32 to vector<16xi32>
          %add3A_763 = arith.addi %add3A_758, %add3A_762 : vector<16xi32>
          %gather3A_764 = tpu.vector_load_idx %arg16[%add3A_45, %add3A_763] : memref<128x128xf32, #tpu.memory_space<vmem>>[vector<16xi32>, vector<16xi32>], vector<16xf32>,
          %add3A_765 = arith.constant 64 : i32
          %add3A_766 = vector.broadcast %add3A_765 : i32 to vector<16xi32>
          %add3A_767 = arith.addi %add3A_758, %add3A_766 : vector<16xi32>
          %gather3A_768 = tpu.vector_load_idx %arg17[%add3A_45, %add3A_767] : memref<128x128xf32, #tpu.memory_space<vmem>>[vector<16xi32>, vector<16xi32>], vector<16xf32>,
          %add3A_769 = arith.addf %gather3A_759, %gather3A_760 : vector<16xf32>
          %slice3A_770 = vector.extract_strided_slice %get3A_88 {offsets = [15], sizes = [1], strides = [1]} : vector<16xf32> to vector<1xf32>
          %squeeze3A_771 = vector.extract %slice3A_770[0] : f32 from vector<1xf32>
          %mul3A_772 = vector.broadcast %squeeze3A_771 : f32 to vector<16xf32>
          %mul3A_773 = arith.mulf %get3A_48, %mul3A_772 : vector<16xf32>
          %add3A_774 = arith.addf %add3A_769, %mul3A_773 : vector<16xf32>
          %mul3A_775 = arith.constant 2.000000e-01 : f32
          %mul3A_776 = vector.broadcast %mul3A_775 : f32 to vector<16xf32>
          %mul3A_777 = arith.mulf %mul3A_776, %add3A_774 : vector<16xf32>
          %max3A_778 = arith.maximumf %add3A_774, %mul3A_777 : vector<16xf32>
          %add3A_779 = arith.addf %gather3A_764, %gather3A_768 : vector<16xf32>
          %slice3A_780 = vector.extract_strided_slice %get3A_92 {offsets = [15], sizes = [1], strides = [1]} : vector<16xf32> to vector<1xf32>
          %squeeze3A_781 = vector.extract %slice3A_780[0] : f32 from vector<1xf32>
          %mul3A_782 = vector.broadcast %squeeze3A_781 : f32 to vector<16xf32>
          %mul3A_783 = arith.mulf %get3A_48, %mul3A_782 : vector<16xf32>
          %add3A_784 = arith.addf %add3A_779, %mul3A_783 : vector<16xf32>
          %mul3A_785 = arith.constant 2.000000e-01 : f32
          %mul3A_786 = vector.broadcast %mul3A_785 : f32 to vector<16xf32>
          %mul3A_787 = arith.mulf %mul3A_786, %add3A_784 : vector<16xf32>
          %max3A_788 = arith.maximumf %add3A_784, %mul3A_787 : vector<16xf32>
          %slice3A_789 = vector.extract_strided_slice %get3A_94 {offsets = [15], sizes = [1], strides = [1]} : vector<16xf32> to vector<1xf32>
          %squeeze3A_790 = vector.extract %slice3A_789[0] : f32 from vector<1xf32>
          %mul3A_791 = vector.broadcast %squeeze3A_790 : f32 to vector<16xf32>
          %mul3A_792 = arith.mulf %max3A_778, %mul3A_791 : vector<16xf32>
          %add3A_793 = arith.addf %add3A_749, %mul3A_792 : vector<16xf32>
          %slice3A_794 = vector.extract_strided_slice %get3A_98 {offsets = [15], sizes = [1], strides = [1]} : vector<16xf32> to vector<1xf32>
          %squeeze3A_795 = vector.extract %slice3A_794[0] : f32 from vector<1xf32>
          %mul3A_796 = vector.broadcast %squeeze3A_795 : f32 to vector<16xf32>
          %mul3A_797 = arith.mulf %max3A_788, %mul3A_796 : vector<16xf32>
          %add3A_798 = arith.addf %add3A_754, %mul3A_797 : vector<16xf32>
          scf.yield %add3A_793, %add3A_798 : vector<16xf32>, vector<16xf32>
        }
        %scan3A_58 = arith.constant 4 : i32
        %mul3A_59 = arith.constant 16 : i32
        %mul3A_60 = arith.muli %scan3A_40, %mul3A_59 : i32
        %add3A_61 = arith.addi %add3A_21, %mul3A_60 : i32
        %add3A_62 = vector.broadcast %add3A_61 : i32 to vector<16xi32>
        %add3A_63 = arith.addi %add3A_62, %iota3A : vector<16xi32>
        %lt3A = arith.constant 330000 : i32
        %lt3A_64 = vector.broadcast %lt3A : i32 to vector<16xi32>
        %lt3A_65 = arith.cmpi slt, %add3A_63, %lt3A_64 : vector<16xi32>
        %exp3A = math.exp %scan3A_57#0 : vector<16xf32>
        %jit3A = arith.constant 0.000000e+00 : f32
        %broadcast_in_dim3A_66 = vector.broadcast %jit3A : f32 to vector<16xf32>
        %select_n3A = arith.select %lt3A_65, %exp3A, %broadcast_in_dim3A_66 : vector<16xi1>, vector<16xf32>
        %exp3A_67 = math.exp %scan3A_57#1 : vector<16xf32>
        %jit3A_68 = arith.constant 0.000000e+00 : f32
        %broadcast_in_dim3A_69 = vector.broadcast %jit3A_68 : f32 to vector<16xf32>
        %select_n3A_70 = arith.select %lt3A_65, %exp3A_67, %broadcast_in_dim3A_69 : vector<16xi1>, vector<16xf32>
        %mul3A_71 = arith.constant 16 : i32
        %mul3A_72 = arith.muli %scan3A_40, %mul3A_71 : i32
        %swap3A = arith.index_cast %mul3A_72 : i32 to index
        %swap3A_73 = tpu.vector_load %arg18[%swap3A] {strides = array<i32>} : memref<128xf32, #tpu.memory_space<vmem>>, vector<16xf32>,
        tpu.vector_store %arg18[%swap3A], %select_n3A {strides = array<i32>} : memref<128xf32, #tpu.memory_space<vmem>>, vector<16xf32>,
        %mul3A_74 = arith.constant 16 : i32
        %mul3A_75 = arith.muli %scan3A_40, %mul3A_74 : i32
        %swap3A_76 = arith.index_cast %mul3A_75 : i32 to index
        %swap3A_77 = tpu.vector_load %arg19[%swap3A_76] {strides = array<i32>} : memref<128xf32, #tpu.memory_space<vmem>>, vector<16xf32>,
        tpu.vector_store %arg19[%swap3A_76], %select_n3A_70 {strides = array<i32>} : memref<128xf32, #tpu.memory_space<vmem>>, vector<16xf32>,
        tpu.vector_store_idx %arg20[%add3A_45, %broadcast_in_dim3A_3], %select_n3A : memref<128x2xf32, #tpu.memory_space<vmem>>[vector<16xi32>, vector<16xi32>], vector<16xf32>,
        %add3A_78 = arith.constant 1 : i32
        %add3A_79 = vector.broadcast %add3A_78 : i32 to vector<16xi32>
        %add3A_80 = arith.addi %broadcast_in_dim3A_3, %add3A_79 : vector<16xi32>
        tpu.vector_store_idx %arg20[%add3A_45, %add3A_80], %select_n3A_70 : memref<128x2xf32, #tpu.memory_space<vmem>>[vector<16xi32>, vector<16xi32>], vector<16xf32>,
        %scan3A_81 = arith.constant 0 : i32
        scf.yield %scan3A_81 : i32
      }
      %scan3A_38 = arith.constant 8 : i32
      "tpu.region"() ({
        %run_scoped3A = tpu.sem_alloc : memref<!tpu.dma_semaphore, #tpu.memory_space<semaphore_mem>>
        %dma_start3A_40 = tpu.memref_slice %arg10[%add3A_21] : memref<331776xf32, #tpu.memory_space<hbm>> -> memref<128xf32, #tpu.memory_space<hbm>>
        %dma_start3A_41 = tpu.memref_slice %arg10[%add3A_21] : memref<331776xf32, #tpu.memory_space<hbm>> -> memref<128xf32, #tpu.memory_space<hbm>>
        tpu.enqueue_dma source(%arg18 : memref<128xf32, #tpu.memory_space<vmem>>) target(%dma_start3A_41 : memref<128xf32, #tpu.memory_space<hbm>>) target_semaphore(%run_scoped3A : memref<!tpu.dma_semaphore, #tpu.memory_space<semaphore_mem>>)
        %dma_wait3A_42 = tpu.memref_slice %arg10[%add3A_21] : memref<331776xf32, #tpu.memory_space<hbm>> -> memref<128xf32, #tpu.memory_space<hbm>>
        %dma_wait3A_43 = tpu.memref_slice %arg10[%add3A_21] : memref<331776xf32, #tpu.memory_space<hbm>> -> memref<128xf32, #tpu.memory_space<hbm>>
        tpu.wait_dma2 semaphore(%run_scoped3A : memref<!tpu.dma_semaphore, #tpu.memory_space<semaphore_mem>>) src(%arg18 : memref<128xf32, #tpu.memory_space<vmem>>) dst(%dma_wait3A_43 : memref<128xf32, #tpu.memory_space<hbm>>)
        tpu.yield
      }) : () -> ()
      "tpu.region"() ({
        %run_scoped3A = tpu.sem_alloc : memref<!tpu.dma_semaphore, #tpu.memory_space<semaphore_mem>>
        %dma_start3A_40 = tpu.memref_slice %arg11[%add3A_21] : memref<331776xf32, #tpu.memory_space<hbm>> -> memref<128xf32, #tpu.memory_space<hbm>>
        %dma_start3A_41 = tpu.memref_slice %arg11[%add3A_21] : memref<331776xf32, #tpu.memory_space<hbm>> -> memref<128xf32, #tpu.memory_space<hbm>>
        tpu.enqueue_dma source(%arg19 : memref<128xf32, #tpu.memory_space<vmem>>) target(%dma_start3A_41 : memref<128xf32, #tpu.memory_space<hbm>>) target_semaphore(%run_scoped3A : memref<!tpu.dma_semaphore, #tpu.memory_space<semaphore_mem>>)
        %dma_wait3A_42 = tpu.memref_slice %arg11[%add3A_21] : memref<331776xf32, #tpu.memory_space<hbm>> -> memref<128xf32, #tpu.memory_space<hbm>>
        %dma_wait3A_43 = tpu.memref_slice %arg11[%add3A_21] : memref<331776xf32, #tpu.memory_space<hbm>> -> memref<128xf32, #tpu.memory_space<hbm>>
        tpu.wait_dma2 semaphore(%run_scoped3A : memref<!tpu.dma_semaphore, #tpu.memory_space<semaphore_mem>>) src(%arg19 : memref<128xf32, #tpu.memory_space<vmem>>) dst(%dma_wait3A_43 : memref<128xf32, #tpu.memory_space<hbm>>)
        tpu.yield
      }) : () -> ()
      "tpu.region"() ({
        %run_scoped3A = tpu.sem_alloc : memref<!tpu.dma_semaphore, #tpu.memory_space<semaphore_mem>>
        %dma_start3A_40 = arith.constant 0 : i32
        %dma_start3A_41 = arith.constant 0 : i32
        %dma_start3A_42 = tpu.memref_slice %arg23[%dma_start3A_40, %dma_start3A_41] : memref<10240x2xf32, #tpu.memory_space<vmem_shared>> -> memref<10240x2xf32, #tpu.memory_space<vmem_shared>>
        tpu.enqueue_indirect_dma source(%arg20 : memref<128x2xf32, #tpu.memory_space<vmem>>) target(%dma_start3A_42 : memref<10240x2xf32, #tpu.memory_space<vmem_shared>>) offsets(%arg14 : memref<128xi32, #tpu.memory_space<vmem>>) semaphore(%run_scoped3A : memref<!tpu.dma_semaphore, #tpu.memory_space<semaphore_mem>>) {add = true}
        %dma_wait3A_43 = arith.constant 0 : i32
        %dma_wait3A_44 = arith.constant 0 : i32
        %dma_wait3A_45 = tpu.memref_slice %arg23[%dma_wait3A_43, %dma_wait3A_44] : memref<10240x2xf32, #tpu.memory_space<vmem_shared>> -> memref<10240x2xf32, #tpu.memory_space<vmem_shared>>
        tpu.wait_indirect_dma semaphore(%run_scoped3A : memref<!tpu.dma_semaphore, #tpu.memory_space<semaphore_mem>>) src(%arg20 : memref<128x2xf32, #tpu.memory_space<vmem>>) dst(%dma_wait3A_45 : memref<10240x2xf32, #tpu.memory_space<vmem_shared>>)
        tpu.yield
      }) : () -> ()
      %scan3A_39 = arith.constant 0 : i32
      scf.yield %scan3A_39 : i32
    }
    %scan3A_9 = arith.constant 81 : i32
    %barrier3A_10 = arith.constant 0 : index
    tpu.barrier barrier_id(%barrier3A_10)
    %mul3A_11 = arith.constant 640 : i32
    %mul3A_12 = arith.muli %arg1, %mul3A_11 : i32
    %mul3A_13 = arith.constant 640 : i32
    %mul3A_14 = arith.muli %arg1, %mul3A_13 : i32
    "tpu.region"() ({
      %run_scoped3A = tpu.sem_alloc : memref<!tpu.dma_semaphore, #tpu.memory_space<semaphore_mem>>
      %dma_start3A = arith.constant 0 : i32
      %dma_start3A_15 = tpu.memref_slice %arg12[%arg0, %mul3A_14, %dma_start3A] : memref<2x10240x2xf32, #tpu.memory_space<hbm>> -> memref<1x640x2xf32, #tpu.memory_space<hbm>>
      %dma_start3A_16 = tpu.memref_squeeze %dma_start3A_15 : memref<1x640x2xf32, #tpu.memory_space<hbm>> -> memref<640x2xf32, #tpu.memory_space<hbm>>
      %dma_start3A_17 = arith.constant 0 : i32
      %dma_start3A_18 = tpu.memref_slice %arg23[%mul3A_12, %dma_start3A_17] : memref<10240x2xf32, #tpu.memory_space<vmem_shared>> -> memref<640x2xf32, #tpu.memory_space<vmem_shared>>
      tpu.enqueue_dma source(%dma_start3A_18 : memref<640x2xf32, #tpu.memory_space<vmem_shared>>) target(%dma_start3A_16 : memref<640x2xf32, #tpu.memory_space<hbm>>) target_semaphore(%run_scoped3A : memref<!tpu.dma_semaphore, #tpu.memory_space<semaphore_mem>>)
      %dma_wait3A = arith.constant 0 : i32
      %dma_wait3A_19 = tpu.memref_slice %arg12[%arg0, %mul3A_14, %dma_wait3A] : memref<2x10240x2xf32, #tpu.memory_space<hbm>> -> memref<1x640x2xf32, #tpu.memory_space<hbm>>
      %dma_wait3A_20 = tpu.memref_squeeze %dma_wait3A_19 : memref<1x640x2xf32, #tpu.memory_space<hbm>> -> memref<640x2xf32, #tpu.memory_space<hbm>>
      %dma_wait3A_21 = arith.constant 0 : i32
      %dma_wait3A_22 = tpu.memref_slice %arg23[%mul3A_12, %dma_wait3A_21] : memref<10240x2xf32, #tpu.memory_space<vmem_shared>> -> memref<640x2xf32, #tpu.memory_space<vmem_shared>>
      tpu.wait_dma2 semaphore(%run_scoped3A : memref<!tpu.dma_semaphore, #tpu.memory_space<semaphore_mem>>) src(%dma_wait3A_22 : memref<640x2xf32, #tpu.memory_space<vmem_shared>>) dst(%dma_wait3A_20 : memref<640x2xf32, #tpu.memory_space<hbm>>)
      tpu.yield
    }) : () -> ()
    return
  }
}

module attributes {stable_mosaic.version = 14 : i64} {
  func.func @_mm2_body(%arg0: i32, %arg1: memref<2048x128xf32, #tpu.memory_space<vmem>>, %arg2: memref<128x128xf32, #tpu.memory_space<vmem>>, %arg3: memref<128xf32, #tpu.memory_space<vmem>>, %arg4: memref<128x128xf32, #tpu.memory_space<vmem>>, %arg5: memref<128xf32, #tpu.memory_space<vmem>>, %arg6: memref<2048x128xf32, #tpu.memory_space<vmem>>, %arg7: memref<2048x128xf32, #tpu.memory_space<vmem>>) attributes {dimension_semantics = [#tpu.dimension_semantics<arbitrary>], iteration_bounds = array<i64: 5>, scalar_prefetch = 0 : i64, scratch_operands = 0 : i64, tpu.core_type = #tpu.core_type<tc>, window_params = [{transform_indices = @transform_0, window_bounds = array<i64: 2048, 128>}, {pipeline_mode = #tpu.pipeline_mode<synchronous>, transform_indices = @transform_1, window_bounds = array<i64: 128, 128>}, {pipeline_mode = #tpu.pipeline_mode<synchronous>, transform_indices = @transform_2, window_bounds = array<i64: 128>}, {pipeline_mode = #tpu.pipeline_mode<synchronous>, transform_indices = @transform_3, window_bounds = array<i64: 128, 128>}, {pipeline_mode = #tpu.pipeline_mode<synchronous>, transform_indices = @transform_4, window_bounds = array<i64: 128>}, {transform_indices = @transform_5, window_bounds = array<i64: 2048, 128>}, {transform_indices = @transform_6, window_bounds = array<i64: 2048, 128>}]} {
    %get3A = arith.constant 0 : index
    %get3A_0 = arith.constant 0 : index
    %get3A_1 = vector.load %arg1[%get3A, %get3A_0] : memref<2048x128xf32, #tpu.memory_space<vmem>>, vector<2048x128xf32>
    %get3A_2 = arith.constant 0 : index
    %get3A_3 = arith.constant 0 : index
    %get3A_4 = vector.load %arg2[%get3A_2, %get3A_3] : memref<128x128xf32, #tpu.memory_space<vmem>>, vector<128x128xf32>
    %dot_general3A = arith.constant dense<0.000000e+00> : vector<2048x128xf32>
    %dot_general3A_5 = tpu.matmul %get3A_1, %get3A_4, %dot_general3A {dimension_numbers = #tpu.dot_dimension_numbers<[1], [0], [0], [1], [0, 0, 1, 1], [], []>, transpose_lhs_hint = false} : vector<2048x128xf32>, vector<128x128xf32>, vector<2048x128xf32> -> vector<2048x128xf32>
    %get3A_6 = arith.constant 0 : index
    %get3A_7 = vector.load %arg3[%get3A_6] : memref<128xf32, #tpu.memory_space<vmem>>, vector<128xf32>
    %broadcast_in_dim3A = vector.shape_cast %get3A_7 : vector<128xf32> to vector<1x128xf32>
    %add3A = vector.broadcast %broadcast_in_dim3A : vector<1x128xf32> to vector<2048x128xf32>
    %add3A_8 = arith.addf %dot_general3A_5, %add3A : vector<2048x128xf32>
    %swap3A = arith.constant 0 : index
    %swap3A_9 = arith.constant 0 : index
    %swap3A_10 = vector.load %arg6[%swap3A, %swap3A_9] : memref<2048x128xf32, #tpu.memory_space<vmem>>, vector<2048x128xf32>
    tpu.vector_store %arg6[%swap3A, %swap3A_9], %add3A_8 {strides = array<i32>} : memref<2048x128xf32, #tpu.memory_space<vmem>>, vector<2048x128xf32>,
    %get3A_11 = arith.constant 0 : index
    %get3A_12 = arith.constant 0 : index
    %get3A_13 = vector.load %arg4[%get3A_11, %get3A_12] : memref<128x128xf32, #tpu.memory_space<vmem>>, vector<128x128xf32>
    %dot_general3A_14 = arith.constant dense<0.000000e+00> : vector<2048x128xf32>
    %dot_general3A_15 = tpu.matmul %get3A_1, %get3A_13, %dot_general3A_14 {dimension_numbers = #tpu.dot_dimension_numbers<[1], [0], [0], [1], [0, 0, 1, 1], [], []>, transpose_lhs_hint = false} : vector<2048x128xf32>, vector<128x128xf32>, vector<2048x128xf32> -> vector<2048x128xf32>
    %get3A_16 = arith.constant 0 : index
    %get3A_17 = vector.load %arg5[%get3A_16] : memref<128xf32, #tpu.memory_space<vmem>>, vector<128xf32>
    %broadcast_in_dim3A_18 = vector.shape_cast %get3A_17 : vector<128xf32> to vector<1x128xf32>
    %add3A_19 = vector.broadcast %broadcast_in_dim3A_18 : vector<1x128xf32> to vector<2048x128xf32>
    %add3A_20 = arith.addf %dot_general3A_15, %add3A_19 : vector<2048x128xf32>
    %swap3A_21 = arith.constant 0 : index
    %swap3A_22 = arith.constant 0 : index
    %swap3A_23 = vector.load %arg7[%swap3A_21, %swap3A_22] : memref<2048x128xf32, #tpu.memory_space<vmem>>, vector<2048x128xf32>
    tpu.vector_store %arg7[%swap3A_21, %swap3A_22], %add3A_20 {strides = array<i32>} : memref<2048x128xf32, #tpu.memory_space<vmem>>, vector<2048x128xf32>,
    return
  }
  func.func @transform_0(%arg0: i32) -> (i32, i32) {
    %c0_i32 = arith.constant 0 : i32
    %c0_i32_0 = arith.constant 0 : i32
    return %arg0, %c0_i32 : i32, i32
  }
  func.func @transform_1(%arg0: i32) -> (i32, i32) {
    %c0_i32 = arith.constant 0 : i32
    %c0_i32_0 = arith.constant 0 : i32
    %c0_i32_1 = arith.constant 0 : i32
    return %c0_i32, %c0_i32_0 : i32, i32
  }
  func.func @transform_2(%arg0: i32) -> i32 {
    %c0_i32 = arith.constant 0 : i32
    %c0_i32_0 = arith.constant 0 : i32
    return %c0_i32 : i32
  }
  func.func @transform_3(%arg0: i32) -> (i32, i32) {
    %c0_i32 = arith.constant 0 : i32
    %c0_i32_0 = arith.constant 0 : i32
    %c0_i32_1 = arith.constant 0 : i32
    return %c0_i32, %c0_i32_0 : i32, i32
  }
  func.func @transform_4(%arg0: i32) -> i32 {
    %c0_i32 = arith.constant 0 : i32
    %c0_i32_0 = arith.constant 0 : i32
    return %c0_i32 : i32
  }
  func.func @transform_5(%arg0: i32) -> (i32, i32) {
    %c0_i32 = arith.constant 0 : i32
    %c0_i32_0 = arith.constant 0 : i32
    return %arg0, %c0_i32 : i32, i32
  }
  func.func @transform_6(%arg0: i32) -> (i32, i32) {
    %c0_i32 = arith.constant 0 : i32
    %c0_i32_0 = arith.constant 0 : i32
    return %arg0, %c0_i32 : i32, i32
  }
}

module attributes {stable_mosaic.version = 14 : i64} {
  func.func @_recip_body(%arg0: memref<2x10240x2xf32, #tpu.memory_space<vmem>>, %arg1: memref<10240x2xf32, #tpu.memory_space<vmem>>) attributes {dimension_semantics = [], scalar_prefetch = 0 : i64, scratch_operands = 0 : i64, tpu.core_type = #tpu.core_type<tc>} {
    %get3A = arith.constant 0 : index
    %get3A_0 = arith.constant 0 : index
    %get3A_1 = arith.constant 0 : index
    %get3A_2 = vector.load %arg0[%get3A, %get3A_0, %get3A_1] : memref<2x10240x2xf32, #tpu.memory_space<vmem>>, vector<1x10240x2xf32>
    %get3A_3 = vector.shape_cast %get3A_2 : vector<1x10240x2xf32> to vector<10240x2xf32>
    %get3A_4 = arith.constant 1 : index
    %get3A_5 = arith.constant 0 : index
    %get3A_6 = arith.constant 0 : index
    %get3A_7 = vector.load %arg0[%get3A_4, %get3A_5, %get3A_6] : memref<2x10240x2xf32, #tpu.memory_space<vmem>>, vector<1x10240x2xf32>
    %get3A_8 = vector.shape_cast %get3A_7 : vector<1x10240x2xf32> to vector<10240x2xf32>
    %add3A = arith.addf %get3A_3, %get3A_8 : vector<10240x2xf32>
    %add3A_9 = arith.constant 1.000000e-16 : f32
    %add3A_10 = vector.broadcast %add3A_9 : f32 to vector<10240x2xf32>
    %add3A_11 = arith.addf %add3A, %add3A_10 : vector<10240x2xf32>
    %div3A = arith.constant 1.000000e+00 : f32
    %div3A_12 = vector.broadcast %div3A : f32 to vector<10240x2xf32>
    %div3A_13 = arith.divf %div3A_12, %add3A_11 : vector<10240x2xf32>
    %swap3A = arith.constant 0 : index
    %swap3A_14 = arith.constant 0 : index
    %swap3A_15 = vector.load %arg1[%swap3A, %swap3A_14] : memref<10240x2xf32, #tpu.memory_space<vmem>>, vector<10240x2xf32>
    tpu.vector_store %arg1[%swap3A, %swap3A_14], %div3A_13 {strides = array<i32>} : memref<10240x2xf32, #tpu.memory_space<vmem>>, vector<10240x2xf32>,
    return
  }
}

module attributes {stable_mosaic.version = 14 : i64} {
  func.func @_merge_relu_body(%arg0: i32, %arg1: memref<2x2048x128xf32, #tpu.memory_space<vmem>>, %arg2: memref<128xf32, #tpu.memory_space<vmem>>, %arg3: memref<2048x128xf32, #tpu.memory_space<vmem>>) attributes {dimension_semantics = [#tpu.dimension_semantics<arbitrary>], iteration_bounds = array<i64: 5>, scalar_prefetch = 0 : i64, scratch_operands = 0 : i64, tpu.core_type = #tpu.core_type<tc>, window_params = [{transform_indices = @transform_0, window_bounds = array<i64: 2, 2048, 128>}, {pipeline_mode = #tpu.pipeline_mode<synchronous>, transform_indices = @transform_1, window_bounds = array<i64: 128>}, {transform_indices = @transform_2, window_bounds = array<i64: 2048, 128>}]} {
    %get3A = arith.constant 0 : index
    %get3A_0 = arith.constant 0 : index
    %get3A_1 = arith.constant 0 : index
    %get3A_2 = vector.load %arg1[%get3A, %get3A_0, %get3A_1] : memref<2x2048x128xf32, #tpu.memory_space<vmem>>, vector<1x2048x128xf32>
    %get3A_3 = vector.shape_cast %get3A_2 : vector<1x2048x128xf32> to vector<2048x128xf32>
    %get3A_4 = arith.constant 1 : index
    %get3A_5 = arith.constant 0 : index
    %get3A_6 = arith.constant 0 : index
    %get3A_7 = vector.load %arg1[%get3A_4, %get3A_5, %get3A_6] : memref<2x2048x128xf32, #tpu.memory_space<vmem>>, vector<1x2048x128xf32>
    %get3A_8 = vector.shape_cast %get3A_7 : vector<1x2048x128xf32> to vector<2048x128xf32>
    %add3A = arith.addf %get3A_3, %get3A_8 : vector<2048x128xf32>
    %get3A_9 = arith.constant 0 : index
    %get3A_10 = vector.load %arg2[%get3A_9] : memref<128xf32, #tpu.memory_space<vmem>>, vector<128xf32>
    %broadcast_in_dim3A = vector.shape_cast %get3A_10 : vector<128xf32> to vector<1x128xf32>
    %add3A_11 = vector.broadcast %broadcast_in_dim3A : vector<1x128xf32> to vector<2048x128xf32>
    %add3A_12 = arith.addf %add3A, %add3A_11 : vector<2048x128xf32>
    %max3A = arith.constant 0.000000e+00 : f32
    %max3A_13 = vector.broadcast %max3A : f32 to vector<2048x128xf32>
    %max3A_14 = arith.maximumf %add3A_12, %max3A_13 : vector<2048x128xf32>
    %swap3A = arith.constant 0 : index
    %swap3A_15 = arith.constant 0 : index
    %swap3A_16 = vector.load %arg3[%swap3A, %swap3A_15] : memref<2048x128xf32, #tpu.memory_space<vmem>>, vector<2048x128xf32>
    tpu.vector_store %arg3[%swap3A, %swap3A_15], %max3A_14 {strides = array<i32>} : memref<2048x128xf32, #tpu.memory_space<vmem>>, vector<2048x128xf32>,
    return
  }
  func.func @transform_0(%arg0: i32) -> (i32, i32, i32) {
    %c0_i32 = arith.constant 0 : i32
    %c0_i32_0 = arith.constant 0 : i32
    %c0_i32_1 = arith.constant 0 : i32
    return %c0_i32, %arg0, %c0_i32_0 : i32, i32, i32
  }
  func.func @transform_1(%arg0: i32) -> i32 {
    %c0_i32 = arith.constant 0 : i32
    %c0_i32_0 = arith.constant 0 : i32
    return %c0_i32 : i32
  }
  func.func @transform_2(%arg0: i32) -> (i32, i32) {
    %c0_i32 = arith.constant 0 : i32
    %c0_i32_0 = arith.constant 0 : i32
    return %arg0, %c0_i32 : i32, i32
  }
}

module attributes {stable_mosaic.version = 14 : i64} {
  func.func @_merge_mm_final_body(%arg0: i32, %arg1: memref<2x2048x128xf32, #tpu.memory_space<vmem>>, %arg2: memref<128xf32, #tpu.memory_space<vmem>>, %arg3: memref<128x128xf32, #tpu.memory_space<vmem>>, %arg4: memref<128xf32, #tpu.memory_space<vmem>>, %arg5: memref<2048x128xf32, #tpu.memory_space<vmem>>) attributes {dimension_semantics = [#tpu.dimension_semantics<arbitrary>], iteration_bounds = array<i64: 5>, scalar_prefetch = 0 : i64, scratch_operands = 0 : i64, tpu.core_type = #tpu.core_type<tc>, window_params = [{transform_indices = @transform_0, window_bounds = array<i64: 2, 2048, 128>}, {pipeline_mode = #tpu.pipeline_mode<synchronous>, transform_indices = @transform_1, window_bounds = array<i64: 128>}, {pipeline_mode = #tpu.pipeline_mode<synchronous>, transform_indices = @transform_2, window_bounds = array<i64: 128, 128>}, {pipeline_mode = #tpu.pipeline_mode<synchronous>, transform_indices = @transform_3, window_bounds = array<i64: 128>}, {transform_indices = @transform_4, window_bounds = array<i64: 2048, 128>}]} {
    %get3A = arith.constant 0 : index
    %get3A_0 = arith.constant 0 : index
    %get3A_1 = arith.constant 0 : index
    %get3A_2 = vector.load %arg1[%get3A, %get3A_0, %get3A_1] : memref<2x2048x128xf32, #tpu.memory_space<vmem>>, vector<1x2048x128xf32>
    %get3A_3 = vector.shape_cast %get3A_2 : vector<1x2048x128xf32> to vector<2048x128xf32>
    %get3A_4 = arith.constant 1 : index
    %get3A_5 = arith.constant 0 : index
    %get3A_6 = arith.constant 0 : index
    %get3A_7 = vector.load %arg1[%get3A_4, %get3A_5, %get3A_6] : memref<2x2048x128xf32, #tpu.memory_space<vmem>>, vector<1x2048x128xf32>
    %get3A_8 = vector.shape_cast %get3A_7 : vector<1x2048x128xf32> to vector<2048x128xf32>
    %add3A = arith.addf %get3A_3, %get3A_8 : vector<2048x128xf32>
    %get3A_9 = arith.constant 0 : index
    %get3A_10 = vector.load %arg2[%get3A_9] : memref<128xf32, #tpu.memory_space<vmem>>, vector<128xf32>
    %broadcast_in_dim3A = vector.shape_cast %get3A_10 : vector<128xf32> to vector<1x128xf32>
    %add3A_11 = vector.broadcast %broadcast_in_dim3A : vector<1x128xf32> to vector<2048x128xf32>
    %add3A_12 = arith.addf %add3A, %add3A_11 : vector<2048x128xf32>
    %max3A = arith.constant 0.000000e+00 : f32
    %max3A_13 = vector.broadcast %max3A : f32 to vector<2048x128xf32>
    %max3A_14 = arith.maximumf %add3A_12, %max3A_13 : vector<2048x128xf32>
    %get3A_15 = arith.constant 0 : index
    %get3A_16 = arith.constant 0 : index
    %get3A_17 = vector.load %arg3[%get3A_15, %get3A_16] : memref<128x128xf32, #tpu.memory_space<vmem>>, vector<128x128xf32>
    %dot_general3A = arith.constant dense<0.000000e+00> : vector<2048x128xf32>
    %dot_general3A_18 = tpu.matmul %max3A_14, %get3A_17, %dot_general3A {dimension_numbers = #tpu.dot_dimension_numbers<[1], [0], [0], [1], [0, 0, 1, 1], [], []>, transpose_lhs_hint = false} : vector<2048x128xf32>, vector<128x128xf32>, vector<2048x128xf32> -> vector<2048x128xf32>
    %get3A_19 = arith.constant 0 : index
    %get3A_20 = vector.load %arg4[%get3A_19] : memref<128xf32, #tpu.memory_space<vmem>>, vector<128xf32>
    %broadcast_in_dim3A_21 = vector.shape_cast %get3A_20 : vector<128xf32> to vector<1x128xf32>
    %add3A_22 = vector.broadcast %broadcast_in_dim3A_21 : vector<1x128xf32> to vector<2048x128xf32>
    %add3A_23 = arith.addf %dot_general3A_18, %add3A_22 : vector<2048x128xf32>
    %max3A_24 = arith.constant 0.000000e+00 : f32
    %max3A_25 = vector.broadcast %max3A_24 : f32 to vector<2048x128xf32>
    %max3A_26 = arith.maximumf %add3A_23, %max3A_25 : vector<2048x128xf32>
    %swap3A = arith.constant 0 : index
    %swap3A_27 = arith.constant 0 : index
    %swap3A_28 = vector.load %arg5[%swap3A, %swap3A_27] : memref<2048x128xf32, #tpu.memory_space<vmem>>, vector<2048x128xf32>
    tpu.vector_store %arg5[%swap3A, %swap3A_27], %max3A_26 {strides = array<i32>} : memref<2048x128xf32, #tpu.memory_space<vmem>>, vector<2048x128xf32>,
    return
  }
  func.func @transform_0(%arg0: i32) -> (i32, i32, i32) {
    %c0_i32 = arith.constant 0 : i32
    %c0_i32_0 = arith.constant 0 : i32
    %c0_i32_1 = arith.constant 0 : i32
    return %c0_i32, %arg0, %c0_i32_0 : i32, i32, i32
  }
  func.func @transform_1(%arg0: i32) -> i32 {
    %c0_i32 = arith.constant 0 : i32
    %c0_i32_0 = arith.constant 0 : i32
    return %c0_i32 : i32
  }
  func.func @transform_2(%arg0: i32) -> (i32, i32) {
    %c0_i32 = arith.constant 0 : i32
    %c0_i32_0 = arith.constant 0 : i32
    %c0_i32_1 = arith.constant 0 : i32
    return %c0_i32, %c0_i32_0 : i32, i32
  }
  func.func @transform_3(%arg0: i32) -> i32 {
    %c0_i32 = arith.constant 0 : i32
    %c0_i32_0 = arith.constant 0 : i32
    return %c0_i32 : i32
  }
  func.func @transform_4(%arg0: i32) -> (i32, i32) {
    %c0_i32 = arith.constant 0 : i32
    %c0_i32_0 = arith.constant 0 : i32
    return %arg0, %c0_i32 : i32, i32
  }
}

</mosaic_0001>

<sc_bundles>
// kernel: kernel.12.cloned.1.call-start
scs
__scs_entry_jumppad:
0x0: {  	(pc) =	sbr.rel $0x88, $3  }
0x1: {  	(tag) =	ssettag $0x0;
	lr =	simm.s32 $0x1  }
0x2: {  	[smem:$0x3F8E] =	sst lr;
	_ =	strace $0xD0000000  }
0x3: {  	_ = 	snop  }
0x4: {  	_ = 	snop  }
0x5: {  	_ = 	snop  }
0x6: {  	_ = 	snop  }
0x7: {  	_ = 	snop  }
__scs_overlays_trampoline_lowered:
0x8: {  	[smem:$0x3F9D] =	sst s0  }
0x9: {  	[smem:$0x3F9E] =	sst s1  }
0xa: {  	[smem:$0x3F9F] =	sst s2  }
0xb: {  	[smem:$0x3FA0] =	sst s3  }
0xc: {  	[smem:$0x3FA1] =	sst s4  }
0xd: {  	[smem:$0x3FA2] =	sst s5  }
0xe: {  	[smem:$0x3FA3] =	sst s6  }
0xf: {  	[smem:$0x3FA4] =	sst s7  }
0x10: {  	[smem:$0x3FA5] =	sst s8  }
0x11: {  	[smem:$0x3FA6] =	sst s9;
	s0 =	simm.s32 @!p0 $0x0  }
0x12: {  	s1 =	sld [smem:$0x3F8C];
	s0 =	simm.s32 @p0 $0x1  }
0x13: {  	[smem:$0x3FA7] =	sst s0;
	s0 =	simm.s32 @!p1 $0x0  }
0x14: {  	s2 =	sld [smem:$0x3F8B];
	s0 =	simm.s32 @p1 $0x1  }
0x15: {  	[smem:$0x3FA8] =	sst s0;
	s0 =	simm.s32 @!p2 $0x0  }
0x16: {  	s3 =	sld [smem:$0x3FDB];
	s0 =	simm.s32 @p2 $0x1  }
0x17: {  	s4 =	simm.s32 $0x1BF5;
	[smem:$0x3FAA] =	sst s0  }
0x18: {  	s0 =	sld [smem:$0x3F8D];
	_ =	swait.ge [sflag:s4], $0x0  }
0x19: {  	s7 =	sld [smem:$0x3F8E]  }
0x1a: {  	s8 =	sadd.s32 $0xFFFFE003, lr  }
0x1b: {  	s9 =	sadd.s32 $0xFFFFFEF7, lr;
	s5 =	simm.s32 $0xFFFFFFFF;
	p2 =	slt.u32 s8, $0xFFFFF086  }
0x1c: {  	p1 =	slt.u32 s9, $0xF7A;
	s5 =	simm.s32 @!p2 $0x0  }
0x1d: {  	s5 =	simm.s32 @p1 $0x1;
	p0 =	seq.s32 s7, s2  }
0x1e: {  	s7 =	smul.u32 @!p0 $0xF7A, s2;
	p2 =	seq.s32 @!p0 s5, $0x0  }
0x1f: {  	s9 =	smul.u32 $0xF7A, s1;
	s8 =	simm.s32 @!p0 $0x1BF5;
	p2 =	por !p2, p0  }
0x20: {  	[sflag:s8] =	ssyncset.s32 @!p0 $0xFFFFF086;
	s6 =	sadd.s32 @!p0 s3, s7;
	s7 =	simm.s32 @!p0 $0x108  }
0x21: {  	s3 =	sadd.s32 s3, s9;
	s6 =	sadd.s32 @!p0 $0x88, s6;
	s7 =	simm.s32 @p2 $0x1082  }
0x22: {  	[simem:s7], [sflag:s8] =	dma.local @!p0 [hbm:s6], $0xF7A  }
0x23: {  	s9 =	sor.u32 $0xD0000000, s2;
	s6 =	simm.s32 $0x108;
	_ =	swait.ge @!p0 [sflag:s8], $0x0  }
0x24: {  	s3 =	sadd.s32 $0x88, s3;
	s6 =	simm.s32 @!p1 $0x1082;
	[sflag:s4] =	ssyncset.s32 $0xFFFFF086  }
0x25: {  	[simem:s6], [sflag:s4] =	dma.local [hbm:s3], $0xF7A  }
0x26: {  	[smem:$0x3F8E] =	sst s1;
	(tag) =	ssettag s2;
	_ =	strace s9  }
0x27: {  	s1 =	sld [smem:$0x3F9E]  }
0x28: {  	s2 =	sld [smem:$0x3F9F]  }
0x29: {  	s4 =	sld [smem:$0x3FA1]  }
0x2a: {  	p0 =	seq.s32 s5, $0x0;
	s5 =	sld [smem:$0x3FA2]  }
0x2b: {  	s6 =	sld [smem:$0x3FA3]  }
0x2c: {  	s7 =	sld [smem:$0x3FA4]  }
0x2d: {  	s3 =	simm.s32 $0x108;
	s8 =	sld [smem:$0x3FA5]  }
0x2e: {  	s3 =	simm.s32 @!p0 $0x1082;
	s9 =	sld [smem:$0x3FA6]  }
0x2f: {  	lr =	sadd.s32 s0, s3;
	s0 =	sld [smem:$0x3F9D]  }
0x30: {  	s3 =	sld [smem:$0x3FA0]  }
0x31: {  	[smem:$0x3FA9] =	sst s10  }
0x32: {  	s10 =	sld [smem:$0x3FA7];
	_ =	sdelay $0x3  }
0x33: {  	p0 =	seq.s32 s10, $0x1;
	s10 =	sld [smem:$0x3FA9];
	_ =	sdelay $0x3  }
0x34: {  	[smem:$0x3FA9] =	sst s10  }
0x35: {  	s10 =	sld [smem:$0x3FA8];
	_ =	sdelay $0x3  }
0x36: {  	p1 =	seq.s32 s10, $0x1;
	s10 =	sld [smem:$0x3FA9];
	_ =	sdelay $0x3  }
0x37: {  	[smem:$0x3FA9] =	sst s10  }
0x38: {  	s10 =	sld [smem:$0x3FAA]  }
0x39: {  	_ = 	snop;
	(pc) =	sbr.ind lr, $3  }
0x3a: {  	_ = 	snop  }
0x3b: {  	_ = 	snop  }
0x3c: {  	p2 =	seq.s32 s10, $0x1;
	s10 =	sld [smem:$0x3FA9]  }
0x3d: {  	_ =	shalt  }
0x3e: {  	_ =	shalt  }
0x3f: {  	_ =	shalt  }
0x40: {  	_ =	shalt  }
0x41: {  	_ =	shalt  }
0x42: {  	_ =	shalt  }
0x43: {  	_ =	shalt  }
0x44: {  	_ =	shalt  }
0x45: {  	_ =	shalt  }
0x46: {  	_ =	shalt  }
0x47: {  	_ =	shalt  }
0x48: {  	_ =	shalt  }
0x49: {  	_ =	shalt  }
0x4a: {  	_ =	shalt  }
0x4b: {  	_ =	shalt  }
0x4c: {  	_ =	shalt  }
0x4d: {  	_ =	shalt  }
0x4e: {  	_ =	shalt  }
0x4f: {  	_ =	shalt  }
0x50: {  	_ =	shalt  }
0x51: {  	_ =	shalt  }
0x52: {  	_ =	shalt  }
0x53: {  	_ =	shalt  }
0x54: {  	_ =	shalt  }
0x55: {  	_ =	shalt  }
0x56: {  	_ =	shalt  }
0x57: {  	_ =	shalt  }
0x58: {  	_ =	shalt  }
0x59: {  	_ =	shalt  }
0x5a: {  	_ =	shalt  }
0x5b: {  	_ =	shalt  }
0x5c: {  	_ =	shalt  }
0x5d: {  	_ =	shalt  }
0x5e: {  	_ =	shalt  }
0x5f: {  	_ =	shalt  }
0x60: {  	_ =	shalt  }
0x61: {  	_ =	shalt  }
0x62: {  	_ =	shalt  }
0x63: {  	_ =	shalt  }
0x64: {  	_ =	shalt  }
0x65: {  	_ =	shalt  }
0x66: {  	_ =	shalt  }
0x67: {  	_ =	shalt  }
0x68: {  	_ =	shalt  }
0x69: {  	_ =	shalt  }
0x6a: {  	_ =	shalt  }
0x6b: {  	_ =	shalt  }
0x6c: {  	_ =	shalt  }
0x6d: {  	_ =	shalt  }
0x6e: {  	_ =	shalt  }
0x6f: {  	_ =	shalt  }
0x70: {  	_ =	shalt  }
0x71: {  	_ =	shalt  }
0x72: {  	_ =	shalt  }
0x73: {  	_ =	shalt  }
0x74: {  	_ =	shalt  }
0x75: {  	_ =	shalt  }
0x76: {  	_ =	shalt  }
0x77: {  	_ =	shalt  }
0x78: {  	_ =	shalt  }
0x79: {  	_ =	shalt  }
0x7a: {  	_ =	shalt  }
0x7b: {  	_ =	shalt  }
0x7c: {  	_ =	shalt  }
0x7d: {  	_ =	shalt  }
0x7e: {  	_ =	shalt  }
0x7f: {  	_ =	shalt  }
0x80: {  	_ =	shalt  }
0x81: {  	_ =	shalt  }
0x82: {  	_ =	shalt  }
0x83: {  	_ =	shalt  }
0x84: {  	_ =	shalt  }
0x85: {  	_ =	shalt  }
0x86: {  	_ =	shalt  }
0x87: {  	_ =	shalt  }
.Lfunc_end0:
.L_simem_size_0:
called_computation_lowered:
.L_overlay_start_0:
0x88: {  	s2 =	sld [smem:$0x3FD9]  }
0x89: {  	s3 =	sld [smem:$0x3FFE];
	_ =	sdelay $0x1  }
0x8a: {  	s1 =	srdreg.scid  }
0x8b: {  	s0 =	sand.u32 $0x1, s1  }
0x8c: {  	s17 =	sshll.u32 s0, $0xA;
	s2 =	sadd.s32 s3, s2  }
0x8d: {  	s2 =	sadd.s32 s2, s17  }
0x8e: {  	[smem:$0x3FB5] =	sst s2  }
0x8f: {  	_ = 	snop  }
0x90: {  	s2 =	sld [smem:$0x3FC2]  }
0x91: {  	s18 =	sld [smem:$0x3FD0];
	(tm) =	ssettm $0x1  }
0x92: {  	s4 =	sld [smem:$0x3FFB];
	_ =	sdelay $0x3  }
0x93: {  	_ =	strace s4  }
0x94: {  	s4 =	sld [smem:$0x3FFC];
	_ =	sdelay $0x3  }
0x95: {  	_ =	strace s4  }
0x96: {  	s4 =	sld [smem:$0x3FFD];
	_ =	sdelay $0x3  }
0x97: {  	_ =	strace s4  }
0x98: {  	_ =	strace $0x8FFFFFFF  }
0x99: {  	s19 =	sld [smem:$0x3FDB];
	_ =	sdelay $0x1  }
0x9a: {  	s5 =	simm.s32 $_scs_section_size  }
0x9b: {  	s6 =	simm.s32 $_size__tile_overlayer_lowered;
	s7 =	simm.s32 $_tile_overlayer_lowered  }
0x9c: {  	s22 =	simm.s32 $0x1BFF;
	s21 =	sshll.u32 s7, $0x1;
	s4 =	sadd.s32 s5, s19  }
0x9d: {  	s8 =	simm.s32 $0x0;
	s20 =	sshll.u32 s6, $0x1;
	s6 =	sadd.s32 s21, s4  }
0x9e: {  	[timem:s8], [sflag:s22] =	dma.local [hbm:s6], s20  }
0x9f: {  	_ =	swait.ge [sflag:s22], s20  }
0xa0: {  	s5 =	ssub.s32 $0x0, s20;
	[sflag:s22] =	ssyncset.done $0x0  }
0xa1: {  	[sflag:s22] =	ssyncadd.s32 s5;
	_ =	sdelay $0x1  }
0xa2: {  	s23 =	simm.s32 $0x1B8B  }
0xa3: {  	_ =	swait.ge [sflag:s23], $0x1  }
0xa4: {  	[sflag:s23] =	ssyncset.done $0x0  }
0xa5: {  	s25 =	simm.s32 $0x1B8E;
	s24 =	sld [smem:$0x3FFE];
	[sflag:s23] =	ssyncadd.s32 $0xFFFFFFFF  }
0xa6: {  	s26 =	simm.s32 $execute0_lowered;
	[smem:$0x3FD2] =	sst s25  }
0xa7: {  	s6 =	sshll.u32 s26, $0x1;
	_ =	strace $0x80000046;
	[dreg:$0x1] =	wrdreg $0xFFFFFFFF  }
0xa8: {  	s28 =	simm.s32 $_size_execute0_lowered;
	s4 =	sadd.s32 s4, s6;
	[dreg:$0x0] =	wrdreg $0x0  }
0xa9: {  	s6 =	sshll.u32 s28, $0x1;
	[dreg:$0x2] =	wrdreg s4  }
0xaa: {  	[dreg:$0x3] =	wrdreg s6  }
0xab: {  	[dreg:$0x4] =	wrdreg $0xC0  }
0xac: {  	_ =	task [dreg:s8], $0x5FFFF  }
0xad: {  	[dreg:$0x1] =	wrdreg $0xFFFFFFFF  }
0xae: {  	[dreg:$0x0] =	wrdreg $0x60  }
0xaf: {  	[dreg:$0x2] =	wrdreg s24  }
0xb0: {  	[dreg:$0x3] =	wrdreg s18  }
0xb1: {  	[dreg:$0x4] =	wrdreg s2  }
0xb2: {  	[dreg:$0x5] =	wrdreg $0x87800  }
0xb3: {  	[dreg:$0x6] =	wrdreg $0x9  }
0xb4: {  	_ =	task.clear_ibuf [dreg:s8], $0x7FFFF;
	_ =	strace $0x90000046  }
0xb5: {  	s29 =	simm.s32 $0x9;
	_ =	strace $0x80000048  }
0xb6: {  	_ =	swait.ge [sflag:s29], $0x1  }
0xb7: {  	[sflag:s29] =	ssyncadd.s32 $0xFFFFFFFF  }
0xb8: {  	_ =	strace $0x90000048  }
0xb9: {  	_ =	sfence  }
0xba: {  	s30 =	sld [smem:$0x0];
	_ =	sdelay $0x2  }
0xbb: {  	s31 =	sshll.u32 s1, $0xD;
	s1 =	sshrl.u32 s1, $0x2  }
0xbc: {  	s3 =	sand.u32 $0x4000, s31;
	s1 =	sadd.s32 s1, s30  }
0xbd: {  	s0 =	sor.u32 s3, s0;
	s1 =	sshll.u32 s1, $0x11  }
0xbe: {  	s0 =	sor.u32 s1, s0  }
0xbf: {  	s0 =	sadd.s32 $0x8F2B, s0  }
0xc0: {  	[sflag:s0] =	ssyncadd.remote.s32 $0x1  }
0xc1: {  	_ =	sfence.sel $0xFFFF  }
0xc2: {  	[dreg:$0x0] =	wrdreg $0xFFFFFFFF;
	(pc) =	sbr.abs _section_cstart, $3  }
0xc3: {  	[dreg:$0x1] =	wrdreg $0xFFFFFFFF  }
0xc4: {  	_ =	task.clear_ibuf [dreg:s8], $0x2FFFF;
	_ =	strace $0x9FFFFFFF  }
0xc5: {  	(tm) =	ssettm $0x7FFFFFFF  }
tec
execute0_lowered:
.L_overlay_start_1:
0x0: {  	(tag) =	ssettag $0x1  }
0x1: {  	s0 =	rddreg [dreg:$0x0]  }
0x2: {  	s3 =	rddreg [dreg:$0x3];
	s4 =	simm.s32 $0x0;
	s2 =	srdreg.scid  }
0x3: {  	s1 =	stileid.u32;
	s18 =	simm.s32 $0x2;
	s21 =	simm.s32 $0x80  }
0x4: {  	s22 =	simm.s32 $0x100;
	s28 =	simm.s32 $0x8280;
	s29 =	simm.s32 $0x8180  }
0x5: {  	s30 =	simm.s32 $0x8200;
	[smem:$0x7FF] =	sst s4;
	s5 =	sadd.s32 $0x1B200, s0  }
0x6: {  	s6 =	sadd.s32 $0x43200, s0;
	s2 =	sand.u32 $0x1, s2;
	s7 =	sadd.s32 $0x4200, s0  }
0x7: {  	s9 =	sadd.s32 $0x11000, s0;
	s10 =	sadd.s32 $0x10E00, s0;
	s23 =	smul.u32 $0x1400, s1  }
0x8: {  	s11 =	sadd.s32 $0xE600, s0;
	s12 =	sadd.s32 $0x70200, s0;
	s13 =	sadd.s32 $0x7A400, s0  }
0x9: {  	s14 =	sshll.u32 s1, $0x1;
	_ =	strace $0x80000047;
	[dreg:$0x5] =	wrdreg s10  }
0xa: {  	p0 =	sne.s32 s1, $0x0;
	s8 =	smul.u32 $0x14000, s2;
	[dreg:$0x6] =	wrdreg s11  }
0xb: {  	s24 =	ssub.s32 $0x2, s2;
	s2 =	sor.u32 s2, s14;
	s1 =	sshrl.u32 @!p0 s3, $0x3  }
0xc: {  	s15 =	sshrl.u32 s24, $0x1;
	s14 =	smul.u32 $0x2880, s2;
	s8 =	sadd.s32 s23, s8  }
0xd: {  	s26 =	sadd.s32 s23, s3;
	s25 =	ssub.s32 s24, s15;
	s8 =	sshrl.u32 s8, $0x3  }
0xe: {  	[dreg:$0x9] =	wrdreg s1;
	s31 =	smax.u32 s25, $0x1;
	s0 =	sadd.s32 s8, s0  }
0xf: {  	s1 =	simm.s32 $0x0;
	[dreg:$0x8] =	wrdreg s31;
	s0 =	sadd.s32 $0x6B200, s0  }
0x10: {  	s23 =	simm.s32 $0x180;
	[dreg:$0x7] =	wrdreg s0;
	s0 =	sshrl.u32 s26, $0x3  }
0x11: {  	s24 =	simm.s32 $0x1;
	s26 =	simm.s32 $0x4180;
	[dreg:$0xa] =	wrdreg s0  }
.LBB2_1:
0x12: {  	[dreg:$0xb] =	wrdreg s1  }
0x13: {  	s0 =	rddreg [dreg:$0x2];
	s20 =	simm.s32 $0x8680  }
0x14: {  	[tilespmem:s20], [sflag:$0x2] =	stream.linear.gather [hbm4b:s0+s4], $0x80, $0x38;
	[tilespmem:$0x8C80] =	vst v63  }
0x15: {  	_ =	swait.ge [sflag:s18], $0x80  }
0x16: {  	[sflag:s18] =	ssyncset.done $0x0  }
0x17: {  	s31 =	simm.s32 $0x8700;
	s25 =	rddreg [dreg:$0x5];
	[sflag:s18] =	ssyncadd.s32 $0xFFFFFF80  }
0x18: {  	[tilespmem:s31], [sflag:$0x2] =	stream.linear.gather [hbm4b:s25+s4], $0x80, $0x38;
	[tilespmem:$0x8C80] =	vst v63  }
0x19: {  	_ =	swait.ge [sflag:s18], $0x80  }
0x1a: {  	[sflag:s18] =	ssyncset.done $0x0;
	s1 =	rddreg [dreg:$0x6]  }
0x1b: {  	s0 =	simm.s32 @!p0 $0x1C02;
	s2 =	rddreg [dreg:$0x9];
	[sflag:s18] =	ssyncadd.s32 $0xFFFFFF80  }
0x1c: {  	[spmem:s2], [sflag:s0] =	dma.local @!p0 [hbm:s1], $0x2800  }
0x1d: {  	s0 =	simm.s32 @!p0 $0x2  }
0x1e: {  	_ =	swait.ge @!p0 [sflag:s0], $0x2800  }
0x1f: {  	[sflag:s0] =	ssyncset.done @!p0 $0x0  }
0x20: {  	[sflag:s0] =	ssyncadd.s32 @!p0 $0xFFFFD800  }
0x21: {  	s0 =	simm.s32 $0x0;
	[bflag:$0x0] =	sbarrier.arrive $0xFFFF  }
.LBB2_2:
0x22: {  	s2 =	sshll.u32 s0, $0x7  }
0x23: {  	s17 =	sadd.s32 s14, s2  }
0x24: {  	s1 =	rddreg [dreg:$0x1];
	s2 =	sshrl.u32 s17, $0x3  }
0x25: {  	s19 =	simm.s32 $0x0;
	s8 =	sadd.s32 s1, s2  }
0x26: {  	[tilespmem:s19], [sflag:$0x2] =	stream.linear.gather [hbm4b:s8+s19], $0x80, $0x38;
	[tilespmem:$0x8C80] =	vst v63  }
0x27: {  	_ =	swait.ge [sflag:s18], $0x80  }
0x28: {  	[sflag:s18] =	ssyncset.done $0x0  }
0x29: {  	s25 =	sadd.s32 s7, s2;
	[sflag:s18] =	ssyncadd.s32 $0xFFFFFF80  }
0x2a: {  	[tilespmem:s21], [sflag:$0x2] =	stream.linear.gather [hbm4b:s25+s19], $0x80, $0x38;
	[tilespmem:$0x8C80] =	vst v63  }
0x2b: {  	_ =	swait.ge [sflag:s18], $0x80  }
0x2c: {  	[sflag:s18] =	ssyncset.done $0x0  }
0x2d: {  	s31 =	sadd.s32 s9, s2;
	[sflag:s18] =	ssyncadd.s32 $0xFFFFFF80  }
0x2e: {  	[tilespmem:s22], [sflag:$0x2] =	stream.linear.gather [hbm4b:s31+s19], $0x80, $0x38;
	[tilespmem:$0x8C80] =	vst v63  }
0x2f: {  	_ =	swait.ge [sflag:s18], $0x80  }
0x30: {  	[sflag:s18] =	ssyncset.done $0x0  }
0x31: {  	[sflag:s18] =	ssyncadd.s32 $0xFFFFFF80  }
0x32: {  	[tilespmem:s23], [sflag:$0x1] =	stream.indirect.gather [hbm4b:s5+s21], $0x80, s19, s21, $0xb8;
	[tilespmem:$0x8C80] =	vst v63  }
0x33: {  	_ =	swait.ge [sflag:s24], $0x4000  }
0x34: {  	[sflag:s24] =	ssyncset.done $0x0  }
0x35: {  	[sflag:s24] =	ssyncadd.s32 $0xFFFFC000  }
0x36: {  	[tilespmem:s26], [sflag:$0x1] =	stream.indirect.gather [hbm4b:s6+s21], $0x80, s21, s21, $0xb8;
	[tilespmem:$0x8C80] =	vst v63  }
0x37: {  	_ =	swait.ge [sflag:s24], $0x4000  }
0x38: {  	[sflag:s24] =	ssyncset.done $0x0  }
0x39: {  	[sflag:s24] =	ssyncadd.s32 $0xFFFFC000  }
.LBB2_3:
0x3a: {  	s8 =	sshll.u32 s19, $0x4;
	v0 =	vlaneseq.u32  }
0x3b: {  	v0 =	vor.u32 s8, v0  }
0x3c: {  	s15 =	simm.s32 $0x8;
	v2 =	vshll.u32 v0, $0x7  }
0x3d: {  	[tilespmem:$0x1FC50] =	vst v0;
	v0 =	vor.u32 s15, v2;
	v9 =	vor.u32 $0x40, v2  }
0x3e: {  	s16 =	simm.s32 $0xF;
	v1 =	vor.u32 s15, v9;
	s15 =	simm.s32 $0x0  }
0x3f: {  	s11 =	simm.s32 $0x86C0;
	v52 =	vld [tilespmem:s8+$0x100];
	v6 =	vmov s16;
	[tilespmem:$0x1FC60] =	vst v9;
	v9 =	vor.u32 s15, v9  }
0x40: {  	v3 =	vld [tilespmem:s11+$0xFFFFFFC0];
	v6 =	vand.u32 $0x38, v6  }
0x41: {  	v41 =	vld [tilespmem:s11+$0x0];
	v6 =	vbroadcast v6, $0x0  }
0x42: {  	v39 =	vor.u32 $0x7, v2;
	v7 =	vld.idx.msk [tilespmem:v0+s23+$0x0], $0xffff  }
0x43: {  	v12 =	vor.u32 v6, v39;
	v0 =	vld.idx.msk [tilespmem:v0+s26+$0x0], $0xffff  }
0x44: {  	v40 =	vor.u32 $0x47, v2;
	v14 =	vld.idx.msk [tilespmem:v9+s23+$0x0], $0xffff  }
0x45: {  	v6 =	vor.u32 v40, v6;
	v9 =	vld.idx.msk [tilespmem:v9+s26+$0x0], $0xffff  }
0x46: {  	s1 =	simm.s32 $0xD;
	v10 =	vld.idx.msk [tilespmem:v1+s23+$0x0], $0xffff  }
0x47: {  	s31 =	simm.s32 $0xE;
	v15 =	vmov s1;
	v1 =	vld.idx.msk [tilespmem:v1+s26+$0x0], $0xffff  }
0x48: {  	v11 =	vmov s31;
	v15 =	vand.u32 $0x38, v15;
	v37 =	vbroadcast v3, $0x8;
	v17 =	vld.idx.msk [tilespmem:v12+s23+$0x0], $0xffff  }
0x49: {  	v11 =	vand.u32 $0x38, v11;
	v15 =	vbroadcast v15, $0x0;
	v44 =	vor.u32 $0x5, v2;
	v12 =	vld.idx.msk [tilespmem:v12+s26+$0x0], $0xffff  }
0x4a: {  	v18 =	vld.idx.msk [tilespmem:v6+s23+$0x0], $0xffff;
	v0 =	vadd.f32 v0, v7;
	v9 =	vadd.f32 v9, v14;
	v14 =	vmul.f32 v37, v52  }
0x4b: {  	v11 =	vbroadcast v11, $0x0;
	v42 =	vor.u32 $0x6, v2;
	v20 =	vor.u32 v15, v44;
	v6 =	vld.idx.msk [tilespmem:v6+s26+$0x0], $0xffff  }
0x4c: {  	v43 =	vor.u32 $0x46, v2;
	v63 =	vbroadcast v41, $0x8;
	v0 =	vadd.f32 v0, v14  }
0x4d: {  	v16 =	vor.u32 v11, v42;
	v11 =	vor.u32 v43, v11;
	v1 =	vadd.f32 v1, v10  }
0x4e: {  	s10 =	simm.s32 $0x8740;
	v50 =	vadd.f32 v12, v17;
	v12 =	vbroadcast v41, $0x0;
	[tilespmem:$0x1FCE0] =	vst v0;
	v0 =	vmul.f32 v63, v52  }
0x4f: {  	v4 =	vld [tilespmem:s10+$0xFFFFFFC0]  }
0x50: {  	v26 =	vld.idx.msk [tilespmem:v20+s23+$0x0], $0xffff;
	v63 =	vadd.f32 v6, v18;
	v6 =	vmul.f32 v12, v52;
	v0 =	vadd.f32 v1, v0  }
0x51: {  	v20 =	vld.idx.msk [tilespmem:v20+s26+$0x0], $0xffff  }
0x52: {  	v23 =	vld.idx.msk [tilespmem:v11+s23+$0x0], $0xffff;
	[tilespmem:$0x1FD20] =	vst v0;
	v0 =	vadd.f32 v9, v6  }
0x53: {  	v25 =	vld.idx.msk [tilespmem:v11+s26+$0x0], $0xffff  }
0x54: {  	[tilespmem:$0x1FD40] =	vst v0;
	v0 =	vbroadcast v4, $0x6;
	_ =	sdelay $0x1  }
0x55: {  	[tilespmem:$0x1FD50] =	vst v0;
	v0 =	vadd.f32 v20, v26;
	_ =	sdelay $0x1  }
0x56: {  	[tilespmem:$0x1FFA0] =	vst v0;
	v0 =	vadd.f32 v25, v23;
	_ =	sdelay $0x1  }
0x57: {  	[tilespmem:$0x1FFC0] =	vst v0;
	v0 =	vbroadcast v4, $0x5  }
0x58: {  	v5 =	vor.u32 s15, v2  }
0x59: {  	s20 =	simm.s32 $0xC;
	[tilespmem:$0x1FD70] =	vst v0;
	v0 =	vbroadcast v4, $0x4  }
0x5a: {  	v19 =	vmov s20  }
0x5b: {  	s25 =	simm.s32 $0xB;
	v19 =	vand.u32 $0x38, v19;
	v45 =	vor.u32 $0x45, v2;
	[tilespmem:$0x1FD80] =	vst v0;
	v0 =	vbroadcast v4, $0x3  }
0x5c: {  	v8 =	vld [tilespmem:s10+$0x0];
	v22 =	vmov s25;
	v19 =	vbroadcast v19, $0x0;
	v15 =	vor.u32 v45, v15  }
0x5d: {  	v47 =	vor.u32 $0x4, v2;
	v48 =	vor.u32 $0x44, v2;
	v13 =	vld.idx.msk [tilespmem:v5+s23+$0x0], $0xffff;
	[tilespmem:$0x1FD90] =	vst v0;
	v0 =	vbroadcast v4, $0x2  }
0x5e: {  	v55 =	vor.u32 $0x41, v2;
	v51 =	vor.u32 $0x42, v2;
	v24 =	vor.u32 v19, v47;
	v5 =	vld.idx.msk [tilespmem:v5+s26+$0x0], $0xffff  }
0x5f: {  	v49 =	vor.u32 $0x43, v2;
	v21 =	vld.idx.msk [tilespmem:v16+s23+$0x0], $0xffff;
	v11 =	vand.u32 $0x38, v22;
	[tilespmem:$0x1FDB0] =	vst v0;
	v0 =	vbroadcast v4, $0x1  }
0x60: {  	v53 =	vor.u32 $0x3, v2;
	[tilespmem:$0x1FC80] =	vst v2;
	v19 =	vor.u32 v48, v19;
	v16 =	vld.idx.msk [tilespmem:v16+s26+$0x0], $0xffff;
	v11 =	vbroadcast v11, $0x0  }
0x61: {  	s31 =	simm.s32 $0xA;
	v58 =	vor.u32 $0x2, v2;
	v62 =	vor.u32 $0x1, v2;
	v27 =	vld.idx.msk [tilespmem:v15+s23+$0x0], $0xffff;
	[tilespmem:$0x1FDC0] =	vst v0;
	v0 =	vbroadcast v4, $0x0  }
0x62: {  	[tilespmem:$0x1FCF0] =	vst v39;
	v33 =	vbroadcast v4, $0xF;
	v22 =	vmov s31;
	v15 =	vld.idx.msk [tilespmem:v15+s26+$0x0], $0xffff;
	v29 =	vor.u32 v11, v53  }
0x63: {  	v30 =	vmov s15;
	v31 =	vld.idx.msk [tilespmem:v24+s23+$0x0], $0xffff;
	v22 =	vand.u32 $0x38, v22;
	[tilespmem:$0x1FDD0] =	vst v0;
	v0 =	vbroadcast v8, $0xF  }
0x64: {  	s20 =	simm.s32 $0x9;
	v2 =	vbroadcast v4, $0xC;
	[tilespmem:$0x1FC70] =	vst v33;
	v24 =	vld.idx.msk [tilespmem:v24+s26+$0x0], $0xffff;
	v22 =	vbroadcast v22, $0x0;
	v32 =	vor.u32 v49, v11  }
0x65: {  	v28 =	vmov s20;
	v30 =	vand.u32 $0x30, v30;
	v34 =	vld.idx.msk [tilespmem:v19+s26+$0x0], $0xffff;
	[tilespmem:$0x1FDE0] =	vst v0;
	v0 =	vbroadcast v8, $0xE  }
0x66: {  	[tilespmem:$0x1FC90] =	vst v2;
	v2 =	vbroadcast v4, $0xB;
	v11 =	vbroadcast v30, $0x0;
	v30 =	vld.idx.msk [tilespmem:v19+s23+$0x0], $0xffff;
	v59 =	vor.u32 v22, v58  }
0x67: {  	v28 =	vand.u32 $0x38, v28;
	v35 =	vld.idx.msk [tilespmem:v29+s23+$0x0], $0xffff;
	[tilespmem:$0x1FE00] =	vst v0;
	v0 =	vbroadcast v8, $0xD  }
0x68: {  	v28 =	vbroadcast v28, $0x0;
	[tilespmem:$0x1FCA0] =	vst v2;
	v2 =	vbroadcast v4, $0xA;
	v19 =	vor.u32 v51, v22;
	v29 =	vld.idx.msk [tilespmem:v29+s26+$0x0], $0xffff  }
0x69: {  	v36 =	vld.idx.msk [tilespmem:v32+s23+$0x0], $0xffff;
	[tilespmem:$0x1FE10] =	vst v0;
	v0 =	vbroadcast v8, $0xC  }
0x6a: {  	[tilespmem:$0x1FCB0] =	vst v2;
	v2 =	vbroadcast v4, $0x9;
	v22 =	vor.u32 v28, v62;
	v32 =	vld.idx.msk [tilespmem:v32+s26+$0x0], $0xffff  }
0x6b: {  	v10 =	vbroadcast v3, $0x0;
	v38 =	vld.idx.msk [tilespmem:v59+s23+$0x0], $0xffff;
	[tilespmem:$0x1FE20] =	vst v0;
	v0 =	vbroadcast v8, $0xB  }
0x6c: {  	[tilespmem:$0x1FCC0] =	vst v2;
	v2 =	vbroadcast v4, $0x8;
	v28 =	vor.u32 v55, v28;
	v5 =	vadd.f32 v5, v13;
	v13 =	vld.idx.msk [tilespmem:v59+s26+$0x0], $0xffff  }
0x6d: {  	v10 =	vmul.f32 v10, v52;
	v37 =	vld.idx.msk [tilespmem:v19+s23+$0x0], $0xffff;
	[tilespmem:$0x1FE30] =	vst v0;
	v0 =	vbroadcast v8, $0xA  }
0x6e: {  	v17 =	vor.u32 v11, v39;
	[tilespmem:$0x1FCD0] =	vst v2;
	v39 =	vld.idx.msk [tilespmem:v19+s26+$0x0], $0xffff  }
0x6f: {  	v2 =	vadd.f32 v5, v10;
	v5 =	vor.u32 v40, v11;
	v33 =	vld.idx.msk [tilespmem:v22+s23+$0x0], $0xffff;
	[tilespmem:$0x1FE50] =	vst v0;
	v0 =	vbroadcast v8, $0x9  }
0x70: {  	v10 =	vld.idx.msk [tilespmem:v22+s26+$0x0], $0xffff  }
0x71: {  	v12 =	vld.idx.msk [tilespmem:v28+s23+$0x0], $0xffff;
	[tilespmem:$0x1FE60] =	vst v0;
	v0 =	vbroadcast v8, $0x8  }
0x72: {  	v61 =	vadd.f32 v16, v21;
	v16 =	vld.idx.msk [tilespmem:v28+s26+$0x0], $0xffff;
	v6 =	vor.u32 v11, v42  }
0x73: {  	v14 =	vadd.f32 v15, v27;
	v15 =	vld.idx.msk [tilespmem:v17+s26+$0x0], $0xffff;
	v9 =	vor.u32 v43, v11;
	[tilespmem:$0x1FE70] =	vst v0;
	v0 =	vbroadcast v8, $0x7  }
0x74: {  	v7 =	vld.idx.msk [tilespmem:v5+s23+$0x0], $0xffff  }
0x75: {  	v54 =	vbroadcast v4, $0xE;
	v21 =	vld.idx.msk [tilespmem:v5+s26+$0x0], $0xffff;
	[tilespmem:$0x1FE80] =	vst v0;
	v0 =	vbroadcast v8, $0x6  }
0x76: {  	v60 =	vbroadcast v4, $0xD;
	v5 =	vadd.f32 v13, v38;
	v13 =	vor.u32 v11, v47;
	v20 =	vld.idx.msk [tilespmem:v17+s23+$0x0], $0xffff  }
0x77: {  	v1 =	vadd.f32 v24, v31;
	v38 =	vor.u32 v49, v11;
	v24 =	vld.idx.msk [tilespmem:v6+s23+$0x0], $0xffff;
	[tilespmem:$0x1FEA0] =	vst v0;
	v0 =	vbroadcast v8, $0x5  }
0x78: {  	[tilespmem:$0x1FD00] =	vst v2;
	v2 =	vbroadcast v4, $0x7;
	v46 =	vld.idx.msk [tilespmem:v9+s23+$0x0], $0xffff;
	v4 =	vadd.f32 v34, v30;
	v30 =	vor.u32 v48, v11  }
0x79: {  	v57 =	vadd.f32 v29, v35;
	v29 =	vld.idx.msk [tilespmem:v9+s26+$0x0], $0xffff;
	[tilespmem:$0x1FEB0] =	vst v0;
	v0 =	vbroadcast v8, $0x4  }
0x7a: {  	v26 =	vor.u32 v45, v11;
	v25 =	vld.idx.msk [tilespmem:v6+s26+$0x0], $0xffff  }
0x7b: {  	v6 =	vadd.f32 v32, v36;
	v36 =	vld.idx.msk [tilespmem:v13+s23+$0x0], $0xffff;
	[tilespmem:$0x1FEC0] =	vst v0;
	v0 =	vbroadcast v8, $0x3  }
0x7c: {  	[tilespmem:$0x1FD30] =	vst v40;
	v40 =	vld.idx.msk [tilespmem:v38+s26+$0x0], $0xffff  }
0x7d: {  	v9 =	vadd.f32 v10, v33;
	v10 =	vadd.f32 v15, v20;
	v15 =	vld.idx.msk [tilespmem:v30+s23+$0x0], $0xffff;
	[tilespmem:$0x1FED0] =	vst v0;
	v0 =	vbroadcast v8, $0x2  }
0x7e: {  	v56 =	vld.idx.msk [tilespmem:v30+s26+$0x0], $0xffff;
	v30 =	vor.u32 v11, v58  }
0x7f: {  	v31 =	vld.idx.msk [tilespmem:v26+s23+$0x0], $0xffff;
	[tilespmem:$0x1FEF0] =	vst v0;
	v0 =	vbroadcast v8, $0x1  }
0x80: {  	[tilespmem:$0x1FD60] =	vst v42;
	v26 =	vld.idx.msk [tilespmem:v26+s26+$0x0], $0xffff  }
0x81: {  	[tilespmem:$0x1FF00] =	vst v0;
	v0 =	vbroadcast v8, $0x0;
	v8 =	vadd.f32 v39, v37;
	v37 =	vld.idx.msk [tilespmem:v13+s26+$0x0], $0xffff  }
0x82: {  	[tilespmem:$0x1FD10] =	vst v2;
	v2 =	vbroadcast v3, $0x6;
	v13 =	vadd.f32 v16, v12;
	v16 =	vadd.f32 v25, v24;
	v25 =	vld.idx.msk [tilespmem:v38+s23+$0x0], $0xffff  }
0x83: {  	v42 =	vor.u32 v51, v11;
	v39 =	vbroadcast v3, $0xC;
	v38 =	vld.idx.msk [tilespmem:v30+s23+$0x0], $0xffff;
	[tilespmem:$0x1FF10] =	vst v0;
	v0 =	vbroadcast v3, $0x9  }
0x84: {  	[tilespmem:$0x1FF80] =	vst v2;
	v12 =	vld.idx.msk [tilespmem:v30+s26+$0x0], $0xffff  }
0x85: {  	v30 =	vadd.f32 v26, v31;
	v31 =	vmul.f32 v39, v52;
	v39 =	vmul.f32 v0, v52;
	v0 =	vld [tilespmem:$0x1FF80]  }
0x86: {  	[tilespmem:$0x1FDF0] =	vst v44  }
0x87: {  	[tilespmem:$0x1FE90] =	vst v47;
	v28 =	vbroadcast v3, $0xE;
	v2 =	vbroadcast v3, $0x4  }
0x88: {  	[tilespmem:$0x1FF30] =	vst v49;
	v59 =	vbroadcast v3, $0x1;
	v19 =	vld.idx.msk [tilespmem:v42+s23+$0x0], $0xffff;
	v23 =	vor.u32 v11, v44;
	v44 =	vbroadcast v41, $0xA  }
0x89: {  	v47 =	vbroadcast v3, $0xB;
	v49 =	vbroadcast v3, $0x7;
	[tilespmem:$0x1FF90] =	vst v2;
	v29 =	vadd.f32 v29, v46;
	v46 =	vld.idx.msk [tilespmem:v42+s26+$0x0], $0xffff  }
0x8a: {  	[tilespmem:$0x1FE40] =	vst v45;
	v24 =	vadd.f32 v37, v36;
	v37 =	vmul.f32 v44, v52;
	v44 =	vmul.f32 v0, v52;
	v0 =	vld [tilespmem:$0x1FF90]  }
0x8b: {  	[tilespmem:$0x1FF20] =	vst v53;
	v2 =	vbroadcast v3, $0x3;
	v45 =	vbroadcast v3, $0xA  }
0x8c: {  	[tilespmem:$0x1FF40] =	vst v58;
	v33 =	vor.u32 v11, v53;
	v53 =	vbroadcast v3, $0xD;
	v32 =	vbroadcast v3, $0xF  }
0x8d: {  	[tilespmem:$0x1FFB0] =	vst v2;
	v2 =	vbroadcast v3, $0x2;
	v58 =	vbroadcast v3, $0x5  }
0x8e: {  	[tilespmem:$0x1FF70] =	vst v55;
	v3 =	vor.u32 v55, v11;
	v55 =	vmul.f32 v32, v52;
	v32 =	vadd.f32 v56, v15  }
0x8f: {  	v15 =	vadd.f32 v12, v38;
	v12 =	vadd.f32 v46, v19;
	v46 =	vmul.f32 v0, v52;
	v0 =	vld [tilespmem:$0x1FFA0];
	_ =	sdelay $0x2  }
0x90: {  	v53 =	vmul.f32 v53, v52;
	_ =	sdelay $0x1  }
0x91: {  	v53 =	vadd.f32 v0, v53;
	v0 =	vld [tilespmem:$0x1FFB0];
	_ =	sdelay $0x2  }
0x92: {  	[tilespmem:$0x1FDA0] =	vst v43;
	v43 =	vbroadcast v41, $0x6  }
0x93: {  	v38 =	vmul.f32 v45, v52  }
0x94: {  	v45 =	vmul.f32 v43, v52;
	v43 =	vmul.f32 v0, v52;
	v0 =	vld [tilespmem:$0x1FFC0]  }
0x95: {  	v18 =	vor.u32 v11, v62;
	[tilespmem:$0x1FFE0] =	vst v2;
	v2 =	vbroadcast v41, $0xE;
	v17 =	vld.idx.msk [tilespmem:v33+s23+$0x0], $0xffff  }
0x96: {  	[tilespmem:$0x1FF50] =	vst v51;
	v22 =	vbroadcast v41, $0xB;
	v20 =	vadd.f32 v21, v7;
	v7 =	vbroadcast v41, $0x3;
	v27 =	vld.idx.msk [tilespmem:v23+s23+$0x0], $0xffff  }
0x97: {  	[tilespmem:$0x1FF60] =	vst v62;
	v35 =	vbroadcast v41, $0x9;
	v34 =	vld.idx.msk [tilespmem:v23+s26+$0x0], $0xffff;
	v56 =	vmul.f32 v2, v52  }
0x98: {  	v62 =	vbroadcast v41, $0x2;
	v51 =	vbroadcast v41, $0xD;
	v33 =	vld.idx.msk [tilespmem:v33+s26+$0x0], $0xffff;
	[tilespmem:$0x1FFD0] =	vst v7  }
0x99: {  	v35 =	vmul.f32 v35, v52;
	v2 =	vadd.f32 v50, v55;
	v55 =	vadd.f32 v0, v56;
	v0 =	vld [tilespmem:$0x1FFD0]  }
0x9a: {  	v21 =	vbroadcast v41, $0xC;
	v42 =	vbroadcast v41, $0x5;
	v26 =	vld.idx.msk [tilespmem:v18+s26+$0x0], $0xffff  }
0x9b: {  	[tilespmem:$0x1FEE0] =	vst v48;
	v23 =	vbroadcast v41, $0xF;
	v48 =	vbroadcast v41, $0x4;
	v36 =	vld.idx.msk [tilespmem:v18+s23+$0x0], $0xffff  }
0x9c: {  	v27 =	vadd.f32 v34, v27;
	v34 =	vbroadcast v41, $0x7;
	v11 =	vbroadcast v41, $0x1;
	v41 =	vld.idx.msk [tilespmem:v3+s23+$0x0], $0xffff  }
0x9d: {  	v7 =	vmul.f32 v28, v52;
	v17 =	vadd.f32 v33, v17;
	v33 =	vmul.f32 v47, v52;
	v3 =	vld.idx.msk [tilespmem:v3+s26+$0x0], $0xffff  }
0x9e: {  	v47 =	vmul.f32 v42, v52;
	v42 =	vmul.f32 v0, v52;
	v0 =	vld [tilespmem:$0x1FFE0]  }
0x9f: {  	v28 =	vmul.f32 v21, v52;
	v48 =	vmul.f32 v48, v52  }
0xa0: {  	v61 =	vadd.f32 v61, v7;
	v18 =	vmul.f32 v23, v52;
	v23 =	vmul.f32 v51, v52  }
0xa1: {  	v25 =	vadd.f32 v40, v25;
	v40 =	vmul.f32 v34, v52;
	v21 =	vadd.f32 v26, v36  }
0xa2: {  	v36 =	vmul.f32 v22, v52;
	v22 =	vmul.f32 v62, v52;
	v62 =	vimm.f32 $0.0e+00  }
0xa3: {  	v26 =	vadd.f32 v3, v41;
	v34 =	vmul.f32 v0, v52;
	v0 =	vimm.f32 $0.0e+00  }
0xa4: {  	s15 =	simm.s32 $0x1F;
	v41 =	vmul.f32 v49, v52;
	v49 =	vmul.f32 v58, v52;
	v58 =	vadd.f32 v63, v18;
	[tilespmem:$0x1FFF0] =	vst v0  }
.LBB2_4:
0xa5: {  	_ =	sdelay $0x3  }
0xa6: {  	v0 =	vadd.f32 v14, v23;
	v23 =	vmul.f32 v11, v52;
	v11 =	vadd.f32 v57, v33;
	v57 =	vld [tilespmem:$0x1FCE0];
	_ =	sdelay $0x2  }
0xa7: {  	v50 =	vld [tilespmem:$0x1FCD0];
	_ =	sdelay $0x1  }
0xa8: {  	v3 =	vadd.f32 v4, v28;
	v56 =	vld [tilespmem:$0x1FD40];
	v28 =	vmul.f32 $2.000000030e-01, v57;
	_ =	sdelay $0x1  }
0xa9: {  	v28 =	vmax.f32 v57, v28  }
0xaa: {  	v28 =	vmul.f32 v28, v50;
	v50 =	vld [tilespmem:$0x1FF10]  }
0xab: {  	v63 =	vmul.f32 v59, v52;
	v59 =	vld [tilespmem:$0x1FD20]  }
0xac: {  	v19 =	vadd.f32 v13, v35;
	v35 =	vmul.f32 $2.000000030e-01, v56;
	_ =	sdelay $0x1  }
0xad: {  	v51 =	vld [tilespmem:$0x1FD00];
	v12 =	vadd.f32 v12, v22;
	v22 =	vmax.f32 v56, v35  }
0xae: {  	v23 =	vadd.f32 v26, v23;
	v22 =	vmul.f32 v22, v50;
	v50 =	vld [tilespmem:$0x1FF00]  }
0xaf: {  	v7 =	vadd.f32 v1, v31;
	v31 =	vmul.f32 $2.000000030e-01, v59  }
0xb0: {  	v15 =	vadd.f32 v15, v34;
	v35 =	vmul.f32 $2.000000030e-01, v23  }
0xb1: {  	v31 =	vmax.f32 v59, v31;
	v59 =	vld [tilespmem:$0x1FDD0]  }
0xb2: {  	v21 =	vadd.f32 v21, v63;
	v63 =	vmul.f32 $2.000000030e-01, v15;
	v23 =	vmax.f32 v23, v35;
	v57 =	vld [tilespmem:$0x1FE70]  }
0xb3: {  	v33 =	vmul.f32 $2.000000030e-01, v51;
	v22 =	vadd.f32 v22, v62;
	v23 =	vmul.f32 v23, v50  }
0xb4: {  	v15 =	vmax.f32 v15, v63;
	v63 =	vld [tilespmem:$0x1FFF0]  }
0xb5: {  	v33 =	vmax.f32 v51, v33;
	v22 =	vadd.f32 v23, v22;
	v23 =	vld [tilespmem:$0x1FEF0]  }
0xb6: {  	v25 =	vadd.f32 v25, v42;
	v51 =	vmul.f32 $2.000000030e-01, v21;
	v33 =	vmul.f32 v33, v59;
	v59 =	vld [tilespmem:$0x1FDC0]  }
0xb7: {  	v31 =	vmul.f32 v31, v57;
	v57 =	vmul.f32 $2.000000030e-01, v12  }
0xb8: {  	v27 =	vadd.f32 v27, v49;
	v49 =	vmul.f32 $2.000000030e-01, v25;
	v21 =	vmax.f32 v21, v51;
	v51 =	vld [tilespmem:$0x1FDB0]  }
0xb9: {  	v12 =	vmax.f32 v12, v57  }
0xba: {  	v17 =	vadd.f32 v17, v43;
	v12 =	vmul.f32 v12, v23;
	v23 =	vmax.f32 v25, v49;
	v25 =	vld [tilespmem:$0x1FD90]  }
0xbb: {  	v33 =	vadd.f32 v33, v63;
	v21 =	vmul.f32 v21, v59  }
0xbc: {  	v32 =	vadd.f32 v32, v48;
	v48 =	vmul.f32 $2.000000030e-01, v17  }
0xbd: {  	v15 =	vmul.f32 v15, v51;
	v21 =	vadd.f32 v21, v33  }
0xbe: {  	v17 =	vmax.f32 v17, v48  }
0xbf: {  	v15 =	vadd.f32 v15, v21;
	v21 =	vld [tilespmem:$0x1FED0];
	v17 =	vmul.f32 v17, v25;
	_ =	sdelay $0x1  }
0xc0: {  	v15 =	vadd.f32 v17, v15;
	v17 =	vld [tilespmem:$0x1FEC0];
	_ =	sdelay $0x1  }
0xc1: {  	v30 =	vadd.f32 v30, v47;
	v47 =	vmul.f32 $2.000000030e-01, v32  }
0xc2: {  	v21 =	vmul.f32 v23, v21;
	v12 =	vadd.f32 v12, v22  }
0xc3: {  	v22 =	vmax.f32 v32, v47  }
0xc4: {  	v12 =	vadd.f32 v21, v12;
	v17 =	vmul.f32 v22, v17;
	_ =	sdelay $0x1  }
0xc5: {  	v12 =	vadd.f32 v17, v12;
	v17 =	vld [tilespmem:$0x1FEB0];
	_ =	sdelay $0x1  }
0xc6: {  	v24 =	vadd.f32 v24, v46;
	v46 =	vmul.f32 $2.000000030e-01, v30  }
0xc7: {  	v23 =	vld [tilespmem:$0x1FD80]  }
0xc8: {  	v21 =	vmax.f32 v30, v46  }
0xc9: {  	v26 =	vmul.f32 $2.000000030e-01, v24;
	v17 =	vmul.f32 v21, v17  }
0xca: {  	v22 =	vld [tilespmem:$0x1FD70]  }
0xcb: {  	v29 =	vadd.f32 v29, v45;
	v24 =	vmax.f32 v24, v26;
	v12 =	vadd.f32 v17, v12;
	v17 =	vld [tilespmem:$0x1FEA0]  }
0xcc: {  	v18 =	vadd.f32 v9, v39;
	v45 =	vmul.f32 $2.000000030e-01, v27;
	v23 =	vmul.f32 v24, v23  }
0xcd: {  	v9 =	vadd.f32 v8, v37;
	v37 =	vadd.f32 v16, v44;
	v44 =	vmul.f32 $2.000000030e-01, v29  }
0xce: {  	v24 =	vmax.f32 v27, v45;
	v15 =	vadd.f32 v23, v15;
	v23 =	vld [tilespmem:$0x1FD50]  }
0xcf: {  	v14 =	vadd.f32 v5, v38;
	v22 =	vmul.f32 v24, v22;
	v21 =	vmax.f32 v29, v44  }
0xd0: {  	v5 =	vadd.f32 v6, v36;
	v34 =	vmul.f32 $2.000000030e-01, v37;
	v17 =	vmul.f32 v21, v17  }
0xd1: {  	v36 =	vadd.f32 v10, v41;
	v15 =	vadd.f32 v22, v15;
	v22 =	vld [tilespmem:$0x1FD10]  }
0xd2: {  	v38 =	vadd.f32 v20, v40;
	v24 =	vmax.f32 v37, v34;
	v12 =	vadd.f32 v17, v12;
	v17 =	vld [tilespmem:$0x1FE80]  }
0xd3: {  	v42 =	vmul.f32 $2.000000030e-01, v36;
	v23 =	vmul.f32 v24, v23  }
0xd4: {  	v43 =	vmul.f32 $2.000000030e-01, v38  }
0xd5: {  	v24 =	vmax.f32 v36, v42;
	v15 =	vadd.f32 v23, v15  }
0xd6: {  	v23 =	vmul.f32 $2.000000030e-01, v19;
	v22 =	vmul.f32 v24, v22;
	v21 =	vmax.f32 v38, v43  }
0xd7: {  	v24 =	vmul.f32 $2.000000030e-01, v18;
	v17 =	vmul.f32 v21, v17;
	_ =	sdelay $0x1  }
0xd8: {  	v12 =	vadd.f32 v17, v12;
	v17 =	vmax.f32 v18, v24;
	v18 =	vmax.f32 v19, v23;
	v19 =	vld [tilespmem:$0x1FCC0];
	_ =	sdelay $0x2  }
0xd9: {  	v15 =	vadd.f32 v22, v15;
	_ =	sdelay $0x1  }
0xda: {  	v15 =	vadd.f32 v28, v15;
	v17 =	vmul.f32 v17, v19;
	v19 =	vld [tilespmem:$0x1FE60];
	_ =	sdelay $0x1  }
0xdb: {  	v15 =	vadd.f32 v17, v15;
	v17 =	vld [tilespmem:$0x1FE50];
	_ =	sdelay $0x1  }
0xdc: {  	v25 =	vmul.f32 $2.000000030e-01, v9  }
0xdd: {  	v12 =	vadd.f32 v31, v12;
	v18 =	vmul.f32 v18, v19  }
0xde: {  	v9 =	vmax.f32 v9, v25  }
0xdf: {  	v12 =	vadd.f32 v18, v12;
	v9 =	vmul.f32 v9, v17;
	_ =	sdelay $0x1  }
0xe0: {  	v9 =	vadd.f32 v9, v12;
	v12 =	vld [tilespmem:$0x1FE30];
	_ =	sdelay $0x1  }
0xe1: {  	v40 =	vmul.f32 $2.000000030e-01, v5;
	_ =	sdelay $0x1  }
0xe2: {  	v5 =	vmax.f32 v5, v40  }
0xe3: {  	v5 =	vmul.f32 v5, v12;
	_ =	sdelay $0x1  }
0xe4: {  	v5 =	vadd.f32 v5, v9;
	v9 =	vld [tilespmem:$0x1FE20];
	_ =	sdelay $0x1  }
0xe5: {  	v16 =	vmul.f32 $2.000000030e-01, v3;
	_ =	sdelay $0x1  }
0xe6: {  	v3 =	vmax.f32 v3, v16  }
0xe7: {  	v3 =	vmul.f32 v3, v9;
	_ =	sdelay $0x1  }
0xe8: {  	v4 =	vmul.f32 $2.000000030e-01, v2;
	v3 =	vadd.f32 v3, v5;
	v5 =	vld [tilespmem:$0x1FE10];
	_ =	sdelay $0x1  }
0xe9: {  	v10 =	vmul.f32 $2.000000030e-01, v0;
	v4 =	vmax.f32 v2, v4;
	v2 =	vld [tilespmem:$0x1FE00];
	_ =	sdelay $0x1  }
0xea: {  	v6 =	vmul.f32 $2.000000030e-01, v55;
	v0 =	vmax.f32 v0, v10  }
0xeb: {  	v0 =	vmul.f32 v0, v5  }
0xec: {  	v5 =	vmax.f32 v55, v6  }
0xed: {  	v0 =	vadd.f32 v0, v3;
	v3 =	vmul.f32 v5, v2  }
0xee: {  	v2 =	vld [tilespmem:$0x1FC60]  }
0xef: {  	v0 =	vadd.f32 v3, v0;
	v3 =	vld [tilespmem:$0x1FDE0];
	_ =	sdelay $0x1  }
0xf0: {  	v1 =	vmul.f32 $2.000000030e-01, v58  }
0xf1: {  	s16 =	sadd.s32 $0xFFFFFFF9, s15;
	v26 =	vld [tilespmem:$0x1FC80]  }
0xf2: {  	v1 =	vmax.f32 v58, v1;
	v19 =	vld [tilespmem:$0x1FCB0];
	v5 =	vor.u32 s16, v2  }
0xf3: {  	v1 =	vmul.f32 v1, v3  }
0xf4: {  	v41 =	vmul.f32 $2.000000030e-01, v14;
	v17 =	vld [tilespmem:$0x1FCA0]  }
0xf5: {  	v0 =	vadd.f32 v1, v0  }
0xf6: {  	v14 =	vmax.f32 v14, v41;
	v39 =	vmul.f32 $2.000000030e-01, v11;
	v21 =	vor.u32 s16, v26;
	v12 =	vld [tilespmem:$0x1FC90];
	s16 =	sadd.s32 $0xFFFFFFF1, s15  }
0xf7: {  	v14 =	vmul.f32 v14, v19;
	[tilespmem:$0x1FBB0] =	vst v0;
	v0 =	vor.u32 s16, v2;
	v2 =	vld.idx.msk [tilespmem:v5+s23+$0x0], $0xffff  }
0xf8: {  	v8 =	vmul.f32 $2.000000030e-01, v61;
	v20 =	vmul.f32 $2.000000030e-01, v7;
	v11 =	vmax.f32 v11, v39  }
0xf9: {  	v11 =	vmul.f32 v11, v17;
	v14 =	vadd.f32 v14, v15  }
0xfa: {  	v13 =	vmul.f32 $2.000000030e-01, v53;
	v8 =	vmax.f32 v61, v8;
	v7 =	vmax.f32 v7, v20  }
0xfb: {  	v11 =	vadd.f32 v11, v14;
	v7 =	vmul.f32 v7, v12;
	v6 =	vmul.f32 v8, v54;
	v8 =	vld [tilespmem:$0x1FC70]  }
0xfc: {  	v12 =	vmax.f32 v53, v13;
	[tilespmem:$0x1F9D0] =	vst v2;
	v2 =	vld.idx.msk [tilespmem:v5+s26+$0x0], $0xffff  }
0xfd: {  	v9 =	vmul.f32 v12, v60;
	v7 =	vadd.f32 v7, v11  }
0xfe: {  	v3 =	vor.u32 s16, v26  }
0xff: {  	v7 =	vadd.f32 v9, v7;
	v1 =	vld.idx.msk [tilespmem:v21+s26+$0x0], $0xffff;
	_ =	sdelay $0x1  }
0x100: {  	v6 =	vadd.f32 v6, v7;
	v4 =	vmul.f32 v4, v8;
	[tilespmem:$0x1F9E0] =	vst v2;
	v2 =	vld [tilespmem:$0x1FCF0]  }
0x101: {  	v7 =	vmov s15;
	v8 =	vld [tilespmem:$0x1FD30]  }
0x102: {  	v7 =	vand.u32 $0x38, v7;
	v4 =	vadd.f32 v4, v6;
	v6 =	vld.idx.msk [tilespmem:v3+s23+$0x0], $0xffff  }
0x103: {  	v3 =	vld.idx.msk [tilespmem:v3+s26+$0x0], $0xffff;
	[tilespmem:$0x1F9C0] =	vst v1;
	v1 =	vbroadcast v7, $0x0;
	_ =	sdelay $0x1  }
0x104: {  	s20 =	sadd.s32 $0xFFFFFFFF, s15;
	v5 =	vor.u32 v1, v2  }
0x105: {  	[tilespmem:$0x1FFF0] =	vst v4;
	v4 =	vmov s20  }
0x106: {  	v4 =	vand.u32 $0x38, v4  }
0x107: {  	[tilespmem:$0x1FA00] =	vst v3;
	v3 =	vbroadcast v4, $0x0;
	v4 =	vor.u32 v8, v1;
	v1 =	vld.idx.msk [tilespmem:v0+s23+$0x0], $0xffff  }
0x108: {  	v0 =	vld.idx.msk [tilespmem:v0+s26+$0x0], $0xffff  }
0x109: {  	v7 =	vld.idx.msk [tilespmem:v5+s23+$0x0], $0xffff;
	_ =	sdelay $0x1  }
0x10a: {  	s31 =	sadd.s32 $0xFFFFFFFE, s15  }
0x10b: {  	[tilespmem:$0x1FA10] =	vst v1;
	v1 =	vmov s31  }
0x10c: {  	[tilespmem:$0x1FA20] =	vst v0;
	v0 =	vld [tilespmem:$0x1FD60];
	v1 =	vand.u32 $0x38, v1  }
0x10d: {  	[tilespmem:$0x1FA30] =	vst v7;
	v7 =	vbroadcast v1, $0x0;
	v1 =	vld [tilespmem:$0x1FDA0];
	_ =	sdelay $0x4  }
0x10e: {  	[tilespmem:$0x1F9F0] =	vst v6;
	v6 =	vor.u32 v3, v0;
	v9 =	vor.u32 v1, v3;
	v3 =	vld.idx.msk [tilespmem:v4+s23+$0x0], $0xffff;
	_ =	sdelay $0x4  }
0x10f: {  	[tilespmem:$0x1FA40] =	vst v3;
	v3 =	vld [tilespmem:$0x1FDF0]  }
0x110: {  	s20 =	sadd.s32 $0xFFFFFFFB, s15;
	s31 =	sadd.s32 $0xFFFFFFFD, s15  }
0x111: {  	s1 =	sadd.s32 $0xFFFFFFFA, s15;
	v60 =	vld.idx.msk [tilespmem:v5+s26+$0x0], $0xffff;
	v5 =	vmov s20;
	v11 =	vmov s31  }
0x112: {  	v13 =	vmov s1;
	v15 =	vand.u32 $0x38, v5;
	v5 =	vand.u32 $0x38, v11;
	v50 =	vld.idx.msk [tilespmem:v6+s23+$0x0], $0xffff  }
0x113: {  	v11 =	vand.u32 $0x38, v13;
	v13 =	vbroadcast v5, $0x0;
	v5 =	vld.idx.msk [tilespmem:v6+s26+$0x0], $0xffff  }
0x114: {  	v6 =	vld.idx.msk [tilespmem:v9+s26+$0x0], $0xffff;
	v14 =	vor.u32 v7, v3;
	_ =	sdelay $0x2  }
0x115: {  	s10 =	sadd.s32 $0x10, s10  }
0x116: {  	v51 =	vld [tilespmem:s10+$0xFFFFFFC0]  }
0x117: {  	[tilespmem:$0x1FA90] =	vst v6;
	v6 =	vld.idx.msk [tilespmem:v14+s23+$0x0], $0xffff;
	_ =	sdelay $0x1  }
0x118: {  	v54 =	vld [tilespmem:s10+$0x0];
	_ =	sdelay $0x2  }
0x119: {  	[tilespmem:$0x1FA60] =	vst v6;
	v6 =	vbroadcast v51, $0xF;
	_ =	sdelay $0x1  }
0x11a: {  	v61 =	vld.idx.msk [tilespmem:v4+s26+$0x0], $0xffff;
	[tilespmem:$0x1FC70] =	vst v6;
	v6 =	vbroadcast v54, $0xF  }
0x11b: {  	v4 =	vld [tilespmem:$0x1FE40]  }
0x11c: {  	[tilespmem:$0x1FDE0] =	vst v6;
	v6 =	vld.idx.msk [tilespmem:v14+s26+$0x0], $0xffff;
	_ =	sdelay $0x3  }
0x11d: {  	v7 =	vor.u32 v4, v7  }
0x11e: {  	[tilespmem:$0x1FA70] =	vst v6;
	v6 =	vbroadcast v51, $0xE;
	_ =	sdelay $0x1  }
0x11f: {  	[tilespmem:$0x1FC20] =	vst v6;
	v6 =	vbroadcast v54, $0xE;
	_ =	sdelay $0x1  }
0x120: {  	[tilespmem:$0x1FE00] =	vst v6;
	v6 =	vld.idx.msk [tilespmem:v7+s23+$0x0], $0xffff;
	_ =	sdelay $0x2  }
0x121: {  	[tilespmem:$0x1FA50] =	vst v5;
	v5 =	vld.idx.msk [tilespmem:v9+s23+$0x0], $0xffff;
	_ =	sdelay $0x1  }
0x122: {  	[tilespmem:$0x1FAB0] =	vst v6;
	v6 =	vbroadcast v51, $0xD;
	_ =	sdelay $0x1  }
0x123: {  	[tilespmem:$0x1FBF0] =	vst v6;
	v6 =	vbroadcast v54, $0xD  }
0x124: {  	[tilespmem:$0x1FA80] =	vst v5;
	v5 =	vld [tilespmem:$0x1FE90]  }
0x125: {  	[tilespmem:$0x1FE10] =	vst v6;
	v6 =	vbroadcast v51, $0xC;
	_ =	sdelay $0x1  }
0x126: {  	v12 =	vmov s16;
	[tilespmem:$0x1FC90] =	vst v6;
	v6 =	vbroadcast v54, $0xC  }
0x127: {  	v12 =	vand.u32 $0x30, v12  }
0x128: {  	v23 =	vbroadcast v12, $0x0;
	v12 =	vor.u32 v13, v5;
	[tilespmem:$0x1FE20] =	vst v6;
	v6 =	vld.idx.msk [tilespmem:v7+s26+$0x0], $0xffff;
	_ =	sdelay $0x3  }
0x129: {  	v19 =	vbroadcast v15, $0x0;
	v15 =	vld [tilespmem:$0x1FEE0]  }
0x12a: {  	[tilespmem:$0x1FAC0] =	vst v6;
	v6 =	vld.idx.msk [tilespmem:v12+s23+$0x0], $0xffff;
	_ =	sdelay $0x3  }
0x12b: {  	v20 =	vor.u32 v15, v13  }
0x12c: {  	[tilespmem:$0x1FAA0] =	vst v6;
	v6 =	vbroadcast v51, $0xB;
	_ =	sdelay $0x1  }
0x12d: {  	[tilespmem:$0x1FCA0] =	vst v6;
	v6 =	vbroadcast v54, $0xB;
	_ =	sdelay $0x1  }
0x12e: {  	[tilespmem:$0x1FE30] =	vst v6;
	v6 =	vld.idx.msk [tilespmem:v20+s23+$0x0], $0xffff;
	_ =	sdelay $0x3  }
0x12f: {  	s25 =	sadd.s32 $0xFFFFFFFC, s15;
	v22 =	vld [tilespmem:$0x1FF20]  }
0x130: {  	v10 =	vmov s25;
	[tilespmem:$0x1FAF0] =	vst v6;
	v6 =	vbroadcast v51, $0xA  }
0x131: {  	v10 =	vand.u32 $0x38, v10  }
0x132: {  	v17 =	vbroadcast v10, $0x0;
	[tilespmem:$0x1FCB0] =	vst v6;
	v6 =	vbroadcast v54, $0xA;
	_ =	sdelay $0x1  }
0x133: {  	v24 =	vor.u32 v17, v22;
	[tilespmem:$0x1FE50] =	vst v6;
	v6 =	vld.idx.msk [tilespmem:v20+s26+$0x0], $0xffff;
	_ =	sdelay $0x4  }
0x134: {  	[tilespmem:$0x1FB00] =	vst v6;
	v6 =	vld.idx.msk [tilespmem:v24+s23+$0x0], $0xffff;
	_ =	sdelay $0x2  }
0x135: {  	v34 =	vld [tilespmem:$0x1FF40]  }
0x136: {  	v18 =	vld [tilespmem:$0x1FF30]  }
0x137: {  	v14 =	vld [tilespmem:$0x1FF50];
	[tilespmem:$0x1FAD0] =	vst v6;
	v6 =	vbroadcast v51, $0x9;
	_ =	sdelay $0x1  }
0x138: {  	[tilespmem:$0x1FCC0] =	vst v6;
	v6 =	vbroadcast v54, $0x9;
	_ =	sdelay $0x1  }
0x139: {  	v25 =	vor.u32 v18, v17;
	[tilespmem:$0x1FE60] =	vst v6;
	v6 =	vld.idx.msk [tilespmem:v24+s26+$0x0], $0xffff  }
0x13a: {  	v26 =	vor.u32 v19, v34;
	v27 =	vor.u32 v14, v19;
	v19 =	vld [tilespmem:$0x1FF60];
	_ =	sdelay $0x2  }
0x13b: {  	v11 =	vbroadcast v11, $0x0  }
0x13c: {  	[tilespmem:$0x1FAE0] =	vst v6;
	v6 =	vld.idx.msk [tilespmem:v25+s23+$0x0], $0xffff  }
0x13d: {  	v45 =	vor.u32 v23, v2;
	v29 =	vor.u32 v11, v19;
	v2 =	vld.idx.msk [tilespmem:v27+s26+$0x0], $0xffff;
	_ =	sdelay $0x1  }
0x13e: {  	v7 =	vld [tilespmem:$0x1FF70];
	_ =	sdelay $0x1  }
0x13f: {  	[tilespmem:$0x1FB30] =	vst v6;
	v6 =	vbroadcast v51, $0x8  }
0x140: {  	[tilespmem:$0x1FB70] =	vst v2;
	v2 =	vld.idx.msk [tilespmem:v29+s23+$0x0], $0xffff  }
0x141: {  	[tilespmem:$0x1FCD0] =	vst v6;
	v6 =	vbroadcast v54, $0x8  }
0x142: {  	v11 =	vor.u32 v7, v11  }
0x143: {  	s11 =	sadd.s32 $0x10, s11;
	[tilespmem:$0x1FE70] =	vst v6;
	v6 =	vld.idx.msk [tilespmem:v25+s26+$0x0], $0xffff  }
0x144: {  	v56 =	vld [tilespmem:s11+$0x0]  }
0x145: {  	[tilespmem:$0x1FB50] =	vst v2;
	v2 =	vbroadcast v51, $0x5;
	_ =	sdelay $0x1  }
0x146: {  	v58 =	vor.u32 v23, v0;
	[tilespmem:$0x1FD70] =	vst v2;
	v2 =	vbroadcast v54, $0x5;
	v0 =	vld.idx.msk [tilespmem:v11+s26+$0x0], $0xffff  }
0x147: {  	v55 =	vor.u32 v8, v23;
	[tilespmem:$0x1FB40] =	vst v6;
	v6 =	vld.idx.msk [tilespmem:v26+s23+$0x0], $0xffff  }
0x148: {  	[tilespmem:$0x1FEB0] =	vst v2;
	v2 =	vld.idx.msk [tilespmem:v11+s23+$0x0], $0xffff;
	v11 =	vor.u32 v1, v23;
	v1 =	vor.u32 v4, v23;
	v4 =	vbroadcast v56, $0x4;
	_ =	sdelay $0x1  }
0x149: {  	[tilespmem:$0x1FBA0] =	vst v4  }
0x14a: {  	v59 =	vld.idx.msk [tilespmem:v21+s23+$0x0], $0xffff;
	[tilespmem:$0x1FB90] =	vst v0;
	v0 =	vbroadcast v51, $0x3  }
0x14b: {  	v53 =	vld [tilespmem:s11+$0xFFFFFFC0];
	[tilespmem:$0x1FB10] =	vst v6;
	v6 =	vbroadcast v51, $0x7  }
0x14c: {  	v47 =	vld.idx.msk [tilespmem:v55+s26+$0x0], $0xffff;
	[tilespmem:$0x1FD90] =	vst v0;
	v0 =	vbroadcast v54, $0x3  }
0x14d: {  	v40 =	vbroadcast v56, $0xD;
	v16 =	vld.idx.msk [tilespmem:v58+s26+$0x0], $0xffff;
	[tilespmem:$0x1FD10] =	vst v6;
	v6 =	vbroadcast v54, $0x7  }
0x14e: {  	v35 =	vbroadcast v56, $0x9;
	v62 =	vld.idx.msk [tilespmem:v12+s26+$0x0], $0xffff;
	v4 =	vbroadcast v51, $0x0;
	[tilespmem:$0x1FED0] =	vst v0  }
0x14f: {  	v49 =	vbroadcast v56, $0x8;
	v0 =	vbroadcast v51, $0x2;
	[tilespmem:$0x1FE80] =	vst v6;
	v6 =	vld.idx.msk [tilespmem:v26+s26+$0x0], $0xffff  }
0x150: {  	v32 =	vbroadcast v56, $0x5;
	[tilespmem:$0x1FDD0] =	vst v4;
	v4 =	vbroadcast v54, $0x0;
	v17 =	vld.idx.msk [tilespmem:v11+s26+$0x0], $0xffff  }
0x151: {  	v30 =	vbroadcast v56, $0x6;
	v46 =	vld.idx.msk [tilespmem:v1+s23+$0x0], $0xffff;
	[tilespmem:$0x1FDB0] =	vst v0;
	v0 =	vbroadcast v54, $0x2  }
0x152: {  	v37 =	vbroadcast v56, $0xA;
	v42 =	vbroadcast v56, $0xC;
	v12 =	vld.idx.msk [tilespmem:v1+s26+$0x0], $0xffff;
	[tilespmem:$0x1FF10] =	vst v4  }
0x153: {  	v36 =	vbroadcast v56, $0xB;
	v31 =	vbroadcast v56, $0xF;
	v4 =	vor.u32 v18, v23;
	v18 =	vld [tilespmem:$0x1F9E0];
	[tilespmem:$0x1FEF0] =	vst v0  }
0x154: {  	v38 =	vbroadcast v56, $0xE;
	v28 =	vbroadcast v53, $0xF;
	v0 =	vor.u32 v23, v3;
	[tilespmem:$0x1FB20] =	vst v6;
	v6 =	vld.idx.msk [tilespmem:v27+s23+$0x0], $0xffff  }
0x155: {  	v33 =	vbroadcast v53, $0xE;
	v1 =	vmul.f32 v31, v52;
	v27 =	vld.idx.msk [tilespmem:v55+s23+$0x0], $0xffff  }
0x156: {  	v39 =	vbroadcast v53, $0xD;
	[tilespmem:$0x1FB80] =	vst v2;
	v2 =	vbroadcast v51, $0x4;
	v55 =	vor.u32 v14, v23;
	v14 =	vld [tilespmem:$0x1F9D0]  }
0x157: {  	v41 =	vbroadcast v53, $0xC;
	v43 =	vbroadcast v53, $0xB;
	[tilespmem:$0x1FBE0] =	vst v1;
	v1 =	vld [tilespmem:$0x1F9C0]  }
0x158: {  	v44 =	vbroadcast v53, $0xA;
	[tilespmem:$0x1FD80] =	vst v2;
	v2 =	vbroadcast v54, $0x4;
	v20 =	vld.idx.msk [tilespmem:v58+s23+$0x0], $0xffff  }
0x159: {  	v57 =	vbroadcast v53, $0x9;
	v48 =	vbroadcast v53, $0x8;
	v3 =	vor.u32 v15, v23;
	v15 =	vld.idx.msk [tilespmem:v0+s23+$0x0], $0xffff  }
0x15a: {  	v10 =	vbroadcast v53, $0x6;
	[tilespmem:$0x1FEC0] =	vst v2;
	v2 =	vbroadcast v51, $0x1;
	v24 =	vld.idx.msk [tilespmem:v11+s23+$0x0], $0xffff  }
0x15b: {  	v58 =	vor.u32 v7, v23;
	v7 =	vmul.f32 v38, v52;
	v38 =	vadd.f32 v18, v14;
	v14 =	vld [tilespmem:$0x1F9F0]  }
0x15c: {  	v21 =	vbroadcast v53, $0x1;
	v11 =	vbroadcast v53, $0x2;
	v18 =	vld [tilespmem:$0x1FA00]  }
0x15d: {  	v8 =	vbroadcast v56, $0x7;
	[tilespmem:$0x1FDC0] =	vst v2;
	v63 =	vld.idx.msk [tilespmem:v0+s26+$0x0], $0xffff;
	v0 =	vbroadcast v56, $0x1  }
0x15e: {  	v9 =	vld.idx.msk [tilespmem:v29+s26+$0x0], $0xffff;
	v29 =	vbroadcast v53, $0x5;
	[tilespmem:$0x1FBD0] =	vst v11;
	v11 =	vbroadcast v56, $0x2  }
0x15f: {  	v31 =	vmul.f32 v41, v52;
	v41 =	vmul.f32 v48, v52;
	[tilespmem:$0x1FC40] =	vst v0  }
0x160: {  	v2 =	vbroadcast v54, $0x1;
	v1 =	vadd.f32 v1, v59;
	v0 =	vbroadcast v53, $0x0;
	[tilespmem:$0x1FC00] =	vst v11  }
0x161: {  	v11 =	vmul.f32 v39, v52;
	[tilespmem:$0x1FB60] =	vst v6;
	v6 =	vbroadcast v51, $0x6;
	v39 =	vadd.f32 v18, v14;
	v14 =	vld [tilespmem:$0x1FA10]  }
0x162: {  	v48 =	vmul.f32 v49, v52;
	[tilespmem:$0x1FF00] =	vst v2;
	v2 =	vor.u32 v23, v5;
	v5 =	vbroadcast v56, $0x3;
	v18 =	vld [tilespmem:$0x1FA20]  }
0x163: {  	v1 =	vadd.f32 v1, v41;
	v0 =	vmul.f32 v0, v52;
	[tilespmem:$0x1FD50] =	vst v6;
	v6 =	vbroadcast v54, $0x6  }
0x164: {  	[tilespmem:$0x1FBC0] =	vst v5;
	v5 =	vor.u32 v23, v34;
	v25 =	vbroadcast v53, $0x4;
	v26 =	vbroadcast v53, $0x3  }
0x165: {  	[tilespmem:$0x1FEA0] =	vst v6;
	v6 =	vbroadcast v53, $0x7;
	v53 =	vbroadcast v56, $0x0;
	v0 =	vadd.f32 v39, v0  }
0x166: {  	v51 =	vor.u32 v23, v22;
	v56 =	vor.u32 v23, v19;
	v23 =	vmul.f32 v40, v52  }
0x167: {  	v59 =	vmul.f32 v53, v52;
	[tilespmem:$0x1FD00] =	vst v0;
	v0 =	vadd.f32 v38, v48;
	v40 =	vadd.f32 v18, v14  }
0x168: {  	[tilespmem:$0x1FCE0] =	vst v1  }
0x169: {  	v1 =	vld [tilespmem:$0x1FA40];
	[tilespmem:$0x1FD20] =	vst v0;
	v0 =	vadd.f32 v40, v59  }
0x16a: {  	v14 =	vld [tilespmem:$0x1FA30]  }
0x16b: {  	[tilespmem:$0x1FD40] =	vst v0;
	v0 =	vld [tilespmem:$0x1FA50];
	_ =	sdelay $0x1  }
0x16c: {  	v34 =	vmul.f32 v28, v52;
	v28 =	vmul.f32 v42, v52;
	v42 =	vld.idx.msk [tilespmem:v51+s23+$0x0], $0xffff  }
0x16d: {  	v22 =	vmul.f32 v33, v52;
	v33 =	vmul.f32 v43, v52;
	v43 =	vld.idx.msk [tilespmem:v51+s26+$0x0], $0xffff  }
0x16e: {  	v51 =	vadd.f32 v60, v14;
	v60 =	vadd.f32 v61, v1;
	v1 =	vld [tilespmem:$0x1FA70]  }
0x16f: {  	v18 =	vadd.f32 v0, v50;
	v0 =	vld [tilespmem:$0x1FA60];
	_ =	sdelay $0x4  }
0x170: {  	v54 =	vadd.f32 v1, v0;
	v0 =	vld [tilespmem:$0x1FA80]  }
0x171: {  	v1 =	vld [tilespmem:$0x1FA90];
	_ =	sdelay $0x4  }
0x172: {  	[tilespmem:$0x1FC10] =	vst v11;
	v11 =	vadd.f32 v1, v0;
	v1 =	vld [tilespmem:$0x1FAA0];
	_ =	sdelay $0x1  }
0x173: {  	v53 =	vld.idx.msk [tilespmem:v4+s23+$0x0], $0xffff  }
0x174: {  	v61 =	vld.idx.msk [tilespmem:v4+s26+$0x0], $0xffff  }
0x175: {  	v4 =	vld [tilespmem:$0x1FAC0]  }
0x176: {  	v50 =	vadd.f32 v62, v1;
	v1 =	vld [tilespmem:$0x1FAB0];
	_ =	sdelay $0x4  }
0x177: {  	v14 =	vadd.f32 v4, v1;
	v1 =	vld [tilespmem:$0x1FAD0]  }
0x178: {  	v4 =	vld [tilespmem:$0x1FAE0];
	_ =	sdelay $0x3  }
0x179: {  	v13 =	vld.idx.msk [tilespmem:v45+s23+$0x0], $0xffff  }
0x17a: {  	v39 =	vmul.f32 v57, v52;
	v57 =	vadd.f32 v4, v1;
	v1 =	vld [tilespmem:$0x1FAF0]  }
0x17b: {  	v4 =	vld [tilespmem:$0x1FB00]  }
0x17c: {  	v45 =	vld.idx.msk [tilespmem:v45+s26+$0x0], $0xffff  }
0x17d: {  	v48 =	vld.idx.msk [tilespmem:v5+s23+$0x0], $0xffff  }
0x17e: {  	v59 =	vld.idx.msk [tilespmem:v5+s26+$0x0], $0xffff  }
0x17f: {  	v5 =	vld [tilespmem:$0x1FB20]  }
0x180: {  	v4 =	vadd.f32 v4, v1;
	v1 =	vld [tilespmem:$0x1FB10]  }
0x181: {  	v49 =	vld [tilespmem:$0x1FB90]  }
0x182: {  	v41 =	vmul.f32 v6, v52;
	v6 =	vld [tilespmem:$0x1FB40]  }
0x183: {  	v0 =	vld.idx.msk [tilespmem:v55+s23+$0x0], $0xffff  }
0x184: {  	v55 =	vld.idx.msk [tilespmem:v55+s26+$0x0], $0xffff  }
0x185: {  	v5 =	vadd.f32 v5, v1;
	v1 =	vld [tilespmem:$0x1FB30]  }
0x186: {  	v19 =	vld.idx.msk [tilespmem:v2+s23+$0x0], $0xffff  }
0x187: {  	v38 =	vmul.f32 v44, v52;
	v44 =	vmul.f32 v10, v52;
	v10 =	vadd.f32 v45, v13;
	v13 =	vld [tilespmem:$0x1FB80]  }
0x188: {  	v2 =	vld.idx.msk [tilespmem:v2+s26+$0x0], $0xffff  }
0x189: {  	v45 =	vmul.f32 v30, v52;
	v30 =	vadd.f32 v12, v46;
	v12 =	vadd.f32 v55, v0;
	v0 =	vld [tilespmem:$0x1FBC0]  }
0x18a: {  	v6 =	vadd.f32 v6, v1;
	v1 =	vld [tilespmem:$0x1FB50];
	_ =	sdelay $0x1  }
0x18b: {  	v40 =	vmul.f32 v8, v52;
	v8 =	vld [tilespmem:$0x1FB70];
	v13 =	vadd.f32 v49, v13  }
0x18c: {  	v49 =	vmul.f32 v29, v52;
	v29 =	vadd.f32 v17, v24;
	v24 =	vadd.f32 v2, v19;
	v2 =	vld [tilespmem:$0x1FBA0]  }
0x18d: {  	v17 =	vadd.f32 v43, v42;
	v42 =	vmul.f32 v0, v52;
	v0 =	vld [tilespmem:$0x1FBD0]  }
0x18e: {  	v9 =	vadd.f32 v9, v1;
	v1 =	vld [tilespmem:$0x1FB60];
	_ =	sdelay $0x1  }
0x18f: {  	v16 =	vadd.f32 v16, v20;
	v20 =	vadd.f32 v47, v27  }
0x190: {  	v27 =	vadd.f32 v63, v15;
	v15 =	vadd.f32 v59, v48  }
0x191: {  	v48 =	vmul.f32 v2, v52;
	v2 =	vadd.f32 v51, v34;
	v34 =	vmul.f32 v0, v52;
	v0 =	vld [tilespmem:$0x1FBE0]  }
0x192: {  	v8 =	vadd.f32 v8, v1;
	v1 =	vld.idx.msk [tilespmem:v58+s23+$0x0], $0xffff  }
0x193: {  	v58 =	vld.idx.msk [tilespmem:v58+s26+$0x0], $0xffff;
	_ =	sdelay $0x4  }
0x194: {  	v43 =	vmul.f32 v26, v52;
	v26 =	vadd.f32 v58, v1;
	v58 =	vadd.f32 v60, v0;
	v0 =	vld [tilespmem:$0x1FC00];
	_ =	sdelay $0x3  }
0x195: {  	v46 =	vmul.f32 v25, v52  }
0x196: {  	v25 =	vadd.f32 v61, v53;
	v61 =	vadd.f32 v18, v22;
	v22 =	vmul.f32 v0, v52;
	v0 =	vld [tilespmem:$0x1FC10]  }
0x197: {  	v62 =	vld.idx.msk [tilespmem:v56+s23+$0x0], $0xffff  }
0x198: {  	v56 =	vld.idx.msk [tilespmem:v56+s26+$0x0], $0xffff  }
0x199: {  	[tilespmem:$0x1FC30] =	vst v7;
	v7 =	vld.idx.msk [tilespmem:v3+s23+$0x0], $0xffff  }
0x19a: {  	v3 =	vld.idx.msk [tilespmem:v3+s26+$0x0], $0xffff  }
0x19b: {  	p1 =	sne.s32 s15, $0x3F;
	v53 =	vadd.f32 v54, v0;
	v0 =	vld [tilespmem:$0x1FC30]  }
.Ltmp0:
0x19c: {  	_ = 	snop;
	(pc) =	sbr.rel @p1 .LBB2_4-.Ltmp0, $4  }
0x19d: {  	v59 =	vmov v21;
	v21 =	vadd.f32 v56, v62;
	v62 =	vld [tilespmem:$0x1FBB0]  }
0x19e: {  	v35 =	vmul.f32 v35, v52;
	v60 =	vld [tilespmem:$0x1FBF0]  }
0x19f: {  	v37 =	vmul.f32 v37, v52;
	v36 =	vmul.f32 v36, v52;
	v54 =	vld [tilespmem:$0x1FC20]  }
0x1a0: {  	s15 =	sadd.s32 $0x10, s15;
	v47 =	vmul.f32 v32, v52;
	v32 =	vadd.f32 v3, v7;
	v1 =	vmovc v50;
	v55 =	vadd.f32 v11, v0;
	v11 =	vld [tilespmem:$0x1FC40]  }
0x1a1: {  	v1 =	vadd.f32 v1, v31  }
0x1a2: {  	v0 =	vadd.f32 v14, v23;
	v3 =	vadd.f32 v57, v33  }
0x1a3: {  	v4 =	vadd.f32 v4, v28;
	v5 =	vadd.f32 v5, v38  }
0x1a4: {  	v6 =	vadd.f32 v6, v36;
	v7 =	vadd.f32 v9, v39  }
0x1a5: {  	v8 =	vadd.f32 v8, v37;
	v9 =	vadd.f32 v10, v41  }
0x1a6: {  	v10 =	vadd.f32 v13, v35;
	v13 =	vadd.f32 v16, v44  }
0x1a7: {  	v14 =	vadd.f32 v20, v40;
	v16 =	vadd.f32 v27, v49  }
0x1a8: {  	v19 =	vadd.f32 v29, v45;
	v24 =	vadd.f32 v24, v46  }
0x1a9: {  	v39 =	vld [tilespmem:$0x1FCE0];
	v15 =	vadd.f32 v15, v34;
	v12 =	vadd.f32 v12, v22  }
0x1aa: {  	v18 =	vmul.f32 v59, v52;
	v41 =	vld [tilespmem:$0x1FD20];
	v17 =	vadd.f32 v17, v43;
	v25 =	vadd.f32 v25, v42  }
0x1ab: {  	v46 =	vld [tilespmem:$0x1FD00];
	v27 =	vadd.f32 v30, v47;
	v33 =	vmul.f32 $2.000000030e-01, v15;
	v35 =	vmul.f32 $2.000000030e-01, v12  }
0x1ac: {  	v50 =	vld [tilespmem:$0x1FD40];
	v18 =	vadd.f32 v21, v18;
	v37 =	vmul.f32 $2.000000030e-01, v17;
	v30 =	vmul.f32 $2.000000030e-01, v10  }
0x1ad: {  	v42 =	vld [tilespmem:$0x1FEF0];
	v28 =	vadd.f32 v32, v48;
	v31 =	vmul.f32 $2.000000030e-01, v5;
	v11 =	vmul.f32 v11, v52  }
0x1ae: {  	v56 =	vmul.f32 $2.000000030e-01, v18;
	v15 =	vmax.f32 v15, v33;
	v12 =	vmax.f32 v12, v35  }
0x1af: {  	v34 =	vld [tilespmem:$0x1FDC0];
	v17 =	vmax.f32 v17, v37;
	v33 =	vmul.f32 $2.000000030e-01, v8;
	v35 =	vmul.f32 $2.000000030e-01, v3  }
0x1b0: {  	v45 =	vld [tilespmem:$0x1FCD0];
	v10 =	vmax.f32 v10, v30;
	v37 =	vmul.f32 $2.000000030e-01, v6;
	v40 =	vmul.f32 $2.000000030e-01, v39  }
0x1b1: {  	v63 =	vld [tilespmem:$0x1FF10];
	v5 =	vmax.f32 v5, v31;
	v44 =	vmul.f32 $2.000000030e-01, v41;
	v47 =	vmul.f32 $2.000000030e-01, v46  }
0x1b2: {  	v52 =	vld [tilespmem:$0x1FDD0];
	v51 =	vmul.f32 $2.000000030e-01, v50;
	v12 =	vmul.f32 v12, v42;
	v11 =	vadd.f32 v26, v11  }
0x1b3: {  	v48 =	vld [tilespmem:$0x1FE70];
	v18 =	vmax.f32 v18, v56;
	v8 =	vmax.f32 v8, v33;
	v20 =	vmax.f32 v39, v40  }
0x1b4: {  	v36 =	vld [tilespmem:$0x1FFF0];
	v23 =	vmax.f32 v41, v44;
	v18 =	vmul.f32 v18, v34;
	v40 =	vmul.f32 $2.000000030e-01, v25  }
0x1b5: {  	v38 =	vld [tilespmem:$0x1FF00];
	v49 =	vmax.f32 v46, v47;
	v41 =	vmul.f32 $2.000000030e-01, v24;
	v47 =	vmul.f32 $2.000000030e-01, v16  }
0x1b6: {  	v57 =	vmax.f32 v50, v51;
	v39 =	vld [tilespmem:$0x1FDB0];
	v50 =	vmul.f32 $2.000000030e-01, v13;
	v20 =	vmul.f32 v20, v45  }
0x1b7: {  	v3 =	vmax.f32 v3, v35;
	v59 =	vmul.f32 $2.000000030e-01, v11;
	v21 =	vmul.f32 v49, v52  }
0x1b8: {  	v6 =	vmax.f32 v6, v37;
	v44 =	vld [tilespmem:$0x1FD90];
	v23 =	vmul.f32 v23, v48;
	v22 =	vmul.f32 v57, v63  }
0x1b9: {  	v46 =	vld [tilespmem:$0x1FED0];
	v45 =	vmul.f32 $2.000000030e-01, v28;
	v11 =	vmax.f32 v11, v59;
	v21 =	vadd.f32 v21, v36  }
0x1ba: {  	v48 =	vld [tilespmem:$0x1FD80];
	v57 =	vmul.f32 $2.000000030e-01, v19;
	v22 =	vadd.f32 v22, v62;
	v11 =	vmul.f32 v11, v38  }
0x1bb: {  	v51 =	vld [tilespmem:$0x1FEC0];
	v63 =	vmul.f32 $2.000000030e-01, v14;
	v15 =	vmul.f32 v15, v39;
	v18 =	vadd.f32 v18, v21  }
0x1bc: {  	v56 =	vld [tilespmem:$0x1FD70];
	v43 =	vmax.f32 v25, v40;
	v49 =	vmul.f32 $2.000000030e-01, v27;
	v11 =	vadd.f32 v11, v22  }
0x1bd: {  	v16 =	vmax.f32 v16, v47;
	v62 =	vld [tilespmem:$0x1FEB0];
	v17 =	vmul.f32 v17, v44;
	v15 =	vadd.f32 v15, v18  }
0x1be: {  	v21 =	vmax.f32 v24, v41;
	v24 =	vld [tilespmem:$0x1FD50];
	v11 =	vadd.f32 v12, v11;
	v12 =	vmul.f32 v43, v46  }
0x1bf: {  	v26 =	vld [tilespmem:$0x1FEA0];
	v21 =	vmul.f32 v21, v48;
	v18 =	vmax.f32 v28, v45;
	v15 =	vadd.f32 v17, v15  }
0x1c0: {  	v52 =	vmax.f32 v27, v49;
	v27 =	vld [tilespmem:$0x1FD10];
	v11 =	vadd.f32 v12, v11;
	v12 =	vmul.f32 v18, v51  }
0x1c1: {  	v29 =	vld [tilespmem:$0x1FE80];
	v13 =	vmax.f32 v13, v50;
	v16 =	vmul.f32 v16, v56;
	v15 =	vadd.f32 v21, v15  }
0x1c2: {  	v59 =	vmul.f32 $2.000000030e-01, v9;
	v18 =	vmul.f32 v52, v62;
	v11 =	vadd.f32 v12, v11  }
0x1c3: {  	v34 =	vld [tilespmem:$0x1FE60];
	v17 =	vmax.f32 v19, v57;
	v13 =	vmul.f32 v13, v24;
	v25 =	vadd.f32 v16, v15  }
0x1c4: {  	v32 =	vld [tilespmem:$0x1FCC0];
	v9 =	vmax.f32 v9, v59;
	v11 =	vadd.f32 v18, v11;
	v15 =	vmul.f32 v17, v26  }
0x1c5: {  	v40 =	vld [tilespmem:$0x1FCA0];
	v14 =	vmax.f32 v14, v63;
	v9 =	vmul.f32 v9, v27;
	v12 =	vadd.f32 v13, v25  }
0x1c6: {  	v14 =	vmul.f32 v14, v29;
	v36 =	vld [tilespmem:$0x1FCB0];
	v28 =	vmul.f32 $2.000000030e-01, v7;
	v11 =	vadd.f32 v15, v11  }
0x1c7: {  	v50 =	vmul.f32 $2.000000030e-01, v55;
	v38 =	vmul.f32 $2.000000030e-01, v1;
	v39 =	vld [tilespmem:$0x1FE50];
	v9 =	vadd.f32 v9, v12  }
0x1c8: {  	v47 =	vld [tilespmem:$0x1FE20];
	v10 =	vmul.f32 v10, v34;
	v7 =	vmax.f32 v7, v28;
	v11 =	vadd.f32 v14, v11  }
0x1c9: {  	v44 =	vld [tilespmem:$0x1FE30];
	v1 =	vmax.f32 v1, v38;
	v7 =	vmul.f32 v7, v32;
	v9 =	vadd.f32 v20, v9  }
0x1ca: {  	v41 =	vmul.f32 $2.000000030e-01, v4;
	v3 =	vmul.f32 v3, v40;
	v45 =	vld [tilespmem:$0x1FC90];
	v11 =	vadd.f32 v23, v11  }
0x1cb: {  	v48 =	vmul.f32 $2.000000030e-01, v61;
	v5 =	vmul.f32 v5, v36;
	v52 =	vld [tilespmem:$0x1FE10];
	v7 =	vadd.f32 v7, v9  }
0x1cc: {  	v43 =	vmul.f32 $2.000000030e-01, v53;
	v8 =	vmul.f32 v8, v39;
	v10 =	vadd.f32 v10, v11  }
0x1cd: {  	v4 =	vmax.f32 v4, v41;
	v46 =	vmul.f32 $2.000000030e-01, v0;
	v5 =	vadd.f32 v5, v7  }
0x1ce: {  	v4 =	vmul.f32 v4, v47;
	v6 =	vmul.f32 v6, v44;
	v42 =	vadd.f32 v8, v10  }
0x1cf: {  	v0 =	vmax.f32 v0, v46;
	v57 =	vld [tilespmem:$0x1FE00];
	v1 =	vmul.f32 v1, v45;
	v3 =	vadd.f32 v3, v5  }
0x1d0: {  	v59 =	vld [tilespmem:$0x1FC70];
	v0 =	vmul.f32 v0, v52;
	v8 =	vmax.f32 v53, v43;
	v6 =	vadd.f32 v6, v42  }
0x1d1: {  	v7 =	vmax.f32 v61, v48;
	v49 =	vmul.f32 v8, v60;
	v60 =	vld [tilespmem:$0x1FDE0];
	v1 =	vadd.f32 v1, v3  }
0x1d2: {  	v53 =	vmax.f32 v55, v50;
	v55 =	vmul.f32 $2.000000030e-01, v2;
	v51 =	vadd.f32 v4, v6  }
0x1d3: {  	v56 =	vmul.f32 $2.000000030e-01, v58;
	v7 =	vmul.f32 v7, v54;
	v1 =	vadd.f32 v49, v1  }
0x1d4: {  	v2 =	vmax.f32 v2, v55;
	v3 =	vmul.f32 v53, v57;
	v0 =	vadd.f32 v0, v51  }
0x1d5: {  	v58 =	vmax.f32 v58, v56;
	v2 =	vmul.f32 v2, v59;
	v1 =	vadd.f32 v7, v1  }
0x1d6: {  	v0 =	vadd.f32 v3, v0;
	v3 =	vmul.f32 v58, v60  }
0x1d7: {  	v1 =	vadd.f32 v2, v1  }
0x1d8: {  	v0 =	vadd.f32 v3, v0  }
0x1d9: {  	v1 =	vmul.f32 $1.442695020e+00, v1  }
0x1da: {  	v0 =	vmul.f32 $1.442695020e+00, v0  }
0x1db: {  	(erf) = vpow2.f32 v1  }
0x1dc: {  	(erf) = vpow2.f32 v0;
	_ =	sdelay $0x3  }
0x1dd: {  	v61 =	vld [tilespmem:$0x1FC50];
	_ =	sdelay $0x3  }
0x1de: {  	s1 =	sor.u32 s17, s8;
	v1 =	vpop (erf)  }
0x1df: {  	s19 =	sadd.s32 $0x1, s19;
	p1 =	slt.u32 s1, $0x50910;
	v0 =	vshll.u32 v61, $0x3;
	v63 =	vpop (erf)  }
0x1e0: {  	v62 =	vor.u32 $0x1, v0;
	v1 =	vpsel !p1, $0x0, v1;
	v3 =	vpsel !p1, $0x0, v63;
	p1 =	sne.s32 s19, $0x8  }
.Ltmp1:
0x1e1: {  	_ = 	snop;
	(pc) =	sbr.rel @p1 .LBB2_3-.Ltmp1, $4  }
0x1e2: {  	[tilespmem:s8+$0x8180] =	vst v1  }
0x1e3: {  	[tilespmem:s8+$0x8200] =	vst v3  }
0x1e4: {  	[tilespmem:v0+s28+$0x0] =	vst.idx.msk $0xffff, v1  }
0x1e5: {  	[tilespmem:v62+s28+$0x0] =	vst.idx.msk $0xffff, v3  }
0x1e6: {  	s1 =	sadd.s32 s12, s2  }
0x1e7: {  	[hbm4b:s1+s4] =	stream.linear.scatter [tilespmem:s29], [sflag:$0x2], $0x80, $0x38;
	[tilespmem:$0x8C80] =	vst v63  }
0x1e8: {  	_ =	swait.ge [sflag:s18], $0x80  }
0x1e9: {  	[sflag:s18] =	ssyncset.done $0x0  }
0x1ea: {  	s31 =	sadd.s32 s13, s2;
	[sflag:s18] =	ssyncadd.s32 $0xFFFFFF80  }
0x1eb: {  	[hbm4b:s31+s4] =	stream.linear.scatter [tilespmem:s30], [sflag:$0x2], $0x80, $0x38;
	[tilespmem:$0x8C80] =	vst v63  }
0x1ec: {  	s0 =	sadd.s32 $0x1, s0;
	_ =	swait.ge [sflag:s18], $0x80  }
0x1ed: {  	p1 =	sne.s32 s0, $0x51;
	[sflag:s18] =	ssyncset.done $0x0  }
.Ltmp2:
0x1ee: {  	[sflag:s18] =	ssyncadd.s32 $0xFFFFFF80;
	(pc) =	sbr.rel @p1 .LBB2_2-.Ltmp2, $4  }
0x1ef: {  	[spmem:s3] =	stream.indirect.scatter.add.f32 [tilespmem:s28], [sflag:$0x2], $0x2, s21, s21, $0xb8;
	[tilespmem:$0x8C80] =	vst v63  }
0x1f0: {  	_ =	swait.ge [sflag:s18], $0x100  }
0x1f1: {  	[sflag:s18] =	ssyncset.done $0x0  }
0x1f2: {  	[sflag:s18] =	ssyncadd.s32 $0xFFFFFF00  }
0x1f3: {  	s0 =	stileid.u32;
	[bflag:$0x0] =	sbarrier.arrive $0xFFFF  }
0x1f4: {  	s0 =	sshll.u32 s0, $0x6;
	s1 =	rddreg [dreg:$0x7]  }
0x1f5: {  	s2 =	rddreg [dreg:$0xa];
	s0 =	sor.u32 $0x1C02, s0  }
0x1f6: {  	[hbm:s1], [sflag:s0] =	dma.local [spmem:s2], $0x280  }
0x1f7: {  	_ =	swait.ge [sflag:s18], $0x280  }
0x1f8: {  	s25 =	rddreg [dreg:$0xb]  }
0x1f9: {  	s31 =	rddreg [dreg:$0x8];
	s1 =	sadd.s32 $0x1, s25  }
0x1fa: {  	p1 =	sne.s32 s1, s31  }
.Ltmp3:
0x1fb: {  	_ = 	snop;
	(pc) =	sbr.rel @p1 .LBB2_1-.Ltmp3, $3  }
0x1fc: {  	_ =	sdelay $0x1  }
0x1fd: {  	[sflag:s18] =	ssyncset.done $0x0  }
0x1fe: {  	[sflag:s18] =	ssyncadd.s32 $0xFFFFFD80  }
0x1ff: {  	_ =	sfence.sel $0x180000  }
0x200: {  	[bflag:$0x0] =	sbarrier.arrive $0xFFFF  }
0x201: {  	_ =	strace $0x90000047  }
0x202: {  	[bflag:$0x2] =	sbarrier.arrive $0xFFFF  }
0x203: {  	s0 =	rddreg [dreg:$0x4]  }
0x204: {  	s0 =	sadd.s32 @!p0 $0x100000, s0  }
0x205: {  	[sflag:s0] =	ssyncadd.tile.s32 @!p0 $0x1;
	_ =	shalt  }
.Lfunc_end2:
_tile_overlayer_lowered:
.L_overlay_start_2:
0x206: {  	(tag) =	ssettag $0x2  }
0x207: {  	s0 =	rddreg [dreg:$0x0];
	s2 =	stileid.u32  }
0x208: {  	s1 =	rddreg [dreg:$0x1];
	p0 =	sne.s32 s2, $0x0  }
0x209: {  	s3 =	rddreg [dreg:$0x2];
	[bflag:$0x3] =	sbarrier.arrive $0xFFFF;
	s2 =	simm.s32 @!p0 $0x1C02  }
0x20a: {  	[timem:s3], [sflag:s2] =	dma.local @!p0 [hbm:s0], s1  }
0x20b: {  	s0 =	simm.s32 @!p0 $0x2  }
0x20c: {  	_ =	swait.ge @!p0 [sflag:s0], s1  }
0x20d: {  	s1 =	ssub.s32 @!p0 $0x0, s1;
	[sflag:s0] =	ssyncset.done @!p0 $0x0  }
0x20e: {  	[sflag:s0] =	ssyncadd.s32 @!p0 s1  }
0x20f: {  	[bflag:$0x3] =	sbarrier.arrive $0xFFFF  }
0x210: {  	_ =	shalt  }

// kernel: kernel.15.cloned.1.call-start
scs
__scs_entry_jumppad:
0x0: {  	(pc) =	sbr.rel $0x88, $3  }
0x1: {  	(tag) =	ssettag $0x0;
	lr =	simm.s32 $0x1  }
0x2: {  	[smem:$0x3F8E] =	sst lr;
	_ =	strace $0xD0000000  }
0x3: {  	_ = 	snop  }
0x4: {  	_ = 	snop  }
0x5: {  	_ = 	snop  }
0x6: {  	_ = 	snop  }
0x7: {  	_ = 	snop  }
__scs_overlays_trampoline_lowered:
0x8: {  	[smem:$0x3F9D] =	sst s0  }
0x9: {  	[smem:$0x3F9E] =	sst s1  }
0xa: {  	[smem:$0x3F9F] =	sst s2  }
0xb: {  	[smem:$0x3FA0] =	sst s3  }
0xc: {  	[smem:$0x3FA1] =	sst s4  }
0xd: {  	[smem:$0x3FA2] =	sst s5  }
0xe: {  	[smem:$0x3FA3] =	sst s6  }
0xf: {  	[smem:$0x3FA4] =	sst s7  }
0x10: {  	[smem:$0x3FA5] =	sst s8  }
0x11: {  	[smem:$0x3FA6] =	sst s9;
	s0 =	simm.s32 @!p0 $0x0  }
0x12: {  	s1 =	sld [smem:$0x3F8C];
	s0 =	simm.s32 @p0 $0x1  }
0x13: {  	[smem:$0x3FA7] =	sst s0;
	s0 =	simm.s32 @!p1 $0x0  }
0x14: {  	s2 =	sld [smem:$0x3F8B];
	s0 =	simm.s32 @p1 $0x1  }
0x15: {  	[smem:$0x3FA8] =	sst s0;
	s0 =	simm.s32 @!p2 $0x0  }
0x16: {  	s3 =	sld [smem:$0x3FDB];
	s0 =	simm.s32 @p2 $0x1  }
0x17: {  	s4 =	simm.s32 $0x1BF5;
	[smem:$0x3FAA] =	sst s0  }
0x18: {  	s0 =	sld [smem:$0x3F8D];
	_ =	swait.ge [sflag:s4], $0x0  }
0x19: {  	s7 =	sld [smem:$0x3F8E]  }
0x1a: {  	s8 =	sadd.s32 $0xFFFFE003, lr  }
0x1b: {  	s9 =	sadd.s32 $0xFFFFFEF7, lr;
	s5 =	simm.s32 $0xFFFFFFFF;
	p2 =	slt.u32 s8, $0xFFFFF086  }
0x1c: {  	p1 =	slt.u32 s9, $0xF7A;
	s5 =	simm.s32 @!p2 $0x0  }
0x1d: {  	s5 =	simm.s32 @p1 $0x1;
	p0 =	seq.s32 s7, s2  }
0x1e: {  	s7 =	smul.u32 @!p0 $0xF7A, s2;
	p2 =	seq.s32 @!p0 s5, $0x0  }
0x1f: {  	s9 =	smul.u32 $0xF7A, s1;
	s8 =	simm.s32 @!p0 $0x1BF5;
	p2 =	por !p2, p0  }
0x20: {  	[sflag:s8] =	ssyncset.s32 @!p0 $0xFFFFF086;
	s6 =	sadd.s32 @!p0 s3, s7;
	s7 =	simm.s32 @!p0 $0x108  }
0x21: {  	s3 =	sadd.s32 s3, s9;
	s6 =	sadd.s32 @!p0 $0x88, s6;
	s7 =	simm.s32 @p2 $0x1082  }
0x22: {  	[simem:s7], [sflag:s8] =	dma.local @!p0 [hbm:s6], $0xF7A  }
0x23: {  	s9 =	sor.u32 $0xD0000000, s2;
	s6 =	simm.s32 $0x108;
	_ =	swait.ge @!p0 [sflag:s8], $0x0  }
0x24: {  	s3 =	sadd.s32 $0x88, s3;
	s6 =	simm.s32 @!p1 $0x1082;
	[sflag:s4] =	ssyncset.s32 $0xFFFFF086  }
0x25: {  	[simem:s6], [sflag:s4] =	dma.local [hbm:s3], $0xF7A  }
0x26: {  	[smem:$0x3F8E] =	sst s1;
	(tag) =	ssettag s2;
	_ =	strace s9  }
0x27: {  	s1 =	sld [smem:$0x3F9E]  }
0x28: {  	s2 =	sld [smem:$0x3F9F]  }
0x29: {  	s4 =	sld [smem:$0x3FA1]  }
0x2a: {  	p0 =	seq.s32 s5, $0x0;
	s5 =	sld [smem:$0x3FA2]  }
0x2b: {  	s6 =	sld [smem:$0x3FA3]  }
0x2c: {  	s7 =	sld [smem:$0x3FA4]  }
0x2d: {  	s3 =	simm.s32 $0x108;
	s8 =	sld [smem:$0x3FA5]  }
0x2e: {  	s3 =	simm.s32 @!p0 $0x1082;
	s9 =	sld [smem:$0x3FA6]  }
0x2f: {  	lr =	sadd.s32 s0, s3;
	s0 =	sld [smem:$0x3F9D]  }
0x30: {  	s3 =	sld [smem:$0x3FA0]  }
0x31: {  	[smem:$0x3FA9] =	sst s10  }
0x32: {  	s10 =	sld [smem:$0x3FA7];
	_ =	sdelay $0x3  }
0x33: {  	p0 =	seq.s32 s10, $0x1;
	s10 =	sld [smem:$0x3FA9];
	_ =	sdelay $0x3  }
0x34: {  	[smem:$0x3FA9] =	sst s10  }
0x35: {  	s10 =	sld [smem:$0x3FA8];
	_ =	sdelay $0x3  }
0x36: {  	p1 =	seq.s32 s10, $0x1;
	s10 =	sld [smem:$0x3FA9];
	_ =	sdelay $0x3  }
0x37: {  	[smem:$0x3FA9] =	sst s10  }
0x38: {  	s10 =	sld [smem:$0x3FAA]  }
0x39: {  	_ = 	snop;
	(pc) =	sbr.ind lr, $3  }
0x3a: {  	_ = 	snop  }
0x3b: {  	_ = 	snop  }
0x3c: {  	p2 =	seq.s32 s10, $0x1;
	s10 =	sld [smem:$0x3FA9]  }
0x3d: {  	_ =	shalt  }
0x3e: {  	_ =	shalt  }
0x3f: {  	_ =	shalt  }
0x40: {  	_ =	shalt  }
0x41: {  	_ =	shalt  }
0x42: {  	_ =	shalt  }
0x43: {  	_ =	shalt  }
0x44: {  	_ =	shalt  }
0x45: {  	_ =	shalt  }
0x46: {  	_ =	shalt  }
0x47: {  	_ =	shalt  }
0x48: {  	_ =	shalt  }
0x49: {  	_ =	shalt  }
0x4a: {  	_ =	shalt  }
0x4b: {  	_ =	shalt  }
0x4c: {  	_ =	shalt  }
0x4d: {  	_ =	shalt  }
0x4e: {  	_ =	shalt  }
0x4f: {  	_ =	shalt  }
0x50: {  	_ =	shalt  }
0x51: {  	_ =	shalt  }
0x52: {  	_ =	shalt  }
0x53: {  	_ =	shalt  }
0x54: {  	_ =	shalt  }
0x55: {  	_ =	shalt  }
0x56: {  	_ =	shalt  }
0x57: {  	_ =	shalt  }
0x58: {  	_ =	shalt  }
0x59: {  	_ =	shalt  }
0x5a: {  	_ =	shalt  }
0x5b: {  	_ =	shalt  }
0x5c: {  	_ =	shalt  }
0x5d: {  	_ =	shalt  }
0x5e: {  	_ =	shalt  }
0x5f: {  	_ =	shalt  }
0x60: {  	_ =	shalt  }
0x61: {  	_ =	shalt  }
0x62: {  	_ =	shalt  }
0x63: {  	_ =	shalt  }
0x64: {  	_ =	shalt  }
0x65: {  	_ =	shalt  }
0x66: {  	_ =	shalt  }
0x67: {  	_ =	shalt  }
0x68: {  	_ =	shalt  }
0x69: {  	_ =	shalt  }
0x6a: {  	_ =	shalt  }
0x6b: {  	_ =	shalt  }
0x6c: {  	_ =	shalt  }
0x6d: {  	_ =	shalt  }
0x6e: {  	_ =	shalt  }
0x6f: {  	_ =	shalt  }
0x70: {  	_ =	shalt  }
0x71: {  	_ =	shalt  }
0x72: {  	_ =	shalt  }
0x73: {  	_ =	shalt  }
0x74: {  	_ =	shalt  }
0x75: {  	_ =	shalt  }
0x76: {  	_ =	shalt  }
0x77: {  	_ =	shalt  }
0x78: {  	_ =	shalt  }
0x79: {  	_ =	shalt  }
0x7a: {  	_ =	shalt  }
0x7b: {  	_ =	shalt  }
0x7c: {  	_ =	shalt  }
0x7d: {  	_ =	shalt  }
0x7e: {  	_ =	shalt  }
0x7f: {  	_ =	shalt  }
0x80: {  	_ =	shalt  }
0x81: {  	_ =	shalt  }
0x82: {  	_ =	shalt  }
0x83: {  	_ =	shalt  }
0x84: {  	_ =	shalt  }
0x85: {  	_ =	shalt  }
0x86: {  	_ =	shalt  }
0x87: {  	_ =	shalt  }
.Lfunc_end0:
.L_simem_size_0:
called_computation.1_lowered:
.L_overlay_start_0:
0x88: {  	s2 =	sld [smem:$0x3FD9]  }
0x89: {  	s3 =	sld [smem:$0x3FFE];
	_ =	sdelay $0x1  }
0x8a: {  	s1 =	srdreg.scid  }
0x8b: {  	s0 =	sand.u32 $0x1, s1  }
0x8c: {  	s17 =	sshll.u32 s0, $0xA;
	s2 =	sadd.s32 s3, s2  }
0x8d: {  	s2 =	sadd.s32 s2, s17  }
0x8e: {  	[smem:$0x3FB5] =	sst s2  }
0x8f: {  	_ = 	snop  }
0x90: {  	s2 =	sld [smem:$0x3FD0];
	(tm) =	ssettm $0x1  }
0x91: {  	s18 =	sld [smem:$0x3FFB];
	_ =	sdelay $0x3  }
0x92: {  	_ =	strace s18  }
0x93: {  	s3 =	sld [smem:$0x3FFC];
	_ =	sdelay $0x3  }
0x94: {  	_ =	strace s3  }
0x95: {  	s3 =	sld [smem:$0x3FFD];
	_ =	sdelay $0x3  }
0x96: {  	_ =	strace s3  }
0x97: {  	_ =	strace $0x8FFFFFFF  }
0x98: {  	s19 =	sld [smem:$0x3FDB];
	_ =	sdelay $0x1  }
0x99: {  	s4 =	simm.s32 $_scs_section_size  }
0x9a: {  	s5 =	simm.s32 $_size__tile_overlayer_lowered;
	s6 =	simm.s32 $_tile_overlayer_lowered  }
0x9b: {  	s22 =	simm.s32 $0x1BFF;
	s21 =	sshll.u32 s6, $0x1;
	s3 =	sadd.s32 s4, s19  }
0x9c: {  	s7 =	simm.s32 $0x0;
	s20 =	sshll.u32 s5, $0x1;
	s5 =	sadd.s32 s21, s3  }
0x9d: {  	[timem:s7], [sflag:s22] =	dma.local [hbm:s5], s20  }
0x9e: {  	_ =	swait.ge [sflag:s22], s20  }
0x9f: {  	s4 =	ssub.s32 $0x0, s20;
	[sflag:s22] =	ssyncset.done $0x0  }
0xa0: {  	[sflag:s22] =	ssyncadd.s32 s4;
	_ =	sdelay $0x1  }
0xa1: {  	s23 =	simm.s32 $0x1B8B  }
0xa2: {  	_ =	swait.ge [sflag:s23], $0x1  }
0xa3: {  	[sflag:s23] =	ssyncset.done $0x0  }
0xa4: {  	s25 =	simm.s32 $0x1B8E;
	s24 =	sld [smem:$0x3FFE];
	[sflag:s23] =	ssyncadd.s32 $0xFFFFFFFF  }
0xa5: {  	s26 =	simm.s32 $execute0_lowered;
	[smem:$0x3FD2] =	sst s25  }
0xa6: {  	s5 =	sshll.u32 s26, $0x1;
	_ =	strace $0x80000049;
	[dreg:$0x1] =	wrdreg $0xFFFFFFFF  }
0xa7: {  	s28 =	simm.s32 $_size_execute0_lowered;
	s3 =	sadd.s32 s3, s5;
	[dreg:$0x0] =	wrdreg $0x0  }
0xa8: {  	s5 =	sshll.u32 s28, $0x1;
	[dreg:$0x2] =	wrdreg s3  }
0xa9: {  	[dreg:$0x3] =	wrdreg s5  }
0xaa: {  	[dreg:$0x4] =	wrdreg $0xC0  }
0xab: {  	_ =	task [dreg:s7], $0x5FFFF  }
0xac: {  	[dreg:$0x1] =	wrdreg $0xFFFFFFFF  }
0xad: {  	[dreg:$0x0] =	wrdreg $0x60  }
0xae: {  	[dreg:$0x2] =	wrdreg s24  }
0xaf: {  	[dreg:$0x3] =	wrdreg s2  }
0xb0: {  	[dreg:$0x4] =	wrdreg $0x1EA000  }
0xb1: {  	[dreg:$0x5] =	wrdreg $0x9  }
0xb2: {  	_ =	task.clear_ibuf [dreg:s7], $0x6FFFF;
	_ =	strace $0x90000049  }
0xb3: {  	s29 =	simm.s32 $0x9;
	_ =	strace $0x8000004B  }
0xb4: {  	_ =	swait.ge [sflag:s29], $0x1  }
0xb5: {  	[sflag:s29] =	ssyncadd.s32 $0xFFFFFFFF  }
0xb6: {  	_ =	strace $0x9000004B  }
0xb7: {  	_ =	sfence  }
0xb8: {  	s30 =	sld [smem:$0x0];
	_ =	sdelay $0x2  }
0xb9: {  	s31 =	sshll.u32 s1, $0xD;
	s1 =	sshrl.u32 s1, $0x2  }
0xba: {  	s3 =	sand.u32 $0x4000, s31;
	s1 =	sadd.s32 s1, s30  }
0xbb: {  	s0 =	sor.u32 s3, s0;
	s1 =	sshll.u32 s1, $0x11  }
0xbc: {  	s0 =	sor.u32 s1, s0  }
0xbd: {  	s0 =	sadd.s32 $0x8F2B, s0  }
0xbe: {  	[sflag:s0] =	ssyncadd.remote.s32 $0x1  }
0xbf: {  	_ =	sfence.sel $0xFFFF  }
0xc0: {  	[dreg:$0x0] =	wrdreg $0xFFFFFFFF;
	(pc) =	sbr.abs _section_cstart, $3  }
0xc1: {  	[dreg:$0x1] =	wrdreg $0xFFFFFFFF  }
0xc2: {  	_ =	task.clear_ibuf [dreg:s7], $0x2FFFF;
	_ =	strace $0x9FFFFFFF  }
0xc3: {  	(tm) =	ssettm $0x7FFFFFFF  }
tec
execute0_lowered:
.L_overlay_start_1:
0x0: {  	(tag) =	ssettag $0x1  }
0x1: {  	s1 =	srdreg.scid;
	s5 =	rddreg [dreg:$0x0]  }
0x2: {  	s0 =	stileid.u32;
	s7 =	rddreg [dreg:$0x1];
	s13 =	simm.s32 $0xAA00  }
0x3: {  	s14 =	simm.s32 $0x2;
	s19 =	simm.s32 $0x80;
	s20 =	simm.s32 $0x1FE00  }
0x4: {  	s21 =	simm.s32 $0xA200;
	s22 =	simm.s32 $0x1;
	s23 =	simm.s32 $0xA600  }
0x5: {  	s29 =	simm.s32 $0x0;
	s1 =	sand.u32 $0x1, s1;
	s2 =	sshll.u32 s0, $0x1  }
0x6: {  	s9 =	smul.u32 $0x14000, s0;
	s4 =	sadd.s32 $0x304600, s5;
	s11 =	sadd.s32 $0x1B200, s5  }
0x7: {  	s25 =	smul.u32 $0x5000, s0;
	p0 =	sne.s32 s0, $0x0;
	s3 =	sor.u32 s1, s2  }
0x8: {  	s2 =	rddreg [dreg:$0x2];
	s6 =	smul.u32 $0x140000, s1;
	s1 =	ssub.s32 $0x2, s1  }
0x9: {  	s8 =	smul.u32 $0x510, s3;
	s3 =	simm.s32 $0x0;
	s24 =	sshrl.u32 s1, $0x1  }
0xa: {  	s30 =	sshrl.u32 s25, $0x2;
	s18 =	sshrl.u32 @!p0 s2, $0x3;
	s25 =	simm.s32 $0x10  }
0xb: {  	[smem:$0x7FF] =	sst s3;
	s9 =	sadd.s32 s9, s6;
	s6 =	sadd.s32 $0x1DA00, s5  }
0xc: {  	s1 =	ssub.s32 s1, s24;
	s31 =	sadd.s32 s30, s2;
	_ =	strace $0x8000004A  }
0xd: {  	s10 =	sadd.s32 s8, s5;
	[dreg:$0x4] =	wrdreg s11;
	s9 =	sshrl.u32 s9, $0x3  }
0xe: {  	s7 =	sadd.s32 s7, s8;
	s12 =	smax.u32 s1, $0x1;
	s24 =	sshrl.u32 s31, $0x3  }
0xf: {  	s5 =	sadd.s32 s9, s5;
	[dreg:$0x5] =	wrdreg s7;
	s26 =	sadd.s32 $0x4200, s10  }
0x10: {  	v0 =	vlaneseq.u32;
	s28 =	sadd.s32 $0x70200, s10;
	s10 =	sadd.s32 $0x7A400, s10;
	[dreg:$0x6] =	wrdreg s26  }
0x11: {  	v0 =	vmul.u32 $0x8, v0;
	[dreg:$0x7] =	wrdreg s28;
	s11 =	sadd.s32 $0x20200, s5;
	s26 =	simm.s32 $0x0  }
.LBB2_1:
0x12: {  	s1 =	rddreg [dreg:$0x4]  }
0x13: {  	[tilespmem:s13], [sflag:$0x2] =	stream.linear.gather [hbm4b:s1+s3], $0x14000, $0x38;
	[tilespmem:$0x1FE80] =	vst v63  }
0x14: {  	_ =	swait.ge [sflag:s14], $0x14000  }
0x15: {  	[sflag:s14] =	ssyncset.done $0x0  }
0x16: {  	s15 =	rddreg [dreg:$0x5];
	[sflag:s14] =	ssyncadd.s32 $0xFFFEC000  }
0x17: {  	[tilespmem:s3], [sflag:$0x2] =	stream.linear.gather [hbm4b:s15+s3], $0x2880, $0x38;
	[tilespmem:$0x1FE80] =	vst v63  }
0x18: {  	_ =	swait.ge [sflag:s14], $0x2880  }
0x19: {  	[sflag:s14] =	ssyncset.done $0x0  }
0x1a: {  	s5 =	simm.s32 $0x2880;
	s16 =	rddreg [dreg:$0x6];
	[sflag:s14] =	ssyncadd.s32 $0xFFFFD780  }
0x1b: {  	[tilespmem:s5], [sflag:$0x2] =	stream.linear.gather [hbm4b:s16+s3], $0x2880, $0x38;
	[tilespmem:$0x1FE80] =	vst v63  }
0x1c: {  	_ =	swait.ge [sflag:s14], $0x2880  }
0x1d: {  	[sflag:s14] =	ssyncset.done $0x0  }
0x1e: {  	s30 =	simm.s32 $0x5100;
	s17 =	rddreg [dreg:$0x7];
	[sflag:s14] =	ssyncadd.s32 $0xFFFFD780  }
0x1f: {  	[tilespmem:s30], [sflag:$0x2] =	stream.linear.gather [hbm4b:s17+s3], $0x2880, $0x38;
	[tilespmem:$0x1FE80] =	vst v63  }
0x20: {  	_ =	swait.ge [sflag:s14], $0x2880  }
0x21: {  	[sflag:s14] =	ssyncset.done $0x0  }
0x22: {  	s31 =	simm.s32 $0x7980;
	[sflag:s14] =	ssyncadd.s32 $0xFFFFD780  }
0x23: {  	[tilespmem:s31], [sflag:$0x2] =	stream.linear.gather [hbm4b:s10+s3], $0x2880, $0x38;
	[tilespmem:$0x1FE80] =	vst v63  }
0x24: {  	_ =	swait.ge [sflag:s14], $0x2880  }
0x25: {  	[sflag:s14] =	ssyncset.done $0x0  }
0x26: {  	s28 =	simm.s32 $0x0;
	[sflag:s14] =	ssyncadd.s32 $0xFFFFD780  }
.LBB2_2:
0x27: {  	s1 =	simm.s32 @!p0 $0x1C02  }
0x28: {  	[spmem:s18], [sflag:s1] =	dma.local @!p0 [hbm:s6], $0x2800  }
0x29: {  	s1 =	simm.s32 @!p0 $0x2  }
0x2a: {  	_ =	swait.ge @!p0 [sflag:s1], $0x2800  }
0x2b: {  	s31 =	smul.u32 $0x2800, s28;
	s5 =	simm.s32 $0x7980;
	[sflag:s1] =	ssyncset.done @!p0 $0x0  }
0x2c: {  	s7 =	simm.s32 $0x5100;
	s8 =	simm.s32 $0x2880;
	[sflag:s1] =	ssyncadd.s32 @!p0 $0xFFFFD800  }
0x2d: {  	p1 =	slt.u32 s28, $0x8;
	s15 =	simm.s32 $0x0;
	v1 =	vmov s31;
	[bflag:$0x0] =	sbarrier.arrive $0xFFFF  }
.LBB2_3:
0x2e: {  	s16 =	sshll.u32 s15, $0x7  }
0x2f: {  	v2 =	vld [tilespmem:s16+$0x0];
	_ =	sdelay $0x4  }
0x30: {  	v2 =	vadd.s32 v1, v2  }
0x31: {  	[tilespmem:$0x1FE00] =	vst v2  }
0x32: {  	v2 =	vld [tilespmem:s16+$0x10];
	_ =	sdelay $0x4  }
0x33: {  	v2 =	vadd.s32 v1, v2  }
0x34: {  	[tilespmem:$0x1FE10] =	vst v2  }
0x35: {  	v2 =	vld [tilespmem:s16+$0x20];
	_ =	sdelay $0x4  }
0x36: {  	v2 =	vadd.s32 v1, v2  }
0x37: {  	[tilespmem:$0x1FE20] =	vst v2  }
0x38: {  	v2 =	vld [tilespmem:s16+$0x30];
	_ =	sdelay $0x4  }
0x39: {  	v2 =	vadd.s32 v1, v2  }
0x3a: {  	[tilespmem:$0x1FE30] =	vst v2  }
0x3b: {  	v2 =	vld [tilespmem:s16+$0x40];
	_ =	sdelay $0x4  }
0x3c: {  	v2 =	vadd.s32 v1, v2  }
0x3d: {  	[tilespmem:$0x1FE40] =	vst v2  }
0x3e: {  	v2 =	vld [tilespmem:s16+$0x50];
	_ =	sdelay $0x4  }
0x3f: {  	v2 =	vadd.s32 v1, v2  }
0x40: {  	[tilespmem:$0x1FE50] =	vst v2  }
0x41: {  	v2 =	vld [tilespmem:s16+$0x60];
	_ =	sdelay $0x4  }
0x42: {  	v2 =	vadd.s32 v1, v2  }
0x43: {  	[tilespmem:$0x1FE60] =	vst v2  }
0x44: {  	v2 =	vld [tilespmem:s16+$0x70];
	_ =	sdelay $0x4  }
0x45: {  	v2 =	vadd.s32 v1, v2  }
0x46: {  	[tilespmem:$0x1FE70] =	vst v2  }
0x47: {  	[tilespmem:s21], [sflag:$0x1] =	stream.indirect.gather [hbm4b:s4+s19], $0x8, s20, s19, $0xb8;
	[tilespmem:$0x1FE80] =	vst v63  }
0x48: {  	_ =	swait.ge [sflag:s22], $0x400  }
0x49: {  	[sflag:s22] =	ssyncset.done $0x0  }
0x4a: {  	[sflag:s22] =	ssyncadd.s32 $0xFFFFFC00  }
0x4b: {  	v2 =	vld [tilespmem:s8+$0x0];
	_ =	sdelay $0x4  }
0x4c: {  	v2 =	vshll.u32 v2, $0x3  }
0x4d: {  	v3 =	vor.u32 $0x1, v2  }
0x4e: {  	v4 =	vmov s29  }
0x4f: {  	v4 =	vshll.u32 v4, $0x3;
	v5 =	vld [tilespmem:s5+$0x0]  }
0x50: {  	v4 =	vor.u32 v0, v4;
	v6 =	vld [tilespmem:s7+$0x0]  }
0x51: {  	v2 =	vld.idx.msk [tilespmem:v2+s13+$0x0], $0xffff  }
0x52: {  	v3 =	vld.idx.msk [tilespmem:v3+s13+$0x0], $0xffff;
	_ =	sdelay $0x2  }
0x53: {  	v7 =	vld.idx.msk [tilespmem:v4+s21+$0x0], $0xffff;
	_ =	sdelay $0x1  }
0x54: {  	v2 =	vmul.f32 v2, v6;
	v3 =	vmul.f32 v3, v5  }
0x55: {  	v5 =	vor.u32 $0x1, v4  }
0x56: {  	v3 =	vpsel p1, v2, v3  }
0x57: {  	v2 =	vmul.f32 v3, v7;
	_ =	sdelay $0x1  }
0x58: {  	[tilespmem:v4+s23+$0x0] =	vst.idx.msk $0xffff, v2  }
0x59: {  	v2 =	vld.idx.msk [tilespmem:v5+s21+$0x0], $0xffff;
	_ =	sdelay $0x2  }
0x5a: {  	v61 =	vor.u32 $0x2, v4;
	_ =	sdelay $0x1  }
0x5b: {  	v2 =	vmul.f32 v2, v3;
	_ =	sdelay $0x1  }
0x5c: {  	[tilespmem:v5+s23+$0x0] =	vst.idx.msk $0xffff, v2  }
0x5d: {  	v2 =	vld.idx.msk [tilespmem:v61+s21+$0x0], $0xffff;
	_ =	sdelay $0x2  }
0x5e: {  	v5 =	vor.u32 $0x3, v4;
	_ =	sdelay $0x1  }
0x5f: {  	v2 =	vmul.f32 v2, v3;
	_ =	sdelay $0x1  }
0x60: {  	[tilespmem:v61+s23+$0x0] =	vst.idx.msk $0xffff, v2  }
0x61: {  	v2 =	vld.idx.msk [tilespmem:v5+s21+$0x0], $0xffff;
	_ =	sdelay $0x2  }
0x62: {  	v62 =	vor.u32 $0x4, v4;
	_ =	sdelay $0x1  }
0x63: {  	v2 =	vmul.f32 v2, v3;
	_ =	sdelay $0x1  }
0x64: {  	[tilespmem:v5+s23+$0x0] =	vst.idx.msk $0xffff, v2  }
0x65: {  	v2 =	vld.idx.msk [tilespmem:v62+s21+$0x0], $0xffff;
	_ =	sdelay $0x2  }
0x66: {  	v5 =	vor.u32 $0x5, v4;
	_ =	sdelay $0x1  }
0x67: {  	v2 =	vmul.f32 v2, v3;
	_ =	sdelay $0x1  }
0x68: {  	[tilespmem:v62+s23+$0x0] =	vst.idx.msk $0xffff, v2  }
0x69: {  	v2 =	vld.idx.msk [tilespmem:v5+s21+$0x0], $0xffff;
	_ =	sdelay $0x2  }
0x6a: {  	v63 =	vor.u32 $0x6, v4;
	_ =	sdelay $0x1  }
0x6b: {  	v2 =	vmul.f32 v2, v3;
	_ =	sdelay $0x1  }
0x6c: {  	[tilespmem:v5+s23+$0x0] =	vst.idx.msk $0xffff, v2  }
0x6d: {  	v5 =	vld.idx.msk [tilespmem:v63+s21+$0x0], $0xffff;
	_ =	sdelay $0x2  }
0x6e: {  	v2 =	vor.u32 $0x7, v4;
	_ =	sdelay $0x1  }
0x6f: {  	v4 =	vmul.f32 v5, v3;
	_ =	sdelay $0x1  }
0x70: {  	[tilespmem:v63+s23+$0x0] =	vst.idx.msk $0xffff, v4  }
0x71: {  	v4 =	vld.idx.msk [tilespmem:v2+s21+$0x0], $0xffff;
	_ =	sdelay $0x3  }
0x72: {  	s17 =	simm.s32 $0x10  }
0x73: {  	s30 =	smov.u32 s5;
	s31 =	smov.u32 s7;
	s1 =	smov.u32 s8;
	v3 =	vmul.f32 v4, v3  }
.LBB2_4:
0x74: {  	_ = 	snop  }
0x75: {  	s30 =	sadd.s32 $0x10, s30;
	s31 =	sadd.s32 $0x10, s31;
	s1 =	sadd.s32 $0x10, s1;
	[tilespmem:v2+s23+$0x0] =	vst.idx.msk $0xffff, v3  }
0x76: {  	p2 =	sne.s32 s17, $0x70;
	s9 =	smov.u32 s17;
	s17 =	sadd.s32 $0x10, s17;
	v2 =	vld [tilespmem:s1+$0x0]  }
0x77: {  	_ =	sdelay $0x3  }
0x78: {  	v2 =	vshll.u32 v2, $0x3  }
0x79: {  	v3 =	vor.u32 $0x1, v2  }
0x7a: {  	v4 =	vmov s9  }
0x7b: {  	v4 =	vshll.u32 v4, $0x3  }
0x7c: {  	v4 =	vor.u32 v0, v4;
	v5 =	vld [tilespmem:s30+$0x0]  }
0x7d: {  	v2 =	vld.idx.msk [tilespmem:v2+s13+$0x0], $0xffff  }
0x7e: {  	v3 =	vld.idx.msk [tilespmem:v3+s13+$0x0], $0xffff  }
0x7f: {  	v6 =	vld [tilespmem:s31+$0x0];
	_ =	sdelay $0x1  }
0x80: {  	v7 =	vld.idx.msk [tilespmem:v4+s21+$0x0], $0xffff;
	_ =	sdelay $0x2  }
0x81: {  	v3 =	vmul.f32 v3, v5;
	v2 =	vmul.f32 v2, v6  }
0x82: {  	v5 =	vor.u32 $0x1, v4  }
0x83: {  	v3 =	vpsel p1, v2, v3  }
0x84: {  	v2 =	vmul.f32 v3, v7;
	_ =	sdelay $0x1  }
0x85: {  	[tilespmem:v4+s23+$0x0] =	vst.idx.msk $0xffff, v2  }
0x86: {  	v2 =	vld.idx.msk [tilespmem:v5+s21+$0x0], $0xffff;
	_ =	sdelay $0x3  }
0x87: {  	v6 =	vor.u32 $0x2, v4;
	_ =	sdelay $0x1  }
0x88: {  	v2 =	vmul.f32 v2, v3;
	_ =	sdelay $0x1  }
0x89: {  	[tilespmem:v5+s23+$0x0] =	vst.idx.msk $0xffff, v2  }
0x8a: {  	v2 =	vld.idx.msk [tilespmem:v6+s21+$0x0], $0xffff;
	_ =	sdelay $0x3  }
0x8b: {  	v5 =	vor.u32 $0x3, v4;
	_ =	sdelay $0x1  }
0x8c: {  	v2 =	vmul.f32 v2, v3;
	_ =	sdelay $0x1  }
0x8d: {  	[tilespmem:v6+s23+$0x0] =	vst.idx.msk $0xffff, v2  }
0x8e: {  	v2 =	vld.idx.msk [tilespmem:v5+s21+$0x0], $0xffff;
	_ =	sdelay $0x3  }
0x8f: {  	v6 =	vor.u32 $0x4, v4;
	_ =	sdelay $0x1  }
0x90: {  	v2 =	vmul.f32 v2, v3;
	_ =	sdelay $0x1  }
0x91: {  	[tilespmem:v5+s23+$0x0] =	vst.idx.msk $0xffff, v2  }
0x92: {  	v2 =	vld.idx.msk [tilespmem:v6+s21+$0x0], $0xffff;
	_ =	sdelay $0x3  }
0x93: {  	v5 =	vor.u32 $0x5, v4;
	_ =	sdelay $0x1  }
0x94: {  	v2 =	vmul.f32 v2, v3;
	_ =	sdelay $0x1  }
0x95: {  	[tilespmem:v6+s23+$0x0] =	vst.idx.msk $0xffff, v2  }
0x96: {  	v2 =	vld.idx.msk [tilespmem:v5+s21+$0x0], $0xffff;
	_ =	sdelay $0x3  }
0x97: {  	v6 =	vor.u32 $0x6, v4;
	_ =	sdelay $0x1  }
0x98: {  	v2 =	vmul.f32 v2, v3;
	_ =	sdelay $0x1  }
0x99: {  	[tilespmem:v5+s23+$0x0] =	vst.idx.msk $0xffff, v2  }
0x9a: {  	v5 =	vld.idx.msk [tilespmem:v6+s21+$0x0], $0xffff;
	_ =	sdelay $0x3  }
0x9b: {  	v2 =	vor.u32 $0x7, v4;
	_ =	sdelay $0x1  }
0x9c: {  	v4 =	vmul.f32 v5, v3;
	_ =	sdelay $0x1  }
0x9d: {  	[tilespmem:v6+s23+$0x0] =	vst.idx.msk $0xffff, v4  }
0x9e: {  	v4 =	vld.idx.msk [tilespmem:v2+s21+$0x0], $0xffff;
	_ =	sdelay $0x1  }
.Ltmp0:
0x9f: {  	(pc) =	sbr.rel @p2 .LBB2_4-.Ltmp0, $2  }
0xa0: {  	_ =	sdelay $0x2  }
0xa1: {  	v3 =	vmul.f32 v4, v3  }
0xa2: {  	_ =	sdelay $0x1  }
0xa3: {  	s15 =	sadd.s32 $0x1, s15  }
0xa4: {  	p2 =	sne.s32 s15, $0x51  }
.Ltmp1:
0xa5: {  	s1 =	sadd.s32 $0x2880, s16;
	[tilespmem:v2+s23+$0x0] =	vst.idx.msk $0xffff, v3;
	(pc) =	sbr.rel @p2 .LBB2_3-.Ltmp1, $4  }
0xa6: {  	[spmem:s2] =	stream.indirect.scatter.add.f32 [tilespmem:s23], [sflag:$0x2], $0x8, s1, s19, $0xb8;
	[tilespmem:$0x1FE80] =	vst v63  }
0xa7: {  	_ =	swait.ge [sflag:s14], $0x400  }
0xa8: {  	s5 =	sadd.s32 $0x80, s5;
	[sflag:s14] =	ssyncset.done $0x0  }
0xa9: {  	s7 =	sadd.s32 $0x80, s7;
	s8 =	sadd.s32 $0x80, s8;
	[sflag:s14] =	ssyncadd.s32 $0xFFFFFC00  }
0xaa: {  	s1 =	sshll.u32 s0, $0x6;
	s5 =	sadd.s32 s28, s11;
	s28 =	sadd.s32 $0x1, s28  }
0xab: {  	[bflag:$0x0] =	sbarrier.arrive $0xFFFF;
	s1 =	sor.u32 $0x1C02, s1;
	p1 =	sne.s32 s28, $0x10  }
0xac: {  	[hbm:s5@s25], [sflag:s1] =	dma.strided [spmem:s24@s22], $0x280, s22, $0x1   }
.Ltmp2:
0xad: {  	_ =	swait.ge [sflag:s14], $0x280;
	(pc) =	sbr.rel @p1 .LBB2_2-.Ltmp2, $3  }
0xae: {  	[sflag:s14] =	ssyncset.done $0x0  }
0xaf: {  	[sflag:s14] =	ssyncadd.s32 $0xFFFFFD80  }
0xb0: {  	[bflag:$0x0] =	sbarrier.arrive $0xFFFF;
	_ =	sdelay $0x1  }
0xb1: {  	s26 =	sadd.s32 $0x1, s26  }
0xb2: {  	p1 =	sne.s32 s26, s12  }
.Ltmp3:
0xb3: {  	_ = 	snop;
	(pc) =	sbr.rel @p1 .LBB2_1-.Ltmp3, $1  }
0xb4: {  	_ =	sdelay $0x3  }
0xb5: {  	_ =	sfence.sel $0x180000  }
0xb6: {  	[bflag:$0x0] =	sbarrier.arrive $0xFFFF  }
0xb7: {  	_ =	strace $0x9000004A  }
0xb8: {  	[bflag:$0x2] =	sbarrier.arrive $0xFFFF  }
0xb9: {  	s0 =	rddreg [dreg:$0x3]  }
0xba: {  	s0 =	sadd.s32 @!p0 $0x100000, s0  }
0xbb: {  	[sflag:s0] =	ssyncadd.tile.s32 @!p0 $0x1;
	_ =	shalt  }
.Lfunc_end2:
_tile_overlayer_lowered:
.L_overlay_start_2:
0xbc: {  	(tag) =	ssettag $0x2  }
0xbd: {  	s0 =	rddreg [dreg:$0x0];
	s2 =	stileid.u32  }
0xbe: {  	s1 =	rddreg [dreg:$0x1];
	p0 =	sne.s32 s2, $0x0  }
0xbf: {  	s3 =	rddreg [dreg:$0x2];
	[bflag:$0x3] =	sbarrier.arrive $0xFFFF;
	s2 =	simm.s32 @!p0 $0x1C02  }
0xc0: {  	[timem:s3], [sflag:s2] =	dma.local @!p0 [hbm:s0], s1  }
0xc1: {  	s0 =	simm.s32 @!p0 $0x2  }
0xc2: {  	_ =	swait.ge @!p0 [sflag:s0], s1  }
0xc3: {  	s1 =	ssub.s32 @!p0 $0x0, s1;
	[sflag:s0] =	ssyncset.done @!p0 $0x0  }
0xc4: {  	[sflag:s0] =	ssyncadd.s32 @!p0 s1  }
0xc5: {  	[bflag:$0x3] =	sbarrier.arrive $0xFFFF  }
0xc6: {  	_ =	shalt  }

// kernel: kernel.18.cloned.1.call-start
scs
__scs_entry_jumppad:
0x0: {  	(pc) =	sbr.rel $0x88, $3  }
0x1: {  	(tag) =	ssettag $0x0;
	lr =	simm.s32 $0x1  }
0x2: {  	[smem:$0x3F8E] =	sst lr;
	_ =	strace $0xD0000000  }
0x3: {  	_ = 	snop  }
0x4: {  	_ = 	snop  }
0x5: {  	_ = 	snop  }
0x6: {  	_ = 	snop  }
0x7: {  	_ = 	snop  }
__scs_overlays_trampoline_lowered:
0x8: {  	[smem:$0x3F9D] =	sst s0  }
0x9: {  	[smem:$0x3F9E] =	sst s1  }
0xa: {  	[smem:$0x3F9F] =	sst s2  }
0xb: {  	[smem:$0x3FA0] =	sst s3  }
0xc: {  	[smem:$0x3FA1] =	sst s4  }
0xd: {  	[smem:$0x3FA2] =	sst s5  }
0xe: {  	[smem:$0x3FA3] =	sst s6  }
0xf: {  	[smem:$0x3FA4] =	sst s7  }
0x10: {  	[smem:$0x3FA5] =	sst s8  }
0x11: {  	[smem:$0x3FA6] =	sst s9;
	s0 =	simm.s32 @!p0 $0x0  }
0x12: {  	s1 =	sld [smem:$0x3F8C];
	s0 =	simm.s32 @p0 $0x1  }
0x13: {  	[smem:$0x3FA7] =	sst s0;
	s0 =	simm.s32 @!p1 $0x0  }
0x14: {  	s2 =	sld [smem:$0x3F8B];
	s0 =	simm.s32 @p1 $0x1  }
0x15: {  	[smem:$0x3FA8] =	sst s0;
	s0 =	simm.s32 @!p2 $0x0  }
0x16: {  	s3 =	sld [smem:$0x3FDB];
	s0 =	simm.s32 @p2 $0x1  }
0x17: {  	s4 =	simm.s32 $0x1BF5;
	[smem:$0x3FAA] =	sst s0  }
0x18: {  	s0 =	sld [smem:$0x3F8D];
	_ =	swait.ge [sflag:s4], $0x0  }
0x19: {  	s7 =	sld [smem:$0x3F8E]  }
0x1a: {  	s8 =	sadd.s32 $0xFFFFE003, lr  }
0x1b: {  	s9 =	sadd.s32 $0xFFFFFEF7, lr;
	s5 =	simm.s32 $0xFFFFFFFF;
	p2 =	slt.u32 s8, $0xFFFFF086  }
0x1c: {  	p1 =	slt.u32 s9, $0xF7A;
	s5 =	simm.s32 @!p2 $0x0  }
0x1d: {  	s5 =	simm.s32 @p1 $0x1;
	p0 =	seq.s32 s7, s2  }
0x1e: {  	s7 =	smul.u32 @!p0 $0xF7A, s2;
	p2 =	seq.s32 @!p0 s5, $0x0  }
0x1f: {  	s9 =	smul.u32 $0xF7A, s1;
	s8 =	simm.s32 @!p0 $0x1BF5;
	p2 =	por !p2, p0  }
0x20: {  	[sflag:s8] =	ssyncset.s32 @!p0 $0xFFFFF086;
	s6 =	sadd.s32 @!p0 s3, s7;
	s7 =	simm.s32 @!p0 $0x108  }
0x21: {  	s3 =	sadd.s32 s3, s9;
	s6 =	sadd.s32 @!p0 $0x88, s6;
	s7 =	simm.s32 @p2 $0x1082  }
0x22: {  	[simem:s7], [sflag:s8] =	dma.local @!p0 [hbm:s6], $0xF7A  }
0x23: {  	s9 =	sor.u32 $0xD0000000, s2;
	s6 =	simm.s32 $0x108;
	_ =	swait.ge @!p0 [sflag:s8], $0x0  }
0x24: {  	s3 =	sadd.s32 $0x88, s3;
	s6 =	simm.s32 @!p1 $0x1082;
	[sflag:s4] =	ssyncset.s32 $0xFFFFF086  }
0x25: {  	[simem:s6], [sflag:s4] =	dma.local [hbm:s3], $0xF7A  }
0x26: {  	[smem:$0x3F8E] =	sst s1;
	(tag) =	ssettag s2;
	_ =	strace s9  }
0x27: {  	s1 =	sld [smem:$0x3F9E]  }
0x28: {  	s2 =	sld [smem:$0x3F9F]  }
0x29: {  	s4 =	sld [smem:$0x3FA1]  }
0x2a: {  	p0 =	seq.s32 s5, $0x0;
	s5 =	sld [smem:$0x3FA2]  }
0x2b: {  	s6 =	sld [smem:$0x3FA3]  }
0x2c: {  	s7 =	sld [smem:$0x3FA4]  }
0x2d: {  	s3 =	simm.s32 $0x108;
	s8 =	sld [smem:$0x3FA5]  }
0x2e: {  	s3 =	simm.s32 @!p0 $0x1082;
	s9 =	sld [smem:$0x3FA6]  }
0x2f: {  	lr =	sadd.s32 s0, s3;
	s0 =	sld [smem:$0x3F9D]  }
0x30: {  	s3 =	sld [smem:$0x3FA0]  }
0x31: {  	[smem:$0x3FA9] =	sst s10  }
0x32: {  	s10 =	sld [smem:$0x3FA7];
	_ =	sdelay $0x3  }
0x33: {  	p0 =	seq.s32 s10, $0x1;
	s10 =	sld [smem:$0x3FA9];
	_ =	sdelay $0x3  }
0x34: {  	[smem:$0x3FA9] =	sst s10  }
0x35: {  	s10 =	sld [smem:$0x3FA8];
	_ =	sdelay $0x3  }
0x36: {  	p1 =	seq.s32 s10, $0x1;
	s10 =	sld [smem:$0x3FA9];
	_ =	sdelay $0x3  }
0x37: {  	[smem:$0x3FA9] =	sst s10  }
0x38: {  	s10 =	sld [smem:$0x3FAA]  }
0x39: {  	_ = 	snop;
	(pc) =	sbr.ind lr, $3  }
0x3a: {  	_ = 	snop  }
0x3b: {  	_ = 	snop  }
0x3c: {  	p2 =	seq.s32 s10, $0x1;
	s10 =	sld [smem:$0x3FA9]  }
0x3d: {  	_ =	shalt  }
0x3e: {  	_ =	shalt  }
0x3f: {  	_ =	shalt  }
0x40: {  	_ =	shalt  }
0x41: {  	_ =	shalt  }
0x42: {  	_ =	shalt  }
0x43: {  	_ =	shalt  }
0x44: {  	_ =	shalt  }
0x45: {  	_ =	shalt  }
0x46: {  	_ =	shalt  }
0x47: {  	_ =	shalt  }
0x48: {  	_ =	shalt  }
0x49: {  	_ =	shalt  }
0x4a: {  	_ =	shalt  }
0x4b: {  	_ =	shalt  }
0x4c: {  	_ =	shalt  }
0x4d: {  	_ =	shalt  }
0x4e: {  	_ =	shalt  }
0x4f: {  	_ =	shalt  }
0x50: {  	_ =	shalt  }
0x51: {  	_ =	shalt  }
0x52: {  	_ =	shalt  }
0x53: {  	_ =	shalt  }
0x54: {  	_ =	shalt  }
0x55: {  	_ =	shalt  }
0x56: {  	_ =	shalt  }
0x57: {  	_ =	shalt  }
0x58: {  	_ =	shalt  }
0x59: {  	_ =	shalt  }
0x5a: {  	_ =	shalt  }
0x5b: {  	_ =	shalt  }
0x5c: {  	_ =	shalt  }
0x5d: {  	_ =	shalt  }
0x5e: {  	_ =	shalt  }
0x5f: {  	_ =	shalt  }
0x60: {  	_ =	shalt  }
0x61: {  	_ =	shalt  }
0x62: {  	_ =	shalt  }
0x63: {  	_ =	shalt  }
0x64: {  	_ =	shalt  }
0x65: {  	_ =	shalt  }
0x66: {  	_ =	shalt  }
0x67: {  	_ =	shalt  }
0x68: {  	_ =	shalt  }
0x69: {  	_ =	shalt  }
0x6a: {  	_ =	shalt  }
0x6b: {  	_ =	shalt  }
0x6c: {  	_ =	shalt  }
0x6d: {  	_ =	shalt  }
0x6e: {  	_ =	shalt  }
0x6f: {  	_ =	shalt  }
0x70: {  	_ =	shalt  }
0x71: {  	_ =	shalt  }
0x72: {  	_ =	shalt  }
0x73: {  	_ =	shalt  }
0x74: {  	_ =	shalt  }
0x75: {  	_ =	shalt  }
0x76: {  	_ =	shalt  }
0x77: {  	_ =	shalt  }
0x78: {  	_ =	shalt  }
0x79: {  	_ =	shalt  }
0x7a: {  	_ =	shalt  }
0x7b: {  	_ =	shalt  }
0x7c: {  	_ =	shalt  }
0x7d: {  	_ =	shalt  }
0x7e: {  	_ =	shalt  }
0x7f: {  	_ =	shalt  }
0x80: {  	_ =	shalt  }
0x81: {  	_ =	shalt  }
0x82: {  	_ =	shalt  }
0x83: {  	_ =	shalt  }
0x84: {  	_ =	shalt  }
0x85: {  	_ =	shalt  }
0x86: {  	_ =	shalt  }
0x87: {  	_ =	shalt  }
.Lfunc_end0:
.L_simem_size_0:
called_computation.2_lowered:
.L_overlay_start_0:
0x88: {  	s2 =	sld [smem:$0x3FD9]  }
0x89: {  	s3 =	sld [smem:$0x3FFE];
	_ =	sdelay $0x1  }
0x8a: {  	s1 =	srdreg.scid  }
0x8b: {  	s0 =	sand.u32 $0x1, s1  }
0x8c: {  	s17 =	sshll.u32 s0, $0xA;
	s2 =	sadd.s32 s3, s2  }
0x8d: {  	s2 =	sadd.s32 s2, s17  }
0x8e: {  	[smem:$0x3FB5] =	sst s2  }
0x8f: {  	_ = 	snop  }
0x90: {  	s2 =	sld [smem:$0x3FBB]  }
0x91: {  	s18 =	sld [smem:$0x3FD0];
	(tm) =	ssettm $0x1  }
0x92: {  	s4 =	sld [smem:$0x3FFB];
	_ =	sdelay $0x3  }
0x93: {  	_ =	strace s4  }
0x94: {  	s4 =	sld [smem:$0x3FFC];
	_ =	sdelay $0x3  }
0x95: {  	_ =	strace s4  }
0x96: {  	s4 =	sld [smem:$0x3FFD];
	_ =	sdelay $0x3  }
0x97: {  	_ =	strace s4  }
0x98: {  	_ =	strace $0x8FFFFFFF  }
0x99: {  	s19 =	sld [smem:$0x3FDB];
	_ =	sdelay $0x1  }
0x9a: {  	s5 =	simm.s32 $_scs_section_size  }
0x9b: {  	s6 =	simm.s32 $_size__tile_overlayer_lowered;
	s7 =	simm.s32 $_tile_overlayer_lowered  }
0x9c: {  	s22 =	simm.s32 $0x1BFF;
	s21 =	sshll.u32 s7, $0x1;
	s4 =	sadd.s32 s5, s19  }
0x9d: {  	s8 =	simm.s32 $0x0;
	s20 =	sshll.u32 s6, $0x1;
	s6 =	sadd.s32 s21, s4  }
0x9e: {  	[timem:s8], [sflag:s22] =	dma.local [hbm:s6], s20  }
0x9f: {  	_ =	swait.ge [sflag:s22], s20  }
0xa0: {  	s5 =	ssub.s32 $0x0, s20;
	[sflag:s22] =	ssyncset.done $0x0  }
0xa1: {  	[sflag:s22] =	ssyncadd.s32 s5;
	_ =	sdelay $0x1  }
0xa2: {  	s23 =	simm.s32 $0x1B8B  }
0xa3: {  	_ =	swait.ge [sflag:s23], $0x1  }
0xa4: {  	[sflag:s23] =	ssyncset.done $0x0  }
0xa5: {  	s25 =	simm.s32 $0x1B8E;
	s24 =	sld [smem:$0x3FFE];
	[sflag:s23] =	ssyncadd.s32 $0xFFFFFFFF  }
0xa6: {  	s26 =	simm.s32 $execute0_lowered;
	[smem:$0x3FD2] =	sst s25  }
0xa7: {  	s6 =	sshll.u32 s26, $0x1;
	_ =	strace $0x8000004C;
	[dreg:$0x1] =	wrdreg $0xFFFFFFFF  }
0xa8: {  	s28 =	simm.s32 $_size_execute0_lowered;
	s4 =	sadd.s32 s4, s6;
	[dreg:$0x0] =	wrdreg $0x0  }
0xa9: {  	s6 =	sshll.u32 s28, $0x1;
	[dreg:$0x2] =	wrdreg s4  }
0xaa: {  	[dreg:$0x3] =	wrdreg s6  }
0xab: {  	[dreg:$0x4] =	wrdreg $0xC0  }
0xac: {  	_ =	task [dreg:s8], $0x5FFFF  }
0xad: {  	[dreg:$0x1] =	wrdreg $0xFFFFFFFF  }
0xae: {  	[dreg:$0x0] =	wrdreg $0x60  }
0xaf: {  	[dreg:$0x2] =	wrdreg s24  }
0xb0: {  	[dreg:$0x3] =	wrdreg s18  }
0xb1: {  	[dreg:$0x4] =	wrdreg s2  }
0xb2: {  	[dreg:$0x5] =	wrdreg $0x87800  }
0xb3: {  	[dreg:$0x6] =	wrdreg $0x9  }
0xb4: {  	_ =	task.clear_ibuf [dreg:s8], $0x7FFFF;
	_ =	strace $0x9000004C  }
0xb5: {  	s29 =	simm.s32 $0x9;
	_ =	strace $0x8000004E  }
0xb6: {  	_ =	swait.ge [sflag:s29], $0x1  }
0xb7: {  	[sflag:s29] =	ssyncadd.s32 $0xFFFFFFFF  }
0xb8: {  	_ =	strace $0x9000004E  }
0xb9: {  	_ =	sfence  }
0xba: {  	s30 =	sld [smem:$0x0];
	_ =	sdelay $0x2  }
0xbb: {  	s31 =	sshll.u32 s1, $0xD;
	s1 =	sshrl.u32 s1, $0x2  }
0xbc: {  	s3 =	sand.u32 $0x4000, s31;
	s1 =	sadd.s32 s1, s30  }
0xbd: {  	s0 =	sor.u32 s3, s0;
	s1 =	sshll.u32 s1, $0x11  }
0xbe: {  	s0 =	sor.u32 s1, s0  }
0xbf: {  	s0 =	sadd.s32 $0x8F2B, s0  }
0xc0: {  	[sflag:s0] =	ssyncadd.remote.s32 $0x1  }
0xc1: {  	_ =	sfence.sel $0xFFFF  }
0xc2: {  	[dreg:$0x0] =	wrdreg $0xFFFFFFFF;
	(pc) =	sbr.abs _section_cstart, $3  }
0xc3: {  	[dreg:$0x1] =	wrdreg $0xFFFFFFFF  }
0xc4: {  	_ =	task.clear_ibuf [dreg:s8], $0x2FFFF;
	_ =	strace $0x9FFFFFFF  }
0xc5: {  	(tm) =	ssettm $0x7FFFFFFF  }
tec
execute0_lowered:
.L_overlay_start_1:
0x0: {  	(tag) =	ssettag $0x1  }
0x1: {  	s0 =	rddreg [dreg:$0x0]  }
0x2: {  	s3 =	rddreg [dreg:$0x3];
	s4 =	simm.s32 $0x0;
	s2 =	srdreg.scid  }
0x3: {  	s1 =	stileid.u32;
	s18 =	simm.s32 $0x2;
	s21 =	simm.s32 $0x80  }
0x4: {  	s22 =	simm.s32 $0x100;
	s28 =	simm.s32 $0x8280;
	s29 =	simm.s32 $0x8180  }
0x5: {  	s30 =	simm.s32 $0x8200;
	[smem:$0x7FF] =	sst s4;
	s5 =	sadd.s32 $0x20200, s0  }
0x6: {  	s6 =	sadd.s32 $0x48200, s0;
	s2 =	sand.u32 $0x1, s2;
	s7 =	sadd.s32 $0x4200, s0  }
0x7: {  	s9 =	sadd.s32 $0x11000, s0;
	s10 =	sadd.s32 $0xE400, s0;
	s23 =	smul.u32 $0x1400, s1  }
0x8: {  	s11 =	sadd.s32 $0xE600, s0;
	s12 =	sadd.s32 $0x75200, s0;
	s13 =	sadd.s32 $0x7F400, s0  }
0x9: {  	s14 =	sshll.u32 s1, $0x1;
	_ =	strace $0x8000004D;
	[dreg:$0x5] =	wrdreg s10  }
0xa: {  	p0 =	sne.s32 s1, $0x0;
	s8 =	smul.u32 $0x14000, s2;
	[dreg:$0x6] =	wrdreg s11  }
0xb: {  	s24 =	ssub.s32 $0x2, s2;
	s2 =	sor.u32 s2, s14;
	s1 =	sshrl.u32 @!p0 s3, $0x3  }
0xc: {  	s15 =	sshrl.u32 s24, $0x1;
	s14 =	smul.u32 $0x2880, s2;
	s8 =	sadd.s32 s23, s8  }
0xd: {  	s26 =	sadd.s32 s23, s3;
	s25 =	ssub.s32 s24, s15;
	s8 =	sshrl.u32 s8, $0x3  }
0xe: {  	[dreg:$0x9] =	wrdreg s1;
	s31 =	smax.u32 s25, $0x1;
	s0 =	sadd.s32 s8, s0  }
0xf: {  	s1 =	simm.s32 $0x0;
	[dreg:$0x8] =	wrdreg s31;
	s0 =	sadd.s32 $0x70200, s0  }
0x10: {  	s23 =	simm.s32 $0x180;
	[dreg:$0x7] =	wrdreg s0;
	s0 =	sshrl.u32 s26, $0x3  }
0x11: {  	s24 =	simm.s32 $0x1;
	s26 =	simm.s32 $0x4180;
	[dreg:$0xa] =	wrdreg s0  }
.LBB2_1:
0x12: {  	[dreg:$0xb] =	wrdreg s1  }
0x13: {  	s0 =	rddreg [dreg:$0x2];
	s20 =	simm.s32 $0x8680  }
0x14: {  	[tilespmem:s20], [sflag:$0x2] =	stream.linear.gather [hbm4b:s0+s4], $0x80, $0x38;
	[tilespmem:$0x8C80] =	vst v63  }
0x15: {  	_ =	swait.ge [sflag:s18], $0x80  }
0x16: {  	[sflag:s18] =	ssyncset.done $0x0  }
0x17: {  	s31 =	simm.s32 $0x8700;
	s25 =	rddreg [dreg:$0x5];
	[sflag:s18] =	ssyncadd.s32 $0xFFFFFF80  }
0x18: {  	[tilespmem:s31], [sflag:$0x2] =	stream.linear.gather [hbm4b:s25+s4], $0x80, $0x38;
	[tilespmem:$0x8C80] =	vst v63  }
0x19: {  	_ =	swait.ge [sflag:s18], $0x80  }
0x1a: {  	[sflag:s18] =	ssyncset.done $0x0;
	s1 =	rddreg [dreg:$0x6]  }
0x1b: {  	s0 =	simm.s32 @!p0 $0x1C02;
	s2 =	rddreg [dreg:$0x9];
	[sflag:s18] =	ssyncadd.s32 $0xFFFFFF80  }
0x1c: {  	[spmem:s2], [sflag:s0] =	dma.local @!p0 [hbm:s1], $0x2800  }
0x1d: {  	s0 =	simm.s32 @!p0 $0x2  }
0x1e: {  	_ =	swait.ge @!p0 [sflag:s0], $0x2800  }
0x1f: {  	[sflag:s0] =	ssyncset.done @!p0 $0x0  }
0x20: {  	[sflag:s0] =	ssyncadd.s32 @!p0 $0xFFFFD800  }
0x21: {  	s0 =	simm.s32 $0x0;
	[bflag:$0x0] =	sbarrier.arrive $0xFFFF  }
.LBB2_2:
0x22: {  	s2 =	sshll.u32 s0, $0x7  }
0x23: {  	s17 =	sadd.s32 s14, s2  }
0x24: {  	s1 =	rddreg [dreg:$0x1];
	s2 =	sshrl.u32 s17, $0x3  }
0x25: {  	s19 =	simm.s32 $0x0;
	s8 =	sadd.s32 s1, s2  }
0x26: {  	[tilespmem:s19], [sflag:$0x2] =	stream.linear.gather [hbm4b:s8+s19], $0x80, $0x38;
	[tilespmem:$0x8C80] =	vst v63  }
0x27: {  	_ =	swait.ge [sflag:s18], $0x80  }
0x28: {  	[sflag:s18] =	ssyncset.done $0x0  }
0x29: {  	s25 =	sadd.s32 s7, s2;
	[sflag:s18] =	ssyncadd.s32 $0xFFFFFF80  }
0x2a: {  	[tilespmem:s21], [sflag:$0x2] =	stream.linear.gather [hbm4b:s25+s19], $0x80, $0x38;
	[tilespmem:$0x8C80] =	vst v63  }
0x2b: {  	_ =	swait.ge [sflag:s18], $0x80  }
0x2c: {  	[sflag:s18] =	ssyncset.done $0x0  }
0x2d: {  	s31 =	sadd.s32 s9, s2;
	[sflag:s18] =	ssyncadd.s32 $0xFFFFFF80  }
0x2e: {  	[tilespmem:s22], [sflag:$0x2] =	stream.linear.gather [hbm4b:s31+s19], $0x80, $0x38;
	[tilespmem:$0x8C80] =	vst v63  }
0x2f: {  	_ =	swait.ge [sflag:s18], $0x80  }
0x30: {  	[sflag:s18] =	ssyncset.done $0x0  }
0x31: {  	[sflag:s18] =	ssyncadd.s32 $0xFFFFFF80  }
0x32: {  	[tilespmem:s23], [sflag:$0x1] =	stream.indirect.gather [hbm4b:s5+s21], $0x80, s19, s21, $0xb8;
	[tilespmem:$0x8C80] =	vst v63  }
0x33: {  	_ =	swait.ge [sflag:s24], $0x4000  }
0x34: {  	[sflag:s24] =	ssyncset.done $0x0  }
0x35: {  	[sflag:s24] =	ssyncadd.s32 $0xFFFFC000  }
0x36: {  	[tilespmem:s26], [sflag:$0x1] =	stream.indirect.gather [hbm4b:s6+s21], $0x80, s21, s21, $0xb8;
	[tilespmem:$0x8C80] =	vst v63  }
0x37: {  	_ =	swait.ge [sflag:s24], $0x4000  }
0x38: {  	[sflag:s24] =	ssyncset.done $0x0  }
0x39: {  	[sflag:s24] =	ssyncadd.s32 $0xFFFFC000  }
.LBB2_3:
0x3a: {  	s8 =	sshll.u32 s19, $0x4;
	v0 =	vlaneseq.u32  }
0x3b: {  	v0 =	vor.u32 s8, v0  }
0x3c: {  	s15 =	simm.s32 $0x8;
	v2 =	vshll.u32 v0, $0x7  }
0x3d: {  	[tilespmem:$0x1FC50] =	vst v0;
	v0 =	vor.u32 s15, v2;
	v9 =	vor.u32 $0x40, v2  }
0x3e: {  	s16 =	simm.s32 $0xF;
	v1 =	vor.u32 s15, v9;
	s15 =	simm.s32 $0x0  }
0x3f: {  	s11 =	simm.s32 $0x86C0;
	v52 =	vld [tilespmem:s8+$0x100];
	v6 =	vmov s16;
	[tilespmem:$0x1FC60] =	vst v9;
	v9 =	vor.u32 s15, v9  }
0x40: {  	v3 =	vld [tilespmem:s11+$0xFFFFFFC0];
	v6 =	vand.u32 $0x38, v6  }
0x41: {  	v41 =	vld [tilespmem:s11+$0x0];
	v6 =	vbroadcast v6, $0x0  }
0x42: {  	v39 =	vor.u32 $0x7, v2;
	v7 =	vld.idx.msk [tilespmem:v0+s23+$0x0], $0xffff  }
0x43: {  	v12 =	vor.u32 v6, v39;
	v0 =	vld.idx.msk [tilespmem:v0+s26+$0x0], $0xffff  }
0x44: {  	v40 =	vor.u32 $0x47, v2;
	v14 =	vld.idx.msk [tilespmem:v9+s23+$0x0], $0xffff  }
0x45: {  	v6 =	vor.u32 v40, v6;
	v9 =	vld.idx.msk [tilespmem:v9+s26+$0x0], $0xffff  }
0x46: {  	s1 =	simm.s32 $0xD;
	v10 =	vld.idx.msk [tilespmem:v1+s23+$0x0], $0xffff  }
0x47: {  	s31 =	simm.s32 $0xE;
	v15 =	vmov s1;
	v1 =	vld.idx.msk [tilespmem:v1+s26+$0x0], $0xffff  }
0x48: {  	v11 =	vmov s31;
	v15 =	vand.u32 $0x38, v15;
	v37 =	vbroadcast v3, $0x8;
	v17 =	vld.idx.msk [tilespmem:v12+s23+$0x0], $0xffff  }
0x49: {  	v11 =	vand.u32 $0x38, v11;
	v15 =	vbroadcast v15, $0x0;
	v44 =	vor.u32 $0x5, v2;
	v12 =	vld.idx.msk [tilespmem:v12+s26+$0x0], $0xffff  }
0x4a: {  	v18 =	vld.idx.msk [tilespmem:v6+s23+$0x0], $0xffff;
	v0 =	vadd.f32 v0, v7;
	v9 =	vadd.f32 v9, v14;
	v14 =	vmul.f32 v37, v52  }
0x4b: {  	v11 =	vbroadcast v11, $0x0;
	v42 =	vor.u32 $0x6, v2;
	v20 =	vor.u32 v15, v44;
	v6 =	vld.idx.msk [tilespmem:v6+s26+$0x0], $0xffff  }
0x4c: {  	v43 =	vor.u32 $0x46, v2;
	v63 =	vbroadcast v41, $0x8;
	v0 =	vadd.f32 v0, v14  }
0x4d: {  	v16 =	vor.u32 v11, v42;
	v11 =	vor.u32 v43, v11;
	v1 =	vadd.f32 v1, v10  }
0x4e: {  	s10 =	simm.s32 $0x8740;
	v50 =	vadd.f32 v12, v17;
	v12 =	vbroadcast v41, $0x0;
	[tilespmem:$0x1FCE0] =	vst v0;
	v0 =	vmul.f32 v63, v52  }
0x4f: {  	v4 =	vld [tilespmem:s10+$0xFFFFFFC0]  }
0x50: {  	v26 =	vld.idx.msk [tilespmem:v20+s23+$0x0], $0xffff;
	v63 =	vadd.f32 v6, v18;
	v6 =	vmul.f32 v12, v52;
	v0 =	vadd.f32 v1, v0  }
0x51: {  	v20 =	vld.idx.msk [tilespmem:v20+s26+$0x0], $0xffff  }
0x52: {  	v23 =	vld.idx.msk [tilespmem:v11+s23+$0x0], $0xffff;
	[tilespmem:$0x1FD20] =	vst v0;
	v0 =	vadd.f32 v9, v6  }
0x53: {  	v25 =	vld.idx.msk [tilespmem:v11+s26+$0x0], $0xffff  }
0x54: {  	[tilespmem:$0x1FD40] =	vst v0;
	v0 =	vbroadcast v4, $0x6;
	_ =	sdelay $0x1  }
0x55: {  	[tilespmem:$0x1FD50] =	vst v0;
	v0 =	vadd.f32 v20, v26;
	_ =	sdelay $0x1  }
0x56: {  	[tilespmem:$0x1FFA0] =	vst v0;
	v0 =	vadd.f32 v25, v23;
	_ =	sdelay $0x1  }
0x57: {  	[tilespmem:$0x1FFC0] =	vst v0;
	v0 =	vbroadcast v4, $0x5  }
0x58: {  	v5 =	vor.u32 s15, v2  }
0x59: {  	s20 =	simm.s32 $0xC;
	[tilespmem:$0x1FD70] =	vst v0;
	v0 =	vbroadcast v4, $0x4  }
0x5a: {  	v19 =	vmov s20  }
0x5b: {  	s25 =	simm.s32 $0xB;
	v19 =	vand.u32 $0x38, v19;
	v45 =	vor.u32 $0x45, v2;
	[tilespmem:$0x1FD80] =	vst v0;
	v0 =	vbroadcast v4, $0x3  }
0x5c: {  	v8 =	vld [tilespmem:s10+$0x0];
	v22 =	vmov s25;
	v19 =	vbroadcast v19, $0x0;
	v15 =	vor.u32 v45, v15  }
0x5d: {  	v47 =	vor.u32 $0x4, v2;
	v48 =	vor.u32 $0x44, v2;
	v13 =	vld.idx.msk [tilespmem:v5+s23+$0x0], $0xffff;
	[tilespmem:$0x1FD90] =	vst v0;
	v0 =	vbroadcast v4, $0x2  }
0x5e: {  	v55 =	vor.u32 $0x41, v2;
	v51 =	vor.u32 $0x42, v2;
	v24 =	vor.u32 v19, v47;
	v5 =	vld.idx.msk [tilespmem:v5+s26+$0x0], $0xffff  }
0x5f: {  	v49 =	vor.u32 $0x43, v2;
	v21 =	vld.idx.msk [tilespmem:v16+s23+$0x0], $0xffff;
	v11 =	vand.u32 $0x38, v22;
	[tilespmem:$0x1FDB0] =	vst v0;
	v0 =	vbroadcast v4, $0x1  }
0x60: {  	v53 =	vor.u32 $0x3, v2;
	[tilespmem:$0x1FC80] =	vst v2;
	v19 =	vor.u32 v48, v19;
	v16 =	vld.idx.msk [tilespmem:v16+s26+$0x0], $0xffff;
	v11 =	vbroadcast v11, $0x0  }
0x61: {  	s31 =	simm.s32 $0xA;
	v58 =	vor.u32 $0x2, v2;
	v62 =	vor.u32 $0x1, v2;
	v27 =	vld.idx.msk [tilespmem:v15+s23+$0x0], $0xffff;
	[tilespmem:$0x1FDC0] =	vst v0;
	v0 =	vbroadcast v4, $0x0  }
0x62: {  	[tilespmem:$0x1FCF0] =	vst v39;
	v33 =	vbroadcast v4, $0xF;
	v22 =	vmov s31;
	v15 =	vld.idx.msk [tilespmem:v15+s26+$0x0], $0xffff;
	v29 =	vor.u32 v11, v53  }
0x63: {  	v30 =	vmov s15;
	v31 =	vld.idx.msk [tilespmem:v24+s23+$0x0], $0xffff;
	v22 =	vand.u32 $0x38, v22;
	[tilespmem:$0x1FDD0] =	vst v0;
	v0 =	vbroadcast v8, $0xF  }
0x64: {  	s20 =	simm.s32 $0x9;
	v2 =	vbroadcast v4, $0xC;
	[tilespmem:$0x1FC70] =	vst v33;
	v24 =	vld.idx.msk [tilespmem:v24+s26+$0x0], $0xffff;
	v22 =	vbroadcast v22, $0x0;
	v32 =	vor.u32 v49, v11  }
0x65: {  	v28 =	vmov s20;
	v30 =	vand.u32 $0x30, v30;
	v34 =	vld.idx.msk [tilespmem:v19+s26+$0x0], $0xffff;
	[tilespmem:$0x1FDE0] =	vst v0;
	v0 =	vbroadcast v8, $0xE  }
0x66: {  	[tilespmem:$0x1FC90] =	vst v2;
	v2 =	vbroadcast v4, $0xB;
	v11 =	vbroadcast v30, $0x0;
	v30 =	vld.idx.msk [tilespmem:v19+s23+$0x0], $0xffff;
	v59 =	vor.u32 v22, v58  }
0x67: {  	v28 =	vand.u32 $0x38, v28;
	v35 =	vld.idx.msk [tilespmem:v29+s23+$0x0], $0xffff;
	[tilespmem:$0x1FE00] =	vst v0;
	v0 =	vbroadcast v8, $0xD  }
0x68: {  	v28 =	vbroadcast v28, $0x0;
	[tilespmem:$0x1FCA0] =	vst v2;
	v2 =	vbroadcast v4, $0xA;
	v19 =	vor.u32 v51, v22;
	v29 =	vld.idx.msk [tilespmem:v29+s26+$0x0], $0xffff  }
0x69: {  	v36 =	vld.idx.msk [tilespmem:v32+s23+$0x0], $0xffff;
	[tilespmem:$0x1FE10] =	vst v0;
	v0 =	vbroadcast v8, $0xC  }
0x6a: {  	[tilespmem:$0x1FCB0] =	vst v2;
	v2 =	vbroadcast v4, $0x9;
	v22 =	vor.u32 v28, v62;
	v32 =	vld.idx.msk [tilespmem:v32+s26+$0x0], $0xffff  }
0x6b: {  	v10 =	vbroadcast v3, $0x0;
	v38 =	vld.idx.msk [tilespmem:v59+s23+$0x0], $0xffff;
	[tilespmem:$0x1FE20] =	vst v0;
	v0 =	vbroadcast v8, $0xB  }
0x6c: {  	[tilespmem:$0x1FCC0] =	vst v2;
	v2 =	vbroadcast v4, $0x8;
	v28 =	vor.u32 v55, v28;
	v5 =	vadd.f32 v5, v13;
	v13 =	vld.idx.msk [tilespmem:v59+s26+$0x0], $0xffff  }
0x6d: {  	v10 =	vmul.f32 v10, v52;
	v37 =	vld.idx.msk [tilespmem:v19+s23+$0x0], $0xffff;
	[tilespmem:$0x1FE30] =	vst v0;
	v0 =	vbroadcast v8, $0xA  }
0x6e: {  	v17 =	vor.u32 v11, v39;
	[tilespmem:$0x1FCD0] =	vst v2;
	v39 =	vld.idx.msk [tilespmem:v19+s26+$0x0], $0xffff  }
0x6f: {  	v2 =	vadd.f32 v5, v10;
	v5 =	vor.u32 v40, v11;
	v33 =	vld.idx.msk [tilespmem:v22+s23+$0x0], $0xffff;
	[tilespmem:$0x1FE50] =	vst v0;
	v0 =	vbroadcast v8, $0x9  }
0x70: {  	v10 =	vld.idx.msk [tilespmem:v22+s26+$0x0], $0xffff  }
0x71: {  	v12 =	vld.idx.msk [tilespmem:v28+s23+$0x0], $0xffff;
	[tilespmem:$0x1FE60] =	vst v0;
	v0 =	vbroadcast v8, $0x8  }
0x72: {  	v61 =	vadd.f32 v16, v21;
	v16 =	vld.idx.msk [tilespmem:v28+s26+$0x0], $0xffff;
	v6 =	vor.u32 v11, v42  }
0x73: {  	v14 =	vadd.f32 v15, v27;
	v15 =	vld.idx.msk [tilespmem:v17+s26+$0x0], $0xffff;
	v9 =	vor.u32 v43, v11;
	[tilespmem:$0x1FE70] =	vst v0;
	v0 =	vbroadcast v8, $0x7  }
0x74: {  	v7 =	vld.idx.msk [tilespmem:v5+s23+$0x0], $0xffff  }
0x75: {  	v54 =	vbroadcast v4, $0xE;
	v21 =	vld.idx.msk [tilespmem:v5+s26+$0x0], $0xffff;
	[tilespmem:$0x1FE80] =	vst v0;
	v0 =	vbroadcast v8, $0x6  }
0x76: {  	v60 =	vbroadcast v4, $0xD;
	v5 =	vadd.f32 v13, v38;
	v13 =	vor.u32 v11, v47;
	v20 =	vld.idx.msk [tilespmem:v17+s23+$0x0], $0xffff  }
0x77: {  	v1 =	vadd.f32 v24, v31;
	v38 =	vor.u32 v49, v11;
	v24 =	vld.idx.msk [tilespmem:v6+s23+$0x0], $0xffff;
	[tilespmem:$0x1FEA0] =	vst v0;
	v0 =	vbroadcast v8, $0x5  }
0x78: {  	[tilespmem:$0x1FD00] =	vst v2;
	v2 =	vbroadcast v4, $0x7;
	v46 =	vld.idx.msk [tilespmem:v9+s23+$0x0], $0xffff;
	v4 =	vadd.f32 v34, v30;
	v30 =	vor.u32 v48, v11  }
0x79: {  	v57 =	vadd.f32 v29, v35;
	v29 =	vld.idx.msk [tilespmem:v9+s26+$0x0], $0xffff;
	[tilespmem:$0x1FEB0] =	vst v0;
	v0 =	vbroadcast v8, $0x4  }
0x7a: {  	v26 =	vor.u32 v45, v11;
	v25 =	vld.idx.msk [tilespmem:v6+s26+$0x0], $0xffff  }
0x7b: {  	v6 =	vadd.f32 v32, v36;
	v36 =	vld.idx.msk [tilespmem:v13+s23+$0x0], $0xffff;
	[tilespmem:$0x1FEC0] =	vst v0;
	v0 =	vbroadcast v8, $0x3  }
0x7c: {  	[tilespmem:$0x1FD30] =	vst v40;
	v40 =	vld.idx.msk [tilespmem:v38+s26+$0x0], $0xffff  }
0x7d: {  	v9 =	vadd.f32 v10, v33;
	v10 =	vadd.f32 v15, v20;
	v15 =	vld.idx.msk [tilespmem:v30+s23+$0x0], $0xffff;
	[tilespmem:$0x1FED0] =	vst v0;
	v0 =	vbroadcast v8, $0x2  }
0x7e: {  	v56 =	vld.idx.msk [tilespmem:v30+s26+$0x0], $0xffff;
	v30 =	vor.u32 v11, v58  }
0x7f: {  	v31 =	vld.idx.msk [tilespmem:v26+s23+$0x0], $0xffff;
	[tilespmem:$0x1FEF0] =	vst v0;
	v0 =	vbroadcast v8, $0x1  }
0x80: {  	[tilespmem:$0x1FD60] =	vst v42;
	v26 =	vld.idx.msk [tilespmem:v26+s26+$0x0], $0xffff  }
0x81: {  	[tilespmem:$0x1FF00] =	vst v0;
	v0 =	vbroadcast v8, $0x0;
	v8 =	vadd.f32 v39, v37;
	v37 =	vld.idx.msk [tilespmem:v13+s26+$0x0], $0xffff  }
0x82: {  	[tilespmem:$0x1FD10] =	vst v2;
	v2 =	vbroadcast v3, $0x6;
	v13 =	vadd.f32 v16, v12;
	v16 =	vadd.f32 v25, v24;
	v25 =	vld.idx.msk [tilespmem:v38+s23+$0x0], $0xffff  }
0x83: {  	v42 =	vor.u32 v51, v11;
	v39 =	vbroadcast v3, $0xC;
	v38 =	vld.idx.msk [tilespmem:v30+s23+$0x0], $0xffff;
	[tilespmem:$0x1FF10] =	vst v0;
	v0 =	vbroadcast v3, $0x9  }
0x84: {  	[tilespmem:$0x1FF80] =	vst v2;
	v12 =	vld.idx.msk [tilespmem:v30+s26+$0x0], $0xffff  }
0x85: {  	v30 =	vadd.f32 v26, v31;
	v31 =	vmul.f32 v39, v52;
	v39 =	vmul.f32 v0, v52;
	v0 =	vld [tilespmem:$0x1FF80]  }
0x86: {  	[tilespmem:$0x1FDF0] =	vst v44  }
0x87: {  	[tilespmem:$0x1FE90] =	vst v47;
	v28 =	vbroadcast v3, $0xE;
	v2 =	vbroadcast v3, $0x4  }
0x88: {  	[tilespmem:$0x1FF30] =	vst v49;
	v59 =	vbroadcast v3, $0x1;
	v19 =	vld.idx.msk [tilespmem:v42+s23+$0x0], $0xffff;
	v23 =	vor.u32 v11, v44;
	v44 =	vbroadcast v41, $0xA  }
0x89: {  	v47 =	vbroadcast v3, $0xB;
	v49 =	vbroadcast v3, $0x7;
	[tilespmem:$0x1FF90] =	vst v2;
	v29 =	vadd.f32 v29, v46;
	v46 =	vld.idx.msk [tilespmem:v42+s26+$0x0], $0xffff  }
0x8a: {  	[tilespmem:$0x1FE40] =	vst v45;
	v24 =	vadd.f32 v37, v36;
	v37 =	vmul.f32 v44, v52;
	v44 =	vmul.f32 v0, v52;
	v0 =	vld [tilespmem:$0x1FF90]  }
0x8b: {  	[tilespmem:$0x1FF20] =	vst v53;
	v2 =	vbroadcast v3, $0x3;
	v45 =	vbroadcast v3, $0xA  }
0x8c: {  	[tilespmem:$0x1FF40] =	vst v58;
	v33 =	vor.u32 v11, v53;
	v53 =	vbroadcast v3, $0xD;
	v32 =	vbroadcast v3, $0xF  }
0x8d: {  	[tilespmem:$0x1FFB0] =	vst v2;
	v2 =	vbroadcast v3, $0x2;
	v58 =	vbroadcast v3, $0x5  }
0x8e: {  	[tilespmem:$0x1FF70] =	vst v55;
	v3 =	vor.u32 v55, v11;
	v55 =	vmul.f32 v32, v52;
	v32 =	vadd.f32 v56, v15  }
0x8f: {  	v15 =	vadd.f32 v12, v38;
	v12 =	vadd.f32 v46, v19;
	v46 =	vmul.f32 v0, v52;
	v0 =	vld [tilespmem:$0x1FFA0];
	_ =	sdelay $0x2  }
0x90: {  	v53 =	vmul.f32 v53, v52;
	_ =	sdelay $0x1  }
0x91: {  	v53 =	vadd.f32 v0, v53;
	v0 =	vld [tilespmem:$0x1FFB0];
	_ =	sdelay $0x2  }
0x92: {  	[tilespmem:$0x1FDA0] =	vst v43;
	v43 =	vbroadcast v41, $0x6  }
0x93: {  	v38 =	vmul.f32 v45, v52  }
0x94: {  	v45 =	vmul.f32 v43, v52;
	v43 =	vmul.f32 v0, v52;
	v0 =	vld [tilespmem:$0x1FFC0]  }
0x95: {  	v18 =	vor.u32 v11, v62;
	[tilespmem:$0x1FFE0] =	vst v2;
	v2 =	vbroadcast v41, $0xE;
	v17 =	vld.idx.msk [tilespmem:v33+s23+$0x0], $0xffff  }
0x96: {  	[tilespmem:$0x1FF50] =	vst v51;
	v22 =	vbroadcast v41, $0xB;
	v20 =	vadd.f32 v21, v7;
	v7 =	vbroadcast v41, $0x3;
	v27 =	vld.idx.msk [tilespmem:v23+s23+$0x0], $0xffff  }
0x97: {  	[tilespmem:$0x1FF60] =	vst v62;
	v35 =	vbroadcast v41, $0x9;
	v34 =	vld.idx.msk [tilespmem:v23+s26+$0x0], $0xffff;
	v56 =	vmul.f32 v2, v52  }
0x98: {  	v62 =	vbroadcast v41, $0x2;
	v51 =	vbroadcast v41, $0xD;
	v33 =	vld.idx.msk [tilespmem:v33+s26+$0x0], $0xffff;
	[tilespmem:$0x1FFD0] =	vst v7  }
0x99: {  	v35 =	vmul.f32 v35, v52;
	v2 =	vadd.f32 v50, v55;
	v55 =	vadd.f32 v0, v56;
	v0 =	vld [tilespmem:$0x1FFD0]  }
0x9a: {  	v21 =	vbroadcast v41, $0xC;
	v42 =	vbroadcast v41, $0x5;
	v26 =	vld.idx.msk [tilespmem:v18+s26+$0x0], $0xffff  }
0x9b: {  	[tilespmem:$0x1FEE0] =	vst v48;
	v23 =	vbroadcast v41, $0xF;
	v48 =	vbroadcast v41, $0x4;
	v36 =	vld.idx.msk [tilespmem:v18+s23+$0x0], $0xffff  }
0x9c: {  	v27 =	vadd.f32 v34, v27;
	v34 =	vbroadcast v41, $0x7;
	v11 =	vbroadcast v41, $0x1;
	v41 =	vld.idx.msk [tilespmem:v3+s23+$0x0], $0xffff  }
0x9d: {  	v7 =	vmul.f32 v28, v52;
	v17 =	vadd.f32 v33, v17;
	v33 =	vmul.f32 v47, v52;
	v3 =	vld.idx.msk [tilespmem:v3+s26+$0x0], $0xffff  }
0x9e: {  	v47 =	vmul.f32 v42, v52;
	v42 =	vmul.f32 v0, v52;
	v0 =	vld [tilespmem:$0x1FFE0]  }
0x9f: {  	v28 =	vmul.f32 v21, v52;
	v48 =	vmul.f32 v48, v52  }
0xa0: {  	v61 =	vadd.f32 v61, v7;
	v18 =	vmul.f32 v23, v52;
	v23 =	vmul.f32 v51, v52  }
0xa1: {  	v25 =	vadd.f32 v40, v25;
	v40 =	vmul.f32 v34, v52;
	v21 =	vadd.f32 v26, v36  }
0xa2: {  	v36 =	vmul.f32 v22, v52;
	v22 =	vmul.f32 v62, v52;
	v62 =	vimm.f32 $0.0e+00  }
0xa3: {  	v26 =	vadd.f32 v3, v41;
	v34 =	vmul.f32 v0, v52;
	v0 =	vimm.f32 $0.0e+00  }
0xa4: {  	s15 =	simm.s32 $0x1F;
	v41 =	vmul.f32 v49, v52;
	v49 =	vmul.f32 v58, v52;
	v58 =	vadd.f32 v63, v18;
	[tilespmem:$0x1FFF0] =	vst v0  }
.LBB2_4:
0xa5: {  	_ =	sdelay $0x3  }
0xa6: {  	v0 =	vadd.f32 v14, v23;
	v23 =	vmul.f32 v11, v52;
	v11 =	vadd.f32 v57, v33;
	v57 =	vld [tilespmem:$0x1FCE0];
	_ =	sdelay $0x2  }
0xa7: {  	v50 =	vld [tilespmem:$0x1FCD0];
	_ =	sdelay $0x1  }
0xa8: {  	v3 =	vadd.f32 v4, v28;
	v56 =	vld [tilespmem:$0x1FD40];
	v28 =	vmul.f32 $2.000000030e-01, v57;
	_ =	sdelay $0x1  }
0xa9: {  	v28 =	vmax.f32 v57, v28  }
0xaa: {  	v28 =	vmul.f32 v28, v50;
	v50 =	vld [tilespmem:$0x1FF10]  }
0xab: {  	v63 =	vmul.f32 v59, v52;
	v59 =	vld [tilespmem:$0x1FD20]  }
0xac: {  	v19 =	vadd.f32 v13, v35;
	v35 =	vmul.f32 $2.000000030e-01, v56;
	_ =	sdelay $0x1  }
0xad: {  	v51 =	vld [tilespmem:$0x1FD00];
	v12 =	vadd.f32 v12, v22;
	v22 =	vmax.f32 v56, v35  }
0xae: {  	v23 =	vadd.f32 v26, v23;
	v22 =	vmul.f32 v22, v50;
	v50 =	vld [tilespmem:$0x1FF00]  }
0xaf: {  	v7 =	vadd.f32 v1, v31;
	v31 =	vmul.f32 $2.000000030e-01, v59  }
0xb0: {  	v15 =	vadd.f32 v15, v34;
	v35 =	vmul.f32 $2.000000030e-01, v23  }
0xb1: {  	v31 =	vmax.f32 v59, v31;
	v59 =	vld [tilespmem:$0x1FDD0]  }
0xb2: {  	v21 =	vadd.f32 v21, v63;
	v63 =	vmul.f32 $2.000000030e-01, v15;
	v23 =	vmax.f32 v23, v35;
	v57 =	vld [tilespmem:$0x1FE70]  }
0xb3: {  	v33 =	vmul.f32 $2.000000030e-01, v51;
	v22 =	vadd.f32 v22, v62;
	v23 =	vmul.f32 v23, v50  }
0xb4: {  	v15 =	vmax.f32 v15, v63;
	v63 =	vld [tilespmem:$0x1FFF0]  }
0xb5: {  	v33 =	vmax.f32 v51, v33;
	v22 =	vadd.f32 v23, v22;
	v23 =	vld [tilespmem:$0x1FEF0]  }
0xb6: {  	v25 =	vadd.f32 v25, v42;
	v51 =	vmul.f32 $2.000000030e-01, v21;
	v33 =	vmul.f32 v33, v59;
	v59 =	vld [tilespmem:$0x1FDC0]  }
0xb7: {  	v31 =	vmul.f32 v31, v57;
	v57 =	vmul.f32 $2.000000030e-01, v12  }
0xb8: {  	v27 =	vadd.f32 v27, v49;
	v49 =	vmul.f32 $2.000000030e-01, v25;
	v21 =	vmax.f32 v21, v51;
	v51 =	vld [tilespmem:$0x1FDB0]  }
0xb9: {  	v12 =	vmax.f32 v12, v57  }
0xba: {  	v17 =	vadd.f32 v17, v43;
	v12 =	vmul.f32 v12, v23;
	v23 =	vmax.f32 v25, v49;
	v25 =	vld [tilespmem:$0x1FD90]  }
0xbb: {  	v33 =	vadd.f32 v33, v63;
	v21 =	vmul.f32 v21, v59  }
0xbc: {  	v32 =	vadd.f32 v32, v48;
	v48 =	vmul.f32 $2.000000030e-01, v17  }
0xbd: {  	v15 =	vmul.f32 v15, v51;
	v21 =	vadd.f32 v21, v33  }
0xbe: {  	v17 =	vmax.f32 v17, v48  }
0xbf: {  	v15 =	vadd.f32 v15, v21;
	v21 =	vld [tilespmem:$0x1FED0];
	v17 =	vmul.f32 v17, v25;
	_ =	sdelay $0x1  }
0xc0: {  	v15 =	vadd.f32 v17, v15;
	v17 =	vld [tilespmem:$0x1FEC0];
	_ =	sdelay $0x1  }
0xc1: {  	v30 =	vadd.f32 v30, v47;
	v47 =	vmul.f32 $2.000000030e-01, v32  }
0xc2: {  	v21 =	vmul.f32 v23, v21;
	v12 =	vadd.f32 v12, v22  }
0xc3: {  	v22 =	vmax.f32 v32, v47  }
0xc4: {  	v12 =	vadd.f32 v21, v12;
	v17 =	vmul.f32 v22, v17;
	_ =	sdelay $0x1  }
0xc5: {  	v12 =	vadd.f32 v17, v12;
	v17 =	vld [tilespmem:$0x1FEB0];
	_ =	sdelay $0x1  }
0xc6: {  	v24 =	vadd.f32 v24, v46;
	v46 =	vmul.f32 $2.000000030e-01, v30  }
0xc7: {  	v23 =	vld [tilespmem:$0x1FD80]  }
0xc8: {  	v21 =	vmax.f32 v30, v46  }
0xc9: {  	v26 =	vmul.f32 $2.000000030e-01, v24;
	v17 =	vmul.f32 v21, v17  }
0xca: {  	v22 =	vld [tilespmem:$0x1FD70]  }
0xcb: {  	v29 =	vadd.f32 v29, v45;
	v24 =	vmax.f32 v24, v26;
	v12 =	vadd.f32 v17, v12;
	v17 =	vld [tilespmem:$0x1FEA0]  }
0xcc: {  	v18 =	vadd.f32 v9, v39;
	v45 =	vmul.f32 $2.000000030e-01, v27;
	v23 =	vmul.f32 v24, v23  }
0xcd: {  	v9 =	vadd.f32 v8, v37;
	v37 =	vadd.f32 v16, v44;
	v44 =	vmul.f32 $2.000000030e-01, v29  }
0xce: {  	v24 =	vmax.f32 v27, v45;
	v15 =	vadd.f32 v23, v15;
	v23 =	vld [tilespmem:$0x1FD50]  }
0xcf: {  	v14 =	vadd.f32 v5, v38;
	v22 =	vmul.f32 v24, v22;
	v21 =	vmax.f32 v29, v44  }
0xd0: {  	v5 =	vadd.f32 v6, v36;
	v34 =	vmul.f32 $2.000000030e-01, v37;
	v17 =	vmul.f32 v21, v17  }
0xd1: {  	v36 =	vadd.f32 v10, v41;
	v15 =	vadd.f32 v22, v15;
	v22 =	vld [tilespmem:$0x1FD10]  }
0xd2: {  	v38 =	vadd.f32 v20, v40;
	v24 =	vmax.f32 v37, v34;
	v12 =	vadd.f32 v17, v12;
	v17 =	vld [tilespmem:$0x1FE80]  }
0xd3: {  	v42 =	vmul.f32 $2.000000030e-01, v36;
	v23 =	vmul.f32 v24, v23  }
0xd4: {  	v43 =	vmul.f32 $2.000000030e-01, v38  }
0xd5: {  	v24 =	vmax.f32 v36, v42;
	v15 =	vadd.f32 v23, v15  }
0xd6: {  	v23 =	vmul.f32 $2.000000030e-01, v19;
	v22 =	vmul.f32 v24, v22;
	v21 =	vmax.f32 v38, v43  }
0xd7: {  	v24 =	vmul.f32 $2.000000030e-01, v18;
	v17 =	vmul.f32 v21, v17;
	_ =	sdelay $0x1  }
0xd8: {  	v12 =	vadd.f32 v17, v12;
	v17 =	vmax.f32 v18, v24;
	v18 =	vmax.f32 v19, v23;
	v19 =	vld [tilespmem:$0x1FCC0];
	_ =	sdelay $0x2  }
0xd9: {  	v15 =	vadd.f32 v22, v15;
	_ =	sdelay $0x1  }
0xda: {  	v15 =	vadd.f32 v28, v15;
	v17 =	vmul.f32 v17, v19;
	v19 =	vld [tilespmem:$0x1FE60];
	_ =	sdelay $0x1  }
0xdb: {  	v15 =	vadd.f32 v17, v15;
	v17 =	vld [tilespmem:$0x1FE50];
	_ =	sdelay $0x1  }
0xdc: {  	v25 =	vmul.f32 $2.000000030e-01, v9  }
0xdd: {  	v12 =	vadd.f32 v31, v12;
	v18 =	vmul.f32 v18, v19  }
0xde: {  	v9 =	vmax.f32 v9, v25  }
0xdf: {  	v12 =	vadd.f32 v18, v12;
	v9 =	vmul.f32 v9, v17;
	_ =	sdelay $0x1  }
0xe0: {  	v9 =	vadd.f32 v9, v12;
	v12 =	vld [tilespmem:$0x1FE30];
	_ =	sdelay $0x1  }
0xe1: {  	v40 =	vmul.f32 $2.000000030e-01, v5;
	_ =	sdelay $0x1  }
0xe2: {  	v5 =	vmax.f32 v5, v40  }
0xe3: {  	v5 =	vmul.f32 v5, v12;
	_ =	sdelay $0x1  }
0xe4: {  	v5 =	vadd.f32 v5, v9;
	v9 =	vld [tilespmem:$0x1FE20];
	_ =	sdelay $0x1  }
0xe5: {  	v16 =	vmul.f32 $2.000000030e-01, v3;
	_ =	sdelay $0x1  }
0xe6: {  	v3 =	vmax.f32 v3, v16  }
0xe7: {  	v3 =	vmul.f32 v3, v9;
	_ =	sdelay $0x1  }
0xe8: {  	v4 =	vmul.f32 $2.000000030e-01, v2;
	v3 =	vadd.f32 v3, v5;
	v5 =	vld [tilespmem:$0x1FE10];
	_ =	sdelay $0x1  }
0xe9: {  	v10 =	vmul.f32 $2.000000030e-01, v0;
	v4 =	vmax.f32 v2, v4;
	v2 =	vld [tilespmem:$0x1FE00];
	_ =	sdelay $0x1  }
0xea: {  	v6 =	vmul.f32 $2.000000030e-01, v55;
	v0 =	vmax.f32 v0, v10  }
0xeb: {  	v0 =	vmul.f32 v0, v5  }
0xec: {  	v5 =	vmax.f32 v55, v6  }
0xed: {  	v0 =	vadd.f32 v0, v3;
	v3 =	vmul.f32 v5, v2  }
0xee: {  	v2 =	vld [tilespmem:$0x1FC60]  }
0xef: {  	v0 =	vadd.f32 v3, v0;
	v3 =	vld [tilespmem:$0x1FDE0];
	_ =	sdelay $0x1  }
0xf0: {  	v1 =	vmul.f32 $2.000000030e-01, v58  }
0xf1: {  	s16 =	sadd.s32 $0xFFFFFFF9, s15;
	v26 =	vld [tilespmem:$0x1FC80]  }
0xf2: {  	v1 =	vmax.f32 v58, v1;
	v19 =	vld [tilespmem:$0x1FCB0];
	v5 =	vor.u32 s16, v2  }
0xf3: {  	v1 =	vmul.f32 v1, v3  }
0xf4: {  	v41 =	vmul.f32 $2.000000030e-01, v14;
	v17 =	vld [tilespmem:$0x1FCA0]  }
0xf5: {  	v0 =	vadd.f32 v1, v0  }
0xf6: {  	v14 =	vmax.f32 v14, v41;
	v39 =	vmul.f32 $2.000000030e-01, v11;
	v21 =	vor.u32 s16, v26;
	v12 =	vld [tilespmem:$0x1FC90];
	s16 =	sadd.s32 $0xFFFFFFF1, s15  }
0xf7: {  	v14 =	vmul.f32 v14, v19;
	[tilespmem:$0x1FBB0] =	vst v0;
	v0 =	vor.u32 s16, v2;
	v2 =	vld.idx.msk [tilespmem:v5+s23+$0x0], $0xffff  }
0xf8: {  	v8 =	vmul.f32 $2.000000030e-01, v61;
	v20 =	vmul.f32 $2.000000030e-01, v7;
	v11 =	vmax.f32 v11, v39  }
0xf9: {  	v11 =	vmul.f32 v11, v17;
	v14 =	vadd.f32 v14, v15  }
0xfa: {  	v13 =	vmul.f32 $2.000000030e-01, v53;
	v8 =	vmax.f32 v61, v8;
	v7 =	vmax.f32 v7, v20  }
0xfb: {  	v11 =	vadd.f32 v11, v14;
	v7 =	vmul.f32 v7, v12;
	v6 =	vmul.f32 v8, v54;
	v8 =	vld [tilespmem:$0x1FC70]  }
0xfc: {  	v12 =	vmax.f32 v53, v13;
	[tilespmem:$0x1F9D0] =	vst v2;
	v2 =	vld.idx.msk [tilespmem:v5+s26+$0x0], $0xffff  }
0xfd: {  	v9 =	vmul.f32 v12, v60;
	v7 =	vadd.f32 v7, v11  }
0xfe: {  	v3 =	vor.u32 s16, v26  }
0xff: {  	v7 =	vadd.f32 v9, v7;
	v1 =	vld.idx.msk [tilespmem:v21+s26+$0x0], $0xffff;
	_ =	sdelay $0x1  }
0x100: {  	v6 =	vadd.f32 v6, v7;
	v4 =	vmul.f32 v4, v8;
	[tilespmem:$0x1F9E0] =	vst v2;
	v2 =	vld [tilespmem:$0x1FCF0]  }
0x101: {  	v7 =	vmov s15;
	v8 =	vld [tilespmem:$0x1FD30]  }
0x102: {  	v7 =	vand.u32 $0x38, v7;
	v4 =	vadd.f32 v4, v6;
	v6 =	vld.idx.msk [tilespmem:v3+s23+$0x0], $0xffff  }
0x103: {  	v3 =	vld.idx.msk [tilespmem:v3+s26+$0x0], $0xffff;
	[tilespmem:$0x1F9C0] =	vst v1;
	v1 =	vbroadcast v7, $0x0;
	_ =	sdelay $0x1  }
0x104: {  	s20 =	sadd.s32 $0xFFFFFFFF, s15;
	v5 =	vor.u32 v1, v2  }
0x105: {  	[tilespmem:$0x1FFF0] =	vst v4;
	v4 =	vmov s20  }
0x106: {  	v4 =	vand.u32 $0x38, v4  }
0x107: {  	[tilespmem:$0x1FA00] =	vst v3;
	v3 =	vbroadcast v4, $0x0;
	v4 =	vor.u32 v8, v1;
	v1 =	vld.idx.msk [tilespmem:v0+s23+$0x0], $0xffff  }
0x108: {  	v0 =	vld.idx.msk [tilespmem:v0+s26+$0x0], $0xffff  }
0x109: {  	v7 =	vld.idx.msk [tilespmem:v5+s23+$0x0], $0xffff;
	_ =	sdelay $0x1  }
0x10a: {  	s31 =	sadd.s32 $0xFFFFFFFE, s15  }
0x10b: {  	[tilespmem:$0x1FA10] =	vst v1;
	v1 =	vmov s31  }
0x10c: {  	[tilespmem:$0x1FA20] =	vst v0;
	v0 =	vld [tilespmem:$0x1FD60];
	v1 =	vand.u32 $0x38, v1  }
0x10d: {  	[tilespmem:$0x1FA30] =	vst v7;
	v7 =	vbroadcast v1, $0x0;
	v1 =	vld [tilespmem:$0x1FDA0];
	_ =	sdelay $0x4  }
0x10e: {  	[tilespmem:$0x1F9F0] =	vst v6;
	v6 =	vor.u32 v3, v0;
	v9 =	vor.u32 v1, v3;
	v3 =	vld.idx.msk [tilespmem:v4+s23+$0x0], $0xffff;
	_ =	sdelay $0x4  }
0x10f: {  	[tilespmem:$0x1FA40] =	vst v3;
	v3 =	vld [tilespmem:$0x1FDF0]  }
0x110: {  	s20 =	sadd.s32 $0xFFFFFFFB, s15;
	s31 =	sadd.s32 $0xFFFFFFFD, s15  }
0x111: {  	s1 =	sadd.s32 $0xFFFFFFFA, s15;
	v60 =	vld.idx.msk [tilespmem:v5+s26+$0x0], $0xffff;
	v5 =	vmov s20;
	v11 =	vmov s31  }
0x112: {  	v13 =	vmov s1;
	v15 =	vand.u32 $0x38, v5;
	v5 =	vand.u32 $0x38, v11;
	v50 =	vld.idx.msk [tilespmem:v6+s23+$0x0], $0xffff  }
0x113: {  	v11 =	vand.u32 $0x38, v13;
	v13 =	vbroadcast v5, $0x0;
	v5 =	vld.idx.msk [tilespmem:v6+s26+$0x0], $0xffff  }
0x114: {  	v6 =	vld.idx.msk [tilespmem:v9+s26+$0x0], $0xffff;
	v14 =	vor.u32 v7, v3;
	_ =	sdelay $0x2  }
0x115: {  	s10 =	sadd.s32 $0x10, s10  }
0x116: {  	v51 =	vld [tilespmem:s10+$0xFFFFFFC0]  }
0x117: {  	[tilespmem:$0x1FA90] =	vst v6;
	v6 =	vld.idx.msk [tilespmem:v14+s23+$0x0], $0xffff;
	_ =	sdelay $0x1  }
0x118: {  	v54 =	vld [tilespmem:s10+$0x0];
	_ =	sdelay $0x2  }
0x119: {  	[tilespmem:$0x1FA60] =	vst v6;
	v6 =	vbroadcast v51, $0xF;
	_ =	sdelay $0x1  }
0x11a: {  	v61 =	vld.idx.msk [tilespmem:v4+s26+$0x0], $0xffff;
	[tilespmem:$0x1FC70] =	vst v6;
	v6 =	vbroadcast v54, $0xF  }
0x11b: {  	v4 =	vld [tilespmem:$0x1FE40]  }
0x11c: {  	[tilespmem:$0x1FDE0] =	vst v6;
	v6 =	vld.idx.msk [tilespmem:v14+s26+$0x0], $0xffff;
	_ =	sdelay $0x3  }
0x11d: {  	v7 =	vor.u32 v4, v7  }
0x11e: {  	[tilespmem:$0x1FA70] =	vst v6;
	v6 =	vbroadcast v51, $0xE;
	_ =	sdelay $0x1  }
0x11f: {  	[tilespmem:$0x1FC20] =	vst v6;
	v6 =	vbroadcast v54, $0xE;
	_ =	sdelay $0x1  }
0x120: {  	[tilespmem:$0x1FE00] =	vst v6;
	v6 =	vld.idx.msk [tilespmem:v7+s23+$0x0], $0xffff;
	_ =	sdelay $0x2  }
0x121: {  	[tilespmem:$0x1FA50] =	vst v5;
	v5 =	vld.idx.msk [tilespmem:v9+s23+$0x0], $0xffff;
	_ =	sdelay $0x1  }
0x122: {  	[tilespmem:$0x1FAB0] =	vst v6;
	v6 =	vbroadcast v51, $0xD;
	_ =	sdelay $0x1  }
0x123: {  	[tilespmem:$0x1FBF0] =	vst v6;
	v6 =	vbroadcast v54, $0xD  }
0x124: {  	[tilespmem:$0x1FA80] =	vst v5;
	v5 =	vld [tilespmem:$0x1FE90]  }
0x125: {  	[tilespmem:$0x1FE10] =	vst v6;
	v6 =	vbroadcast v51, $0xC;
	_ =	sdelay $0x1  }
0x126: {  	v12 =	vmov s16;
	[tilespmem:$0x1FC90] =	vst v6;
	v6 =	vbroadcast v54, $0xC  }
0x127: {  	v12 =	vand.u32 $0x30, v12  }
0x128: {  	v23 =	vbroadcast v12, $0x0;
	v12 =	vor.u32 v13, v5;
	[tilespmem:$0x1FE20] =	vst v6;
	v6 =	vld.idx.msk [tilespmem:v7+s26+$0x0], $0xffff;
	_ =	sdelay $0x3  }
0x129: {  	v19 =	vbroadcast v15, $0x0;
	v15 =	vld [tilespmem:$0x1FEE0]  }
0x12a: {  	[tilespmem:$0x1FAC0] =	vst v6;
	v6 =	vld.idx.msk [tilespmem:v12+s23+$0x0], $0xffff;
	_ =	sdelay $0x3  }
0x12b: {  	v20 =	vor.u32 v15, v13  }
0x12c: {  	[tilespmem:$0x1FAA0] =	vst v6;
	v6 =	vbroadcast v51, $0xB;
	_ =	sdelay $0x1  }
0x12d: {  	[tilespmem:$0x1FCA0] =	vst v6;
	v6 =	vbroadcast v54, $0xB;
	_ =	sdelay $0x1  }
0x12e: {  	[tilespmem:$0x1FE30] =	vst v6;
	v6 =	vld.idx.msk [tilespmem:v20+s23+$0x0], $0xffff;
	_ =	sdelay $0x3  }
0x12f: {  	s25 =	sadd.s32 $0xFFFFFFFC, s15;
	v22 =	vld [tilespmem:$0x1FF20]  }
0x130: {  	v10 =	vmov s25;
	[tilespmem:$0x1FAF0] =	vst v6;
	v6 =	vbroadcast v51, $0xA  }
0x131: {  	v10 =	vand.u32 $0x38, v10  }
0x132: {  	v17 =	vbroadcast v10, $0x0;
	[tilespmem:$0x1FCB0] =	vst v6;
	v6 =	vbroadcast v54, $0xA;
	_ =	sdelay $0x1  }
0x133: {  	v24 =	vor.u32 v17, v22;
	[tilespmem:$0x1FE50] =	vst v6;
	v6 =	vld.idx.msk [tilespmem:v20+s26+$0x0], $0xffff;
	_ =	sdelay $0x4  }
0x134: {  	[tilespmem:$0x1FB00] =	vst v6;
	v6 =	vld.idx.msk [tilespmem:v24+s23+$0x0], $0xffff;
	_ =	sdelay $0x2  }
0x135: {  	v34 =	vld [tilespmem:$0x1FF40]  }
0x136: {  	v18 =	vld [tilespmem:$0x1FF30]  }
0x137: {  	v14 =	vld [tilespmem:$0x1FF50];
	[tilespmem:$0x1FAD0] =	vst v6;
	v6 =	vbroadcast v51, $0x9;
	_ =	sdelay $0x1  }
0x138: {  	[tilespmem:$0x1FCC0] =	vst v6;
	v6 =	vbroadcast v54, $0x9;
	_ =	sdelay $0x1  }
0x139: {  	v25 =	vor.u32 v18, v17;
	[tilespmem:$0x1FE60] =	vst v6;
	v6 =	vld.idx.msk [tilespmem:v24+s26+$0x0], $0xffff  }
0x13a: {  	v26 =	vor.u32 v19, v34;
	v27 =	vor.u32 v14, v19;
	v19 =	vld [tilespmem:$0x1FF60];
	_ =	sdelay $0x2  }
0x13b: {  	v11 =	vbroadcast v11, $0x0  }
0x13c: {  	[tilespmem:$0x1FAE0] =	vst v6;
	v6 =	vld.idx.msk [tilespmem:v25+s23+$0x0], $0xffff  }
0x13d: {  	v45 =	vor.u32 v23, v2;
	v29 =	vor.u32 v11, v19;
	v2 =	vld.idx.msk [tilespmem:v27+s26+$0x0], $0xffff;
	_ =	sdelay $0x1  }
0x13e: {  	v7 =	vld [tilespmem:$0x1FF70];
	_ =	sdelay $0x1  }
0x13f: {  	[tilespmem:$0x1FB30] =	vst v6;
	v6 =	vbroadcast v51, $0x8  }
0x140: {  	[tilespmem:$0x1FB70] =	vst v2;
	v2 =	vld.idx.msk [tilespmem:v29+s23+$0x0], $0xffff  }
0x141: {  	[tilespmem:$0x1FCD0] =	vst v6;
	v6 =	vbroadcast v54, $0x8  }
0x142: {  	v11 =	vor.u32 v7, v11  }
0x143: {  	s11 =	sadd.s32 $0x10, s11;
	[tilespmem:$0x1FE70] =	vst v6;
	v6 =	vld.idx.msk [tilespmem:v25+s26+$0x0], $0xffff  }
0x144: {  	v56 =	vld [tilespmem:s11+$0x0]  }
0x145: {  	[tilespmem:$0x1FB50] =	vst v2;
	v2 =	vbroadcast v51, $0x5;
	_ =	sdelay $0x1  }
0x146: {  	v58 =	vor.u32 v23, v0;
	[tilespmem:$0x1FD70] =	vst v2;
	v2 =	vbroadcast v54, $0x5;
	v0 =	vld.idx.msk [tilespmem:v11+s26+$0x0], $0xffff  }
0x147: {  	v55 =	vor.u32 v8, v23;
	[tilespmem:$0x1FB40] =	vst v6;
	v6 =	vld.idx.msk [tilespmem:v26+s23+$0x0], $0xffff  }
0x148: {  	[tilespmem:$0x1FEB0] =	vst v2;
	v2 =	vld.idx.msk [tilespmem:v11+s23+$0x0], $0xffff;
	v11 =	vor.u32 v1, v23;
	v1 =	vor.u32 v4, v23;
	v4 =	vbroadcast v56, $0x4;
	_ =	sdelay $0x1  }
0x149: {  	[tilespmem:$0x1FBA0] =	vst v4  }
0x14a: {  	v59 =	vld.idx.msk [tilespmem:v21+s23+$0x0], $0xffff;
	[tilespmem:$0x1FB90] =	vst v0;
	v0 =	vbroadcast v51, $0x3  }
0x14b: {  	v53 =	vld [tilespmem:s11+$0xFFFFFFC0];
	[tilespmem:$0x1FB10] =	vst v6;
	v6 =	vbroadcast v51, $0x7  }
0x14c: {  	v47 =	vld.idx.msk [tilespmem:v55+s26+$0x0], $0xffff;
	[tilespmem:$0x1FD90] =	vst v0;
	v0 =	vbroadcast v54, $0x3  }
0x14d: {  	v40 =	vbroadcast v56, $0xD;
	v16 =	vld.idx.msk [tilespmem:v58+s26+$0x0], $0xffff;
	[tilespmem:$0x1FD10] =	vst v6;
	v6 =	vbroadcast v54, $0x7  }
0x14e: {  	v35 =	vbroadcast v56, $0x9;
	v62 =	vld.idx.msk [tilespmem:v12+s26+$0x0], $0xffff;
	v4 =	vbroadcast v51, $0x0;
	[tilespmem:$0x1FED0] =	vst v0  }
0x14f: {  	v49 =	vbroadcast v56, $0x8;
	v0 =	vbroadcast v51, $0x2;
	[tilespmem:$0x1FE80] =	vst v6;
	v6 =	vld.idx.msk [tilespmem:v26+s26+$0x0], $0xffff  }
0x150: {  	v32 =	vbroadcast v56, $0x5;
	[tilespmem:$0x1FDD0] =	vst v4;
	v4 =	vbroadcast v54, $0x0;
	v17 =	vld.idx.msk [tilespmem:v11+s26+$0x0], $0xffff  }
0x151: {  	v30 =	vbroadcast v56, $0x6;
	v46 =	vld.idx.msk [tilespmem:v1+s23+$0x0], $0xffff;
	[tilespmem:$0x1FDB0] =	vst v0;
	v0 =	vbroadcast v54, $0x2  }
0x152: {  	v37 =	vbroadcast v56, $0xA;
	v42 =	vbroadcast v56, $0xC;
	v12 =	vld.idx.msk [tilespmem:v1+s26+$0x0], $0xffff;
	[tilespmem:$0x1FF10] =	vst v4  }
0x153: {  	v36 =	vbroadcast v56, $0xB;
	v31 =	vbroadcast v56, $0xF;
	v4 =	vor.u32 v18, v23;
	v18 =	vld [tilespmem:$0x1F9E0];
	[tilespmem:$0x1FEF0] =	vst v0  }
0x154: {  	v38 =	vbroadcast v56, $0xE;
	v28 =	vbroadcast v53, $0xF;
	v0 =	vor.u32 v23, v3;
	[tilespmem:$0x1FB20] =	vst v6;
	v6 =	vld.idx.msk [tilespmem:v27+s23+$0x0], $0xffff  }
0x155: {  	v33 =	vbroadcast v53, $0xE;
	v1 =	vmul.f32 v31, v52;
	v27 =	vld.idx.msk [tilespmem:v55+s23+$0x0], $0xffff  }
0x156: {  	v39 =	vbroadcast v53, $0xD;
	[tilespmem:$0x1FB80] =	vst v2;
	v2 =	vbroadcast v51, $0x4;
	v55 =	vor.u32 v14, v23;
	v14 =	vld [tilespmem:$0x1F9D0]  }
0x157: {  	v41 =	vbroadcast v53, $0xC;
	v43 =	vbroadcast v53, $0xB;
	[tilespmem:$0x1FBE0] =	vst v1;
	v1 =	vld [tilespmem:$0x1F9C0]  }
0x158: {  	v44 =	vbroadcast v53, $0xA;
	[tilespmem:$0x1FD80] =	vst v2;
	v2 =	vbroadcast v54, $0x4;
	v20 =	vld.idx.msk [tilespmem:v58+s23+$0x0], $0xffff  }
0x159: {  	v57 =	vbroadcast v53, $0x9;
	v48 =	vbroadcast v53, $0x8;
	v3 =	vor.u32 v15, v23;
	v15 =	vld.idx.msk [tilespmem:v0+s23+$0x0], $0xffff  }
0x15a: {  	v10 =	vbroadcast v53, $0x6;
	[tilespmem:$0x1FEC0] =	vst v2;
	v2 =	vbroadcast v51, $0x1;
	v24 =	vld.idx.msk [tilespmem:v11+s23+$0x0], $0xffff  }
0x15b: {  	v58 =	vor.u32 v7, v23;
	v7 =	vmul.f32 v38, v52;
	v38 =	vadd.f32 v18, v14;
	v14 =	vld [tilespmem:$0x1F9F0]  }
0x15c: {  	v21 =	vbroadcast v53, $0x1;
	v11 =	vbroadcast v53, $0x2;
	v18 =	vld [tilespmem:$0x1FA00]  }
0x15d: {  	v8 =	vbroadcast v56, $0x7;
	[tilespmem:$0x1FDC0] =	vst v2;
	v63 =	vld.idx.msk [tilespmem:v0+s26+$0x0], $0xffff;
	v0 =	vbroadcast v56, $0x1  }
0x15e: {  	v9 =	vld.idx.msk [tilespmem:v29+s26+$0x0], $0xffff;
	v29 =	vbroadcast v53, $0x5;
	[tilespmem:$0x1FBD0] =	vst v11;
	v11 =	vbroadcast v56, $0x2  }
0x15f: {  	v31 =	vmul.f32 v41, v52;
	v41 =	vmul.f32 v48, v52;
	[tilespmem:$0x1FC40] =	vst v0  }
0x160: {  	v2 =	vbroadcast v54, $0x1;
	v1 =	vadd.f32 v1, v59;
	v0 =	vbroadcast v53, $0x0;
	[tilespmem:$0x1FC00] =	vst v11  }
0x161: {  	v11 =	vmul.f32 v39, v52;
	[tilespmem:$0x1FB60] =	vst v6;
	v6 =	vbroadcast v51, $0x6;
	v39 =	vadd.f32 v18, v14;
	v14 =	vld [tilespmem:$0x1FA10]  }
0x162: {  	v48 =	vmul.f32 v49, v52;
	[tilespmem:$0x1FF00] =	vst v2;
	v2 =	vor.u32 v23, v5;
	v5 =	vbroadcast v56, $0x3;
	v18 =	vld [tilespmem:$0x1FA20]  }
0x163: {  	v1 =	vadd.f32 v1, v41;
	v0 =	vmul.f32 v0, v52;
	[tilespmem:$0x1FD50] =	vst v6;
	v6 =	vbroadcast v54, $0x6  }
0x164: {  	[tilespmem:$0x1FBC0] =	vst v5;
	v5 =	vor.u32 v23, v34;
	v25 =	vbroadcast v53, $0x4;
	v26 =	vbroadcast v53, $0x3  }
0x165: {  	[tilespmem:$0x1FEA0] =	vst v6;
	v6 =	vbroadcast v53, $0x7;
	v53 =	vbroadcast v56, $0x0;
	v0 =	vadd.f32 v39, v0  }
0x166: {  	v51 =	vor.u32 v23, v22;
	v56 =	vor.u32 v23, v19;
	v23 =	vmul.f32 v40, v52  }
0x167: {  	v59 =	vmul.f32 v53, v52;
	[tilespmem:$0x1FD00] =	vst v0;
	v0 =	vadd.f32 v38, v48;
	v40 =	vadd.f32 v18, v14  }
0x168: {  	[tilespmem:$0x1FCE0] =	vst v1  }
0x169: {  	v1 =	vld [tilespmem:$0x1FA40];
	[tilespmem:$0x1FD20] =	vst v0;
	v0 =	vadd.f32 v40, v59  }
0x16a: {  	v14 =	vld [tilespmem:$0x1FA30]  }
0x16b: {  	[tilespmem:$0x1FD40] =	vst v0;
	v0 =	vld [tilespmem:$0x1FA50];
	_ =	sdelay $0x1  }
0x16c: {  	v34 =	vmul.f32 v28, v52;
	v28 =	vmul.f32 v42, v52;
	v42 =	vld.idx.msk [tilespmem:v51+s23+$0x0], $0xffff  }
0x16d: {  	v22 =	vmul.f32 v33, v52;
	v33 =	vmul.f32 v43, v52;
	v43 =	vld.idx.msk [tilespmem:v51+s26+$0x0], $0xffff  }
0x16e: {  	v51 =	vadd.f32 v60, v14;
	v60 =	vadd.f32 v61, v1;
	v1 =	vld [tilespmem:$0x1FA70]  }
0x16f: {  	v18 =	vadd.f32 v0, v50;
	v0 =	vld [tilespmem:$0x1FA60];
	_ =	sdelay $0x4  }
0x170: {  	v54 =	vadd.f32 v1, v0;
	v0 =	vld [tilespmem:$0x1FA80]  }
0x171: {  	v1 =	vld [tilespmem:$0x1FA90];
	_ =	sdelay $0x4  }
0x172: {  	[tilespmem:$0x1FC10] =	vst v11;
	v11 =	vadd.f32 v1, v0;
	v1 =	vld [tilespmem:$0x1FAA0];
	_ =	sdelay $0x1  }
0x173: {  	v53 =	vld.idx.msk [tilespmem:v4+s23+$0x0], $0xffff  }
0x174: {  	v61 =	vld.idx.msk [tilespmem:v4+s26+$0x0], $0xffff  }
0x175: {  	v4 =	vld [tilespmem:$0x1FAC0]  }
0x176: {  	v50 =	vadd.f32 v62, v1;
	v1 =	vld [tilespmem:$0x1FAB0];
	_ =	sdelay $0x4  }
0x177: {  	v14 =	vadd.f32 v4, v1;
	v1 =	vld [tilespmem:$0x1FAD0]  }
0x178: {  	v4 =	vld [tilespmem:$0x1FAE0];
	_ =	sdelay $0x3  }
0x179: {  	v13 =	vld.idx.msk [tilespmem:v45+s23+$0x0], $0xffff  }
0x17a: {  	v39 =	vmul.f32 v57, v52;
	v57 =	vadd.f32 v4, v1;
	v1 =	vld [tilespmem:$0x1FAF0]  }
0x17b: {  	v4 =	vld [tilespmem:$0x1FB00]  }
0x17c: {  	v45 =	vld.idx.msk [tilespmem:v45+s26+$0x0], $0xffff  }
0x17d: {  	v48 =	vld.idx.msk [tilespmem:v5+s23+$0x0], $0xffff  }
0x17e: {  	v59 =	vld.idx.msk [tilespmem:v5+s26+$0x0], $0xffff  }
0x17f: {  	v5 =	vld [tilespmem:$0x1FB20]  }
0x180: {  	v4 =	vadd.f32 v4, v1;
	v1 =	vld [tilespmem:$0x1FB10]  }
0x181: {  	v49 =	vld [tilespmem:$0x1FB90]  }
0x182: {  	v41 =	vmul.f32 v6, v52;
	v6 =	vld [tilespmem:$0x1FB40]  }
0x183: {  	v0 =	vld.idx.msk [tilespmem:v55+s23+$0x0], $0xffff  }
0x184: {  	v55 =	vld.idx.msk [tilespmem:v55+s26+$0x0], $0xffff  }
0x185: {  	v5 =	vadd.f32 v5, v1;
	v1 =	vld [tilespmem:$0x1FB30]  }
0x186: {  	v19 =	vld.idx.msk [tilespmem:v2+s23+$0x0], $0xffff  }
0x187: {  	v38 =	vmul.f32 v44, v52;
	v44 =	vmul.f32 v10, v52;
	v10 =	vadd.f32 v45, v13;
	v13 =	vld [tilespmem:$0x1FB80]  }
0x188: {  	v2 =	vld.idx.msk [tilespmem:v2+s26+$0x0], $0xffff  }
0x189: {  	v45 =	vmul.f32 v30, v52;
	v30 =	vadd.f32 v12, v46;
	v12 =	vadd.f32 v55, v0;
	v0 =	vld [tilespmem:$0x1FBC0]  }
0x18a: {  	v6 =	vadd.f32 v6, v1;
	v1 =	vld [tilespmem:$0x1FB50];
	_ =	sdelay $0x1  }
0x18b: {  	v40 =	vmul.f32 v8, v52;
	v8 =	vld [tilespmem:$0x1FB70];
	v13 =	vadd.f32 v49, v13  }
0x18c: {  	v49 =	vmul.f32 v29, v52;
	v29 =	vadd.f32 v17, v24;
	v24 =	vadd.f32 v2, v19;
	v2 =	vld [tilespmem:$0x1FBA0]  }
0x18d: {  	v17 =	vadd.f32 v43, v42;
	v42 =	vmul.f32 v0, v52;
	v0 =	vld [tilespmem:$0x1FBD0]  }
0x18e: {  	v9 =	vadd.f32 v9, v1;
	v1 =	vld [tilespmem:$0x1FB60];
	_ =	sdelay $0x1  }
0x18f: {  	v16 =	vadd.f32 v16, v20;
	v20 =	vadd.f32 v47, v27  }
0x190: {  	v27 =	vadd.f32 v63, v15;
	v15 =	vadd.f32 v59, v48  }
0x191: {  	v48 =	vmul.f32 v2, v52;
	v2 =	vadd.f32 v51, v34;
	v34 =	vmul.f32 v0, v52;
	v0 =	vld [tilespmem:$0x1FBE0]  }
0x192: {  	v8 =	vadd.f32 v8, v1;
	v1 =	vld.idx.msk [tilespmem:v58+s23+$0x0], $0xffff  }
0x193: {  	v58 =	vld.idx.msk [tilespmem:v58+s26+$0x0], $0xffff;
	_ =	sdelay $0x4  }
0x194: {  	v43 =	vmul.f32 v26, v52;
	v26 =	vadd.f32 v58, v1;
	v58 =	vadd.f32 v60, v0;
	v0 =	vld [tilespmem:$0x1FC00];
	_ =	sdelay $0x3  }
0x195: {  	v46 =	vmul.f32 v25, v52  }
0x196: {  	v25 =	vadd.f32 v61, v53;
	v61 =	vadd.f32 v18, v22;
	v22 =	vmul.f32 v0, v52;
	v0 =	vld [tilespmem:$0x1FC10]  }
0x197: {  	v62 =	vld.idx.msk [tilespmem:v56+s23+$0x0], $0xffff  }
0x198: {  	v56 =	vld.idx.msk [tilespmem:v56+s26+$0x0], $0xffff  }
0x199: {  	[tilespmem:$0x1FC30] =	vst v7;
	v7 =	vld.idx.msk [tilespmem:v3+s23+$0x0], $0xffff  }
0x19a: {  	v3 =	vld.idx.msk [tilespmem:v3+s26+$0x0], $0xffff  }
0x19b: {  	p1 =	sne.s32 s15, $0x3F;
	v53 =	vadd.f32 v54, v0;
	v0 =	vld [tilespmem:$0x1FC30]  }
.Ltmp0:
0x19c: {  	_ = 	snop;
	(pc) =	sbr.rel @p1 .LBB2_4-.Ltmp0, $4  }
0x19d: {  	v59 =	vmov v21;
	v21 =	vadd.f32 v56, v62;
	v62 =	vld [tilespmem:$0x1FBB0]  }
0x19e: {  	v35 =	vmul.f32 v35, v52;
	v60 =	vld [tilespmem:$0x1FBF0]  }
0x19f: {  	v37 =	vmul.f32 v37, v52;
	v36 =	vmul.f32 v36, v52;
	v54 =	vld [tilespmem:$0x1FC20]  }
0x1a0: {  	s15 =	sadd.s32 $0x10, s15;
	v47 =	vmul.f32 v32, v52;
	v32 =	vadd.f32 v3, v7;
	v1 =	vmovc v50;
	v55 =	vadd.f32 v11, v0;
	v11 =	vld [tilespmem:$0x1FC40]  }
0x1a1: {  	v1 =	vadd.f32 v1, v31  }
0x1a2: {  	v0 =	vadd.f32 v14, v23;
	v3 =	vadd.f32 v57, v33  }
0x1a3: {  	v4 =	vadd.f32 v4, v28;
	v5 =	vadd.f32 v5, v38  }
0x1a4: {  	v6 =	vadd.f32 v6, v36;
	v7 =	vadd.f32 v9, v39  }
0x1a5: {  	v8 =	vadd.f32 v8, v37;
	v9 =	vadd.f32 v10, v41  }
0x1a6: {  	v10 =	vadd.f32 v13, v35;
	v13 =	vadd.f32 v16, v44  }
0x1a7: {  	v14 =	vadd.f32 v20, v40;
	v16 =	vadd.f32 v27, v49  }
0x1a8: {  	v19 =	vadd.f32 v29, v45;
	v24 =	vadd.f32 v24, v46  }
0x1a9: {  	v39 =	vld [tilespmem:$0x1FCE0];
	v15 =	vadd.f32 v15, v34;
	v12 =	vadd.f32 v12, v22  }
0x1aa: {  	v18 =	vmul.f32 v59, v52;
	v41 =	vld [tilespmem:$0x1FD20];
	v17 =	vadd.f32 v17, v43;
	v25 =	vadd.f32 v25, v42  }
0x1ab: {  	v46 =	vld [tilespmem:$0x1FD00];
	v27 =	vadd.f32 v30, v47;
	v33 =	vmul.f32 $2.000000030e-01, v15;
	v35 =	vmul.f32 $2.000000030e-01, v12  }
0x1ac: {  	v50 =	vld [tilespmem:$0x1FD40];
	v18 =	vadd.f32 v21, v18;
	v37 =	vmul.f32 $2.000000030e-01, v17;
	v30 =	vmul.f32 $2.000000030e-01, v10  }
0x1ad: {  	v42 =	vld [tilespmem:$0x1FEF0];
	v28 =	vadd.f32 v32, v48;
	v31 =	vmul.f32 $2.000000030e-01, v5;
	v11 =	vmul.f32 v11, v52  }
0x1ae: {  	v56 =	vmul.f32 $2.000000030e-01, v18;
	v15 =	vmax.f32 v15, v33;
	v12 =	vmax.f32 v12, v35  }
0x1af: {  	v34 =	vld [tilespmem:$0x1FDC0];
	v17 =	vmax.f32 v17, v37;
	v33 =	vmul.f32 $2.000000030e-01, v8;
	v35 =	vmul.f32 $2.000000030e-01, v3  }
0x1b0: {  	v45 =	vld [tilespmem:$0x1FCD0];
	v10 =	vmax.f32 v10, v30;
	v37 =	vmul.f32 $2.000000030e-01, v6;
	v40 =	vmul.f32 $2.000000030e-01, v39  }
0x1b1: {  	v63 =	vld [tilespmem:$0x1FF10];
	v5 =	vmax.f32 v5, v31;
	v44 =	vmul.f32 $2.000000030e-01, v41;
	v47 =	vmul.f32 $2.000000030e-01, v46  }
0x1b2: {  	v52 =	vld [tilespmem:$0x1FDD0];
	v51 =	vmul.f32 $2.000000030e-01, v50;
	v12 =	vmul.f32 v12, v42;
	v11 =	vadd.f32 v26, v11  }
0x1b3: {  	v48 =	vld [tilespmem:$0x1FE70];
	v18 =	vmax.f32 v18, v56;
	v8 =	vmax.f32 v8, v33;
	v20 =	vmax.f32 v39, v40  }
0x1b4: {  	v36 =	vld [tilespmem:$0x1FFF0];
	v23 =	vmax.f32 v41, v44;
	v18 =	vmul.f32 v18, v34;
	v40 =	vmul.f32 $2.000000030e-01, v25  }
0x1b5: {  	v38 =	vld [tilespmem:$0x1FF00];
	v49 =	vmax.f32 v46, v47;
	v41 =	vmul.f32 $2.000000030e-01, v24;
	v47 =	vmul.f32 $2.000000030e-01, v16  }
0x1b6: {  	v57 =	vmax.f32 v50, v51;
	v39 =	vld [tilespmem:$0x1FDB0];
	v50 =	vmul.f32 $2.000000030e-01, v13;
	v20 =	vmul.f32 v20, v45  }
0x1b7: {  	v3 =	vmax.f32 v3, v35;
	v59 =	vmul.f32 $2.000000030e-01, v11;
	v21 =	vmul.f32 v49, v52  }
0x1b8: {  	v6 =	vmax.f32 v6, v37;
	v44 =	vld [tilespmem:$0x1FD90];
	v23 =	vmul.f32 v23, v48;
	v22 =	vmul.f32 v57, v63  }
0x1b9: {  	v46 =	vld [tilespmem:$0x1FED0];
	v45 =	vmul.f32 $2.000000030e-01, v28;
	v11 =	vmax.f32 v11, v59;
	v21 =	vadd.f32 v21, v36  }
0x1ba: {  	v48 =	vld [tilespmem:$0x1FD80];
	v57 =	vmul.f32 $2.000000030e-01, v19;
	v22 =	vadd.f32 v22, v62;
	v11 =	vmul.f32 v11, v38  }
0x1bb: {  	v51 =	vld [tilespmem:$0x1FEC0];
	v63 =	vmul.f32 $2.000000030e-01, v14;
	v15 =	vmul.f32 v15, v39;
	v18 =	vadd.f32 v18, v21  }
0x1bc: {  	v56 =	vld [tilespmem:$0x1FD70];
	v43 =	vmax.f32 v25, v40;
	v49 =	vmul.f32 $2.000000030e-01, v27;
	v11 =	vadd.f32 v11, v22  }
0x1bd: {  	v16 =	vmax.f32 v16, v47;
	v62 =	vld [tilespmem:$0x1FEB0];
	v17 =	vmul.f32 v17, v44;
	v15 =	vadd.f32 v15, v18  }
0x1be: {  	v21 =	vmax.f32 v24, v41;
	v24 =	vld [tilespmem:$0x1FD50];
	v11 =	vadd.f32 v12, v11;
	v12 =	vmul.f32 v43, v46  }
0x1bf: {  	v26 =	vld [tilespmem:$0x1FEA0];
	v21 =	vmul.f32 v21, v48;
	v18 =	vmax.f32 v28, v45;
	v15 =	vadd.f32 v17, v15  }
0x1c0: {  	v52 =	vmax.f32 v27, v49;
	v27 =	vld [tilespmem:$0x1FD10];
	v11 =	vadd.f32 v12, v11;
	v12 =	vmul.f32 v18, v51  }
0x1c1: {  	v29 =	vld [tilespmem:$0x1FE80];
	v13 =	vmax.f32 v13, v50;
	v16 =	vmul.f32 v16, v56;
	v15 =	vadd.f32 v21, v15  }
0x1c2: {  	v59 =	vmul.f32 $2.000000030e-01, v9;
	v18 =	vmul.f32 v52, v62;
	v11 =	vadd.f32 v12, v11  }
0x1c3: {  	v34 =	vld [tilespmem:$0x1FE60];
	v17 =	vmax.f32 v19, v57;
	v13 =	vmul.f32 v13, v24;
	v25 =	vadd.f32 v16, v15  }
0x1c4: {  	v32 =	vld [tilespmem:$0x1FCC0];
	v9 =	vmax.f32 v9, v59;
	v11 =	vadd.f32 v18, v11;
	v15 =	vmul.f32 v17, v26  }
0x1c5: {  	v40 =	vld [tilespmem:$0x1FCA0];
	v14 =	vmax.f32 v14, v63;
	v9 =	vmul.f32 v9, v27;
	v12 =	vadd.f32 v13, v25  }
0x1c6: {  	v14 =	vmul.f32 v14, v29;
	v36 =	vld [tilespmem:$0x1FCB0];
	v28 =	vmul.f32 $2.000000030e-01, v7;
	v11 =	vadd.f32 v15, v11  }
0x1c7: {  	v50 =	vmul.f32 $2.000000030e-01, v55;
	v38 =	vmul.f32 $2.000000030e-01, v1;
	v39 =	vld [tilespmem:$0x1FE50];
	v9 =	vadd.f32 v9, v12  }
0x1c8: {  	v47 =	vld [tilespmem:$0x1FE20];
	v10 =	vmul.f32 v10, v34;
	v7 =	vmax.f32 v7, v28;
	v11 =	vadd.f32 v14, v11  }
0x1c9: {  	v44 =	vld [tilespmem:$0x1FE30];
	v1 =	vmax.f32 v1, v38;
	v7 =	vmul.f32 v7, v32;
	v9 =	vadd.f32 v20, v9  }
0x1ca: {  	v41 =	vmul.f32 $2.000000030e-01, v4;
	v3 =	vmul.f32 v3, v40;
	v45 =	vld [tilespmem:$0x1FC90];
	v11 =	vadd.f32 v23, v11  }
0x1cb: {  	v48 =	vmul.f32 $2.000000030e-01, v61;
	v5 =	vmul.f32 v5, v36;
	v52 =	vld [tilespmem:$0x1FE10];
	v7 =	vadd.f32 v7, v9  }
0x1cc: {  	v43 =	vmul.f32 $2.000000030e-01, v53;
	v8 =	vmul.f32 v8, v39;
	v10 =	vadd.f32 v10, v11  }
0x1cd: {  	v4 =	vmax.f32 v4, v41;
	v46 =	vmul.f32 $2.000000030e-01, v0;
	v5 =	vadd.f32 v5, v7  }
0x1ce: {  	v4 =	vmul.f32 v4, v47;
	v6 =	vmul.f32 v6, v44;
	v42 =	vadd.f32 v8, v10  }
0x1cf: {  	v0 =	vmax.f32 v0, v46;
	v57 =	vld [tilespmem:$0x1FE00];
	v1 =	vmul.f32 v1, v45;
	v3 =	vadd.f32 v3, v5  }
0x1d0: {  	v59 =	vld [tilespmem:$0x1FC70];
	v0 =	vmul.f32 v0, v52;
	v8 =	vmax.f32 v53, v43;
	v6 =	vadd.f32 v6, v42  }
0x1d1: {  	v7 =	vmax.f32 v61, v48;
	v49 =	vmul.f32 v8, v60;
	v60 =	vld [tilespmem:$0x1FDE0];
	v1 =	vadd.f32 v1, v3  }
0x1d2: {  	v53 =	vmax.f32 v55, v50;
	v55 =	vmul.f32 $2.000000030e-01, v2;
	v51 =	vadd.f32 v4, v6  }
0x1d3: {  	v56 =	vmul.f32 $2.000000030e-01, v58;
	v7 =	vmul.f32 v7, v54;
	v1 =	vadd.f32 v49, v1  }
0x1d4: {  	v2 =	vmax.f32 v2, v55;
	v3 =	vmul.f32 v53, v57;
	v0 =	vadd.f32 v0, v51  }
0x1d5: {  	v58 =	vmax.f32 v58, v56;
	v2 =	vmul.f32 v2, v59;
	v1 =	vadd.f32 v7, v1  }
0x1d6: {  	v0 =	vadd.f32 v3, v0;
	v3 =	vmul.f32 v58, v60  }
0x1d7: {  	v1 =	vadd.f32 v2, v1  }
0x1d8: {  	v0 =	vadd.f32 v3, v0  }
0x1d9: {  	v1 =	vmul.f32 $1.442695020e+00, v1  }
0x1da: {  	v0 =	vmul.f32 $1.442695020e+00, v0  }
0x1db: {  	(erf) = vpow2.f32 v1  }
0x1dc: {  	(erf) = vpow2.f32 v0;
	_ =	sdelay $0x3  }
0x1dd: {  	v61 =	vld [tilespmem:$0x1FC50];
	_ =	sdelay $0x3  }
0x1de: {  	s1 =	sor.u32 s17, s8;
	v1 =	vpop (erf)  }
0x1df: {  	s19 =	sadd.s32 $0x1, s19;
	p1 =	slt.u32 s1, $0x50910;
	v0 =	vshll.u32 v61, $0x3;
	v63 =	vpop (erf)  }
0x1e0: {  	v62 =	vor.u32 $0x1, v0;
	v1 =	vpsel !p1, $0x0, v1;
	v3 =	vpsel !p1, $0x0, v63;
	p1 =	sne.s32 s19, $0x8  }
.Ltmp1:
0x1e1: {  	_ = 	snop;
	(pc) =	sbr.rel @p1 .LBB2_3-.Ltmp1, $4  }
0x1e2: {  	[tilespmem:s8+$0x8180] =	vst v1  }
0x1e3: {  	[tilespmem:s8+$0x8200] =	vst v3  }
0x1e4: {  	[tilespmem:v0+s28+$0x0] =	vst.idx.msk $0xffff, v1  }
0x1e5: {  	[tilespmem:v62+s28+$0x0] =	vst.idx.msk $0xffff, v3  }
0x1e6: {  	s1 =	sadd.s32 s12, s2  }
0x1e7: {  	[hbm4b:s1+s4] =	stream.linear.scatter [tilespmem:s29], [sflag:$0x2], $0x80, $0x38;
	[tilespmem:$0x8C80] =	vst v63  }
0x1e8: {  	_ =	swait.ge [sflag:s18], $0x80  }
0x1e9: {  	[sflag:s18] =	ssyncset.done $0x0  }
0x1ea: {  	s31 =	sadd.s32 s13, s2;
	[sflag:s18] =	ssyncadd.s32 $0xFFFFFF80  }
0x1eb: {  	[hbm4b:s31+s4] =	stream.linear.scatter [tilespmem:s30], [sflag:$0x2], $0x80, $0x38;
	[tilespmem:$0x8C80] =	vst v63  }
0x1ec: {  	s0 =	sadd.s32 $0x1, s0;
	_ =	swait.ge [sflag:s18], $0x80  }
0x1ed: {  	p1 =	sne.s32 s0, $0x51;
	[sflag:s18] =	ssyncset.done $0x0  }
.Ltmp2:
0x1ee: {  	[sflag:s18] =	ssyncadd.s32 $0xFFFFFF80;
	(pc) =	sbr.rel @p1 .LBB2_2-.Ltmp2, $4  }
0x1ef: {  	[spmem:s3] =	stream.indirect.scatter.add.f32 [tilespmem:s28], [sflag:$0x2], $0x2, s21, s21, $0xb8;
	[tilespmem:$0x8C80] =	vst v63  }
0x1f0: {  	_ =	swait.ge [sflag:s18], $0x100  }
0x1f1: {  	[sflag:s18] =	ssyncset.done $0x0  }
0x1f2: {  	[sflag:s18] =	ssyncadd.s32 $0xFFFFFF00  }
0x1f3: {  	s0 =	stileid.u32;
	[bflag:$0x0] =	sbarrier.arrive $0xFFFF  }
0x1f4: {  	s0 =	sshll.u32 s0, $0x6;
	s1 =	rddreg [dreg:$0x7]  }
0x1f5: {  	s2 =	rddreg [dreg:$0xa];
	s0 =	sor.u32 $0x1C02, s0  }
0x1f6: {  	[hbm:s1], [sflag:s0] =	dma.local [spmem:s2], $0x280  }
0x1f7: {  	_ =	swait.ge [sflag:s18], $0x280  }
0x1f8: {  	s25 =	rddreg [dreg:$0xb]  }
0x1f9: {  	s31 =	rddreg [dreg:$0x8];
	s1 =	sadd.s32 $0x1, s25  }
0x1fa: {  	p1 =	sne.s32 s1, s31  }
.Ltmp3:
0x1fb: {  	_ = 	snop;
	(pc) =	sbr.rel @p1 .LBB2_1-.Ltmp3, $3  }
0x1fc: {  	_ =	sdelay $0x1  }
0x1fd: {  	[sflag:s18] =	ssyncset.done $0x0  }
0x1fe: {  	[sflag:s18] =	ssyncadd.s32 $0xFFFFFD80  }
0x1ff: {  	_ =	sfence.sel $0x180000  }
0x200: {  	[bflag:$0x0] =	sbarrier.arrive $0xFFFF  }
0x201: {  	_ =	strace $0x9000004D  }
0x202: {  	[bflag:$0x2] =	sbarrier.arrive $0xFFFF  }
0x203: {  	s0 =	rddreg [dreg:$0x4]  }
0x204: {  	s0 =	sadd.s32 @!p0 $0x100000, s0  }
0x205: {  	[sflag:s0] =	ssyncadd.tile.s32 @!p0 $0x1;
	_ =	shalt  }
.Lfunc_end2:
_tile_overlayer_lowered:
.L_overlay_start_2:
0x206: {  	(tag) =	ssettag $0x2  }
0x207: {  	s0 =	rddreg [dreg:$0x0];
	s2 =	stileid.u32  }
0x208: {  	s1 =	rddreg [dreg:$0x1];
	p0 =	sne.s32 s2, $0x0  }
0x209: {  	s3 =	rddreg [dreg:$0x2];
	[bflag:$0x3] =	sbarrier.arrive $0xFFFF;
	s2 =	simm.s32 @!p0 $0x1C02  }
0x20a: {  	[timem:s3], [sflag:s2] =	dma.local @!p0 [hbm:s0], s1  }
0x20b: {  	s0 =	simm.s32 @!p0 $0x2  }
0x20c: {  	_ =	swait.ge @!p0 [sflag:s0], s1  }
0x20d: {  	s1 =	ssub.s32 @!p0 $0x0, s1;
	[sflag:s0] =	ssyncset.done @!p0 $0x0  }
0x20e: {  	[sflag:s0] =	ssyncadd.s32 @!p0 s1  }
0x20f: {  	[bflag:$0x3] =	sbarrier.arrive $0xFFFF  }
0x210: {  	_ =	shalt  }

// kernel: kernel.21.cloned.1.call-start
scs
__scs_entry_jumppad:
0x0: {  	(pc) =	sbr.rel $0x88, $3  }
0x1: {  	(tag) =	ssettag $0x0;
	lr =	simm.s32 $0x1  }
0x2: {  	[smem:$0x3F8E] =	sst lr;
	_ =	strace $0xD0000000  }
0x3: {  	_ = 	snop  }
0x4: {  	_ = 	snop  }
0x5: {  	_ = 	snop  }
0x6: {  	_ = 	snop  }
0x7: {  	_ = 	snop  }
__scs_overlays_trampoline_lowered:
0x8: {  	[smem:$0x3F9D] =	sst s0  }
0x9: {  	[smem:$0x3F9E] =	sst s1  }
0xa: {  	[smem:$0x3F9F] =	sst s2  }
0xb: {  	[smem:$0x3FA0] =	sst s3  }
0xc: {  	[smem:$0x3FA1] =	sst s4  }
0xd: {  	[smem:$0x3FA2] =	sst s5  }
0xe: {  	[smem:$0x3FA3] =	sst s6  }
0xf: {  	[smem:$0x3FA4] =	sst s7  }
0x10: {  	[smem:$0x3FA5] =	sst s8  }
0x11: {  	[smem:$0x3FA6] =	sst s9;
	s0 =	simm.s32 @!p0 $0x0  }
0x12: {  	s1 =	sld [smem:$0x3F8C];
	s0 =	simm.s32 @p0 $0x1  }
0x13: {  	[smem:$0x3FA7] =	sst s0;
	s0 =	simm.s32 @!p1 $0x0  }
0x14: {  	s2 =	sld [smem:$0x3F8B];
	s0 =	simm.s32 @p1 $0x1  }
0x15: {  	[smem:$0x3FA8] =	sst s0;
	s0 =	simm.s32 @!p2 $0x0  }
0x16: {  	s3 =	sld [smem:$0x3FDB];
	s0 =	simm.s32 @p2 $0x1  }
0x17: {  	s4 =	simm.s32 $0x1BF5;
	[smem:$0x3FAA] =	sst s0  }
0x18: {  	s0 =	sld [smem:$0x3F8D];
	_ =	swait.ge [sflag:s4], $0x0  }
0x19: {  	s7 =	sld [smem:$0x3F8E]  }
0x1a: {  	s8 =	sadd.s32 $0xFFFFE003, lr  }
0x1b: {  	s9 =	sadd.s32 $0xFFFFFEF7, lr;
	s5 =	simm.s32 $0xFFFFFFFF;
	p2 =	slt.u32 s8, $0xFFFFF086  }
0x1c: {  	p1 =	slt.u32 s9, $0xF7A;
	s5 =	simm.s32 @!p2 $0x0  }
0x1d: {  	s5 =	simm.s32 @p1 $0x1;
	p0 =	seq.s32 s7, s2  }
0x1e: {  	s7 =	smul.u32 @!p0 $0xF7A, s2;
	p2 =	seq.s32 @!p0 s5, $0x0  }
0x1f: {  	s9 =	smul.u32 $0xF7A, s1;
	s8 =	simm.s32 @!p0 $0x1BF5;
	p2 =	por !p2, p0  }
0x20: {  	[sflag:s8] =	ssyncset.s32 @!p0 $0xFFFFF086;
	s6 =	sadd.s32 @!p0 s3, s7;
	s7 =	simm.s32 @!p0 $0x108  }
0x21: {  	s3 =	sadd.s32 s3, s9;
	s6 =	sadd.s32 @!p0 $0x88, s6;
	s7 =	simm.s32 @p2 $0x1082  }
0x22: {  	[simem:s7], [sflag:s8] =	dma.local @!p0 [hbm:s6], $0xF7A  }
0x23: {  	s9 =	sor.u32 $0xD0000000, s2;
	s6 =	simm.s32 $0x108;
	_ =	swait.ge @!p0 [sflag:s8], $0x0  }
0x24: {  	s3 =	sadd.s32 $0x88, s3;
	s6 =	simm.s32 @!p1 $0x1082;
	[sflag:s4] =	ssyncset.s32 $0xFFFFF086  }
0x25: {  	[simem:s6], [sflag:s4] =	dma.local [hbm:s3], $0xF7A  }
0x26: {  	[smem:$0x3F8E] =	sst s1;
	(tag) =	ssettag s2;
	_ =	strace s9  }
0x27: {  	s1 =	sld [smem:$0x3F9E]  }
0x28: {  	s2 =	sld [smem:$0x3F9F]  }
0x29: {  	s4 =	sld [smem:$0x3FA1]  }
0x2a: {  	p0 =	seq.s32 s5, $0x0;
	s5 =	sld [smem:$0x3FA2]  }
0x2b: {  	s6 =	sld [smem:$0x3FA3]  }
0x2c: {  	s7 =	sld [smem:$0x3FA4]  }
0x2d: {  	s3 =	simm.s32 $0x108;
	s8 =	sld [smem:$0x3FA5]  }
0x2e: {  	s3 =	simm.s32 @!p0 $0x1082;
	s9 =	sld [smem:$0x3FA6]  }
0x2f: {  	lr =	sadd.s32 s0, s3;
	s0 =	sld [smem:$0x3F9D]  }
0x30: {  	s3 =	sld [smem:$0x3FA0]  }
0x31: {  	[smem:$0x3FA9] =	sst s10  }
0x32: {  	s10 =	sld [smem:$0x3FA7];
	_ =	sdelay $0x3  }
0x33: {  	p0 =	seq.s32 s10, $0x1;
	s10 =	sld [smem:$0x3FA9];
	_ =	sdelay $0x3  }
0x34: {  	[smem:$0x3FA9] =	sst s10  }
0x35: {  	s10 =	sld [smem:$0x3FA8];
	_ =	sdelay $0x3  }
0x36: {  	p1 =	seq.s32 s10, $0x1;
	s10 =	sld [smem:$0x3FA9];
	_ =	sdelay $0x3  }
0x37: {  	[smem:$0x3FA9] =	sst s10  }
0x38: {  	s10 =	sld [smem:$0x3FAA]  }
0x39: {  	_ = 	snop;
	(pc) =	sbr.ind lr, $3  }
0x3a: {  	_ = 	snop  }
0x3b: {  	_ = 	snop  }
0x3c: {  	p2 =	seq.s32 s10, $0x1;
	s10 =	sld [smem:$0x3FA9]  }
0x3d: {  	_ =	shalt  }
0x3e: {  	_ =	shalt  }
0x3f: {  	_ =	shalt  }
0x40: {  	_ =	shalt  }
0x41: {  	_ =	shalt  }
0x42: {  	_ =	shalt  }
0x43: {  	_ =	shalt  }
0x44: {  	_ =	shalt  }
0x45: {  	_ =	shalt  }
0x46: {  	_ =	shalt  }
0x47: {  	_ =	shalt  }
0x48: {  	_ =	shalt  }
0x49: {  	_ =	shalt  }
0x4a: {  	_ =	shalt  }
0x4b: {  	_ =	shalt  }
0x4c: {  	_ =	shalt  }
0x4d: {  	_ =	shalt  }
0x4e: {  	_ =	shalt  }
0x4f: {  	_ =	shalt  }
0x50: {  	_ =	shalt  }
0x51: {  	_ =	shalt  }
0x52: {  	_ =	shalt  }
0x53: {  	_ =	shalt  }
0x54: {  	_ =	shalt  }
0x55: {  	_ =	shalt  }
0x56: {  	_ =	shalt  }
0x57: {  	_ =	shalt  }
0x58: {  	_ =	shalt  }
0x59: {  	_ =	shalt  }
0x5a: {  	_ =	shalt  }
0x5b: {  	_ =	shalt  }
0x5c: {  	_ =	shalt  }
0x5d: {  	_ =	shalt  }
0x5e: {  	_ =	shalt  }
0x5f: {  	_ =	shalt  }
0x60: {  	_ =	shalt  }
0x61: {  	_ =	shalt  }
0x62: {  	_ =	shalt  }
0x63: {  	_ =	shalt  }
0x64: {  	_ =	shalt  }
0x65: {  	_ =	shalt  }
0x66: {  	_ =	shalt  }
0x67: {  	_ =	shalt  }
0x68: {  	_ =	shalt  }
0x69: {  	_ =	shalt  }
0x6a: {  	_ =	shalt  }
0x6b: {  	_ =	shalt  }
0x6c: {  	_ =	shalt  }
0x6d: {  	_ =	shalt  }
0x6e: {  	_ =	shalt  }
0x6f: {  	_ =	shalt  }
0x70: {  	_ =	shalt  }
0x71: {  	_ =	shalt  }
0x72: {  	_ =	shalt  }
0x73: {  	_ =	shalt  }
0x74: {  	_ =	shalt  }
0x75: {  	_ =	shalt  }
0x76: {  	_ =	shalt  }
0x77: {  	_ =	shalt  }
0x78: {  	_ =	shalt  }
0x79: {  	_ =	shalt  }
0x7a: {  	_ =	shalt  }
0x7b: {  	_ =	shalt  }
0x7c: {  	_ =	shalt  }
0x7d: {  	_ =	shalt  }
0x7e: {  	_ =	shalt  }
0x7f: {  	_ =	shalt  }
0x80: {  	_ =	shalt  }
0x81: {  	_ =	shalt  }
0x82: {  	_ =	shalt  }
0x83: {  	_ =	shalt  }
0x84: {  	_ =	shalt  }
0x85: {  	_ =	shalt  }
0x86: {  	_ =	shalt  }
0x87: {  	_ =	shalt  }
.Lfunc_end0:
.L_simem_size_0:
called_computation.3_lowered:
.L_overlay_start_0:
0x88: {  	s2 =	sld [smem:$0x3FD9]  }
0x89: {  	s3 =	sld [smem:$0x3FFE];
	_ =	sdelay $0x1  }
0x8a: {  	s1 =	srdreg.scid  }
0x8b: {  	s0 =	sand.u32 $0x1, s1  }
0x8c: {  	s17 =	sshll.u32 s0, $0xA;
	s2 =	sadd.s32 s3, s2  }
0x8d: {  	s2 =	sadd.s32 s2, s17  }
0x8e: {  	[smem:$0x3FB5] =	sst s2  }
0x8f: {  	_ = 	snop  }
0x90: {  	s2 =	sld [smem:$0x3FD0];
	(tm) =	ssettm $0x1  }
0x91: {  	s18 =	sld [smem:$0x3FFB];
	_ =	sdelay $0x3  }
0x92: {  	_ =	strace s18  }
0x93: {  	s3 =	sld [smem:$0x3FFC];
	_ =	sdelay $0x3  }
0x94: {  	_ =	strace s3  }
0x95: {  	s3 =	sld [smem:$0x3FFD];
	_ =	sdelay $0x3  }
0x96: {  	_ =	strace s3  }
0x97: {  	_ =	strace $0x8FFFFFFF  }
0x98: {  	s19 =	sld [smem:$0x3FDB];
	_ =	sdelay $0x1  }
0x99: {  	s4 =	simm.s32 $_scs_section_size  }
0x9a: {  	s5 =	simm.s32 $_size__tile_overlayer_lowered;
	s6 =	simm.s32 $_tile_overlayer_lowered  }
0x9b: {  	s22 =	simm.s32 $0x1BFF;
	s21 =	sshll.u32 s6, $0x1;
	s3 =	sadd.s32 s4, s19  }
0x9c: {  	s7 =	simm.s32 $0x0;
	s20 =	sshll.u32 s5, $0x1;
	s5 =	sadd.s32 s21, s3  }
0x9d: {  	[timem:s7], [sflag:s22] =	dma.local [hbm:s5], s20  }
0x9e: {  	_ =	swait.ge [sflag:s22], s20  }
0x9f: {  	s4 =	ssub.s32 $0x0, s20;
	[sflag:s22] =	ssyncset.done $0x0  }
0xa0: {  	[sflag:s22] =	ssyncadd.s32 s4;
	_ =	sdelay $0x1  }
0xa1: {  	s23 =	simm.s32 $0x1B8B  }
0xa2: {  	_ =	swait.ge [sflag:s23], $0x1  }
0xa3: {  	[sflag:s23] =	ssyncset.done $0x0  }
0xa4: {  	s25 =	simm.s32 $0x1B8E;
	s24 =	sld [smem:$0x3FFE];
	[sflag:s23] =	ssyncadd.s32 $0xFFFFFFFF  }
0xa5: {  	s26 =	simm.s32 $execute0_lowered;
	[smem:$0x3FD2] =	sst s25  }
0xa6: {  	s5 =	sshll.u32 s26, $0x1;
	_ =	strace $0x8000004F;
	[dreg:$0x1] =	wrdreg $0xFFFFFFFF  }
0xa7: {  	s28 =	simm.s32 $_size_execute0_lowered;
	s3 =	sadd.s32 s3, s5;
	[dreg:$0x0] =	wrdreg $0x0  }
0xa8: {  	s5 =	sshll.u32 s28, $0x1;
	[dreg:$0x2] =	wrdreg s3  }
0xa9: {  	[dreg:$0x3] =	wrdreg s5  }
0xaa: {  	[dreg:$0x4] =	wrdreg $0xC0  }
0xab: {  	_ =	task [dreg:s7], $0x5FFFF  }
0xac: {  	[dreg:$0x1] =	wrdreg $0xFFFFFFFF  }
0xad: {  	[dreg:$0x0] =	wrdreg $0x60  }
0xae: {  	[dreg:$0x2] =	wrdreg s24  }
0xaf: {  	[dreg:$0x3] =	wrdreg s2  }
0xb0: {  	[dreg:$0x4] =	wrdreg $0x1EA000  }
0xb1: {  	[dreg:$0x5] =	wrdreg $0x9  }
0xb2: {  	_ =	task.clear_ibuf [dreg:s7], $0x6FFFF;
	_ =	strace $0x9000004F  }
0xb3: {  	s29 =	simm.s32 $0x9;
	_ =	strace $0x80000051  }
0xb4: {  	_ =	swait.ge [sflag:s29], $0x1  }
0xb5: {  	[sflag:s29] =	ssyncadd.s32 $0xFFFFFFFF  }
0xb6: {  	_ =	strace $0x90000051  }
0xb7: {  	_ =	sfence  }
0xb8: {  	s30 =	sld [smem:$0x0];
	_ =	sdelay $0x2  }
0xb9: {  	s31 =	sshll.u32 s1, $0xD;
	s1 =	sshrl.u32 s1, $0x2  }
0xba: {  	s3 =	sand.u32 $0x4000, s31;
	s1 =	sadd.s32 s1, s30  }
0xbb: {  	s0 =	sor.u32 s3, s0;
	s1 =	sshll.u32 s1, $0x11  }
0xbc: {  	s0 =	sor.u32 s1, s0  }
0xbd: {  	s0 =	sadd.s32 $0x8F2B, s0  }
0xbe: {  	[sflag:s0] =	ssyncadd.remote.s32 $0x1  }
0xbf: {  	_ =	sfence.sel $0xFFFF  }
0xc0: {  	[dreg:$0x0] =	wrdreg $0xFFFFFFFF;
	(pc) =	sbr.abs _section_cstart, $3  }
0xc1: {  	[dreg:$0x1] =	wrdreg $0xFFFFFFFF  }
0xc2: {  	_ =	task.clear_ibuf [dreg:s7], $0x2FFFF;
	_ =	strace $0x9FFFFFFF  }
0xc3: {  	(tm) =	ssettm $0x7FFFFFFF  }
tec
execute0_lowered:
.L_overlay_start_1:
0x0: {  	(tag) =	ssettag $0x1  }
0x1: {  	s1 =	srdreg.scid;
	s5 =	rddreg [dreg:$0x0]  }
0x2: {  	s0 =	stileid.u32;
	s7 =	rddreg [dreg:$0x1];
	s13 =	simm.s32 $0xAA00  }
0x3: {  	s14 =	simm.s32 $0x2;
	s19 =	simm.s32 $0x80;
	s20 =	simm.s32 $0x1FE00  }
0x4: {  	s21 =	simm.s32 $0xA200;
	s22 =	simm.s32 $0x1;
	s23 =	simm.s32 $0xA600  }
0x5: {  	s29 =	simm.s32 $0x0;
	s1 =	sand.u32 $0x1, s1;
	s2 =	sshll.u32 s0, $0x1  }
0x6: {  	s9 =	smul.u32 $0x14000, s0;
	s4 =	sadd.s32 $0x309600, s5;
	s11 =	sadd.s32 $0xE400, s5  }
0x7: {  	s25 =	smul.u32 $0x5000, s0;
	p0 =	sne.s32 s0, $0x0;
	s3 =	sor.u32 s1, s2  }
0x8: {  	s2 =	rddreg [dreg:$0x2];
	s6 =	smul.u32 $0x140000, s1;
	s1 =	ssub.s32 $0x2, s1  }
0x9: {  	s8 =	smul.u32 $0x510, s3;
	s3 =	simm.s32 $0x0;
	s24 =	sshrl.u32 s1, $0x1  }
0xa: {  	s30 =	sshrl.u32 s25, $0x2;
	s18 =	sshrl.u32 @!p0 s2, $0x3;
	s25 =	simm.s32 $0x10  }
0xb: {  	[smem:$0x7FF] =	sst s3;
	s9 =	sadd.s32 s9, s6;
	s6 =	sadd.s32 $0x1DA00, s5  }
0xc: {  	s1 =	ssub.s32 s1, s24;
	s31 =	sadd.s32 s30, s2;
	_ =	strace $0x80000050  }
0xd: {  	s10 =	sadd.s32 s8, s5;
	[dreg:$0x4] =	wrdreg s11;
	s9 =	sshrl.u32 s9, $0x3  }
0xe: {  	s7 =	sadd.s32 s7, s8;
	s12 =	smax.u32 s1, $0x1;
	s24 =	sshrl.u32 s31, $0x3  }
0xf: {  	s5 =	sadd.s32 s9, s5;
	[dreg:$0x5] =	wrdreg s7;
	s26 =	sadd.s32 $0x4200, s10  }
0x10: {  	v0 =	vlaneseq.u32;
	s28 =	sadd.s32 $0x75200, s10;
	s10 =	sadd.s32 $0x7F400, s10;
	[dreg:$0x6] =	wrdreg s26  }
0x11: {  	v0 =	vmul.u32 $0x8, v0;
	[dreg:$0x7] =	wrdreg s28;
	s11 =	sadd.s32 $0x20200, s5;
	s26 =	simm.s32 $0x0  }
.LBB2_1:
0x12: {  	s1 =	rddreg [dreg:$0x4]  }
0x13: {  	[tilespmem:s13], [sflag:$0x2] =	stream.linear.gather [hbm4b:s1+s3], $0x14000, $0x38;
	[tilespmem:$0x1FE80] =	vst v63  }
0x14: {  	_ =	swait.ge [sflag:s14], $0x14000  }
0x15: {  	[sflag:s14] =	ssyncset.done $0x0  }
0x16: {  	s15 =	rddreg [dreg:$0x5];
	[sflag:s14] =	ssyncadd.s32 $0xFFFEC000  }
0x17: {  	[tilespmem:s3], [sflag:$0x2] =	stream.linear.gather [hbm4b:s15+s3], $0x2880, $0x38;
	[tilespmem:$0x1FE80] =	vst v63  }
0x18: {  	_ =	swait.ge [sflag:s14], $0x2880  }
0x19: {  	[sflag:s14] =	ssyncset.done $0x0  }
0x1a: {  	s5 =	simm.s32 $0x2880;
	s16 =	rddreg [dreg:$0x6];
	[sflag:s14] =	ssyncadd.s32 $0xFFFFD780  }
0x1b: {  	[tilespmem:s5], [sflag:$0x2] =	stream.linear.gather [hbm4b:s16+s3], $0x2880, $0x38;
	[tilespmem:$0x1FE80] =	vst v63  }
0x1c: {  	_ =	swait.ge [sflag:s14], $0x2880  }
0x1d: {  	[sflag:s14] =	ssyncset.done $0x0  }
0x1e: {  	s30 =	simm.s32 $0x5100;
	s17 =	rddreg [dreg:$0x7];
	[sflag:s14] =	ssyncadd.s32 $0xFFFFD780  }
0x1f: {  	[tilespmem:s30], [sflag:$0x2] =	stream.linear.gather [hbm4b:s17+s3], $0x2880, $0x38;
	[tilespmem:$0x1FE80] =	vst v63  }
0x20: {  	_ =	swait.ge [sflag:s14], $0x2880  }
0x21: {  	[sflag:s14] =	ssyncset.done $0x0  }
0x22: {  	s31 =	simm.s32 $0x7980;
	[sflag:s14] =	ssyncadd.s32 $0xFFFFD780  }
0x23: {  	[tilespmem:s31], [sflag:$0x2] =	stream.linear.gather [hbm4b:s10+s3], $0x2880, $0x38;
	[tilespmem:$0x1FE80] =	vst v63  }
0x24: {  	_ =	swait.ge [sflag:s14], $0x2880  }
0x25: {  	[sflag:s14] =	ssyncset.done $0x0  }
0x26: {  	s28 =	simm.s32 $0x0;
	[sflag:s14] =	ssyncadd.s32 $0xFFFFD780  }
.LBB2_2:
0x27: {  	s1 =	simm.s32 @!p0 $0x1C02  }
0x28: {  	[spmem:s18], [sflag:s1] =	dma.local @!p0 [hbm:s6], $0x2800  }
0x29: {  	s1 =	simm.s32 @!p0 $0x2  }
0x2a: {  	_ =	swait.ge @!p0 [sflag:s1], $0x2800  }
0x2b: {  	s31 =	smul.u32 $0x2800, s28;
	s5 =	simm.s32 $0x7980;
	[sflag:s1] =	ssyncset.done @!p0 $0x0  }
0x2c: {  	s7 =	simm.s32 $0x5100;
	s8 =	simm.s32 $0x2880;
	[sflag:s1] =	ssyncadd.s32 @!p0 $0xFFFFD800  }
0x2d: {  	p1 =	slt.u32 s28, $0x8;
	s15 =	simm.s32 $0x0;
	v1 =	vmov s31;
	[bflag:$0x0] =	sbarrier.arrive $0xFFFF  }
.LBB2_3:
0x2e: {  	s16 =	sshll.u32 s15, $0x7  }
0x2f: {  	v2 =	vld [tilespmem:s16+$0x0];
	_ =	sdelay $0x4  }
0x30: {  	v2 =	vadd.s32 v1, v2  }
0x31: {  	[tilespmem:$0x1FE00] =	vst v2  }
0x32: {  	v2 =	vld [tilespmem:s16+$0x10];
	_ =	sdelay $0x4  }
0x33: {  	v2 =	vadd.s32 v1, v2  }
0x34: {  	[tilespmem:$0x1FE10] =	vst v2  }
0x35: {  	v2 =	vld [tilespmem:s16+$0x20];
	_ =	sdelay $0x4  }
0x36: {  	v2 =	vadd.s32 v1, v2  }
0x37: {  	[tilespmem:$0x1FE20] =	vst v2  }
0x38: {  	v2 =	vld [tilespmem:s16+$0x30];
	_ =	sdelay $0x4  }
0x39: {  	v2 =	vadd.s32 v1, v2  }
0x3a: {  	[tilespmem:$0x1FE30] =	vst v2  }
0x3b: {  	v2 =	vld [tilespmem:s16+$0x40];
	_ =	sdelay $0x4  }
0x3c: {  	v2 =	vadd.s32 v1, v2  }
0x3d: {  	[tilespmem:$0x1FE40] =	vst v2  }
0x3e: {  	v2 =	vld [tilespmem:s16+$0x50];
	_ =	sdelay $0x4  }
0x3f: {  	v2 =	vadd.s32 v1, v2  }
0x40: {  	[tilespmem:$0x1FE50] =	vst v2  }
0x41: {  	v2 =	vld [tilespmem:s16+$0x60];
	_ =	sdelay $0x4  }
0x42: {  	v2 =	vadd.s32 v1, v2  }
0x43: {  	[tilespmem:$0x1FE60] =	vst v2  }
0x44: {  	v2 =	vld [tilespmem:s16+$0x70];
	_ =	sdelay $0x4  }
0x45: {  	v2 =	vadd.s32 v1, v2  }
0x46: {  	[tilespmem:$0x1FE70] =	vst v2  }
0x47: {  	[tilespmem:s21], [sflag:$0x1] =	stream.indirect.gather [hbm4b:s4+s19], $0x8, s20, s19, $0xb8;
	[tilespmem:$0x1FE80] =	vst v63  }
0x48: {  	_ =	swait.ge [sflag:s22], $0x400  }
0x49: {  	[sflag:s22] =	ssyncset.done $0x0  }
0x4a: {  	[sflag:s22] =	ssyncadd.s32 $0xFFFFFC00  }
0x4b: {  	v2 =	vld [tilespmem:s8+$0x0];
	_ =	sdelay $0x4  }
0x4c: {  	v2 =	vshll.u32 v2, $0x3  }
0x4d: {  	v3 =	vor.u32 $0x1, v2  }
0x4e: {  	v4 =	vmov s29  }
0x4f: {  	v4 =	vshll.u32 v4, $0x3;
	v5 =	vld [tilespmem:s5+$0x0]  }
0x50: {  	v4 =	vor.u32 v0, v4;
	v6 =	vld [tilespmem:s7+$0x0]  }
0x51: {  	v2 =	vld.idx.msk [tilespmem:v2+s13+$0x0], $0xffff  }
0x52: {  	v3 =	vld.idx.msk [tilespmem:v3+s13+$0x0], $0xffff;
	_ =	sdelay $0x2  }
0x53: {  	v7 =	vld.idx.msk [tilespmem:v4+s21+$0x0], $0xffff;
	_ =	sdelay $0x1  }
0x54: {  	v2 =	vmul.f32 v2, v6;
	v3 =	vmul.f32 v3, v5  }
0x55: {  	v5 =	vor.u32 $0x1, v4  }
0x56: {  	v3 =	vpsel p1, v2, v3  }
0x57: {  	v2 =	vmul.f32 v3, v7;
	_ =	sdelay $0x1  }
0x58: {  	[tilespmem:v4+s23+$0x0] =	vst.idx.msk $0xffff, v2  }
0x59: {  	v2 =	vld.idx.msk [tilespmem:v5+s21+$0x0], $0xffff;
	_ =	sdelay $0x2  }
0x5a: {  	v61 =	vor.u32 $0x2, v4;
	_ =	sdelay $0x1  }
0x5b: {  	v2 =	vmul.f32 v2, v3;
	_ =	sdelay $0x1  }
0x5c: {  	[tilespmem:v5+s23+$0x0] =	vst.idx.msk $0xffff, v2  }
0x5d: {  	v2 =	vld.idx.msk [tilespmem:v61+s21+$0x0], $0xffff;
	_ =	sdelay $0x2  }
0x5e: {  	v5 =	vor.u32 $0x3, v4;
	_ =	sdelay $0x1  }
0x5f: {  	v2 =	vmul.f32 v2, v3;
	_ =	sdelay $0x1  }
0x60: {  	[tilespmem:v61+s23+$0x0] =	vst.idx.msk $0xffff, v2  }
0x61: {  	v2 =	vld.idx.msk [tilespmem:v5+s21+$0x0], $0xffff;
	_ =	sdelay $0x2  }
0x62: {  	v62 =	vor.u32 $0x4, v4;
	_ =	sdelay $0x1  }
0x63: {  	v2 =	vmul.f32 v2, v3;
	_ =	sdelay $0x1  }
0x64: {  	[tilespmem:v5+s23+$0x0] =	vst.idx.msk $0xffff, v2  }
0x65: {  	v2 =	vld.idx.msk [tilespmem:v62+s21+$0x0], $0xffff;
	_ =	sdelay $0x2  }
0x66: {  	v5 =	vor.u32 $0x5, v4;
	_ =	sdelay $0x1  }
0x67: {  	v2 =	vmul.f32 v2, v3;
	_ =	sdelay $0x1  }
0x68: {  	[tilespmem:v62+s23+$0x0] =	vst.idx.msk $0xffff, v2  }
0x69: {  	v2 =	vld.idx.msk [tilespmem:v5+s21+$0x0], $0xffff;
	_ =	sdelay $0x2  }
0x6a: {  	v63 =	vor.u32 $0x6, v4;
	_ =	sdelay $0x1  }
0x6b: {  	v2 =	vmul.f32 v2, v3;
	_ =	sdelay $0x1  }
0x6c: {  	[tilespmem:v5+s23+$0x0] =	vst.idx.msk $0xffff, v2  }
0x6d: {  	v5 =	vld.idx.msk [tilespmem:v63+s21+$0x0], $0xffff;
	_ =	sdelay $0x2  }
0x6e: {  	v2 =	vor.u32 $0x7, v4;
	_ =	sdelay $0x1  }
0x6f: {  	v4 =	vmul.f32 v5, v3;
	_ =	sdelay $0x1  }
0x70: {  	[tilespmem:v63+s23+$0x0] =	vst.idx.msk $0xffff, v4  }
0x71: {  	v4 =	vld.idx.msk [tilespmem:v2+s21+$0x0], $0xffff;
	_ =	sdelay $0x3  }
0x72: {  	s17 =	simm.s32 $0x10  }
0x73: {  	s30 =	smov.u32 s5;
	s31 =	smov.u32 s7;
	s1 =	smov.u32 s8;
	v3 =	vmul.f32 v4, v3  }
.LBB2_4:
0x74: {  	_ = 	snop  }
0x75: {  	s30 =	sadd.s32 $0x10, s30;
	s31 =	sadd.s32 $0x10, s31;
	s1 =	sadd.s32 $0x10, s1;
	[tilespmem:v2+s23+$0x0] =	vst.idx.msk $0xffff, v3  }
0x76: {  	p2 =	sne.s32 s17, $0x70;
	s9 =	smov.u32 s17;
	s17 =	sadd.s32 $0x10, s17;
	v2 =	vld [tilespmem:s1+$0x0]  }
0x77: {  	_ =	sdelay $0x3  }
0x78: {  	v2 =	vshll.u32 v2, $0x3  }
0x79: {  	v3 =	vor.u32 $0x1, v2  }
0x7a: {  	v4 =	vmov s9  }
0x7b: {  	v4 =	vshll.u32 v4, $0x3  }
0x7c: {  	v4 =	vor.u32 v0, v4;
	v5 =	vld [tilespmem:s30+$0x0]  }
0x7d: {  	v2 =	vld.idx.msk [tilespmem:v2+s13+$0x0], $0xffff  }
0x7e: {  	v3 =	vld.idx.msk [tilespmem:v3+s13+$0x0], $0xffff  }
0x7f: {  	v6 =	vld [tilespmem:s31+$0x0];
	_ =	sdelay $0x1  }
0x80: {  	v7 =	vld.idx.msk [tilespmem:v4+s21+$0x0], $0xffff;
	_ =	sdelay $0x2  }
0x81: {  	v3 =	vmul.f32 v3, v5;
	v2 =	vmul.f32 v2, v6  }
0x82: {  	v5 =	vor.u32 $0x1, v4  }
0x83: {  	v3 =	vpsel p1, v2, v3  }
0x84: {  	v2 =	vmul.f32 v3, v7;
	_ =	sdelay $0x1  }
0x85: {  	[tilespmem:v4+s23+$0x0] =	vst.idx.msk $0xffff, v2  }
0x86: {  	v2 =	vld.idx.msk [tilespmem:v5+s21+$0x0], $0xffff;
	_ =	sdelay $0x3  }
0x87: {  	v6 =	vor.u32 $0x2, v4;
	_ =	sdelay $0x1  }
0x88: {  	v2 =	vmul.f32 v2, v3;
	_ =	sdelay $0x1  }
0x89: {  	[tilespmem:v5+s23+$0x0] =	vst.idx.msk $0xffff, v2  }
0x8a: {  	v2 =	vld.idx.msk [tilespmem:v6+s21+$0x0], $0xffff;
	_ =	sdelay $0x3  }
0x8b: {  	v5 =	vor.u32 $0x3, v4;
	_ =	sdelay $0x1  }
0x8c: {  	v2 =	vmul.f32 v2, v3;
	_ =	sdelay $0x1  }
0x8d: {  	[tilespmem:v6+s23+$0x0] =	vst.idx.msk $0xffff, v2  }
0x8e: {  	v2 =	vld.idx.msk [tilespmem:v5+s21+$0x0], $0xffff;
	_ =	sdelay $0x3  }
0x8f: {  	v6 =	vor.u32 $0x4, v4;
	_ =	sdelay $0x1  }
0x90: {  	v2 =	vmul.f32 v2, v3;
	_ =	sdelay $0x1  }
0x91: {  	[tilespmem:v5+s23+$0x0] =	vst.idx.msk $0xffff, v2  }
0x92: {  	v2 =	vld.idx.msk [tilespmem:v6+s21+$0x0], $0xffff;
	_ =	sdelay $0x3  }
0x93: {  	v5 =	vor.u32 $0x5, v4;
	_ =	sdelay $0x1  }
0x94: {  	v2 =	vmul.f32 v2, v3;
	_ =	sdelay $0x1  }
0x95: {  	[tilespmem:v6+s23+$0x0] =	vst.idx.msk $0xffff, v2  }
0x96: {  	v2 =	vld.idx.msk [tilespmem:v5+s21+$0x0], $0xffff;
	_ =	sdelay $0x3  }
0x97: {  	v6 =	vor.u32 $0x6, v4;
	_ =	sdelay $0x1  }
0x98: {  	v2 =	vmul.f32 v2, v3;
	_ =	sdelay $0x1  }
0x99: {  	[tilespmem:v5+s23+$0x0] =	vst.idx.msk $0xffff, v2  }
0x9a: {  	v5 =	vld.idx.msk [tilespmem:v6+s21+$0x0], $0xffff;
	_ =	sdelay $0x3  }
0x9b: {  	v2 =	vor.u32 $0x7, v4;
	_ =	sdelay $0x1  }
0x9c: {  	v4 =	vmul.f32 v5, v3;
	_ =	sdelay $0x1  }
0x9d: {  	[tilespmem:v6+s23+$0x0] =	vst.idx.msk $0xffff, v4  }
0x9e: {  	v4 =	vld.idx.msk [tilespmem:v2+s21+$0x0], $0xffff;
	_ =	sdelay $0x1  }
.Ltmp0:
0x9f: {  	(pc) =	sbr.rel @p2 .LBB2_4-.Ltmp0, $2  }
0xa0: {  	_ =	sdelay $0x2  }
0xa1: {  	v3 =	vmul.f32 v4, v3  }
0xa2: {  	_ =	sdelay $0x1  }
0xa3: {  	s15 =	sadd.s32 $0x1, s15  }
0xa4: {  	p2 =	sne.s32 s15, $0x51  }
.Ltmp1:
0xa5: {  	s1 =	sadd.s32 $0x2880, s16;
	[tilespmem:v2+s23+$0x0] =	vst.idx.msk $0xffff, v3;
	(pc) =	sbr.rel @p2 .LBB2_3-.Ltmp1, $4  }
0xa6: {  	[spmem:s2] =	stream.indirect.scatter.add.f32 [tilespmem:s23], [sflag:$0x2], $0x8, s1, s19, $0xb8;
	[tilespmem:$0x1FE80] =	vst v63  }
0xa7: {  	_ =	swait.ge [sflag:s14], $0x400  }
0xa8: {  	s5 =	sadd.s32 $0x80, s5;
	[sflag:s14] =	ssyncset.done $0x0  }
0xa9: {  	s7 =	sadd.s32 $0x80, s7;
	s8 =	sadd.s32 $0x80, s8;
	[sflag:s14] =	ssyncadd.s32 $0xFFFFFC00  }
0xaa: {  	s1 =	sshll.u32 s0, $0x6;
	s5 =	sadd.s32 s28, s11;
	s28 =	sadd.s32 $0x1, s28  }
0xab: {  	[bflag:$0x0] =	sbarrier.arrive $0xFFFF;
	s1 =	sor.u32 $0x1C02, s1;
	p1 =	sne.s32 s28, $0x10  }
0xac: {  	[hbm:s5@s25], [sflag:s1] =	dma.strided [spmem:s24@s22], $0x280, s22, $0x1   }
.Ltmp2:
0xad: {  	_ =	swait.ge [sflag:s14], $0x280;
	(pc) =	sbr.rel @p1 .LBB2_2-.Ltmp2, $3  }
0xae: {  	[sflag:s14] =	ssyncset.done $0x0  }
0xaf: {  	[sflag:s14] =	ssyncadd.s32 $0xFFFFFD80  }
0xb0: {  	[bflag:$0x0] =	sbarrier.arrive $0xFFFF;
	_ =	sdelay $0x1  }
0xb1: {  	s26 =	sadd.s32 $0x1, s26  }
0xb2: {  	p1 =	sne.s32 s26, s12  }
.Ltmp3:
0xb3: {  	_ = 	snop;
	(pc) =	sbr.rel @p1 .LBB2_1-.Ltmp3, $1  }
0xb4: {  	_ =	sdelay $0x3  }
0xb5: {  	_ =	sfence.sel $0x180000  }
0xb6: {  	[bflag:$0x0] =	sbarrier.arrive $0xFFFF  }
0xb7: {  	_ =	strace $0x90000050  }
0xb8: {  	[bflag:$0x2] =	sbarrier.arrive $0xFFFF  }
0xb9: {  	s0 =	rddreg [dreg:$0x3]  }
0xba: {  	s0 =	sadd.s32 @!p0 $0x100000, s0  }
0xbb: {  	[sflag:s0] =	ssyncadd.tile.s32 @!p0 $0x1;
	_ =	shalt  }
.Lfunc_end2:
_tile_overlayer_lowered:
.L_overlay_start_2:
0xbc: {  	(tag) =	ssettag $0x2  }
0xbd: {  	s0 =	rddreg [dreg:$0x0];
	s2 =	stileid.u32  }
0xbe: {  	s1 =	rddreg [dreg:$0x1];
	p0 =	sne.s32 s2, $0x0  }
0xbf: {  	s3 =	rddreg [dreg:$0x2];
	[bflag:$0x3] =	sbarrier.arrive $0xFFFF;
	s2 =	simm.s32 @!p0 $0x1C02  }
0xc0: {  	[timem:s3], [sflag:s2] =	dma.local @!p0 [hbm:s0], s1  }
0xc1: {  	s0 =	simm.s32 @!p0 $0x2  }
0xc2: {  	_ =	swait.ge @!p0 [sflag:s0], s1  }
0xc3: {  	s1 =	ssub.s32 @!p0 $0x0, s1;
	[sflag:s0] =	ssyncset.done @!p0 $0x0  }
0xc4: {  	[sflag:s0] =	ssyncadd.s32 @!p0 s1  }
0xc5: {  	[bflag:$0x3] =	sbarrier.arrive $0xFFFF  }
0xc6: {  	_ =	shalt  }

</sc_bundles>
